<compile_context>
chip_gen: v7x
topology: tpu7x:2x2x1
jax: 0.10.2.dev20260603
libtpu: 0.0.44.dev20260713+nightly
codegen_flags: <defaults>
</compile_context>

<pallas_src>
import jax
import jax.numpy as jnp
from jax import lax
from jax.experimental import pallas as pl
from jax.experimental.pallas import tpu as pltpu
from jax.experimental.pallas import tpu_sc as plsc

V = 20000
E = 60000
D = 128
EPS = 0.01

NC = 2
NS = 16
NW = NC * NS
NT = 16
L = 16
EP = 61440
PERW = EP // NW
GCH = PERW // 128
PER = EP // NT
NV = PER // L
BITS = 8
BINS = 1 << BITS
PASSES = 4
CHUNKS = PER // 128
BLK = 4096



def _table_body(vsx_ref, vsy_ref, tb_ref):
    vx = vsx_ref[...]
    vy = vsy_ref[...]
    b = (vx < EPS) | (vx > 1.0 - EPS) | (vy < EPS) | (vy > 1.0 - EPS)
    tb_ref[...] = jnp.where(b, jnp.inf, 0.0)


def _build_table(vsx, vsy):
    return pl.pallas_call(
        _table_body,
        out_shape=jax.ShapeDtypeStruct((V,), jnp.float32),
    )(vsx, vsy)



def _sc_gather(image, srcp, dstp):
    nedges = srcp.shape[0]
    perw = nedges // NW
    csize = 240 if perw % 240 == 0 else (128 if perw % 128 == 0 else 120)
    nch_half = perw // csize
    nch = 2 * nch_half
    DEPTH = 4

    def body(image_hbm, srcp_hbm, dstp_hbm, gs_hbm, gd_hbm,
             idx_all, rows0, rows1, rows2, rows3,
             g0, g1, g2, g3, w0, w1, w2, w3):
        wid = lax.axis_index("s") * NC + lax.axis_index("c")
        base = wid * perw
        pltpu.sync_copy(srcp_hbm.at[pl.ds(base, perw)],
                        idx_all.at[pl.ds(0, perw)])
        pltpu.sync_copy(dstp_hbm.at[pl.ds(base, perw)],
                        idx_all.at[pl.ds(perw, perw)])
        rows = [rows0, rows1, rows2, rows3]
        gsem = [g0, g1, g2, g3]
        wsem = [w0, w1, w2, w3]

        def out_ref(c):
            if c < nch_half:
                return gs_hbm.at[pl.ds(base + c * csize, csize)]
            return gd_hbm.at[pl.ds(base + (c - nch_half) * csize, csize)]

        def issue_gather(c):
            return pltpu.async_copy(
                image_hbm.at[idx_all.at[pl.ds(c * csize, csize)]],
                rows[c % DEPTH], gsem[c % DEPTH])

        gops = [None] * nch
        wops = [None] * nch
        for c in range(min(2, nch)):
            gops[c] = issue_gather(c)
        for c in range(nch):
            gops[c].wait()
            wops[c] = pltpu.async_copy(rows[c % DEPTH], out_ref(c),
                                       wsem[c % DEPTH])
            nxt = c + 2
            if nxt < nch:
                if nxt - DEPTH >= 0:
                    wops[nxt - DEPTH].wait()
                gops[nxt] = issue_gather(nxt)
        for c in range(max(0, nch - DEPTH), nch):
            wops[c].wait()

    mesh = plsc.VectorSubcoreMesh(core_axis_name="c", subcore_axis_name="s")
    fn = pl.kernel(
        body,
        mesh=mesh,
        out_type=(jax.ShapeDtypeStruct((nedges, D), jnp.float32),
                  jax.ShapeDtypeStruct((nedges, D), jnp.float32)),
        scratch_types=[
            pltpu.VMEM((2 * perw,), jnp.int32),
            pltpu.VMEM((csize, D), jnp.float32),
            pltpu.VMEM((csize, D), jnp.float32),
            pltpu.VMEM((csize, D), jnp.float32),
            pltpu.VMEM((csize, D), jnp.float32),
            pltpu.SemaphoreType.DMA,
            pltpu.SemaphoreType.DMA,
            pltpu.SemaphoreType.DMA,
            pltpu.SemaphoreType.DMA,
            pltpu.SemaphoreType.DMA,
            pltpu.SemaphoreType.DMA,
            pltpu.SemaphoreType.DMA,
            pltpu.SemaphoreType.DMA,
        ],
    )
    return fn(image, srcp, dstp)



def _reduce_body(gs_ref, gd_ref, pr_ref):
    s = gs_ref[...]
    d = gd_ref[...]
    zs = s * s
    zd = d * d
    z = zs + zd
    zt = z.T
    acc = zt[0:8, :]
    for a in range(1, 16):
        acc = acc + zt[8 * a:8 * a + 8, :]
    u = acc[0:4, :] + acc[4:8, :]
    w = u[0:2, :] + u[2:4, :]
    p = w[0:1, :] + w[1:2, :]
    pr_ref[...] = p.reshape(pr_ref.shape[0])


def _reduce(gs, gd):
    nedges = gs.shape[0]
    blk = BLK if nedges % BLK == 0 else 3072
    return pl.pallas_call(
        _reduce_body,
        grid=(nedges // blk,),
        in_specs=[pl.BlockSpec((blk, D), lambda i: (i, 0)),
                  pl.BlockSpec((blk, D), lambda i: (i, 0))],
        out_specs=pl.BlockSpec((blk,), lambda i: (i,)),
        out_shape=jax.ShapeDtypeStruct((nedges,), jnp.float32),
    )(gs, gd)



def _iota16():
    return lax.iota(jnp.int32, L)


def _vreg_rank(keys_v, shift, i, sc16a):
    lanes = _iota16()
    k = keys_v[pl.ds(i * L, L)]
    d = lax.bitwise_and(lax.shift_right_logical(k, jnp.full((L,), shift, jnp.int32)),
                        jnp.full((L,), BINS - 1, jnp.int32))
    skey = lax.bitwise_or(lax.shift_left(d, jnp.full((L,), 4, jnp.int32)), lanes)
    sk, _ = plsc.sort_key_val(skey, lanes)
    ds = lax.shift_right_logical(sk, jnp.full((L,), 4, jnp.int32))
    ls = lax.bitwise_and(sk, jnp.full((L,), 15, jnp.int32))
    sc16a[...] = ds
    ds_prev = plsc.load_gather(sc16a, [jnp.maximum(lanes - 1, 0)])
    ds_next = plsc.load_gather(sc16a, [jnp.minimum(lanes + 1, L - 1)])
    chg = jnp.where(ds != ds_prev, lanes, 0)
    first = plsc.cummax(chg)
    r = lanes - first
    last = (ds != ds_next) | (lanes == L - 1)
    return ds, ls, r, last


def _sc_body(tb_hbm, pr_hbm, src_hbm, dst_hbm, prio_hbm, order_hbm,
             tb_v, s_v, d_v, pr_v, prio_v, keys_v, idx_v, pack_v, dest2d,
             hist_v, run_v, histall_v, sc16a, sc16b,
             a_k, a_i, b_k, b_i, ghist):
    wid = lax.axis_index("s")
    base = wid * PER
    lanes = _iota16()

    pltpu.sync_copy(tb_hbm, tb_v)
    pltpu.sync_copy(pr_hbm.at[pl.ds(base, PER)], pr_v)
    pltpu.sync_copy(src_hbm.at[pl.ds(base, PER)], s_v)
    pltpu.sync_copy(dst_hbm.at[pl.ds(base, PER)], d_v)

    def build_keys(i):
        s = s_v[pl.ds(i * L, L)]
        d = d_v[pl.ds(i * L, L)]
        m = plsc.load_gather(tb_v, [s]) + plsc.load_gather(tb_v, [d])
        p = m + pr_v[pl.ds(i * L, L)]
        prio_v[pl.ds(i * L, L)] = p
        gidx = base + i * L + lanes
        kbits = plsc.bitcast(p, jnp.int32)
        keys_v[pl.ds(i * L, L)] = jnp.where(gidx < E, kbits,
                                            jnp.full((L,), -1, jnp.int32))
        idx_v[pl.ds(i * L, L)] = gidx

    bufs = [(a_k, a_i, b_k, b_i), (b_k, b_i, a_k, a_i)]
    for p in range(PASSES):
        src_k, src_i, dst_k, dst_i = bufs[p % 2]
        shift = p * BITS
        if p > 0:
            pltpu.sync_copy(src_k.at[pl.ds(base, PER)], keys_v)
            pltpu.sync_copy(src_i.at[pl.ds(base, PER)], idx_v)

        for c in range(BINS // L):
            hist_v[pl.ds(c * L, L)] = jnp.zeros((L,), jnp.int32)

        def hist_one(i):
            if p == 0:
                build_keys(i)
            ds, ls, r, last = _vreg_rank(keys_v, shift, i, sc16a)
            c8 = jnp.full((L,), 8, jnp.int32)
            c4 = jnp.full((L,), 4, jnp.int32)
            c16 = jnp.full((L,), 16, jnp.int32)
            pack = lax.bitwise_or(
                lax.bitwise_or(lax.shift_left(ds, c8), lax.shift_left(ls, c4)),
                r)
            pack = lax.bitwise_or(
                pack, lax.shift_left(jnp.where(last, 1, 0), c16))
            pack_v[pl.ds(i * L, L)] = pack
            plsc.addupdate_scatter(hist_v, [ds], r + 1, mask=last)

        def hist_body(i, _):
            hist_one(2 * i)
            hist_one(2 * i + 1)
            return 0

        lax.fori_loop(0, NV // 2, hist_body, 0)
        if p == 0:
            pltpu.sync_copy(prio_v, prio_hbm.at[pl.ds(base, PER)])
        pltpu.sync_copy(hist_v, ghist.at[wid])
        plsc.subcore_barrier()
        pltpu.sync_copy(ghist, histall_v)

        def base_chunk(c, carry):
            def row_body(t, acc):
                tot, below = acc
                h = histall_v[t, pl.ds(c * L, L)]
                m = jnp.where(t < wid, 1, 0)
                return (tot + h, below + h * m)

            tot, below = lax.fori_loop(0, NT, row_body,
                                       (jnp.zeros((L,), jnp.int32),
                                        jnp.zeros((L,), jnp.int32)))
            inc = plsc.cumsum(tot)
            excl = inc - tot
            run_v[pl.ds(c * L, L)] = excl + below + carry
            return carry + jnp.sum(tot)

        lax.fori_loop(0, BINS // L, base_chunk, jnp.int32(0))

        def rank_one(i):
            c4 = jnp.full((L,), 4, jnp.int32)
            c8 = jnp.full((L,), 8, jnp.int32)
            c16 = jnp.full((L,), 16, jnp.int32)
            m15 = jnp.full((L,), 15, jnp.int32)
            pack = pack_v[pl.ds(i * L, L)]
            r = lax.bitwise_and(pack, m15)
            ls = lax.bitwise_and(lax.shift_right_logical(pack, c4), m15)
            ds = lax.bitwise_and(lax.shift_right_logical(pack, c8),
                                 jnp.full((L,), BINS - 1, jnp.int32))
            last = lax.bitwise_and(lax.shift_right_logical(pack, c16),
                                   jnp.full((L,), 1, jnp.int32)) != 0
            baseg = plsc.load_gather(run_v, [ds])
            dsorted = baseg + r
            plsc.store_scatter(sc16b, [ls], dsorted)
            dlane = sc16b[...]
            dest2d[pl.ds(i * L, L)] = dlane
            plsc.addupdate_scatter(run_v, [ds], r + 1, mask=last)

        def rank_body(i, _):
            rank_one(2 * i)
            rank_one(2 * i + 1)
            return 0

        lax.fori_loop(0, NV // 2, rank_body, 0)

        pltpu.sync_copy(keys_v, dst_k.at[dest2d])
        pltpu.sync_copy(idx_v, dst_i.at[dest2d])
        plsc.subcore_barrier()

    pltpu.sync_copy(a_i.at[pl.ds(base, PER)], idx_v)
    pltpu.sync_copy(idx_v, order_hbm.at[pl.ds(base, PER)])


def _sc_sort(tb, pr, src, dst):
    mesh = plsc.VectorSubcoreMesh(core_axis_name="c", subcore_axis_name="s",
                                  num_cores=1)
    fn = pl.kernel(
        _sc_body,
        mesh=mesh,
        compiler_params=pltpu.CompilerParams(needs_layout_passes=False),
        out_type=(jax.ShapeDtypeStruct((EP,), jnp.float32),
                  jax.ShapeDtypeStruct((EP,), jnp.int32)),
        scratch_types=[
            pltpu.VMEM((V,), jnp.float32),
            pltpu.VMEM((PER,), jnp.int32),
            pltpu.VMEM((PER,), jnp.int32),
            pltpu.VMEM((PER,), jnp.float32),
            pltpu.VMEM((PER,), jnp.float32),
            pltpu.VMEM((PER,), jnp.int32),
            pltpu.VMEM((PER,), jnp.int32),
            pltpu.VMEM((PER,), jnp.int32),
            pltpu.VMEM((PER,), jnp.int32),
            pltpu.VMEM((BINS,), jnp.int32),
            pltpu.VMEM((BINS,), jnp.int32),
            pltpu.VMEM((NT, BINS), jnp.int32),
            pltpu.VMEM((L,), jnp.int32),
            pltpu.VMEM((L,), jnp.int32),
            pltpu.VMEM_SHARED((EP,), jnp.int32),
            pltpu.VMEM_SHARED((EP,), jnp.int32),
            pltpu.VMEM_SHARED((EP,), jnp.int32),
            pltpu.VMEM_SHARED((EP,), jnp.int32),
            pltpu.VMEM_SHARED((NT, BINS), jnp.int32),
        ],
    )
    return fn(tb, pr, src, dst)


def kernel(image, edges, vs):
    tb = _build_table(vs[:, 0], vs[:, 1])
    pad = jnp.arange(EP - E, dtype=jnp.int32)
    src = jnp.concatenate([edges[0], pad])
    dst = jnp.concatenate([edges[1], pad])
    gs, gd = _sc_gather(image, src, dst)
    pr = _reduce(gs, gd)
    prio, order = _sc_sort(tb, pr, src, dst)
    return prio[:E], order[:E]

# --- scband reference (transcript-rebuilt; emitter-appended) ---
"""Pipeline reference for scband-mesh-pool-54047868453470 (READ-ONLY COPY).

The authoritative reference and input builder live on the scoring server;
editing this copy changes nothing except your own understanding.
"""

import jax, jax.numpy as jnp
import numpy as np

V = 20000
E = 60000
D = 128
EPS = 0.01

def setup_inputs(seed: int = 0) -> dict:
    key = jax.random.key(seed)
    k1, k2, k3 = jax.random.split(key, 3)
    image = jax.random.normal(k1, (V, D), dtype=jnp.float32)
    edges = jax.random.randint(k2, (2, E), 0, V, dtype=jnp.int32)
    vs = jax.random.uniform(k3, (V, 2), dtype=jnp.float32)
    return {"image": image, "edges": edges, "vs": vs}

def reference(image, edges, vs):
    # Faithful translation of the tensorizable core of MeshPool.__pool_main:
    # 1) build edge features: concat(image[edges[0]], image[edges[1]]) then transpose
    # 2) priority = squared magnitude of the edge feature (heap key in __build_queue)
    # 3) boundary detection (get_boundary): edges touching the unit-square border
    # 4) boundary edges are never collapsed (__pool_edge returns None), so mask
    #    them with +inf and argsort to obtain the greedy collapse order that the
    #    sequential heap-pop loop would visit.
    src = edges[0, :]
    dst = edges[1, :]
    feats = jnp.concatenate([jnp.take(image, src, axis=0), jnp.take(image, dst, axis=0)], axis=1)  # [E, 2D]
    features = jnp.transpose(feats)  # [2D, E]
    squared_magnitude = jnp.sum(features * features, axis=0)  # [E]
    v0 = jnp.take(vs, src, axis=0)
    v1 = jnp.take(vs, dst, axis=0)
    eps = EPS
    is_boundary = ((v0[:, 0] < eps) | (v0[:, 0] > 1 - eps) |
                   (v0[:, 1] < eps) | (v0[:, 1] > 1 - eps) |
                   (v1[:, 0] < eps) | (v1[:, 0] > 1 - eps) |
                   (v1[:, 1] < eps) | (v1[:, 1] > 1 - eps))
    priorities = jnp.where(is_boundary, jnp.inf, squared_magnitude)
    collapse_order = jnp.argsort(priorities)
    return priorities, collapse_order

if __name__ == "__main__":
    import jax
    _d = setup_inputs()
    print(jax.jit(kernel)(*tuple(_d.values())))

</pallas_src>

<mosaic_0001>
#map = affine_map<(d0, d1) -> (0, 0)>
#map1 = affine_map<(d0, d1) -> (0)>
module attributes {stable_mosaic.version = 14 : i64} {
  func.func @body(%arg0: i32, %arg1: i32, %arg2: memref<20000x128xf32, #tpu.memory_space<hbm>>, %arg3: memref<61440xi32, #tpu.memory_space<hbm>>, %arg4: memref<61440xi32, #tpu.memory_space<hbm>>, %arg5: memref<61440x128xf32, #tpu.memory_space<hbm>>, %arg6: memref<61440x128xf32, #tpu.memory_space<hbm>>, %arg7: memref<3840xi32, #tpu.memory_space<vmem>>, %arg8: memref<240x128xf32, #tpu.memory_space<vmem>>, %arg9: memref<240x128xf32, #tpu.memory_space<vmem>>, %arg10: memref<240x128xf32, #tpu.memory_space<vmem>>, %arg11: memref<240x128xf32, #tpu.memory_space<vmem>>, %arg12: memref<!tpu.dma_semaphore, #tpu.memory_space<semaphore_mem>>, %arg13: memref<!tpu.dma_semaphore, #tpu.memory_space<semaphore_mem>>, %arg14: memref<!tpu.dma_semaphore, #tpu.memory_space<semaphore_mem>>, %arg15: memref<!tpu.dma_semaphore, #tpu.memory_space<semaphore_mem>>, %arg16: memref<!tpu.dma_semaphore, #tpu.memory_space<semaphore_mem>>, %arg17: memref<!tpu.dma_semaphore, #tpu.memory_space<semaphore_mem>>, %arg18: memref<!tpu.dma_semaphore, #tpu.memory_space<semaphore_mem>>, %arg19: memref<!tpu.dma_semaphore, #tpu.memory_space<semaphore_mem>>) attributes {dimension_semantics = [#tpu.dimension_semantics<core_parallel>, #tpu.dimension_semantics<subcore_parallel>], iteration_bounds = array<i64: 2, 16>, scalar_prefetch = 0 : i64, scratch_operands = 13 : i64, tpu.core_type = #tpu.core_type<sc_vector_subcore>, window_params = [{transform_indices = #map}, {transform_indices = #map1}, {transform_indices = #map1}, {transform_indices = #map}, {transform_indices = #map}]} {
    %mul3A = arith.constant 2 : i32
    %mul3A_0 = arith.muli %arg1, %mul3A : i32
    %add3A = arith.addi %mul3A_0, %arg0 : i32
    %mul3A_1 = arith.constant 1920 : i32
    %mul3A_2 = arith.muli %add3A, %mul3A_1 : i32
    "tpu.region"() ({
      %run_scoped3A = tpu.sem_alloc : memref<!tpu.dma_semaphore, #tpu.memory_space<semaphore_mem>>
      %dma_start3A_321 = arith.constant 0 : i32
      %dma_start3A_322 = tpu.memref_slice %arg7[%dma_start3A_321] : memref<3840xi32, #tpu.memory_space<vmem>> -> memref<1920xi32, #tpu.memory_space<vmem>>
      %dma_start3A_323 = tpu.memref_slice %arg3[%mul3A_2] : memref<61440xi32, #tpu.memory_space<hbm>> -> memref<1920xi32, #tpu.memory_space<hbm>>
      %dma_start3A_324 = arith.constant 0 : i32
      %dma_start3A_325 = tpu.memref_slice %arg7[%dma_start3A_324] : memref<3840xi32, #tpu.memory_space<vmem>> -> memref<1920xi32, #tpu.memory_space<vmem>>
      %dma_start3A_326 = tpu.memref_slice %arg3[%mul3A_2] : memref<61440xi32, #tpu.memory_space<hbm>> -> memref<1920xi32, #tpu.memory_space<hbm>>
      tpu.enqueue_dma source(%dma_start3A_326 : memref<1920xi32, #tpu.memory_space<hbm>>) target(%dma_start3A_325 : memref<1920xi32, #tpu.memory_space<vmem>>) target_semaphore(%run_scoped3A : memref<!tpu.dma_semaphore, #tpu.memory_space<semaphore_mem>>)
      %dma_wait3A_327 = arith.constant 0 : i32
      %dma_wait3A_328 = tpu.memref_slice %arg7[%dma_wait3A_327] : memref<3840xi32, #tpu.memory_space<vmem>> -> memref<1920xi32, #tpu.memory_space<vmem>>
      %dma_wait3A_329 = tpu.memref_slice %arg3[%mul3A_2] : memref<61440xi32, #tpu.memory_space<hbm>> -> memref<1920xi32, #tpu.memory_space<hbm>>
      %dma_wait3A_330 = arith.constant 0 : i32
      %dma_wait3A_331 = tpu.memref_slice %arg7[%dma_wait3A_330] : memref<3840xi32, #tpu.memory_space<vmem>> -> memref<1920xi32, #tpu.memory_space<vmem>>
      %dma_wait3A_332 = tpu.memref_slice %arg3[%mul3A_2] : memref<61440xi32, #tpu.memory_space<hbm>> -> memref<1920xi32, #tpu.memory_space<hbm>>
      tpu.wait_dma2 semaphore(%run_scoped3A : memref<!tpu.dma_semaphore, #tpu.memory_space<semaphore_mem>>) src(%dma_wait3A_332 : memref<1920xi32, #tpu.memory_space<hbm>>) dst(%dma_wait3A_331 : memref<1920xi32, #tpu.memory_space<vmem>>)
      tpu.yield
    }) : () -> ()
    "tpu.region"() ({
      %run_scoped3A = tpu.sem_alloc : memref<!tpu.dma_semaphore, #tpu.memory_space<semaphore_mem>>
      %dma_start3A_321 = arith.constant 1920 : i32
      %dma_start3A_322 = tpu.memref_slice %arg7[%dma_start3A_321] : memref<3840xi32, #tpu.memory_space<vmem>> -> memref<1920xi32, #tpu.memory_space<vmem>>
      %dma_start3A_323 = tpu.memref_slice %arg4[%mul3A_2] : memref<61440xi32, #tpu.memory_space<hbm>> -> memref<1920xi32, #tpu.memory_space<hbm>>
      %dma_start3A_324 = arith.constant 1920 : i32
      %dma_start3A_325 = tpu.memref_slice %arg7[%dma_start3A_324] : memref<3840xi32, #tpu.memory_space<vmem>> -> memref<1920xi32, #tpu.memory_space<vmem>>
      %dma_start3A_326 = tpu.memref_slice %arg4[%mul3A_2] : memref<61440xi32, #tpu.memory_space<hbm>> -> memref<1920xi32, #tpu.memory_space<hbm>>
      tpu.enqueue_dma source(%dma_start3A_326 : memref<1920xi32, #tpu.memory_space<hbm>>) target(%dma_start3A_325 : memref<1920xi32, #tpu.memory_space<vmem>>) target_semaphore(%run_scoped3A : memref<!tpu.dma_semaphore, #tpu.memory_space<semaphore_mem>>)
      %dma_wait3A_327 = arith.constant 1920 : i32
      %dma_wait3A_328 = tpu.memref_slice %arg7[%dma_wait3A_327] : memref<3840xi32, #tpu.memory_space<vmem>> -> memref<1920xi32, #tpu.memory_space<vmem>>
      %dma_wait3A_329 = tpu.memref_slice %arg4[%mul3A_2] : memref<61440xi32, #tpu.memory_space<hbm>> -> memref<1920xi32, #tpu.memory_space<hbm>>
      %dma_wait3A_330 = arith.constant 1920 : i32
      %dma_wait3A_331 = tpu.memref_slice %arg7[%dma_wait3A_330] : memref<3840xi32, #tpu.memory_space<vmem>> -> memref<1920xi32, #tpu.memory_space<vmem>>
      %dma_wait3A_332 = tpu.memref_slice %arg4[%mul3A_2] : memref<61440xi32, #tpu.memory_space<hbm>> -> memref<1920xi32, #tpu.memory_space<hbm>>
      tpu.wait_dma2 semaphore(%run_scoped3A : memref<!tpu.dma_semaphore, #tpu.memory_space<semaphore_mem>>) src(%dma_wait3A_332 : memref<1920xi32, #tpu.memory_space<hbm>>) dst(%dma_wait3A_331 : memref<1920xi32, #tpu.memory_space<vmem>>)
      tpu.yield
    }) : () -> ()
    %dma_start3A = arith.constant 0 : i32
    %dma_start3A_3 = tpu.memref_slice %arg7[%dma_start3A] : memref<3840xi32, #tpu.memory_space<vmem>> -> memref<240xi32, #tpu.memory_space<vmem>>
    %dma_start3A_4 = arith.constant 0 : i32
    %dma_start3A_5 = arith.constant 0 : i32
    %dma_start3A_6 = tpu.memref_slice %arg2[%dma_start3A_4, %dma_start3A_5] : memref<20000x128xf32, #tpu.memory_space<hbm>> -> memref<20000x128xf32, #tpu.memory_space<hbm>>
    tpu.enqueue_indirect_dma source(%dma_start3A_6 : memref<20000x128xf32, #tpu.memory_space<hbm>>) target(%arg8 : memref<240x128xf32, #tpu.memory_space<vmem>>) offsets(%dma_start3A_3 : memref<240xi32, #tpu.memory_space<vmem>>) semaphore(%arg12 : memref<!tpu.dma_semaphore, #tpu.memory_space<semaphore_mem>>)
    %dma_start3A_7 = arith.constant 240 : i32
    %dma_start3A_8 = tpu.memref_slice %arg7[%dma_start3A_7] : memref<3840xi32, #tpu.memory_space<vmem>> -> memref<240xi32, #tpu.memory_space<vmem>>
    %dma_start3A_9 = arith.constant 0 : i32
    %dma_start3A_10 = arith.constant 0 : i32
    %dma_start3A_11 = tpu.memref_slice %arg2[%dma_start3A_9, %dma_start3A_10] : memref<20000x128xf32, #tpu.memory_space<hbm>> -> memref<20000x128xf32, #tpu.memory_space<hbm>>
    tpu.enqueue_indirect_dma source(%dma_start3A_11 : memref<20000x128xf32, #tpu.memory_space<hbm>>) target(%arg9 : memref<240x128xf32, #tpu.memory_space<vmem>>) offsets(%dma_start3A_8 : memref<240xi32, #tpu.memory_space<vmem>>) semaphore(%arg13 : memref<!tpu.dma_semaphore, #tpu.memory_space<semaphore_mem>>)
    %dma_wait3A = arith.constant 0 : i32
    %dma_wait3A_12 = tpu.memref_slice %arg7[%dma_wait3A] : memref<3840xi32, #tpu.memory_space<vmem>> -> memref<240xi32, #tpu.memory_space<vmem>>
    %dma_wait3A_13 = arith.constant 0 : i32
    %dma_wait3A_14 = arith.constant 0 : i32
    %dma_wait3A_15 = tpu.memref_slice %arg2[%dma_wait3A_13, %dma_wait3A_14] : memref<20000x128xf32, #tpu.memory_space<hbm>> -> memref<20000x128xf32, #tpu.memory_space<hbm>>
    tpu.wait_indirect_dma semaphore(%arg12 : memref<!tpu.dma_semaphore, #tpu.memory_space<semaphore_mem>>) src(%dma_wait3A_15 : memref<20000x128xf32, #tpu.memory_space<hbm>>) dst(%arg8 : memref<240x128xf32, #tpu.memory_space<vmem>>)
    %add3A_16 = arith.constant 0 : i32
    %add3A_17 = arith.addi %mul3A_2, %add3A_16 : i32
    %dma_start3A_18 = arith.constant 0 : i32
    %dma_start3A_19 = tpu.memref_slice %arg5[%add3A_17, %dma_start3A_18] : memref<61440x128xf32, #tpu.memory_space<hbm>> -> memref<240x128xf32, #tpu.memory_space<hbm>>
    %dma_start3A_20 = arith.constant 0 : i32
    %dma_start3A_21 = tpu.memref_slice %arg5[%add3A_17, %dma_start3A_20] : memref<61440x128xf32, #tpu.memory_space<hbm>> -> memref<240x128xf32, #tpu.memory_space<hbm>>
    tpu.enqueue_dma source(%arg8 : memref<240x128xf32, #tpu.memory_space<vmem>>) target(%dma_start3A_21 : memref<240x128xf32, #tpu.memory_space<hbm>>) target_semaphore(%arg16 : memref<!tpu.dma_semaphore, #tpu.memory_space<semaphore_mem>>)
    %dma_start3A_22 = arith.constant 480 : i32
    %dma_start3A_23 = tpu.memref_slice %arg7[%dma_start3A_22] : memref<3840xi32, #tpu.memory_space<vmem>> -> memref<240xi32, #tpu.memory_space<vmem>>
    %dma_start3A_24 = arith.constant 0 : i32
    %dma_start3A_25 = arith.constant 0 : i32
    %dma_start3A_26 = tpu.memref_slice %arg2[%dma_start3A_24, %dma_start3A_25] : memref<20000x128xf32, #tpu.memory_space<hbm>> -> memref<20000x128xf32, #tpu.memory_space<hbm>>
    tpu.enqueue_indirect_dma source(%dma_start3A_26 : memref<20000x128xf32, #tpu.memory_space<hbm>>) target(%arg10 : memref<240x128xf32, #tpu.memory_space<vmem>>) offsets(%dma_start3A_23 : memref<240xi32, #tpu.memory_space<vmem>>) semaphore(%arg14 : memref<!tpu.dma_semaphore, #tpu.memory_space<semaphore_mem>>)
    %dma_wait3A_27 = arith.constant 240 : i32
    %dma_wait3A_28 = tpu.memref_slice %arg7[%dma_wait3A_27] : memref<3840xi32, #tpu.memory_space<vmem>> -> memref<240xi32, #tpu.memory_space<vmem>>
    %dma_wait3A_29 = arith.constant 0 : i32
    %dma_wait3A_30 = arith.constant 0 : i32
    %dma_wait3A_31 = tpu.memref_slice %arg2[%dma_wait3A_29, %dma_wait3A_30] : memref<20000x128xf32, #tpu.memory_space<hbm>> -> memref<20000x128xf32, #tpu.memory_space<hbm>>
    tpu.wait_indirect_dma semaphore(%arg13 : memref<!tpu.dma_semaphore, #tpu.memory_space<semaphore_mem>>) src(%dma_wait3A_31 : memref<20000x128xf32, #tpu.memory_space<hbm>>) dst(%arg9 : memref<240x128xf32, #tpu.memory_space<vmem>>)
    %add3A_32 = arith.constant 240 : i32
    %add3A_33 = arith.addi %mul3A_2, %add3A_32 : i32
    %dma_start3A_34 = arith.constant 0 : i32
    %dma_start3A_35 = tpu.memref_slice %arg5[%add3A_33, %dma_start3A_34] : memref<61440x128xf32, #tpu.memory_space<hbm>> -> memref<240x128xf32, #tpu.memory_space<hbm>>
    %dma_start3A_36 = arith.constant 0 : i32
    %dma_start3A_37 = tpu.memref_slice %arg5[%add3A_33, %dma_start3A_36] : memref<61440x128xf32, #tpu.memory_space<hbm>> -> memref<240x128xf32, #tpu.memory_space<hbm>>
    tpu.enqueue_dma source(%arg9 : memref<240x128xf32, #tpu.memory_space<vmem>>) target(%dma_start3A_37 : memref<240x128xf32, #tpu.memory_space<hbm>>) target_semaphore(%arg17 : memref<!tpu.dma_semaphore, #tpu.memory_space<semaphore_mem>>)
    %dma_start3A_38 = arith.constant 720 : i32
    %dma_start3A_39 = tpu.memref_slice %arg7[%dma_start3A_38] : memref<3840xi32, #tpu.memory_space<vmem>> -> memref<240xi32, #tpu.memory_space<vmem>>
    %dma_start3A_40 = arith.constant 0 : i32
    %dma_start3A_41 = arith.constant 0 : i32
    %dma_start3A_42 = tpu.memref_slice %arg2[%dma_start3A_40, %dma_start3A_41] : memref<20000x128xf32, #tpu.memory_space<hbm>> -> memref<20000x128xf32, #tpu.memory_space<hbm>>
    tpu.enqueue_indirect_dma source(%dma_start3A_42 : memref<20000x128xf32, #tpu.memory_space<hbm>>) target(%arg11 : memref<240x128xf32, #tpu.memory_space<vmem>>) offsets(%dma_start3A_39 : memref<240xi32, #tpu.memory_space<vmem>>) semaphore(%arg15 : memref<!tpu.dma_semaphore, #tpu.memory_space<semaphore_mem>>)
    %dma_wait3A_43 = arith.constant 480 : i32
    %dma_wait3A_44 = tpu.memref_slice %arg7[%dma_wait3A_43] : memref<3840xi32, #tpu.memory_space<vmem>> -> memref<240xi32, #tpu.memory_space<vmem>>
    %dma_wait3A_45 = arith.constant 0 : i32
    %dma_wait3A_46 = arith.constant 0 : i32
    %dma_wait3A_47 = tpu.memref_slice %arg2[%dma_wait3A_45, %dma_wait3A_46] : memref<20000x128xf32, #tpu.memory_space<hbm>> -> memref<20000x128xf32, #tpu.memory_space<hbm>>
    tpu.wait_indirect_dma semaphore(%arg14 : memref<!tpu.dma_semaphore, #tpu.memory_space<semaphore_mem>>) src(%dma_wait3A_47 : memref<20000x128xf32, #tpu.memory_space<hbm>>) dst(%arg10 : memref<240x128xf32, #tpu.memory_space<vmem>>)
    %add3A_48 = arith.constant 480 : i32
    %add3A_49 = arith.addi %mul3A_2, %add3A_48 : i32
    %dma_start3A_50 = arith.constant 0 : i32
    %dma_start3A_51 = tpu.memref_slice %arg5[%add3A_49, %dma_start3A_50] : memref<61440x128xf32, #tpu.memory_space<hbm>> -> memref<240x128xf32, #tpu.memory_space<hbm>>
    %dma_start3A_52 = arith.constant 0 : i32
    %dma_start3A_53 = tpu.memref_slice %arg5[%add3A_49, %dma_start3A_52] : memref<61440x128xf32, #tpu.memory_space<hbm>> -> memref<240x128xf32, #tpu.memory_space<hbm>>
    tpu.enqueue_dma source(%arg10 : memref<240x128xf32, #tpu.memory_space<vmem>>) target(%dma_start3A_53 : memref<240x128xf32, #tpu.memory_space<hbm>>) target_semaphore(%arg18 : memref<!tpu.dma_semaphore, #tpu.memory_space<semaphore_mem>>)
    %dma_wait3A_54 = arith.constant 0 : i32
    %dma_wait3A_55 = tpu.memref_slice %arg5[%add3A_17, %dma_wait3A_54] : memref<61440x128xf32, #tpu.memory_space<hbm>> -> memref<240x128xf32, #tpu.memory_space<hbm>>
    %dma_wait3A_56 = arith.constant 0 : i32
    %dma_wait3A_57 = tpu.memref_slice %arg5[%add3A_17, %dma_wait3A_56] : memref<61440x128xf32, #tpu.memory_space<hbm>> -> memref<240x128xf32, #tpu.memory_space<hbm>>
    tpu.wait_dma2 semaphore(%arg16 : memref<!tpu.dma_semaphore, #tpu.memory_space<semaphore_mem>>) src(%arg8 : memref<240x128xf32, #tpu.memory_space<vmem>>) dst(%dma_wait3A_57 : memref<240x128xf32, #tpu.memory_space<hbm>>)
    %dma_start3A_58 = arith.constant 960 : i32
    %dma_start3A_59 = tpu.memref_slice %arg7[%dma_start3A_58] : memref<3840xi32, #tpu.memory_space<vmem>> -> memref<240xi32, #tpu.memory_space<vmem>>
    %dma_start3A_60 = arith.constant 0 : i32
    %dma_start3A_61 = arith.constant 0 : i32
    %dma_start3A_62 = tpu.memref_slice %arg2[%dma_start3A_60, %dma_start3A_61] : memref<20000x128xf32, #tpu.memory_space<hbm>> -> memref<20000x128xf32, #tpu.memory_space<hbm>>
    tpu.enqueue_indirect_dma source(%dma_start3A_62 : memref<20000x128xf32, #tpu.memory_space<hbm>>) target(%arg8 : memref<240x128xf32, #tpu.memory_space<vmem>>) offsets(%dma_start3A_59 : memref<240xi32, #tpu.memory_space<vmem>>) semaphore(%arg12 : memref<!tpu.dma_semaphore, #tpu.memory_space<semaphore_mem>>)
    %dma_wait3A_63 = arith.constant 720 : i32
    %dma_wait3A_64 = tpu.memref_slice %arg7[%dma_wait3A_63] : memref<3840xi32, #tpu.memory_space<vmem>> -> memref<240xi32, #tpu.memory_space<vmem>>
    %dma_wait3A_65 = arith.constant 0 : i32
    %dma_wait3A_66 = arith.constant 0 : i32
    %dma_wait3A_67 = tpu.memref_slice %arg2[%dma_wait3A_65, %dma_wait3A_66] : memref<20000x128xf32, #tpu.memory_space<hbm>> -> memref<20000x128xf32, #tpu.memory_space<hbm>>
    tpu.wait_indirect_dma semaphore(%arg15 : memref<!tpu.dma_semaphore, #tpu.memory_space<semaphore_mem>>) src(%dma_wait3A_67 : memref<20000x128xf32, #tpu.memory_space<hbm>>) dst(%arg11 : memref<240x128xf32, #tpu.memory_space<vmem>>)
    %add3A_68 = arith.constant 720 : i32
    %add3A_69 = arith.addi %mul3A_2, %add3A_68 : i32
    %dma_start3A_70 = arith.constant 0 : i32
    %dma_start3A_71 = tpu.memref_slice %arg5[%add3A_69, %dma_start3A_70] : memref<61440x128xf32, #tpu.memory_space<hbm>> -> memref<240x128xf32, #tpu.memory_space<hbm>>
    %dma_start3A_72 = arith.constant 0 : i32
    %dma_start3A_73 = tpu.memref_slice %arg5[%add3A_69, %dma_start3A_72] : memref<61440x128xf32, #tpu.memory_space<hbm>> -> memref<240x128xf32, #tpu.memory_space<hbm>>
    tpu.enqueue_dma source(%arg11 : memref<240x128xf32, #tpu.memory_space<vmem>>) target(%dma_start3A_73 : memref<240x128xf32, #tpu.memory_space<hbm>>) target_semaphore(%arg19 : memref<!tpu.dma_semaphore, #tpu.memory_space<semaphore_mem>>)
    %dma_wait3A_74 = arith.constant 0 : i32
    %dma_wait3A_75 = tpu.memref_slice %arg5[%add3A_33, %dma_wait3A_74] : memref<61440x128xf32, #tpu.memory_space<hbm>> -> memref<240x128xf32, #tpu.memory_space<hbm>>
    %dma_wait3A_76 = arith.constant 0 : i32
    %dma_wait3A_77 = tpu.memref_slice %arg5[%add3A_33, %dma_wait3A_76] : memref<61440x128xf32, #tpu.memory_space<hbm>> -> memref<240x128xf32, #tpu.memory_space<hbm>>
    tpu.wait_dma2 semaphore(%arg17 : memref<!tpu.dma_semaphore, #tpu.memory_space<semaphore_mem>>) src(%arg9 : memref<240x128xf32, #tpu.memory_space<vmem>>) dst(%dma_wait3A_77 : memref<240x128xf32, #tpu.memory_space<hbm>>)
    %dma_start3A_78 = arith.constant 1200 : i32
    %dma_start3A_79 = tpu.memref_slice %arg7[%dma_start3A_78] : memref<3840xi32, #tpu.memory_space<vmem>> -> memref<240xi32, #tpu.memory_space<vmem>>
    %dma_start3A_80 = arith.constant 0 : i32
    %dma_start3A_81 = arith.constant 0 : i32
    %dma_start3A_82 = tpu.memref_slice %arg2[%dma_start3A_80, %dma_start3A_81] : memref<20000x128xf32, #tpu.memory_space<hbm>> -> memref<20000x128xf32, #tpu.memory_space<hbm>>
    tpu.enqueue_indirect_dma source(%dma_start3A_82 : memref<20000x128xf32, #tpu.memory_space<hbm>>) target(%arg9 : memref<240x128xf32, #tpu.memory_space<vmem>>) offsets(%dma_start3A_79 : memref<240xi32, #tpu.memory_space<vmem>>) semaphore(%arg13 : memref<!tpu.dma_semaphore, #tpu.memory_space<semaphore_mem>>)
    %dma_wait3A_83 = arith.constant 960 : i32
    %dma_wait3A_84 = tpu.memref_slice %arg7[%dma_wait3A_83] : memref<3840xi32, #tpu.memory_space<vmem>> -> memref<240xi32, #tpu.memory_space<vmem>>
    %dma_wait3A_85 = arith.constant 0 : i32
    %dma_wait3A_86 = arith.constant 0 : i32
    %dma_wait3A_87 = tpu.memref_slice %arg2[%dma_wait3A_85, %dma_wait3A_86] : memref<20000x128xf32, #tpu.memory_space<hbm>> -> memref<20000x128xf32, #tpu.memory_space<hbm>>
    tpu.wait_indirect_dma semaphore(%arg12 : memref<!tpu.dma_semaphore, #tpu.memory_space<semaphore_mem>>) src(%dma_wait3A_87 : memref<20000x128xf32, #tpu.memory_space<hbm>>) dst(%arg8 : memref<240x128xf32, #tpu.memory_space<vmem>>)
    %add3A_88 = arith.constant 960 : i32
    %add3A_89 = arith.addi %mul3A_2, %add3A_88 : i32
    %dma_start3A_90 = arith.constant 0 : i32
    %dma_start3A_91 = tpu.memref_slice %arg5[%add3A_89, %dma_start3A_90] : memref<61440x128xf32, #tpu.memory_space<hbm>> -> memref<240x128xf32, #tpu.memory_space<hbm>>
    %dma_start3A_92 = arith.constant 0 : i32
    %dma_start3A_93 = tpu.memref_slice %arg5[%add3A_89, %dma_start3A_92] : memref<61440x128xf32, #tpu.memory_space<hbm>> -> memref<240x128xf32, #tpu.memory_space<hbm>>
    tpu.enqueue_dma source(%arg8 : memref<240x128xf32, #tpu.memory_space<vmem>>) target(%dma_start3A_93 : memref<240x128xf32, #tpu.memory_space<hbm>>) target_semaphore(%arg16 : memref<!tpu.dma_semaphore, #tpu.memory_space<semaphore_mem>>)
    %dma_wait3A_94 = arith.constant 0 : i32
    %dma_wait3A_95 = tpu.memref_slice %arg5[%add3A_49, %dma_wait3A_94] : memref<61440x128xf32, #tpu.memory_space<hbm>> -> memref<240x128xf32, #tpu.memory_space<hbm>>
    %dma_wait3A_96 = arith.constant 0 : i32
    %dma_wait3A_97 = tpu.memref_slice %arg5[%add3A_49, %dma_wait3A_96] : memref<61440x128xf32, #tpu.memory_space<hbm>> -> memref<240x128xf32, #tpu.memory_space<hbm>>
    tpu.wait_dma2 semaphore(%arg18 : memref<!tpu.dma_semaphore, #tpu.memory_space<semaphore_mem>>) src(%arg10 : memref<240x128xf32, #tpu.memory_space<vmem>>) dst(%dma_wait3A_97 : memref<240x128xf32, #tpu.memory_space<hbm>>)
    %dma_start3A_98 = arith.constant 1440 : i32
    %dma_start3A_99 = tpu.memref_slice %arg7[%dma_start3A_98] : memref<3840xi32, #tpu.memory_space<vmem>> -> memref<240xi32, #tpu.memory_space<vmem>>
    %dma_start3A_100 = arith.constant 0 : i32
    %dma_start3A_101 = arith.constant 0 : i32
    %dma_start3A_102 = tpu.memref_slice %arg2[%dma_start3A_100, %dma_start3A_101] : memref<20000x128xf32, #tpu.memory_space<hbm>> -> memref<20000x128xf32, #tpu.memory_space<hbm>>
    tpu.enqueue_indirect_dma source(%dma_start3A_102 : memref<20000x128xf32, #tpu.memory_space<hbm>>) target(%arg10 : memref<240x128xf32, #tpu.memory_space<vmem>>) offsets(%dma_start3A_99 : memref<240xi32, #tpu.memory_space<vmem>>) semaphore(%arg14 : memref<!tpu.dma_semaphore, #tpu.memory_space<semaphore_mem>>)
    %dma_wait3A_103 = arith.constant 1200 : i32
    %dma_wait3A_104 = tpu.memref_slice %arg7[%dma_wait3A_103] : memref<3840xi32, #tpu.memory_space<vmem>> -> memref<240xi32, #tpu.memory_space<vmem>>
    %dma_wait3A_105 = arith.constant 0 : i32
    %dma_wait3A_106 = arith.constant 0 : i32
    %dma_wait3A_107 = tpu.memref_slice %arg2[%dma_wait3A_105, %dma_wait3A_106] : memref<20000x128xf32, #tpu.memory_space<hbm>> -> memref<20000x128xf32, #tpu.memory_space<hbm>>
    tpu.wait_indirect_dma semaphore(%arg13 : memref<!tpu.dma_semaphore, #tpu.memory_space<semaphore_mem>>) src(%dma_wait3A_107 : memref<20000x128xf32, #tpu.memory_space<hbm>>) dst(%arg9 : memref<240x128xf32, #tpu.memory_space<vmem>>)
    %add3A_108 = arith.constant 1200 : i32
    %add3A_109 = arith.addi %mul3A_2, %add3A_108 : i32
    %dma_start3A_110 = arith.constant 0 : i32
    %dma_start3A_111 = tpu.memref_slice %arg5[%add3A_109, %dma_start3A_110] : memref<61440x128xf32, #tpu.memory_space<hbm>> -> memref<240x128xf32, #tpu.memory_space<hbm>>
    %dma_start3A_112 = arith.constant 0 : i32
    %dma_start3A_113 = tpu.memref_slice %arg5[%add3A_109, %dma_start3A_112] : memref<61440x128xf32, #tpu.memory_space<hbm>> -> memref<240x128xf32, #tpu.memory_space<hbm>>
    tpu.enqueue_dma source(%arg9 : memref<240x128xf32, #tpu.memory_space<vmem>>) target(%dma_start3A_113 : memref<240x128xf32, #tpu.memory_space<hbm>>) target_semaphore(%arg17 : memref<!tpu.dma_semaphore, #tpu.memory_space<semaphore_mem>>)
    %dma_wait3A_114 = arith.constant 0 : i32
    %dma_wait3A_115 = tpu.memref_slice %arg5[%add3A_69, %dma_wait3A_114] : memref<61440x128xf32, #tpu.memory_space<hbm>> -> memref<240x128xf32, #tpu.memory_space<hbm>>
    %dma_wait3A_116 = arith.constant 0 : i32
    %dma_wait3A_117 = tpu.memref_slice %arg5[%add3A_69, %dma_wait3A_116] : memref<61440x128xf32, #tpu.memory_space<hbm>> -> memref<240x128xf32, #tpu.memory_space<hbm>>
    tpu.wait_dma2 semaphore(%arg19 : memref<!tpu.dma_semaphore, #tpu.memory_space<semaphore_mem>>) src(%arg11 : memref<240x128xf32, #tpu.memory_space<vmem>>) dst(%dma_wait3A_117 : memref<240x128xf32, #tpu.memory_space<hbm>>)
    %dma_start3A_118 = arith.constant 1680 : i32
    %dma_start3A_119 = tpu.memref_slice %arg7[%dma_start3A_118] : memref<3840xi32, #tpu.memory_space<vmem>> -> memref<240xi32, #tpu.memory_space<vmem>>
    %dma_start3A_120 = arith.constant 0 : i32
    %dma_start3A_121 = arith.constant 0 : i32
    %dma_start3A_122 = tpu.memref_slice %arg2[%dma_start3A_120, %dma_start3A_121] : memref<20000x128xf32, #tpu.memory_space<hbm>> -> memref<20000x128xf32, #tpu.memory_space<hbm>>
    tpu.enqueue_indirect_dma source(%dma_start3A_122 : memref<20000x128xf32, #tpu.memory_space<hbm>>) target(%arg11 : memref<240x128xf32, #tpu.memory_space<vmem>>) offsets(%dma_start3A_119 : memref<240xi32, #tpu.memory_space<vmem>>) semaphore(%arg15 : memref<!tpu.dma_semaphore, #tpu.memory_space<semaphore_mem>>)
    %dma_wait3A_123 = arith.constant 1440 : i32
    %dma_wait3A_124 = tpu.memref_slice %arg7[%dma_wait3A_123] : memref<3840xi32, #tpu.memory_space<vmem>> -> memref<240xi32, #tpu.memory_space<vmem>>
    %dma_wait3A_125 = arith.constant 0 : i32
    %dma_wait3A_126 = arith.constant 0 : i32
    %dma_wait3A_127 = tpu.memref_slice %arg2[%dma_wait3A_125, %dma_wait3A_126] : memref<20000x128xf32, #tpu.memory_space<hbm>> -> memref<20000x128xf32, #tpu.memory_space<hbm>>
    tpu.wait_indirect_dma semaphore(%arg14 : memref<!tpu.dma_semaphore, #tpu.memory_space<semaphore_mem>>) src(%dma_wait3A_127 : memref<20000x128xf32, #tpu.memory_space<hbm>>) dst(%arg10 : memref<240x128xf32, #tpu.memory_space<vmem>>)
    %add3A_128 = arith.constant 1440 : i32
    %add3A_129 = arith.addi %mul3A_2, %add3A_128 : i32
    %dma_start3A_130 = arith.constant 0 : i32
    %dma_start3A_131 = tpu.memref_slice %arg5[%add3A_129, %dma_start3A_130] : memref<61440x128xf32, #tpu.memory_space<hbm>> -> memref<240x128xf32, #tpu.memory_space<hbm>>
    %dma_start3A_132 = arith.constant 0 : i32
    %dma_start3A_133 = tpu.memref_slice %arg5[%add3A_129, %dma_start3A_132] : memref<61440x128xf32, #tpu.memory_space<hbm>> -> memref<240x128xf32, #tpu.memory_space<hbm>>
    tpu.enqueue_dma source(%arg10 : memref<240x128xf32, #tpu.memory_space<vmem>>) target(%dma_start3A_133 : memref<240x128xf32, #tpu.memory_space<hbm>>) target_semaphore(%arg18 : memref<!tpu.dma_semaphore, #tpu.memory_space<semaphore_mem>>)
    %dma_wait3A_134 = arith.constant 0 : i32
    %dma_wait3A_135 = tpu.memref_slice %arg5[%add3A_89, %dma_wait3A_134] : memref<61440x128xf32, #tpu.memory_space<hbm>> -> memref<240x128xf32, #tpu.memory_space<hbm>>
    %dma_wait3A_136 = arith.constant 0 : i32
    %dma_wait3A_137 = tpu.memref_slice %arg5[%add3A_89, %dma_wait3A_136] : memref<61440x128xf32, #tpu.memory_space<hbm>> -> memref<240x128xf32, #tpu.memory_space<hbm>>
    tpu.wait_dma2 semaphore(%arg16 : memref<!tpu.dma_semaphore, #tpu.memory_space<semaphore_mem>>) src(%arg8 : memref<240x128xf32, #tpu.memory_space<vmem>>) dst(%dma_wait3A_137 : memref<240x128xf32, #tpu.memory_space<hbm>>)
    %dma_start3A_138 = arith.constant 1920 : i32
    %dma_start3A_139 = tpu.memref_slice %arg7[%dma_start3A_138] : memref<3840xi32, #tpu.memory_space<vmem>> -> memref<240xi32, #tpu.memory_space<vmem>>
    %dma_start3A_140 = arith.constant 0 : i32
    %dma_start3A_141 = arith.constant 0 : i32
    %dma_start3A_142 = tpu.memref_slice %arg2[%dma_start3A_140, %dma_start3A_141] : memref<20000x128xf32, #tpu.memory_space<hbm>> -> memref<20000x128xf32, #tpu.memory_space<hbm>>
    tpu.enqueue_indirect_dma source(%dma_start3A_142 : memref<20000x128xf32, #tpu.memory_space<hbm>>) target(%arg8 : memref<240x128xf32, #tpu.memory_space<vmem>>) offsets(%dma_start3A_139 : memref<240xi32, #tpu.memory_space<vmem>>) semaphore(%arg12 : memref<!tpu.dma_semaphore, #tpu.memory_space<semaphore_mem>>)
    %dma_wait3A_143 = arith.constant 1680 : i32
    %dma_wait3A_144 = tpu.memref_slice %arg7[%dma_wait3A_143] : memref<3840xi32, #tpu.memory_space<vmem>> -> memref<240xi32, #tpu.memory_space<vmem>>
    %dma_wait3A_145 = arith.constant 0 : i32
    %dma_wait3A_146 = arith.constant 0 : i32
    %dma_wait3A_147 = tpu.memref_slice %arg2[%dma_wait3A_145, %dma_wait3A_146] : memref<20000x128xf32, #tpu.memory_space<hbm>> -> memref<20000x128xf32, #tpu.memory_space<hbm>>
    tpu.wait_indirect_dma semaphore(%arg15 : memref<!tpu.dma_semaphore, #tpu.memory_space<semaphore_mem>>) src(%dma_wait3A_147 : memref<20000x128xf32, #tpu.memory_space<hbm>>) dst(%arg11 : memref<240x128xf32, #tpu.memory_space<vmem>>)
    %add3A_148 = arith.constant 1680 : i32
    %add3A_149 = arith.addi %mul3A_2, %add3A_148 : i32
    %dma_start3A_150 = arith.constant 0 : i32
    %dma_start3A_151 = tpu.memref_slice %arg5[%add3A_149, %dma_start3A_150] : memref<61440x128xf32, #tpu.memory_space<hbm>> -> memref<240x128xf32, #tpu.memory_space<hbm>>
    %dma_start3A_152 = arith.constant 0 : i32
    %dma_start3A_153 = tpu.memref_slice %arg5[%add3A_149, %dma_start3A_152] : memref<61440x128xf32, #tpu.memory_space<hbm>> -> memref<240x128xf32, #tpu.memory_space<hbm>>
    tpu.enqueue_dma source(%arg11 : memref<240x128xf32, #tpu.memory_space<vmem>>) target(%dma_start3A_153 : memref<240x128xf32, #tpu.memory_space<hbm>>) target_semaphore(%arg19 : memref<!tpu.dma_semaphore, #tpu.memory_space<semaphore_mem>>)
    %dma_wait3A_154 = arith.constant 0 : i32
    %dma_wait3A_155 = tpu.memref_slice %arg5[%add3A_109, %dma_wait3A_154] : memref<61440x128xf32, #tpu.memory_space<hbm>> -> memref<240x128xf32, #tpu.memory_space<hbm>>
    %dma_wait3A_156 = arith.constant 0 : i32
    %dma_wait3A_157 = tpu.memref_slice %arg5[%add3A_109, %dma_wait3A_156] : memref<61440x128xf32, #tpu.memory_space<hbm>> -> memref<240x128xf32, #tpu.memory_space<hbm>>
    tpu.wait_dma2 semaphore(%arg17 : memref<!tpu.dma_semaphore, #tpu.memory_space<semaphore_mem>>) src(%arg9 : memref<240x128xf32, #tpu.memory_space<vmem>>) dst(%dma_wait3A_157 : memref<240x128xf32, #tpu.memory_space<hbm>>)
    %dma_start3A_158 = arith.constant 2160 : i32
    %dma_start3A_159 = tpu.memref_slice %arg7[%dma_start3A_158] : memref<3840xi32, #tpu.memory_space<vmem>> -> memref<240xi32, #tpu.memory_space<vmem>>
    %dma_start3A_160 = arith.constant 0 : i32
    %dma_start3A_161 = arith.constant 0 : i32
    %dma_start3A_162 = tpu.memref_slice %arg2[%dma_start3A_160, %dma_start3A_161] : memref<20000x128xf32, #tpu.memory_space<hbm>> -> memref<20000x128xf32, #tpu.memory_space<hbm>>
    tpu.enqueue_indirect_dma source(%dma_start3A_162 : memref<20000x128xf32, #tpu.memory_space<hbm>>) target(%arg9 : memref<240x128xf32, #tpu.memory_space<vmem>>) offsets(%dma_start3A_159 : memref<240xi32, #tpu.memory_space<vmem>>) semaphore(%arg13 : memref<!tpu.dma_semaphore, #tpu.memory_space<semaphore_mem>>)
    %dma_wait3A_163 = arith.constant 1920 : i32
    %dma_wait3A_164 = tpu.memref_slice %arg7[%dma_wait3A_163] : memref<3840xi32, #tpu.memory_space<vmem>> -> memref<240xi32, #tpu.memory_space<vmem>>
    %dma_wait3A_165 = arith.constant 0 : i32
    %dma_wait3A_166 = arith.constant 0 : i32
    %dma_wait3A_167 = tpu.memref_slice %arg2[%dma_wait3A_165, %dma_wait3A_166] : memref<20000x128xf32, #tpu.memory_space<hbm>> -> memref<20000x128xf32, #tpu.memory_space<hbm>>
    tpu.wait_indirect_dma semaphore(%arg12 : memref<!tpu.dma_semaphore, #tpu.memory_space<semaphore_mem>>) src(%dma_wait3A_167 : memref<20000x128xf32, #tpu.memory_space<hbm>>) dst(%arg8 : memref<240x128xf32, #tpu.memory_space<vmem>>)
    %add3A_168 = arith.constant 0 : i32
    %add3A_169 = arith.addi %mul3A_2, %add3A_168 : i32
    %dma_start3A_170 = arith.constant 0 : i32
    %dma_start3A_171 = tpu.memref_slice %arg6[%add3A_169, %dma_start3A_170] : memref<61440x128xf32, #tpu.memory_space<hbm>> -> memref<240x128xf32, #tpu.memory_space<hbm>>
    %dma_start3A_172 = arith.constant 0 : i32
    %dma_start3A_173 = tpu.memref_slice %arg6[%add3A_169, %dma_start3A_172] : memref<61440x128xf32, #tpu.memory_space<hbm>> -> memref<240x128xf32, #tpu.memory_space<hbm>>
    tpu.enqueue_dma source(%arg8 : memref<240x128xf32, #tpu.memory_space<vmem>>) target(%dma_start3A_173 : memref<240x128xf32, #tpu.memory_space<hbm>>) target_semaphore(%arg16 : memref<!tpu.dma_semaphore, #tpu.memory_space<semaphore_mem>>)
    %dma_wait3A_174 = arith.constant 0 : i32
    %dma_wait3A_175 = tpu.memref_slice %arg5[%add3A_129, %dma_wait3A_174] : memref<61440x128xf32, #tpu.memory_space<hbm>> -> memref<240x128xf32, #tpu.memory_space<hbm>>
    %dma_wait3A_176 = arith.constant 0 : i32
    %dma_wait3A_177 = tpu.memref_slice %arg5[%add3A_129, %dma_wait3A_176] : memref<61440x128xf32, #tpu.memory_space<hbm>> -> memref<240x128xf32, #tpu.memory_space<hbm>>
    tpu.wait_dma2 semaphore(%arg18 : memref<!tpu.dma_semaphore, #tpu.memory_space<semaphore_mem>>) src(%arg10 : memref<240x128xf32, #tpu.memory_space<vmem>>) dst(%dma_wait3A_177 : memref<240x128xf32, #tpu.memory_space<hbm>>)
    %dma_start3A_178 = arith.constant 2400 : i32
    %dma_start3A_179 = tpu.memref_slice %arg7[%dma_start3A_178] : memref<3840xi32, #tpu.memory_space<vmem>> -> memref<240xi32, #tpu.memory_space<vmem>>
    %dma_start3A_180 = arith.constant 0 : i32
    %dma_start3A_181 = arith.constant 0 : i32
    %dma_start3A_182 = tpu.memref_slice %arg2[%dma_start3A_180, %dma_start3A_181] : memref<20000x128xf32, #tpu.memory_space<hbm>> -> memref<20000x128xf32, #tpu.memory_space<hbm>>
    tpu.enqueue_indirect_dma source(%dma_start3A_182 : memref<20000x128xf32, #tpu.memory_space<hbm>>) target(%arg10 : memref<240x128xf32, #tpu.memory_space<vmem>>) offsets(%dma_start3A_179 : memref<240xi32, #tpu.memory_space<vmem>>) semaphore(%arg14 : memref<!tpu.dma_semaphore, #tpu.memory_space<semaphore_mem>>)
    %dma_wait3A_183 = arith.constant 2160 : i32
    %dma_wait3A_184 = tpu.memref_slice %arg7[%dma_wait3A_183] : memref<3840xi32, #tpu.memory_space<vmem>> -> memref<240xi32, #tpu.memory_space<vmem>>
    %dma_wait3A_185 = arith.constant 0 : i32
    %dma_wait3A_186 = arith.constant 0 : i32
    %dma_wait3A_187 = tpu.memref_slice %arg2[%dma_wait3A_185, %dma_wait3A_186] : memref<20000x128xf32, #tpu.memory_space<hbm>> -> memref<20000x128xf32, #tpu.memory_space<hbm>>
    tpu.wait_indirect_dma semaphore(%arg13 : memref<!tpu.dma_semaphore, #tpu.memory_space<semaphore_mem>>) src(%dma_wait3A_187 : memref<20000x128xf32, #tpu.memory_space<hbm>>) dst(%arg9 : memref<240x128xf32, #tpu.memory_space<vmem>>)
    %add3A_188 = arith.constant 240 : i32
    %add3A_189 = arith.addi %mul3A_2, %add3A_188 : i32
    %dma_start3A_190 = arith.constant 0 : i32
    %dma_start3A_191 = tpu.memref_slice %arg6[%add3A_189, %dma_start3A_190] : memref<61440x128xf32, #tpu.memory_space<hbm>> -> memref<240x128xf32, #tpu.memory_space<hbm>>
    %dma_start3A_192 = arith.constant 0 : i32
    %dma_start3A_193 = tpu.memref_slice %arg6[%add3A_189, %dma_start3A_192] : memref<61440x128xf32, #tpu.memory_space<hbm>> -> memref<240x128xf32, #tpu.memory_space<hbm>>
    tpu.enqueue_dma source(%arg9 : memref<240x128xf32, #tpu.memory_space<vmem>>) target(%dma_start3A_193 : memref<240x128xf32, #tpu.memory_space<hbm>>) target_semaphore(%arg17 : memref<!tpu.dma_semaphore, #tpu.memory_space<semaphore_mem>>)
    %dma_wait3A_194 = arith.constant 0 : i32
    %dma_wait3A_195 = tpu.memref_slice %arg5[%add3A_149, %dma_wait3A_194] : memref<61440x128xf32, #tpu.memory_space<hbm>> -> memref<240x128xf32, #tpu.memory_space<hbm>>
    %dma_wait3A_196 = arith.constant 0 : i32
    %dma_wait3A_197 = tpu.memref_slice %arg5[%add3A_149, %dma_wait3A_196] : memref<61440x128xf32, #tpu.memory_space<hbm>> -> memref<240x128xf32, #tpu.memory_space<hbm>>
    tpu.wait_dma2 semaphore(%arg19 : memref<!tpu.dma_semaphore, #tpu.memory_space<semaphore_mem>>) src(%arg11 : memref<240x128xf32, #tpu.memory_space<vmem>>) dst(%dma_wait3A_197 : memref<240x128xf32, #tpu.memory_space<hbm>>)
    %dma_start3A_198 = arith.constant 2640 : i32
    %dma_start3A_199 = tpu.memref_slice %arg7[%dma_start3A_198] : memref<3840xi32, #tpu.memory_space<vmem>> -> memref<240xi32, #tpu.memory_space<vmem>>
    %dma_start3A_200 = arith.constant 0 : i32
    %dma_start3A_201 = arith.constant 0 : i32
    %dma_start3A_202 = tpu.memref_slice %arg2[%dma_start3A_200, %dma_start3A_201] : memref<20000x128xf32, #tpu.memory_space<hbm>> -> memref<20000x128xf32, #tpu.memory_space<hbm>>
    tpu.enqueue_indirect_dma source(%dma_start3A_202 : memref<20000x128xf32, #tpu.memory_space<hbm>>) target(%arg11 : memref<240x128xf32, #tpu.memory_space<vmem>>) offsets(%dma_start3A_199 : memref<240xi32, #tpu.memory_space<vmem>>) semaphore(%arg15 : memref<!tpu.dma_semaphore, #tpu.memory_space<semaphore_mem>>)
    %dma_wait3A_203 = arith.constant 2400 : i32
    %dma_wait3A_204 = tpu.memref_slice %arg7[%dma_wait3A_203] : memref<3840xi32, #tpu.memory_space<vmem>> -> memref<240xi32, #tpu.memory_space<vmem>>
    %dma_wait3A_205 = arith.constant 0 : i32
    %dma_wait3A_206 = arith.constant 0 : i32
    %dma_wait3A_207 = tpu.memref_slice %arg2[%dma_wait3A_205, %dma_wait3A_206] : memref<20000x128xf32, #tpu.memory_space<hbm>> -> memref<20000x128xf32, #tpu.memory_space<hbm>>
    tpu.wait_indirect_dma semaphore(%arg14 : memref<!tpu.dma_semaphore, #tpu.memory_space<semaphore_mem>>) src(%dma_wait3A_207 : memref<20000x128xf32, #tpu.memory_space<hbm>>) dst(%arg10 : memref<240x128xf32, #tpu.memory_space<vmem>>)
    %add3A_208 = arith.constant 480 : i32
    %add3A_209 = arith.addi %mul3A_2, %add3A_208 : i32
    %dma_start3A_210 = arith.constant 0 : i32
    %dma_start3A_211 = tpu.memref_slice %arg6[%add3A_209, %dma_start3A_210] : memref<61440x128xf32, #tpu.memory_space<hbm>> -> memref<240x128xf32, #tpu.memory_space<hbm>>
    %dma_start3A_212 = arith.constant 0 : i32
    %dma_start3A_213 = tpu.memref_slice %arg6[%add3A_209, %dma_start3A_212] : memref<61440x128xf32, #tpu.memory_space<hbm>> -> memref<240x128xf32, #tpu.memory_space<hbm>>
    tpu.enqueue_dma source(%arg10 : memref<240x128xf32, #tpu.memory_space<vmem>>) target(%dma_start3A_213 : memref<240x128xf32, #tpu.memory_space<hbm>>) target_semaphore(%arg18 : memref<!tpu.dma_semaphore, #tpu.memory_space<semaphore_mem>>)
    %dma_wait3A_214 = arith.constant 0 : i32
    %dma_wait3A_215 = tpu.memref_slice %arg6[%add3A_169, %dma_wait3A_214] : memref<61440x128xf32, #tpu.memory_space<hbm>> -> memref<240x128xf32, #tpu.memory_space<hbm>>
    %dma_wait3A_216 = arith.constant 0 : i32
    %dma_wait3A_217 = tpu.memref_slice %arg6[%add3A_169, %dma_wait3A_216] : memref<61440x128xf32, #tpu.memory_space<hbm>> -> memref<240x128xf32, #tpu.memory_space<hbm>>
    tpu.wait_dma2 semaphore(%arg16 : memref<!tpu.dma_semaphore, #tpu.memory_space<semaphore_mem>>) src(%arg8 : memref<240x128xf32, #tpu.memory_space<vmem>>) dst(%dma_wait3A_217 : memref<240x128xf32, #tpu.memory_space<hbm>>)
    %dma_start3A_218 = arith.constant 2880 : i32
    %dma_start3A_219 = tpu.memref_slice %arg7[%dma_start3A_218] : memref<3840xi32, #tpu.memory_space<vmem>> -> memref<240xi32, #tpu.memory_space<vmem>>
    %dma_start3A_220 = arith.constant 0 : i32
    %dma_start3A_221 = arith.constant 0 : i32
    %dma_start3A_222 = tpu.memref_slice %arg2[%dma_start3A_220, %dma_start3A_221] : memref<20000x128xf32, #tpu.memory_space<hbm>> -> memref<20000x128xf32, #tpu.memory_space<hbm>>
    tpu.enqueue_indirect_dma source(%dma_start3A_222 : memref<20000x128xf32, #tpu.memory_space<hbm>>) target(%arg8 : memref<240x128xf32, #tpu.memory_space<vmem>>) offsets(%dma_start3A_219 : memref<240xi32, #tpu.memory_space<vmem>>) semaphore(%arg12 : memref<!tpu.dma_semaphore, #tpu.memory_space<semaphore_mem>>)
    %dma_wait3A_223 = arith.constant 2640 : i32
    %dma_wait3A_224 = tpu.memref_slice %arg7[%dma_wait3A_223] : memref<3840xi32, #tpu.memory_space<vmem>> -> memref<240xi32, #tpu.memory_space<vmem>>
    %dma_wait3A_225 = arith.constant 0 : i32
    %dma_wait3A_226 = arith.constant 0 : i32
    %dma_wait3A_227 = tpu.memref_slice %arg2[%dma_wait3A_225, %dma_wait3A_226] : memref<20000x128xf32, #tpu.memory_space<hbm>> -> memref<20000x128xf32, #tpu.memory_space<hbm>>
    tpu.wait_indirect_dma semaphore(%arg15 : memref<!tpu.dma_semaphore, #tpu.memory_space<semaphore_mem>>) src(%dma_wait3A_227 : memref<20000x128xf32, #tpu.memory_space<hbm>>) dst(%arg11 : memref<240x128xf32, #tpu.memory_space<vmem>>)
    %add3A_228 = arith.constant 720 : i32
    %add3A_229 = arith.addi %mul3A_2, %add3A_228 : i32
    %dma_start3A_230 = arith.constant 0 : i32
    %dma_start3A_231 = tpu.memref_slice %arg6[%add3A_229, %dma_start3A_230] : memref<61440x128xf32, #tpu.memory_space<hbm>> -> memref<240x128xf32, #tpu.memory_space<hbm>>
    %dma_start3A_232 = arith.constant 0 : i32
    %dma_start3A_233 = tpu.memref_slice %arg6[%add3A_229, %dma_start3A_232] : memref<61440x128xf32, #tpu.memory_space<hbm>> -> memref<240x128xf32, #tpu.memory_space<hbm>>
    tpu.enqueue_dma source(%arg11 : memref<240x128xf32, #tpu.memory_space<vmem>>) target(%dma_start3A_233 : memref<240x128xf32, #tpu.memory_space<hbm>>) target_semaphore(%arg19 : memref<!tpu.dma_semaphore, #tpu.memory_space<semaphore_mem>>)
    %dma_wait3A_234 = arith.constant 0 : i32
    %dma_wait3A_235 = tpu.memref_slice %arg6[%add3A_189, %dma_wait3A_234] : memref<61440x128xf32, #tpu.memory_space<hbm>> -> memref<240x128xf32, #tpu.memory_space<hbm>>
    %dma_wait3A_236 = arith.constant 0 : i32
    %dma_wait3A_237 = tpu.memref_slice %arg6[%add3A_189, %dma_wait3A_236] : memref<61440x128xf32, #tpu.memory_space<hbm>> -> memref<240x128xf32, #tpu.memory_space<hbm>>
    tpu.wait_dma2 semaphore(%arg17 : memref<!tpu.dma_semaphore, #tpu.memory_space<semaphore_mem>>) src(%arg9 : memref<240x128xf32, #tpu.memory_space<vmem>>) dst(%dma_wait3A_237 : memref<240x128xf32, #tpu.memory_space<hbm>>)
    %dma_start3A_238 = arith.constant 3120 : i32
    %dma_start3A_239 = tpu.memref_slice %arg7[%dma_start3A_238] : memref<3840xi32, #tpu.memory_space<vmem>> -> memref<240xi32, #tpu.memory_space<vmem>>
    %dma_start3A_240 = arith.constant 0 : i32
    %dma_start3A_241 = arith.constant 0 : i32
    %dma_start3A_242 = tpu.memref_slice %arg2[%dma_start3A_240, %dma_start3A_241] : memref<20000x128xf32, #tpu.memory_space<hbm>> -> memref<20000x128xf32, #tpu.memory_space<hbm>>
    tpu.enqueue_indirect_dma source(%dma_start3A_242 : memref<20000x128xf32, #tpu.memory_space<hbm>>) target(%arg9 : memref<240x128xf32, #tpu.memory_space<vmem>>) offsets(%dma_start3A_239 : memref<240xi32, #tpu.memory_space<vmem>>) semaphore(%arg13 : memref<!tpu.dma_semaphore, #tpu.memory_space<semaphore_mem>>)
    %dma_wait3A_243 = arith.constant 2880 : i32
    %dma_wait3A_244 = tpu.memref_slice %arg7[%dma_wait3A_243] : memref<3840xi32, #tpu.memory_space<vmem>> -> memref<240xi32, #tpu.memory_space<vmem>>
    %dma_wait3A_245 = arith.constant 0 : i32
    %dma_wait3A_246 = arith.constant 0 : i32
    %dma_wait3A_247 = tpu.memref_slice %arg2[%dma_wait3A_245, %dma_wait3A_246] : memref<20000x128xf32, #tpu.memory_space<hbm>> -> memref<20000x128xf32, #tpu.memory_space<hbm>>
    tpu.wait_indirect_dma semaphore(%arg12 : memref<!tpu.dma_semaphore, #tpu.memory_space<semaphore_mem>>) src(%dma_wait3A_247 : memref<20000x128xf32, #tpu.memory_space<hbm>>) dst(%arg8 : memref<240x128xf32, #tpu.memory_space<vmem>>)
    %add3A_248 = arith.constant 960 : i32
    %add3A_249 = arith.addi %mul3A_2, %add3A_248 : i32
    %dma_start3A_250 = arith.constant 0 : i32
    %dma_start3A_251 = tpu.memref_slice %arg6[%add3A_249, %dma_start3A_250] : memref<61440x128xf32, #tpu.memory_space<hbm>> -> memref<240x128xf32, #tpu.memory_space<hbm>>
    %dma_start3A_252 = arith.constant 0 : i32
    %dma_start3A_253 = tpu.memref_slice %arg6[%add3A_249, %dma_start3A_252] : memref<61440x128xf32, #tpu.memory_space<hbm>> -> memref<240x128xf32, #tpu.memory_space<hbm>>
    tpu.enqueue_dma source(%arg8 : memref<240x128xf32, #tpu.memory_space<vmem>>) target(%dma_start3A_253 : memref<240x128xf32, #tpu.memory_space<hbm>>) target_semaphore(%arg16 : memref<!tpu.dma_semaphore, #tpu.memory_space<semaphore_mem>>)
    %dma_wait3A_254 = arith.constant 0 : i32
    %dma_wait3A_255 = tpu.memref_slice %arg6[%add3A_209, %dma_wait3A_254] : memref<61440x128xf32, #tpu.memory_space<hbm>> -> memref<240x128xf32, #tpu.memory_space<hbm>>
    %dma_wait3A_256 = arith.constant 0 : i32
    %dma_wait3A_257 = tpu.memref_slice %arg6[%add3A_209, %dma_wait3A_256] : memref<61440x128xf32, #tpu.memory_space<hbm>> -> memref<240x128xf32, #tpu.memory_space<hbm>>
    tpu.wait_dma2 semaphore(%arg18 : memref<!tpu.dma_semaphore, #tpu.memory_space<semaphore_mem>>) src(%arg10 : memref<240x128xf32, #tpu.memory_space<vmem>>) dst(%dma_wait3A_257 : memref<240x128xf32, #tpu.memory_space<hbm>>)
    %dma_start3A_258 = arith.constant 3360 : i32
    %dma_start3A_259 = tpu.memref_slice %arg7[%dma_start3A_258] : memref<3840xi32, #tpu.memory_space<vmem>> -> memref<240xi32, #tpu.memory_space<vmem>>
    %dma_start3A_260 = arith.constant 0 : i32
    %dma_start3A_261 = arith.constant 0 : i32
    %dma_start3A_262 = tpu.memref_slice %arg2[%dma_start3A_260, %dma_start3A_261] : memref<20000x128xf32, #tpu.memory_space<hbm>> -> memref<20000x128xf32, #tpu.memory_space<hbm>>
    tpu.enqueue_indirect_dma source(%dma_start3A_262 : memref<20000x128xf32, #tpu.memory_space<hbm>>) target(%arg10 : memref<240x128xf32, #tpu.memory_space<vmem>>) offsets(%dma_start3A_259 : memref<240xi32, #tpu.memory_space<vmem>>) semaphore(%arg14 : memref<!tpu.dma_semaphore, #tpu.memory_space<semaphore_mem>>)
    %dma_wait3A_263 = arith.constant 3120 : i32
    %dma_wait3A_264 = tpu.memref_slice %arg7[%dma_wait3A_263] : memref<3840xi32, #tpu.memory_space<vmem>> -> memref<240xi32, #tpu.memory_space<vmem>>
    %dma_wait3A_265 = arith.constant 0 : i32
    %dma_wait3A_266 = arith.constant 0 : i32
    %dma_wait3A_267 = tpu.memref_slice %arg2[%dma_wait3A_265, %dma_wait3A_266] : memref<20000x128xf32, #tpu.memory_space<hbm>> -> memref<20000x128xf32, #tpu.memory_space<hbm>>
    tpu.wait_indirect_dma semaphore(%arg13 : memref<!tpu.dma_semaphore, #tpu.memory_space<semaphore_mem>>) src(%dma_wait3A_267 : memref<20000x128xf32, #tpu.memory_space<hbm>>) dst(%arg9 : memref<240x128xf32, #tpu.memory_space<vmem>>)
    %add3A_268 = arith.constant 1200 : i32
    %add3A_269 = arith.addi %mul3A_2, %add3A_268 : i32
    %dma_start3A_270 = arith.constant 0 : i32
    %dma_start3A_271 = tpu.memref_slice %arg6[%add3A_269, %dma_start3A_270] : memref<61440x128xf32, #tpu.memory_space<hbm>> -> memref<240x128xf32, #tpu.memory_space<hbm>>
    %dma_start3A_272 = arith.constant 0 : i32
    %dma_start3A_273 = tpu.memref_slice %arg6[%add3A_269, %dma_start3A_272] : memref<61440x128xf32, #tpu.memory_space<hbm>> -> memref<240x128xf32, #tpu.memory_space<hbm>>
    tpu.enqueue_dma source(%arg9 : memref<240x128xf32, #tpu.memory_space<vmem>>) target(%dma_start3A_273 : memref<240x128xf32, #tpu.memory_space<hbm>>) target_semaphore(%arg17 : memref<!tpu.dma_semaphore, #tpu.memory_space<semaphore_mem>>)
    %dma_wait3A_274 = arith.constant 0 : i32
    %dma_wait3A_275 = tpu.memref_slice %arg6[%add3A_229, %dma_wait3A_274] : memref<61440x128xf32, #tpu.memory_space<hbm>> -> memref<240x128xf32, #tpu.memory_space<hbm>>
    %dma_wait3A_276 = arith.constant 0 : i32
    %dma_wait3A_277 = tpu.memref_slice %arg6[%add3A_229, %dma_wait3A_276] : memref<61440x128xf32, #tpu.memory_space<hbm>> -> memref<240x128xf32, #tpu.memory_space<hbm>>
    tpu.wait_dma2 semaphore(%arg19 : memref<!tpu.dma_semaphore, #tpu.memory_space<semaphore_mem>>) src(%arg11 : memref<240x128xf32, #tpu.memory_space<vmem>>) dst(%dma_wait3A_277 : memref<240x128xf32, #tpu.memory_space<hbm>>)
    %dma_start3A_278 = arith.constant 3600 : i32
    %dma_start3A_279 = tpu.memref_slice %arg7[%dma_start3A_278] : memref<3840xi32, #tpu.memory_space<vmem>> -> memref<240xi32, #tpu.memory_space<vmem>>
    %dma_start3A_280 = arith.constant 0 : i32
    %dma_start3A_281 = arith.constant 0 : i32
    %dma_start3A_282 = tpu.memref_slice %arg2[%dma_start3A_280, %dma_start3A_281] : memref<20000x128xf32, #tpu.memory_space<hbm>> -> memref<20000x128xf32, #tpu.memory_space<hbm>>
    tpu.enqueue_indirect_dma source(%dma_start3A_282 : memref<20000x128xf32, #tpu.memory_space<hbm>>) target(%arg11 : memref<240x128xf32, #tpu.memory_space<vmem>>) offsets(%dma_start3A_279 : memref<240xi32, #tpu.memory_space<vmem>>) semaphore(%arg15 : memref<!tpu.dma_semaphore, #tpu.memory_space<semaphore_mem>>)
    %dma_wait3A_283 = arith.constant 3360 : i32
    %dma_wait3A_284 = tpu.memref_slice %arg7[%dma_wait3A_283] : memref<3840xi32, #tpu.memory_space<vmem>> -> memref<240xi32, #tpu.memory_space<vmem>>
    %dma_wait3A_285 = arith.constant 0 : i32
    %dma_wait3A_286 = arith.constant 0 : i32
    %dma_wait3A_287 = tpu.memref_slice %arg2[%dma_wait3A_285, %dma_wait3A_286] : memref<20000x128xf32, #tpu.memory_space<hbm>> -> memref<20000x128xf32, #tpu.memory_space<hbm>>
    tpu.wait_indirect_dma semaphore(%arg14 : memref<!tpu.dma_semaphore, #tpu.memory_space<semaphore_mem>>) src(%dma_wait3A_287 : memref<20000x128xf32, #tpu.memory_space<hbm>>) dst(%arg10 : memref<240x128xf32, #tpu.memory_space<vmem>>)
    %add3A_288 = arith.constant 1440 : i32
    %add3A_289 = arith.addi %mul3A_2, %add3A_288 : i32
    %dma_start3A_290 = arith.constant 0 : i32
    %dma_start3A_291 = tpu.memref_slice %arg6[%add3A_289, %dma_start3A_290] : memref<61440x128xf32, #tpu.memory_space<hbm>> -> memref<240x128xf32, #tpu.memory_space<hbm>>
    %dma_start3A_292 = arith.constant 0 : i32
    %dma_start3A_293 = tpu.memref_slice %arg6[%add3A_289, %dma_start3A_292] : memref<61440x128xf32, #tpu.memory_space<hbm>> -> memref<240x128xf32, #tpu.memory_space<hbm>>
    tpu.enqueue_dma source(%arg10 : memref<240x128xf32, #tpu.memory_space<vmem>>) target(%dma_start3A_293 : memref<240x128xf32, #tpu.memory_space<hbm>>) target_semaphore(%arg18 : memref<!tpu.dma_semaphore, #tpu.memory_space<semaphore_mem>>)
    %dma_wait3A_294 = arith.constant 3600 : i32
    %dma_wait3A_295 = tpu.memref_slice %arg7[%dma_wait3A_294] : memref<3840xi32, #tpu.memory_space<vmem>> -> memref<240xi32, #tpu.memory_space<vmem>>
    %dma_wait3A_296 = arith.constant 0 : i32
    %dma_wait3A_297 = arith.constant 0 : i32
    %dma_wait3A_298 = tpu.memref_slice %arg2[%dma_wait3A_296, %dma_wait3A_297] : memref<20000x128xf32, #tpu.memory_space<hbm>> -> memref<20000x128xf32, #tpu.memory_space<hbm>>
    tpu.wait_indirect_dma semaphore(%arg15 : memref<!tpu.dma_semaphore, #tpu.memory_space<semaphore_mem>>) src(%dma_wait3A_298 : memref<20000x128xf32, #tpu.memory_space<hbm>>) dst(%arg11 : memref<240x128xf32, #tpu.memory_space<vmem>>)
    %add3A_299 = arith.constant 1680 : i32
    %add3A_300 = arith.addi %mul3A_2, %add3A_299 : i32
    %dma_start3A_301 = arith.constant 0 : i32
    %dma_start3A_302 = tpu.memref_slice %arg6[%add3A_300, %dma_start3A_301] : memref<61440x128xf32, #tpu.memory_space<hbm>> -> memref<240x128xf32, #tpu.memory_space<hbm>>
    %dma_start3A_303 = arith.constant 0 : i32
    %dma_start3A_304 = tpu.memref_slice %arg6[%add3A_300, %dma_start3A_303] : memref<61440x128xf32, #tpu.memory_space<hbm>> -> memref<240x128xf32, #tpu.memory_space<hbm>>
    tpu.enqueue_dma source(%arg11 : memref<240x128xf32, #tpu.memory_space<vmem>>) target(%dma_start3A_304 : memref<240x128xf32, #tpu.memory_space<hbm>>) target_semaphore(%arg19 : memref<!tpu.dma_semaphore, #tpu.memory_space<semaphore_mem>>)
    %dma_wait3A_305 = arith.constant 0 : i32
    %dma_wait3A_306 = tpu.memref_slice %arg6[%add3A_249, %dma_wait3A_305] : memref<61440x128xf32, #tpu.memory_space<hbm>> -> memref<240x128xf32, #tpu.memory_space<hbm>>
    %dma_wait3A_307 = arith.constant 0 : i32
    %dma_wait3A_308 = tpu.memref_slice %arg6[%add3A_249, %dma_wait3A_307] : memref<61440x128xf32, #tpu.memory_space<hbm>> -> memref<240x128xf32, #tpu.memory_space<hbm>>
    tpu.wait_dma2 semaphore(%arg16 : memref<!tpu.dma_semaphore, #tpu.memory_space<semaphore_mem>>) src(%arg8 : memref<240x128xf32, #tpu.memory_space<vmem>>) dst(%dma_wait3A_308 : memref<240x128xf32, #tpu.memory_space<hbm>>)
    %dma_wait3A_309 = arith.constant 0 : i32
    %dma_wait3A_310 = tpu.memref_slice %arg6[%add3A_269, %dma_wait3A_309] : memref<61440x128xf32, #tpu.memory_space<hbm>> -> memref<240x128xf32, #tpu.memory_space<hbm>>
    %dma_wait3A_311 = arith.constant 0 : i32
    %dma_wait3A_312 = tpu.memref_slice %arg6[%add3A_269, %dma_wait3A_311] : memref<61440x128xf32, #tpu.memory_space<hbm>> -> memref<240x128xf32, #tpu.memory_space<hbm>>
    tpu.wait_dma2 semaphore(%arg17 : memref<!tpu.dma_semaphore, #tpu.memory_space<semaphore_mem>>) src(%arg9 : memref<240x128xf32, #tpu.memory_space<vmem>>) dst(%dma_wait3A_312 : memref<240x128xf32, #tpu.memory_space<hbm>>)
    %dma_wait3A_313 = arith.constant 0 : i32
    %dma_wait3A_314 = tpu.memref_slice %arg6[%add3A_289, %dma_wait3A_313] : memref<61440x128xf32, #tpu.memory_space<hbm>> -> memref<240x128xf32, #tpu.memory_space<hbm>>
    %dma_wait3A_315 = arith.constant 0 : i32
    %dma_wait3A_316 = tpu.memref_slice %arg6[%add3A_289, %dma_wait3A_315] : memref<61440x128xf32, #tpu.memory_space<hbm>> -> memref<240x128xf32, #tpu.memory_space<hbm>>
    tpu.wait_dma2 semaphore(%arg18 : memref<!tpu.dma_semaphore, #tpu.memory_space<semaphore_mem>>) src(%arg10 : memref<240x128xf32, #tpu.memory_space<vmem>>) dst(%dma_wait3A_316 : memref<240x128xf32, #tpu.memory_space<hbm>>)
    %dma_wait3A_317 = arith.constant 0 : i32
    %dma_wait3A_318 = tpu.memref_slice %arg6[%add3A_300, %dma_wait3A_317] : memref<61440x128xf32, #tpu.memory_space<hbm>> -> memref<240x128xf32, #tpu.memory_space<hbm>>
    %dma_wait3A_319 = arith.constant 0 : i32
    %dma_wait3A_320 = tpu.memref_slice %arg6[%add3A_300, %dma_wait3A_319] : memref<61440x128xf32, #tpu.memory_space<hbm>> -> memref<240x128xf32, #tpu.memory_space<hbm>>
    tpu.wait_dma2 semaphore(%arg19 : memref<!tpu.dma_semaphore, #tpu.memory_space<semaphore_mem>>) src(%arg11 : memref<240x128xf32, #tpu.memory_space<vmem>>) dst(%dma_wait3A_320 : memref<240x128xf32, #tpu.memory_space<hbm>>)
    return
  }
}

#map = affine_map<(d0, d1) -> (0)>
module attributes {stable_mosaic.version = 14 : i64} {
  func.func @_sc_body(%arg0: i32, %arg1: i32, %arg2: memref<20000xf32, #tpu.memory_space<hbm>>, %arg3: memref<61440xf32, #tpu.memory_space<hbm>>, %arg4: memref<61440xi32, #tpu.memory_space<hbm>>, %arg5: memref<61440xi32, #tpu.memory_space<hbm>>, %arg6: memref<61440xf32, #tpu.memory_space<hbm>>, %arg7: memref<61440xi32, #tpu.memory_space<hbm>>, %arg8: memref<20000xf32, #tpu.memory_space<vmem>>, %arg9: memref<3840xi32, #tpu.memory_space<vmem>>, %arg10: memref<3840xi32, #tpu.memory_space<vmem>>, %arg11: memref<3840xf32, #tpu.memory_space<vmem>>, %arg12: memref<3840xf32, #tpu.memory_space<vmem>>, %arg13: memref<3840xi32, #tpu.memory_space<vmem>>, %arg14: memref<3840xi32, #tpu.memory_space<vmem>>, %arg15: memref<3840xi32, #tpu.memory_space<vmem>>, %arg16: memref<3840xi32, #tpu.memory_space<vmem>>, %arg17: memref<256xi32, #tpu.memory_space<vmem>>, %arg18: memref<256xi32, #tpu.memory_space<vmem>>, %arg19: memref<16x256xi32, #tpu.memory_space<vmem>>, %arg20: memref<16xi32, #tpu.memory_space<vmem>>, %arg21: memref<16xi32, #tpu.memory_space<vmem>>, %arg22: memref<61440xi32, #tpu.memory_space<vmem_shared>>, %arg23: memref<61440xi32, #tpu.memory_space<vmem_shared>>, %arg24: memref<61440xi32, #tpu.memory_space<vmem_shared>>, %arg25: memref<61440xi32, #tpu.memory_space<vmem_shared>>, %arg26: memref<16x256xi32, #tpu.memory_space<vmem_shared>>) attributes {dimension_semantics = [#tpu.dimension_semantics<core_parallel>, #tpu.dimension_semantics<subcore_parallel>], iteration_bounds = array<i64: 1, 16>, scalar_prefetch = 0 : i64, scratch_operands = 19 : i64, tpu.core_type = #tpu.core_type<sc_vector_subcore>, window_params = [{transform_indices = #map}, {transform_indices = #map}, {transform_indices = #map}, {transform_indices = #map}, {transform_indices = #map}, {transform_indices = #map}]} {
    %mul3A = arith.constant 3840 : i32
    %mul3A_0 = arith.muli %arg1, %mul3A : i32
    %iota3A = tpu.iota {dimensions = array<i32: 0>} : vector<16xi32>
    "tpu.region"() ({
      %run_scoped3A = tpu.sem_alloc : memref<!tpu.dma_semaphore, #tpu.memory_space<semaphore_mem>>
      tpu.enqueue_dma source(%arg2 : memref<20000xf32, #tpu.memory_space<hbm>>) target(%arg8 : memref<20000xf32, #tpu.memory_space<vmem>>) target_semaphore(%run_scoped3A : memref<!tpu.dma_semaphore, #tpu.memory_space<semaphore_mem>>)
      tpu.wait_dma2 semaphore(%run_scoped3A : memref<!tpu.dma_semaphore, #tpu.memory_space<semaphore_mem>>) src(%arg2 : memref<20000xf32, #tpu.memory_space<hbm>>) dst(%arg8 : memref<20000xf32, #tpu.memory_space<vmem>>)
      tpu.yield
    }) : () -> ()
    "tpu.region"() ({
      %run_scoped3A = tpu.sem_alloc : memref<!tpu.dma_semaphore, #tpu.memory_space<semaphore_mem>>
      %dma_start3A = tpu.memref_slice %arg3[%mul3A_0] : memref<61440xf32, #tpu.memory_space<hbm>> -> memref<3840xf32, #tpu.memory_space<hbm>>
      %dma_start3A_345 = tpu.memref_slice %arg3[%mul3A_0] : memref<61440xf32, #tpu.memory_space<hbm>> -> memref<3840xf32, #tpu.memory_space<hbm>>
      tpu.enqueue_dma source(%dma_start3A_345 : memref<3840xf32, #tpu.memory_space<hbm>>) target(%arg11 : memref<3840xf32, #tpu.memory_space<vmem>>) target_semaphore(%run_scoped3A : memref<!tpu.dma_semaphore, #tpu.memory_space<semaphore_mem>>)
      %dma_wait3A = tpu.memref_slice %arg3[%mul3A_0] : memref<61440xf32, #tpu.memory_space<hbm>> -> memref<3840xf32, #tpu.memory_space<hbm>>
      %dma_wait3A_346 = tpu.memref_slice %arg3[%mul3A_0] : memref<61440xf32, #tpu.memory_space<hbm>> -> memref<3840xf32, #tpu.memory_space<hbm>>
      tpu.wait_dma2 semaphore(%run_scoped3A : memref<!tpu.dma_semaphore, #tpu.memory_space<semaphore_mem>>) src(%dma_wait3A_346 : memref<3840xf32, #tpu.memory_space<hbm>>) dst(%arg11 : memref<3840xf32, #tpu.memory_space<vmem>>)
      tpu.yield
    }) : () -> ()
    "tpu.region"() ({
      %run_scoped3A = tpu.sem_alloc : memref<!tpu.dma_semaphore, #tpu.memory_space<semaphore_mem>>
      %dma_start3A = tpu.memref_slice %arg4[%mul3A_0] : memref<61440xi32, #tpu.memory_space<hbm>> -> memref<3840xi32, #tpu.memory_space<hbm>>
      %dma_start3A_345 = tpu.memref_slice %arg4[%mul3A_0] : memref<61440xi32, #tpu.memory_space<hbm>> -> memref<3840xi32, #tpu.memory_space<hbm>>
      tpu.enqueue_dma source(%dma_start3A_345 : memref<3840xi32, #tpu.memory_space<hbm>>) target(%arg9 : memref<3840xi32, #tpu.memory_space<vmem>>) target_semaphore(%run_scoped3A : memref<!tpu.dma_semaphore, #tpu.memory_space<semaphore_mem>>)
      %dma_wait3A = tpu.memref_slice %arg4[%mul3A_0] : memref<61440xi32, #tpu.memory_space<hbm>> -> memref<3840xi32, #tpu.memory_space<hbm>>
      %dma_wait3A_346 = tpu.memref_slice %arg4[%mul3A_0] : memref<61440xi32, #tpu.memory_space<hbm>> -> memref<3840xi32, #tpu.memory_space<hbm>>
      tpu.wait_dma2 semaphore(%run_scoped3A : memref<!tpu.dma_semaphore, #tpu.memory_space<semaphore_mem>>) src(%dma_wait3A_346 : memref<3840xi32, #tpu.memory_space<hbm>>) dst(%arg9 : memref<3840xi32, #tpu.memory_space<vmem>>)
      tpu.yield
    }) : () -> ()
    "tpu.region"() ({
      %run_scoped3A = tpu.sem_alloc : memref<!tpu.dma_semaphore, #tpu.memory_space<semaphore_mem>>
      %dma_start3A = tpu.memref_slice %arg5[%mul3A_0] : memref<61440xi32, #tpu.memory_space<hbm>> -> memref<3840xi32, #tpu.memory_space<hbm>>
      %dma_start3A_345 = tpu.memref_slice %arg5[%mul3A_0] : memref<61440xi32, #tpu.memory_space<hbm>> -> memref<3840xi32, #tpu.memory_space<hbm>>
      tpu.enqueue_dma source(%dma_start3A_345 : memref<3840xi32, #tpu.memory_space<hbm>>) target(%arg10 : memref<3840xi32, #tpu.memory_space<vmem>>) target_semaphore(%run_scoped3A : memref<!tpu.dma_semaphore, #tpu.memory_space<semaphore_mem>>)
      %dma_wait3A = tpu.memref_slice %arg5[%mul3A_0] : memref<61440xi32, #tpu.memory_space<hbm>> -> memref<3840xi32, #tpu.memory_space<hbm>>
      %dma_wait3A_346 = tpu.memref_slice %arg5[%mul3A_0] : memref<61440xi32, #tpu.memory_space<hbm>> -> memref<3840xi32, #tpu.memory_space<hbm>>
      tpu.wait_dma2 semaphore(%run_scoped3A : memref<!tpu.dma_semaphore, #tpu.memory_space<semaphore_mem>>) src(%dma_wait3A_346 : memref<3840xi32, #tpu.memory_space<hbm>>) dst(%arg10 : memref<3840xi32, #tpu.memory_space<vmem>>)
      tpu.yield
    }) : () -> ()
    %broadcast_in_dim3A = arith.constant 0 : i32
    %broadcast_in_dim3A_1 = vector.broadcast %broadcast_in_dim3A : i32 to vector<16xi32>
    %swap3A = arith.constant 0 : index
    %swap3A_2 = tpu.vector_load %arg17[%swap3A] {strides = array<i32>} : memref<256xi32, #tpu.memory_space<vmem>>, vector<16xi32>,
    tpu.vector_store %arg17[%swap3A], %broadcast_in_dim3A_1 {strides = array<i32>} : memref<256xi32, #tpu.memory_space<vmem>>, vector<16xi32>,
    %broadcast_in_dim3A_3 = arith.constant 0 : i32
    %broadcast_in_dim3A_4 = vector.broadcast %broadcast_in_dim3A_3 : i32 to vector<16xi32>
    %swap3A_5 = arith.constant 16 : index
    %swap3A_6 = tpu.vector_load %arg17[%swap3A_5] {strides = array<i32>} : memref<256xi32, #tpu.memory_space<vmem>>, vector<16xi32>,
    tpu.vector_store %arg17[%swap3A_5], %broadcast_in_dim3A_4 {strides = array<i32>} : memref<256xi32, #tpu.memory_space<vmem>>, vector<16xi32>,
    %broadcast_in_dim3A_7 = arith.constant 0 : i32
    %broadcast_in_dim3A_8 = vector.broadcast %broadcast_in_dim3A_7 : i32 to vector<16xi32>
    %swap3A_9 = arith.constant 32 : index
    %swap3A_10 = tpu.vector_load %arg17[%swap3A_9] {strides = array<i32>} : memref<256xi32, #tpu.memory_space<vmem>>, vector<16xi32>,
    tpu.vector_store %arg17[%swap3A_9], %broadcast_in_dim3A_8 {strides = array<i32>} : memref<256xi32, #tpu.memory_space<vmem>>, vector<16xi32>,
    %broadcast_in_dim3A_11 = arith.constant 0 : i32
    %broadcast_in_dim3A_12 = vector.broadcast %broadcast_in_dim3A_11 : i32 to vector<16xi32>
    %swap3A_13 = arith.constant 48 : index
    %swap3A_14 = tpu.vector_load %arg17[%swap3A_13] {strides = array<i32>} : memref<256xi32, #tpu.memory_space<vmem>>, vector<16xi32>,
    tpu.vector_store %arg17[%swap3A_13], %broadcast_in_dim3A_12 {strides = array<i32>} : memref<256xi32, #tpu.memory_space<vmem>>, vector<16xi32>,
    %broadcast_in_dim3A_15 = arith.constant 0 : i32
    %broadcast_in_dim3A_16 = vector.broadcast %broadcast_in_dim3A_15 : i32 to vector<16xi32>
    %swap3A_17 = arith.constant 64 : index
    %swap3A_18 = tpu.vector_load %arg17[%swap3A_17] {strides = array<i32>} : memref<256xi32, #tpu.memory_space<vmem>>, vector<16xi32>,
    tpu.vector_store %arg17[%swap3A_17], %broadcast_in_dim3A_16 {strides = array<i32>} : memref<256xi32, #tpu.memory_space<vmem>>, vector<16xi32>,
    %broadcast_in_dim3A_19 = arith.constant 0 : i32
    %broadcast_in_dim3A_20 = vector.broadcast %broadcast_in_dim3A_19 : i32 to vector<16xi32>
    %swap3A_21 = arith.constant 80 : index
    %swap3A_22 = tpu.vector_load %arg17[%swap3A_21] {strides = array<i32>} : memref<256xi32, #tpu.memory_space<vmem>>, vector<16xi32>,
    tpu.vector_store %arg17[%swap3A_21], %broadcast_in_dim3A_20 {strides = array<i32>} : memref<256xi32, #tpu.memory_space<vmem>>, vector<16xi32>,
    %broadcast_in_dim3A_23 = arith.constant 0 : i32
    %broadcast_in_dim3A_24 = vector.broadcast %broadcast_in_dim3A_23 : i32 to vector<16xi32>
    %swap3A_25 = arith.constant 96 : index
    %swap3A_26 = tpu.vector_load %arg17[%swap3A_25] {strides = array<i32>} : memref<256xi32, #tpu.memory_space<vmem>>, vector<16xi32>,
    tpu.vector_store %arg17[%swap3A_25], %broadcast_in_dim3A_24 {strides = array<i32>} : memref<256xi32, #tpu.memory_space<vmem>>, vector<16xi32>,
    %broadcast_in_dim3A_27 = arith.constant 0 : i32
    %broadcast_in_dim3A_28 = vector.broadcast %broadcast_in_dim3A_27 : i32 to vector<16xi32>
    %swap3A_29 = arith.constant 112 : index
    %swap3A_30 = tpu.vector_load %arg17[%swap3A_29] {strides = array<i32>} : memref<256xi32, #tpu.memory_space<vmem>>, vector<16xi32>,
    tpu.vector_store %arg17[%swap3A_29], %broadcast_in_dim3A_28 {strides = array<i32>} : memref<256xi32, #tpu.memory_space<vmem>>, vector<16xi32>,
    %broadcast_in_dim3A_31 = arith.constant 0 : i32
    %broadcast_in_dim3A_32 = vector.broadcast %broadcast_in_dim3A_31 : i32 to vector<16xi32>
    %swap3A_33 = arith.constant 128 : index
    %swap3A_34 = tpu.vector_load %arg17[%swap3A_33] {strides = array<i32>} : memref<256xi32, #tpu.memory_space<vmem>>, vector<16xi32>,
    tpu.vector_store %arg17[%swap3A_33], %broadcast_in_dim3A_32 {strides = array<i32>} : memref<256xi32, #tpu.memory_space<vmem>>, vector<16xi32>,
    %broadcast_in_dim3A_35 = arith.constant 0 : i32
    %broadcast_in_dim3A_36 = vector.broadcast %broadcast_in_dim3A_35 : i32 to vector<16xi32>
    %swap3A_37 = arith.constant 144 : index
    %swap3A_38 = tpu.vector_load %arg17[%swap3A_37] {strides = array<i32>} : memref<256xi32, #tpu.memory_space<vmem>>, vector<16xi32>,
    tpu.vector_store %arg17[%swap3A_37], %broadcast_in_dim3A_36 {strides = array<i32>} : memref<256xi32, #tpu.memory_space<vmem>>, vector<16xi32>,
    %broadcast_in_dim3A_39 = arith.constant 0 : i32
    %broadcast_in_dim3A_40 = vector.broadcast %broadcast_in_dim3A_39 : i32 to vector<16xi32>
    %swap3A_41 = arith.constant 160 : index
    %swap3A_42 = tpu.vector_load %arg17[%swap3A_41] {strides = array<i32>} : memref<256xi32, #tpu.memory_space<vmem>>, vector<16xi32>,
    tpu.vector_store %arg17[%swap3A_41], %broadcast_in_dim3A_40 {strides = array<i32>} : memref<256xi32, #tpu.memory_space<vmem>>, vector<16xi32>,
    %broadcast_in_dim3A_43 = arith.constant 0 : i32
    %broadcast_in_dim3A_44 = vector.broadcast %broadcast_in_dim3A_43 : i32 to vector<16xi32>
    %swap3A_45 = arith.constant 176 : index
    %swap3A_46 = tpu.vector_load %arg17[%swap3A_45] {strides = array<i32>} : memref<256xi32, #tpu.memory_space<vmem>>, vector<16xi32>,
    tpu.vector_store %arg17[%swap3A_45], %broadcast_in_dim3A_44 {strides = array<i32>} : memref<256xi32, #tpu.memory_space<vmem>>, vector<16xi32>,
    %broadcast_in_dim3A_47 = arith.constant 0 : i32
    %broadcast_in_dim3A_48 = vector.broadcast %broadcast_in_dim3A_47 : i32 to vector<16xi32>
    %swap3A_49 = arith.constant 192 : index
    %swap3A_50 = tpu.vector_load %arg17[%swap3A_49] {strides = array<i32>} : memref<256xi32, #tpu.memory_space<vmem>>, vector<16xi32>,
    tpu.vector_store %arg17[%swap3A_49], %broadcast_in_dim3A_48 {strides = array<i32>} : memref<256xi32, #tpu.memory_space<vmem>>, vector<16xi32>,
    %broadcast_in_dim3A_51 = arith.constant 0 : i32
    %broadcast_in_dim3A_52 = vector.broadcast %broadcast_in_dim3A_51 : i32 to vector<16xi32>
    %swap3A_53 = arith.constant 208 : index
    %swap3A_54 = tpu.vector_load %arg17[%swap3A_53] {strides = array<i32>} : memref<256xi32, #tpu.memory_space<vmem>>, vector<16xi32>,
    tpu.vector_store %arg17[%swap3A_53], %broadcast_in_dim3A_52 {strides = array<i32>} : memref<256xi32, #tpu.memory_space<vmem>>, vector<16xi32>,
    %broadcast_in_dim3A_55 = arith.constant 0 : i32
    %broadcast_in_dim3A_56 = vector.broadcast %broadcast_in_dim3A_55 : i32 to vector<16xi32>
    %swap3A_57 = arith.constant 224 : index
    %swap3A_58 = tpu.vector_load %arg17[%swap3A_57] {strides = array<i32>} : memref<256xi32, #tpu.memory_space<vmem>>, vector<16xi32>,
    tpu.vector_store %arg17[%swap3A_57], %broadcast_in_dim3A_56 {strides = array<i32>} : memref<256xi32, #tpu.memory_space<vmem>>, vector<16xi32>,
    %broadcast_in_dim3A_59 = arith.constant 0 : i32
    %broadcast_in_dim3A_60 = vector.broadcast %broadcast_in_dim3A_59 : i32 to vector<16xi32>
    %swap3A_61 = arith.constant 240 : index
    %swap3A_62 = tpu.vector_load %arg17[%swap3A_61] {strides = array<i32>} : memref<256xi32, #tpu.memory_space<vmem>>, vector<16xi32>,
    tpu.vector_store %arg17[%swap3A_61], %broadcast_in_dim3A_60 {strides = array<i32>} : memref<256xi32, #tpu.memory_space<vmem>>, vector<16xi32>,
    %scan3A = arith.constant 0 : i32
    %scan3A_63 = arith.constant 0 : i32
    %scan3A_64 = arith.constant 120 : i32
    %scan3A_65 = arith.addi %scan3A_63, %scan3A_64 : i32
    %scan3A_66 = arith.constant 1 : i32
    %scan3A_67 = scf.for %scan3A_345 = %scan3A_63 to %scan3A_65 step %scan3A_66 iter_args(%scan3A_346 = %scan3A) -> (i32)  : i32 {
      %mul3A_347 = arith.constant 2 : i32
      %mul3A_348 = arith.muli %mul3A_347, %scan3A_345 : i32
      %mul3A_349 = arith.constant 16 : i32
      %mul3A_350 = arith.muli %mul3A_348, %mul3A_349 : i32
      %get3A = arith.index_cast %mul3A_350 : i32 to index
      %get3A_351 = tpu.vector_load %arg9[%get3A] {strides = array<i32>} : memref<3840xi32, #tpu.memory_space<vmem>>, vector<16xi32>,
      %mul3A_352 = arith.constant 16 : i32
      %mul3A_353 = arith.muli %mul3A_348, %mul3A_352 : i32
      %get3A_354 = arith.index_cast %mul3A_353 : i32 to index
      %get3A_355 = tpu.vector_load %arg10[%get3A_354] {strides = array<i32>} : memref<3840xi32, #tpu.memory_space<vmem>>, vector<16xi32>,
      %gather3A = tpu.vector_load_idx %arg8[%get3A_351] : memref<20000xf32, #tpu.memory_space<vmem>>[vector<16xi32>], vector<16xf32>,
      %gather3A_356 = tpu.vector_load_idx %arg8[%get3A_355] : memref<20000xf32, #tpu.memory_space<vmem>>[vector<16xi32>], vector<16xf32>,
      %add3A = arith.addf %gather3A, %gather3A_356 : vector<16xf32>
      %mul3A_357 = arith.constant 16 : i32
      %mul3A_358 = arith.muli %mul3A_348, %mul3A_357 : i32
      %get3A_359 = arith.index_cast %mul3A_358 : i32 to index
      %get3A_360 = tpu.vector_load %arg11[%get3A_359] {strides = array<i32>} : memref<3840xf32, #tpu.memory_space<vmem>>, vector<16xf32>,
      %add3A_361 = arith.addf %add3A, %get3A_360 : vector<16xf32>
      %mul3A_362 = arith.constant 16 : i32
      %mul3A_363 = arith.muli %mul3A_348, %mul3A_362 : i32
      %swap3A_364 = arith.index_cast %mul3A_363 : i32 to index
      %swap3A_365 = tpu.vector_load %arg12[%swap3A_364] {strides = array<i32>} : memref<3840xf32, #tpu.memory_space<vmem>>, vector<16xf32>,
      tpu.vector_store %arg12[%swap3A_364], %add3A_361 {strides = array<i32>} : memref<3840xf32, #tpu.memory_space<vmem>>, vector<16xf32>,
      %mul3A_366 = arith.constant 16 : i32
      %mul3A_367 = arith.muli %mul3A_348, %mul3A_366 : i32
      %add3A_368 = arith.addi %mul3A_0, %mul3A_367 : i32
      %add3A_369 = vector.broadcast %add3A_368 : i32 to vector<16xi32>
      %add3A_370 = arith.addi %add3A_369, %iota3A : vector<16xi32>
      %bitcast3A = vector.bitcast %add3A_361 : vector<16xf32> to vector<16xi32>
      %lt3A = arith.constant 60000 : i32
      %lt3A_371 = vector.broadcast %lt3A : i32 to vector<16xi32>
      %lt3A_372 = arith.cmpi slt, %add3A_370, %lt3A_371 : vector<16xi32>
      %broadcast_in_dim3A_373 = arith.constant -1 : i32
      %broadcast_in_dim3A_374 = vector.broadcast %broadcast_in_dim3A_373 : i32 to vector<16xi32>
      %select_n3A = arith.select %lt3A_372, %bitcast3A, %broadcast_in_dim3A_374 : vector<16xi1>, vector<16xi32>
      %mul3A_375 = arith.constant 16 : i32
      %mul3A_376 = arith.muli %mul3A_348, %mul3A_375 : i32
      %swap3A_377 = arith.index_cast %mul3A_376 : i32 to index
      %swap3A_378 = tpu.vector_load %arg13[%swap3A_377] {strides = array<i32>} : memref<3840xi32, #tpu.memory_space<vmem>>, vector<16xi32>,
      tpu.vector_store %arg13[%swap3A_377], %select_n3A {strides = array<i32>} : memref<3840xi32, #tpu.memory_space<vmem>>, vector<16xi32>,
      %mul3A_379 = arith.constant 16 : i32
      %mul3A_380 = arith.muli %mul3A_348, %mul3A_379 : i32
      %swap3A_381 = arith.index_cast %mul3A_380 : i32 to index
      %swap3A_382 = tpu.vector_load %arg14[%swap3A_381] {strides = array<i32>} : memref<3840xi32, #tpu.memory_space<vmem>>, vector<16xi32>,
      tpu.vector_store %arg14[%swap3A_381], %add3A_370 {strides = array<i32>} : memref<3840xi32, #tpu.memory_space<vmem>>, vector<16xi32>,
      %iota3A_383 = tpu.iota {dimensions = array<i32: 0>} : vector<16xi32>
      %mul3A_384 = arith.constant 16 : i32
      %mul3A_385 = arith.muli %mul3A_348, %mul3A_384 : i32
      %get3A_386 = arith.index_cast %mul3A_385 : i32 to index
      %get3A_387 = tpu.vector_load %arg13[%get3A_386] {strides = array<i32>} : memref<3840xi32, #tpu.memory_space<vmem>>, vector<16xi32>,
      %broadcast_in_dim3A_388 = arith.constant 0 : i32
      %broadcast_in_dim3A_389 = vector.broadcast %broadcast_in_dim3A_388 : i32 to vector<16xi32>
      %shift_right_logical3A = arith.shrui %get3A_387, %broadcast_in_dim3A_389 : vector<16xi32>
      %broadcast_in_dim3A_390 = arith.constant 255 : i32
      %broadcast_in_dim3A_391 = vector.broadcast %broadcast_in_dim3A_390 : i32 to vector<16xi32>
      %and3A = arith.andi %shift_right_logical3A, %broadcast_in_dim3A_391 : vector<16xi32>
      %broadcast_in_dim3A_392 = arith.constant 4 : i32
      %broadcast_in_dim3A_393 = vector.broadcast %broadcast_in_dim3A_392 : i32 to vector<16xi32>
      %shift_left3A = arith.shli %and3A, %broadcast_in_dim3A_393 : vector<16xi32>
      %or3A = arith.ori %shift_left3A, %iota3A_383 : vector<16xi32>
      %masked_sort3A = arith.constant dense<true> : vector<16xi1>
      %masked_sort3A_394 = arith.constant -2147483648 : i32
      %masked_sort3A_395 = vector.broadcast %masked_sort3A_394 : i32 to vector<16xi32>
      %masked_sort3A_396 = arith.xori %or3A, %masked_sort3A_395 : vector<16xi32>
      %masked_sort3A_397, %masked_sort3A_398, %masked_sort3A_399 = tpu.sort %masked_sort3A_396, %iota3A_383 masked %masked_sort3A : (vector<16xi32>, vector<16xi32>, vector<16xi1>) -> (vector<16xi1>, vector<16xi32>, vector<16xi32>)
      %masked_sort3A_400 = arith.xori %masked_sort3A_398, %masked_sort3A_395 : vector<16xi32>
      %broadcast_in_dim3A_401 = arith.constant 4 : i32
      %broadcast_in_dim3A_402 = vector.broadcast %broadcast_in_dim3A_401 : i32 to vector<16xi32>
      %shift_right_logical3A_403 = arith.shrui %masked_sort3A_400, %broadcast_in_dim3A_402 : vector<16xi32>
      %broadcast_in_dim3A_404 = arith.constant 15 : i32
      %broadcast_in_dim3A_405 = vector.broadcast %broadcast_in_dim3A_404 : i32 to vector<16xi32>
      %and3A_406 = arith.andi %masked_sort3A_400, %broadcast_in_dim3A_405 : vector<16xi32>
      %swap3A_407 = arith.constant 0 : index
      %swap3A_408 = tpu.vector_load %arg20[%swap3A_407] {strides = array<i32>} : memref<16xi32, #tpu.memory_space<vmem>>, vector<16xi32>,
      tpu.vector_store %arg20[%swap3A_407], %shift_right_logical3A_403 {strides = array<i32>} : memref<16xi32, #tpu.memory_space<vmem>>, vector<16xi32>,
      %sub3A = arith.constant 1 : i32
      %sub3A_409 = vector.broadcast %sub3A : i32 to vector<16xi32>
      %sub3A_410 = arith.subi %iota3A_383, %sub3A_409 : vector<16xi32>
      %max3A = arith.constant 0 : i32
      %max3A_411 = vector.broadcast %max3A : i32 to vector<16xi32>
      %max3A_412 = arith.maxsi %sub3A_410, %max3A_411 : vector<16xi32>
      %gather3A_413 = tpu.vector_load_idx %arg20[%max3A_412] : memref<16xi32, #tpu.memory_space<vmem>>[vector<16xi32>], vector<16xi32>,
      %add3A_414 = arith.constant 1 : i32
      %add3A_415 = vector.broadcast %add3A_414 : i32 to vector<16xi32>
      %add3A_416 = arith.addi %iota3A_383, %add3A_415 : vector<16xi32>
      %min3A = arith.constant 15 : i32
      %min3A_417 = vector.broadcast %min3A : i32 to vector<16xi32>
      %min3A_418 = arith.minsi %add3A_416, %min3A_417 : vector<16xi32>
      %gather3A_419 = tpu.vector_load_idx %arg20[%min3A_418] : memref<16xi32, #tpu.memory_space<vmem>>[vector<16xi32>], vector<16xi32>,
      %ne3A = arith.cmpi ne, %shift_right_logical3A_403, %gather3A_413 : vector<16xi32>
      %jit3A = arith.constant 0 : i32
      %broadcast_in_dim3A_420 = vector.broadcast %jit3A : i32 to vector<16xi32>
      %select_n3A_421 = arith.select %ne3A, %iota3A_383, %broadcast_in_dim3A_420 : vector<16xi1>, vector<16xi32>
      %broadcast_in_dim3A_422 = arith.constant true
      %broadcast_in_dim3A_423 = vector.broadcast %broadcast_in_dim3A_422 : i1 to vector<16xi1>
      %masked_cummax3A = arith.constant -2147483648 : i32
      %masked_cummax3A_424 = vector.broadcast %masked_cummax3A : i32 to vector<16xi32>
      %masked_cummax3A_425 = arith.xori %select_n3A_421, %masked_cummax3A_424 : vector<16xi32>
      %masked_cummax3A_426 = tpu.scan <max>, %masked_cummax3A_425 masked %broadcast_in_dim3A_423 : vector<16xi32>, vector<16xi1> -> vector<16xi32>
      %masked_cummax3A_427 = arith.xori %masked_cummax3A_426, %masked_cummax3A_424 : vector<16xi32>
      %sub3A_428 = arith.subi %iota3A_383, %masked_cummax3A_427 : vector<16xi32>
      %ne3A_429 = arith.cmpi ne, %shift_right_logical3A_403, %gather3A_419 : vector<16xi32>
      %eq3A = arith.constant 15 : i32
      %eq3A_430 = vector.broadcast %eq3A : i32 to vector<16xi32>
      %eq3A_431 = arith.cmpi eq, %iota3A_383, %eq3A_430 : vector<16xi32>
      %or3A_432 = arith.ori %ne3A_429, %eq3A_431 : vector<16xi1>
      %broadcast_in_dim3A_433 = arith.constant 8 : i32
      %broadcast_in_dim3A_434 = vector.broadcast %broadcast_in_dim3A_433 : i32 to vector<16xi32>
      %broadcast_in_dim3A_435 = arith.constant 4 : i32
      %broadcast_in_dim3A_436 = vector.broadcast %broadcast_in_dim3A_435 : i32 to vector<16xi32>
      %broadcast_in_dim3A_437 = arith.constant 16 : i32
      %broadcast_in_dim3A_438 = vector.broadcast %broadcast_in_dim3A_437 : i32 to vector<16xi32>
      %shift_left3A_439 = arith.shli %shift_right_logical3A_403, %broadcast_in_dim3A_434 : vector<16xi32>
      %shift_left3A_440 = arith.shli %and3A_406, %broadcast_in_dim3A_436 : vector<16xi32>
      %or3A_441 = arith.ori %shift_left3A_439, %shift_left3A_440 : vector<16xi32>
      %or3A_442 = arith.ori %or3A_441, %sub3A_428 : vector<16xi32>
      %jit3A_443 = arith.constant 1 : i32
      %jit3A_444 = arith.constant 0 : i32
      %broadcast_in_dim3A_445 = vector.broadcast %jit3A_443 : i32 to vector<16xi32>
      %broadcast_in_dim3A_446 = vector.broadcast %jit3A_444 : i32 to vector<16xi32>
      %select_n3A_447 = arith.select %or3A_432, %broadcast_in_dim3A_445, %broadcast_in_dim3A_446 : vector<16xi1>, vector<16xi32>
      %shift_left3A_448 = arith.shli %select_n3A_447, %broadcast_in_dim3A_438 : vector<16xi32>
      %or3A_449 = arith.ori %or3A_442, %shift_left3A_448 : vector<16xi32>
      %mul3A_450 = arith.constant 16 : i32
      %mul3A_451 = arith.muli %mul3A_348, %mul3A_450 : i32
      %swap3A_452 = arith.index_cast %mul3A_451 : i32 to index
      %swap3A_453 = tpu.vector_load %arg15[%swap3A_452] {strides = array<i32>} : memref<3840xi32, #tpu.memory_space<vmem>>, vector<16xi32>,
      tpu.vector_store %arg15[%swap3A_452], %or3A_449 {strides = array<i32>} : memref<3840xi32, #tpu.memory_space<vmem>>, vector<16xi32>,
      %add3A_454 = arith.constant 1 : i32
      %add3A_455 = vector.broadcast %add3A_454 : i32 to vector<16xi32>
      %add3A_456 = arith.addi %sub3A_428, %add3A_455 : vector<16xi32>
      tpu.vector_store_idx %arg17[%shift_right_logical3A_403], %add3A_456 masked %or3A_432 {add = true} : memref<256xi32, #tpu.memory_space<vmem>>[vector<16xi32>], vector<16xi32>, vector<16xi1>
      %mul3A_457 = arith.constant 2 : i32
      %mul3A_458 = arith.muli %mul3A_457, %scan3A_345 : i32
      %add3A_459 = arith.constant 1 : i32
      %add3A_460 = arith.addi %mul3A_458, %add3A_459 : i32
      %mul3A_461 = arith.constant 16 : i32
      %mul3A_462 = arith.muli %add3A_460, %mul3A_461 : i32
      %get3A_463 = arith.index_cast %mul3A_462 : i32 to index
      %get3A_464 = tpu.vector_load %arg9[%get3A_463] {strides = array<i32>} : memref<3840xi32, #tpu.memory_space<vmem>>, vector<16xi32>,
      %mul3A_465 = arith.constant 16 : i32
      %mul3A_466 = arith.muli %add3A_460, %mul3A_465 : i32
      %get3A_467 = arith.index_cast %mul3A_466 : i32 to index
      %get3A_468 = tpu.vector_load %arg10[%get3A_467] {strides = array<i32>} : memref<3840xi32, #tpu.memory_space<vmem>>, vector<16xi32>,
      %gather3A_469 = tpu.vector_load_idx %arg8[%get3A_464] : memref<20000xf32, #tpu.memory_space<vmem>>[vector<16xi32>], vector<16xf32>,
      %gather3A_470 = tpu.vector_load_idx %arg8[%get3A_468] : memref<20000xf32, #tpu.memory_space<vmem>>[vector<16xi32>], vector<16xf32>,
      %add3A_471 = arith.addf %gather3A_469, %gather3A_470 : vector<16xf32>
      %mul3A_472 = arith.constant 16 : i32
      %mul3A_473 = arith.muli %add3A_460, %mul3A_472 : i32
      %get3A_474 = arith.index_cast %mul3A_473 : i32 to index
      %get3A_475 = tpu.vector_load %arg11[%get3A_474] {strides = array<i32>} : memref<3840xf32, #tpu.memory_space<vmem>>, vector<16xf32>,
      %add3A_476 = arith.addf %add3A_471, %get3A_475 : vector<16xf32>
      %mul3A_477 = arith.constant 16 : i32
      %mul3A_478 = arith.muli %add3A_460, %mul3A_477 : i32
      %swap3A_479 = arith.index_cast %mul3A_478 : i32 to index
      %swap3A_480 = tpu.vector_load %arg12[%swap3A_479] {strides = array<i32>} : memref<3840xf32, #tpu.memory_space<vmem>>, vector<16xf32>,
      tpu.vector_store %arg12[%swap3A_479], %add3A_476 {strides = array<i32>} : memref<3840xf32, #tpu.memory_space<vmem>>, vector<16xf32>,
      %mul3A_481 = arith.constant 16 : i32
      %mul3A_482 = arith.muli %add3A_460, %mul3A_481 : i32
      %add3A_483 = arith.addi %mul3A_0, %mul3A_482 : i32
      %add3A_484 = vector.broadcast %add3A_483 : i32 to vector<16xi32>
      %add3A_485 = arith.addi %add3A_484, %iota3A : vector<16xi32>
      %bitcast3A_486 = vector.bitcast %add3A_476 : vector<16xf32> to vector<16xi32>
      %lt3A_487 = arith.constant 60000 : i32
      %lt3A_488 = vector.broadcast %lt3A_487 : i32 to vector<16xi32>
      %lt3A_489 = arith.cmpi slt, %add3A_485, %lt3A_488 : vector<16xi32>
      %broadcast_in_dim3A_490 = arith.constant -1 : i32
      %broadcast_in_dim3A_491 = vector.broadcast %broadcast_in_dim3A_490 : i32 to vector<16xi32>
      %select_n3A_492 = arith.select %lt3A_489, %bitcast3A_486, %broadcast_in_dim3A_491 : vector<16xi1>, vector<16xi32>
      %mul3A_493 = arith.constant 16 : i32
      %mul3A_494 = arith.muli %add3A_460, %mul3A_493 : i32
      %swap3A_495 = arith.index_cast %mul3A_494 : i32 to index
      %swap3A_496 = tpu.vector_load %arg13[%swap3A_495] {strides = array<i32>} : memref<3840xi32, #tpu.memory_space<vmem>>, vector<16xi32>,
      tpu.vector_store %arg13[%swap3A_495], %select_n3A_492 {strides = array<i32>} : memref<3840xi32, #tpu.memory_space<vmem>>, vector<16xi32>,
      %mul3A_497 = arith.constant 16 : i32
      %mul3A_498 = arith.muli %add3A_460, %mul3A_497 : i32
      %swap3A_499 = arith.index_cast %mul3A_498 : i32 to index
      %swap3A_500 = tpu.vector_load %arg14[%swap3A_499] {strides = array<i32>} : memref<3840xi32, #tpu.memory_space<vmem>>, vector<16xi32>,
      tpu.vector_store %arg14[%swap3A_499], %add3A_485 {strides = array<i32>} : memref<3840xi32, #tpu.memory_space<vmem>>, vector<16xi32>,
      %iota3A_501 = tpu.iota {dimensions = array<i32: 0>} : vector<16xi32>
      %mul3A_502 = arith.constant 16 : i32
      %mul3A_503 = arith.muli %add3A_460, %mul3A_502 : i32
      %get3A_504 = arith.index_cast %mul3A_503 : i32 to index
      %get3A_505 = tpu.vector_load %arg13[%get3A_504] {strides = array<i32>} : memref<3840xi32, #tpu.memory_space<vmem>>, vector<16xi32>,
      %broadcast_in_dim3A_506 = arith.constant 0 : i32
      %broadcast_in_dim3A_507 = vector.broadcast %broadcast_in_dim3A_506 : i32 to vector<16xi32>
      %shift_right_logical3A_508 = arith.shrui %get3A_505, %broadcast_in_dim3A_507 : vector<16xi32>
      %broadcast_in_dim3A_509 = arith.constant 255 : i32
      %broadcast_in_dim3A_510 = vector.broadcast %broadcast_in_dim3A_509 : i32 to vector<16xi32>
      %and3A_511 = arith.andi %shift_right_logical3A_508, %broadcast_in_dim3A_510 : vector<16xi32>
      %broadcast_in_dim3A_512 = arith.constant 4 : i32
      %broadcast_in_dim3A_513 = vector.broadcast %broadcast_in_dim3A_512 : i32 to vector<16xi32>
      %shift_left3A_514 = arith.shli %and3A_511, %broadcast_in_dim3A_513 : vector<16xi32>
      %or3A_515 = arith.ori %shift_left3A_514, %iota3A_501 : vector<16xi32>
      %masked_sort3A_516 = arith.constant dense<true> : vector<16xi1>
      %masked_sort3A_517 = arith.constant -2147483648 : i32
      %masked_sort3A_518 = vector.broadcast %masked_sort3A_517 : i32 to vector<16xi32>
      %masked_sort3A_519 = arith.xori %or3A_515, %masked_sort3A_518 : vector<16xi32>
      %masked_sort3A_520, %masked_sort3A_521, %masked_sort3A_522 = tpu.sort %masked_sort3A_519, %iota3A_501 masked %masked_sort3A_516 : (vector<16xi32>, vector<16xi32>, vector<16xi1>) -> (vector<16xi1>, vector<16xi32>, vector<16xi32>)
      %masked_sort3A_523 = arith.xori %masked_sort3A_521, %masked_sort3A_518 : vector<16xi32>
      %broadcast_in_dim3A_524 = arith.constant 4 : i32
      %broadcast_in_dim3A_525 = vector.broadcast %broadcast_in_dim3A_524 : i32 to vector<16xi32>
      %shift_right_logical3A_526 = arith.shrui %masked_sort3A_523, %broadcast_in_dim3A_525 : vector<16xi32>
      %broadcast_in_dim3A_527 = arith.constant 15 : i32
      %broadcast_in_dim3A_528 = vector.broadcast %broadcast_in_dim3A_527 : i32 to vector<16xi32>
      %and3A_529 = arith.andi %masked_sort3A_523, %broadcast_in_dim3A_528 : vector<16xi32>
      %swap3A_530 = arith.constant 0 : index
      %swap3A_531 = tpu.vector_load %arg20[%swap3A_530] {strides = array<i32>} : memref<16xi32, #tpu.memory_space<vmem>>, vector<16xi32>,
      tpu.vector_store %arg20[%swap3A_530], %shift_right_logical3A_526 {strides = array<i32>} : memref<16xi32, #tpu.memory_space<vmem>>, vector<16xi32>,
      %sub3A_532 = arith.constant 1 : i32
      %sub3A_533 = vector.broadcast %sub3A_532 : i32 to vector<16xi32>
      %sub3A_534 = arith.subi %iota3A_501, %sub3A_533 : vector<16xi32>
      %max3A_535 = arith.constant 0 : i32
      %max3A_536 = vector.broadcast %max3A_535 : i32 to vector<16xi32>
      %max3A_537 = arith.maxsi %sub3A_534, %max3A_536 : vector<16xi32>
      %gather3A_538 = tpu.vector_load_idx %arg20[%max3A_537] : memref<16xi32, #tpu.memory_space<vmem>>[vector<16xi32>], vector<16xi32>,
      %add3A_539 = arith.constant 1 : i32
      %add3A_540 = vector.broadcast %add3A_539 : i32 to vector<16xi32>
      %add3A_541 = arith.addi %iota3A_501, %add3A_540 : vector<16xi32>
      %min3A_542 = arith.constant 15 : i32
      %min3A_543 = vector.broadcast %min3A_542 : i32 to vector<16xi32>
      %min3A_544 = arith.minsi %add3A_541, %min3A_543 : vector<16xi32>
      %gather3A_545 = tpu.vector_load_idx %arg20[%min3A_544] : memref<16xi32, #tpu.memory_space<vmem>>[vector<16xi32>], vector<16xi32>,
      %ne3A_546 = arith.cmpi ne, %shift_right_logical3A_526, %gather3A_538 : vector<16xi32>
      %jit3A_547 = arith.constant 0 : i32
      %broadcast_in_dim3A_548 = vector.broadcast %jit3A_547 : i32 to vector<16xi32>
      %select_n3A_549 = arith.select %ne3A_546, %iota3A_501, %broadcast_in_dim3A_548 : vector<16xi1>, vector<16xi32>
      %broadcast_in_dim3A_550 = arith.constant true
      %broadcast_in_dim3A_551 = vector.broadcast %broadcast_in_dim3A_550 : i1 to vector<16xi1>
      %masked_cummax3A_552 = arith.constant -2147483648 : i32
      %masked_cummax3A_553 = vector.broadcast %masked_cummax3A_552 : i32 to vector<16xi32>
      %masked_cummax3A_554 = arith.xori %select_n3A_549, %masked_cummax3A_553 : vector<16xi32>
      %masked_cummax3A_555 = tpu.scan <max>, %masked_cummax3A_554 masked %broadcast_in_dim3A_551 : vector<16xi32>, vector<16xi1> -> vector<16xi32>
      %masked_cummax3A_556 = arith.xori %masked_cummax3A_555, %masked_cummax3A_553 : vector<16xi32>
      %sub3A_557 = arith.subi %iota3A_501, %masked_cummax3A_556 : vector<16xi32>
      %ne3A_558 = arith.cmpi ne, %shift_right_logical3A_526, %gather3A_545 : vector<16xi32>
      %eq3A_559 = arith.constant 15 : i32
      %eq3A_560 = vector.broadcast %eq3A_559 : i32 to vector<16xi32>
      %eq3A_561 = arith.cmpi eq, %iota3A_501, %eq3A_560 : vector<16xi32>
      %or3A_562 = arith.ori %ne3A_558, %eq3A_561 : vector<16xi1>
      %broadcast_in_dim3A_563 = arith.constant 8 : i32
      %broadcast_in_dim3A_564 = vector.broadcast %broadcast_in_dim3A_563 : i32 to vector<16xi32>
      %broadcast_in_dim3A_565 = arith.constant 4 : i32
      %broadcast_in_dim3A_566 = vector.broadcast %broadcast_in_dim3A_565 : i32 to vector<16xi32>
      %broadcast_in_dim3A_567 = arith.constant 16 : i32
      %broadcast_in_dim3A_568 = vector.broadcast %broadcast_in_dim3A_567 : i32 to vector<16xi32>
      %shift_left3A_569 = arith.shli %shift_right_logical3A_526, %broadcast_in_dim3A_564 : vector<16xi32>
      %shift_left3A_570 = arith.shli %and3A_529, %broadcast_in_dim3A_566 : vector<16xi32>
      %or3A_571 = arith.ori %shift_left3A_569, %shift_left3A_570 : vector<16xi32>
      %or3A_572 = arith.ori %or3A_571, %sub3A_557 : vector<16xi32>
      %jit3A_573 = arith.constant 1 : i32
      %jit3A_574 = arith.constant 0 : i32
      %broadcast_in_dim3A_575 = vector.broadcast %jit3A_573 : i32 to vector<16xi32>
      %broadcast_in_dim3A_576 = vector.broadcast %jit3A_574 : i32 to vector<16xi32>
      %select_n3A_577 = arith.select %or3A_562, %broadcast_in_dim3A_575, %broadcast_in_dim3A_576 : vector<16xi1>, vector<16xi32>
      %shift_left3A_578 = arith.shli %select_n3A_577, %broadcast_in_dim3A_568 : vector<16xi32>
      %or3A_579 = arith.ori %or3A_572, %shift_left3A_578 : vector<16xi32>
      %mul3A_580 = arith.constant 16 : i32
      %mul3A_581 = arith.muli %add3A_460, %mul3A_580 : i32
      %swap3A_582 = arith.index_cast %mul3A_581 : i32 to index
      %swap3A_583 = tpu.vector_load %arg15[%swap3A_582] {strides = array<i32>} : memref<3840xi32, #tpu.memory_space<vmem>>, vector<16xi32>,
      tpu.vector_store %arg15[%swap3A_582], %or3A_579 {strides = array<i32>} : memref<3840xi32, #tpu.memory_space<vmem>>, vector<16xi32>,
      %add3A_584 = arith.constant 1 : i32
      %add3A_585 = vector.broadcast %add3A_584 : i32 to vector<16xi32>
      %add3A_586 = arith.addi %sub3A_557, %add3A_585 : vector<16xi32>
      tpu.vector_store_idx %arg17[%shift_right_logical3A_526], %add3A_586 masked %or3A_562 {add = true} : memref<256xi32, #tpu.memory_space<vmem>>[vector<16xi32>], vector<16xi32>, vector<16xi1>
      %scan3A_587 = arith.constant 0 : i32
      scf.yield %scan3A_587 : i32
    }
    %scan3A_68 = arith.constant 120 : i32
    "tpu.region"() ({
      %run_scoped3A = tpu.sem_alloc : memref<!tpu.dma_semaphore, #tpu.memory_space<semaphore_mem>>
      %dma_start3A = tpu.memref_slice %arg6[%mul3A_0] : memref<61440xf32, #tpu.memory_space<hbm>> -> memref<3840xf32, #tpu.memory_space<hbm>>
      %dma_start3A_345 = tpu.memref_slice %arg6[%mul3A_0] : memref<61440xf32, #tpu.memory_space<hbm>> -> memref<3840xf32, #tpu.memory_space<hbm>>
      tpu.enqueue_dma source(%arg12 : memref<3840xf32, #tpu.memory_space<vmem>>) target(%dma_start3A_345 : memref<3840xf32, #tpu.memory_space<hbm>>) target_semaphore(%run_scoped3A : memref<!tpu.dma_semaphore, #tpu.memory_space<semaphore_mem>>)
      %dma_wait3A = tpu.memref_slice %arg6[%mul3A_0] : memref<61440xf32, #tpu.memory_space<hbm>> -> memref<3840xf32, #tpu.memory_space<hbm>>
      %dma_wait3A_346 = tpu.memref_slice %arg6[%mul3A_0] : memref<61440xf32, #tpu.memory_space<hbm>> -> memref<3840xf32, #tpu.memory_space<hbm>>
      tpu.wait_dma2 semaphore(%run_scoped3A : memref<!tpu.dma_semaphore, #tpu.memory_space<semaphore_mem>>) src(%arg12 : memref<3840xf32, #tpu.memory_space<vmem>>) dst(%dma_wait3A_346 : memref<3840xf32, #tpu.memory_space<hbm>>)
      tpu.yield
    }) : () -> ()
    "tpu.region"() ({
      %run_scoped3A = tpu.sem_alloc : memref<!tpu.dma_semaphore, #tpu.memory_space<semaphore_mem>>
      %dma_start3A = arith.constant 0 : i32
      %dma_start3A_345 = tpu.memref_slice %arg26[%arg1, %dma_start3A] : memref<16x256xi32, #tpu.memory_space<vmem_shared>> -> memref<1x256xi32, #tpu.memory_space<vmem_shared>>
      %dma_start3A_346 = tpu.memref_squeeze %dma_start3A_345 : memref<1x256xi32, #tpu.memory_space<vmem_shared>> -> memref<256xi32, #tpu.memory_space<vmem_shared>>
      %dma_start3A_347 = arith.constant 0 : i32
      %dma_start3A_348 = tpu.memref_slice %arg26[%arg1, %dma_start3A_347] : memref<16x256xi32, #tpu.memory_space<vmem_shared>> -> memref<1x256xi32, #tpu.memory_space<vmem_shared>>
      %dma_start3A_349 = tpu.memref_squeeze %dma_start3A_348 : memref<1x256xi32, #tpu.memory_space<vmem_shared>> -> memref<256xi32, #tpu.memory_space<vmem_shared>>
      tpu.enqueue_dma source(%arg17 : memref<256xi32, #tpu.memory_space<vmem>>) target(%dma_start3A_349 : memref<256xi32, #tpu.memory_space<vmem_shared>>) target_semaphore(%run_scoped3A : memref<!tpu.dma_semaphore, #tpu.memory_space<semaphore_mem>>)
      %dma_wait3A = arith.constant 0 : i32
      %dma_wait3A_350 = tpu.memref_slice %arg26[%arg1, %dma_wait3A] : memref<16x256xi32, #tpu.memory_space<vmem_shared>> -> memref<1x256xi32, #tpu.memory_space<vmem_shared>>
      %dma_wait3A_351 = tpu.memref_squeeze %dma_wait3A_350 : memref<1x256xi32, #tpu.memory_space<vmem_shared>> -> memref<256xi32, #tpu.memory_space<vmem_shared>>
      %dma_wait3A_352 = arith.constant 0 : i32
      %dma_wait3A_353 = tpu.memref_slice %arg26[%arg1, %dma_wait3A_352] : memref<16x256xi32, #tpu.memory_space<vmem_shared>> -> memref<1x256xi32, #tpu.memory_space<vmem_shared>>
      %dma_wait3A_354 = tpu.memref_squeeze %dma_wait3A_353 : memref<1x256xi32, #tpu.memory_space<vmem_shared>> -> memref<256xi32, #tpu.memory_space<vmem_shared>>
      tpu.wait_dma2 semaphore(%run_scoped3A : memref<!tpu.dma_semaphore, #tpu.memory_space<semaphore_mem>>) src(%arg17 : memref<256xi32, #tpu.memory_space<vmem>>) dst(%dma_wait3A_354 : memref<256xi32, #tpu.memory_space<vmem_shared>>)
      tpu.yield
    }) : () -> ()
    %barrier3A = arith.constant 0 : index
    tpu.barrier barrier_id(%barrier3A)
    "tpu.region"() ({
      %run_scoped3A = tpu.sem_alloc : memref<!tpu.dma_semaphore, #tpu.memory_space<semaphore_mem>>
      tpu.enqueue_dma source(%arg26 : memref<16x256xi32, #tpu.memory_space<vmem_shared>>) target(%arg19 : memref<16x256xi32, #tpu.memory_space<vmem>>) target_semaphore(%run_scoped3A : memref<!tpu.dma_semaphore, #tpu.memory_space<semaphore_mem>>)
      tpu.wait_dma2 semaphore(%run_scoped3A : memref<!tpu.dma_semaphore, #tpu.memory_space<semaphore_mem>>) src(%arg26 : memref<16x256xi32, #tpu.memory_space<vmem_shared>>) dst(%arg19 : memref<16x256xi32, #tpu.memory_space<vmem>>)
      tpu.yield
    }) : () -> ()
    %scan3A_69 = arith.constant 0 : i32
    %scan3A_70 = arith.constant 0 : i32
    %scan3A_71 = arith.constant 16 : i32
    %scan3A_72 = arith.addi %scan3A_70, %scan3A_71 : i32
    %scan3A_73 = arith.constant 1 : i32
    %scan3A_74 = scf.for %scan3A_345 = %scan3A_70 to %scan3A_72 step %scan3A_73 iter_args(%scan3A_346 = %scan3A_69) -> (i32)  : i32 {
      %broadcast_in_dim3A_347 = arith.constant 0 : i32
      %broadcast_in_dim3A_348 = vector.broadcast %broadcast_in_dim3A_347 : i32 to vector<16xi32>
      %broadcast_in_dim3A_349 = arith.constant 0 : i32
      %broadcast_in_dim3A_350 = vector.broadcast %broadcast_in_dim3A_349 : i32 to vector<16xi32>
      %scan3A_351 = arith.constant 0 : i32
      %scan3A_352 = arith.constant 16 : i32
      %scan3A_353 = arith.addi %scan3A_351, %scan3A_352 : i32
      %scan3A_354 = arith.constant 1 : i32
      %scan3A_355:2 = scf.for %scan3A_369 = %scan3A_351 to %scan3A_353 step %scan3A_354 iter_args(%scan3A_370 = %broadcast_in_dim3A_348, %scan3A_371 = %broadcast_in_dim3A_350) -> (vector<16xi32>, vector<16xi32>)  : i32 {
        %mul3A_372 = arith.constant 16 : i32
        %mul3A_373 = arith.muli %scan3A_345, %mul3A_372 : i32
        %get3A = arith.index_cast %scan3A_369 : i32 to index
        %get3A_374 = arith.index_cast %mul3A_373 : i32 to index
        %get3A_375 = tpu.vector_load %arg19[%get3A, %get3A_374] {strides = array<i32>} : memref<16x256xi32, #tpu.memory_space<vmem>>, vector<16xi32>,
        %lt3A = arith.cmpi slt, %scan3A_369, %arg1 : i32
        %jit3A = arith.constant 1 : i32
        %jit3A_376 = arith.constant 0 : i32
        %select_n3A = arith.select %lt3A, %jit3A, %jit3A_376 : i32
        %add3A_377 = arith.addi %scan3A_370, %get3A_375 : vector<16xi32>
        %mul3A_378 = vector.broadcast %select_n3A : i32 to vector<16xi32>
        %mul3A_379 = arith.muli %get3A_375, %mul3A_378 : vector<16xi32>
        %add3A_380 = arith.addi %scan3A_371, %mul3A_379 : vector<16xi32>
        scf.yield %add3A_377, %add3A_380 : vector<16xi32>, vector<16xi32>
      }
      %scan3A_356 = arith.constant 16 : i32
      %broadcast_in_dim3A_357 = arith.constant true
      %broadcast_in_dim3A_358 = vector.broadcast %broadcast_in_dim3A_357 : i1 to vector<16xi1>
      %masked_cumsum3A = tpu.scan <sum>, %scan3A_355#0 masked %broadcast_in_dim3A_358 : vector<16xi32>, vector<16xi1> -> vector<16xi32>
      %sub3A = arith.subi %masked_cumsum3A, %scan3A_355#0 : vector<16xi32>
      %add3A = arith.addi %sub3A, %scan3A_355#1 : vector<16xi32>
      %add3A_359 = vector.broadcast %scan3A_346 : i32 to vector<16xi32>
      %add3A_360 = arith.addi %add3A, %add3A_359 : vector<16xi32>
      %mul3A_361 = arith.constant 16 : i32
      %mul3A_362 = arith.muli %scan3A_345, %mul3A_361 : i32
      %swap3A_363 = arith.index_cast %mul3A_362 : i32 to index
      %swap3A_364 = tpu.vector_load %arg18[%swap3A_363] {strides = array<i32>} : memref<256xi32, #tpu.memory_space<vmem>>, vector<16xi32>,
      tpu.vector_store %arg18[%swap3A_363], %add3A_360 {strides = array<i32>} : memref<256xi32, #tpu.memory_space<vmem>>, vector<16xi32>,
      %reduce_sum3A = arith.constant true
      %reduce_sum3A_365 = vector.broadcast %reduce_sum3A : i1 to vector<16xi1>
      %reduce_sum3A_366 = tpu.scan <sum>, %scan3A_355#0 masked %reduce_sum3A_365 : vector<16xi32>, vector<16xi1> -> vector<16xi32>
      %reduce_sum3A_367 = vector.extract %reduce_sum3A_366[15] : i32 from vector<16xi32>
      %add3A_368 = arith.addi %scan3A_346, %reduce_sum3A_367 : i32
      scf.yield %add3A_368 : i32
    }
    %scan3A_75 = arith.constant 16 : i32
    %scan3A_76 = arith.constant 0 : i32
    %scan3A_77 = arith.constant 0 : i32
    %scan3A_78 = arith.constant 120 : i32
    %scan3A_79 = arith.addi %scan3A_77, %scan3A_78 : i32
    %scan3A_80 = arith.constant 1 : i32
    %scan3A_81 = scf.for %scan3A_345 = %scan3A_77 to %scan3A_79 step %scan3A_80 iter_args(%scan3A_346 = %scan3A_76) -> (i32)  : i32 {
      %mul3A_347 = arith.constant 2 : i32
      %mul3A_348 = arith.muli %mul3A_347, %scan3A_345 : i32
      %broadcast_in_dim3A_349 = arith.constant 4 : i32
      %broadcast_in_dim3A_350 = vector.broadcast %broadcast_in_dim3A_349 : i32 to vector<16xi32>
      %broadcast_in_dim3A_351 = arith.constant 8 : i32
      %broadcast_in_dim3A_352 = vector.broadcast %broadcast_in_dim3A_351 : i32 to vector<16xi32>
      %broadcast_in_dim3A_353 = arith.constant 16 : i32
      %broadcast_in_dim3A_354 = vector.broadcast %broadcast_in_dim3A_353 : i32 to vector<16xi32>
      %broadcast_in_dim3A_355 = arith.constant 15 : i32
      %broadcast_in_dim3A_356 = vector.broadcast %broadcast_in_dim3A_355 : i32 to vector<16xi32>
      %mul3A_357 = arith.constant 16 : i32
      %mul3A_358 = arith.muli %mul3A_348, %mul3A_357 : i32
      %get3A = arith.index_cast %mul3A_358 : i32 to index
      %get3A_359 = tpu.vector_load %arg15[%get3A] {strides = array<i32>} : memref<3840xi32, #tpu.memory_space<vmem>>, vector<16xi32>,
      %and3A = arith.andi %get3A_359, %broadcast_in_dim3A_356 : vector<16xi32>
      %shift_right_logical3A = arith.shrui %get3A_359, %broadcast_in_dim3A_350 : vector<16xi32>
      %and3A_360 = arith.andi %shift_right_logical3A, %broadcast_in_dim3A_356 : vector<16xi32>
      %shift_right_logical3A_361 = arith.shrui %get3A_359, %broadcast_in_dim3A_352 : vector<16xi32>
      %broadcast_in_dim3A_362 = arith.constant 255 : i32
      %broadcast_in_dim3A_363 = vector.broadcast %broadcast_in_dim3A_362 : i32 to vector<16xi32>
      %and3A_364 = arith.andi %shift_right_logical3A_361, %broadcast_in_dim3A_363 : vector<16xi32>
      %shift_right_logical3A_365 = arith.shrui %get3A_359, %broadcast_in_dim3A_354 : vector<16xi32>
      %broadcast_in_dim3A_366 = arith.constant 1 : i32
      %broadcast_in_dim3A_367 = vector.broadcast %broadcast_in_dim3A_366 : i32 to vector<16xi32>
      %and3A_368 = arith.andi %shift_right_logical3A_365, %broadcast_in_dim3A_367 : vector<16xi32>
      %ne3A = arith.constant 0 : i32
      %ne3A_369 = vector.broadcast %ne3A : i32 to vector<16xi32>
      %ne3A_370 = arith.cmpi ne, %and3A_368, %ne3A_369 : vector<16xi32>
      %gather3A = tpu.vector_load_idx %arg18[%and3A_364] : memref<256xi32, #tpu.memory_space<vmem>>[vector<16xi32>], vector<16xi32>,
      %add3A = arith.addi %gather3A, %and3A : vector<16xi32>
      tpu.vector_store_idx %arg21[%and3A_360], %add3A : memref<16xi32, #tpu.memory_space<vmem>>[vector<16xi32>], vector<16xi32>,
      %get3A_371 = arith.constant 0 : index
      %get3A_372 = tpu.vector_load %arg21[%get3A_371] {strides = array<i32>} : memref<16xi32, #tpu.memory_space<vmem>>, vector<16xi32>,
      %mul3A_373 = arith.constant 16 : i32
      %mul3A_374 = arith.muli %mul3A_348, %mul3A_373 : i32
      %swap3A_375 = arith.index_cast %mul3A_374 : i32 to index
      %swap3A_376 = tpu.vector_load %arg16[%swap3A_375] {strides = array<i32>} : memref<3840xi32, #tpu.memory_space<vmem>>, vector<16xi32>,
      tpu.vector_store %arg16[%swap3A_375], %get3A_372 {strides = array<i32>} : memref<3840xi32, #tpu.memory_space<vmem>>, vector<16xi32>,
      %add3A_377 = arith.constant 1 : i32
      %add3A_378 = vector.broadcast %add3A_377 : i32 to vector<16xi32>
      %add3A_379 = arith.addi %and3A, %add3A_378 : vector<16xi32>
      tpu.vector_store_idx %arg18[%and3A_364], %add3A_379 masked %ne3A_370 {add = true} : memref<256xi32, #tpu.memory_space<vmem>>[vector<16xi32>], vector<16xi32>, vector<16xi1>
      %mul3A_380 = arith.constant 2 : i32
      %mul3A_381 = arith.muli %mul3A_380, %scan3A_345 : i32
      %add3A_382 = arith.constant 1 : i32
      %add3A_383 = arith.addi %mul3A_381, %add3A_382 : i32
      %broadcast_in_dim3A_384 = arith.constant 4 : i32
      %broadcast_in_dim3A_385 = vector.broadcast %broadcast_in_dim3A_384 : i32 to vector<16xi32>
      %broadcast_in_dim3A_386 = arith.constant 8 : i32
      %broadcast_in_dim3A_387 = vector.broadcast %broadcast_in_dim3A_386 : i32 to vector<16xi32>
      %broadcast_in_dim3A_388 = arith.constant 16 : i32
      %broadcast_in_dim3A_389 = vector.broadcast %broadcast_in_dim3A_388 : i32 to vector<16xi32>
      %broadcast_in_dim3A_390 = arith.constant 15 : i32
      %broadcast_in_dim3A_391 = vector.broadcast %broadcast_in_dim3A_390 : i32 to vector<16xi32>
      %mul3A_392 = arith.constant 16 : i32
      %mul3A_393 = arith.muli %add3A_383, %mul3A_392 : i32
      %get3A_394 = arith.index_cast %mul3A_393 : i32 to index
      %get3A_395 = tpu.vector_load %arg15[%get3A_394] {strides = array<i32>} : memref<3840xi32, #tpu.memory_space<vmem>>, vector<16xi32>,
      %and3A_396 = arith.andi %get3A_395, %broadcast_in_dim3A_391 : vector<16xi32>
      %shift_right_logical3A_397 = arith.shrui %get3A_395, %broadcast_in_dim3A_385 : vector<16xi32>
      %and3A_398 = arith.andi %shift_right_logical3A_397, %broadcast_in_dim3A_391 : vector<16xi32>
      %shift_right_logical3A_399 = arith.shrui %get3A_395, %broadcast_in_dim3A_387 : vector<16xi32>
      %broadcast_in_dim3A_400 = arith.constant 255 : i32
      %broadcast_in_dim3A_401 = vector.broadcast %broadcast_in_dim3A_400 : i32 to vector<16xi32>
      %and3A_402 = arith.andi %shift_right_logical3A_399, %broadcast_in_dim3A_401 : vector<16xi32>
      %shift_right_logical3A_403 = arith.shrui %get3A_395, %broadcast_in_dim3A_389 : vector<16xi32>
      %broadcast_in_dim3A_404 = arith.constant 1 : i32
      %broadcast_in_dim3A_405 = vector.broadcast %broadcast_in_dim3A_404 : i32 to vector<16xi32>
      %and3A_406 = arith.andi %shift_right_logical3A_403, %broadcast_in_dim3A_405 : vector<16xi32>
      %ne3A_407 = arith.constant 0 : i32
      %ne3A_408 = vector.broadcast %ne3A_407 : i32 to vector<16xi32>
      %ne3A_409 = arith.cmpi ne, %and3A_406, %ne3A_408 : vector<16xi32>
      %gather3A_410 = tpu.vector_load_idx %arg18[%and3A_402] : memref<256xi32, #tpu.memory_space<vmem>>[vector<16xi32>], vector<16xi32>,
      %add3A_411 = arith.addi %gather3A_410, %and3A_396 : vector<16xi32>
      tpu.vector_store_idx %arg21[%and3A_398], %add3A_411 : memref<16xi32, #tpu.memory_space<vmem>>[vector<16xi32>], vector<16xi32>,
      %get3A_412 = arith.constant 0 : index
      %get3A_413 = tpu.vector_load %arg21[%get3A_412] {strides = array<i32>} : memref<16xi32, #tpu.memory_space<vmem>>, vector<16xi32>,
      %mul3A_414 = arith.constant 16 : i32
      %mul3A_415 = arith.muli %add3A_383, %mul3A_414 : i32
      %swap3A_416 = arith.index_cast %mul3A_415 : i32 to index
      %swap3A_417 = tpu.vector_load %arg16[%swap3A_416] {strides = array<i32>} : memref<3840xi32, #tpu.memory_space<vmem>>, vector<16xi32>,
      tpu.vector_store %arg16[%swap3A_416], %get3A_413 {strides = array<i32>} : memref<3840xi32, #tpu.memory_space<vmem>>, vector<16xi32>,
      %add3A_418 = arith.constant 1 : i32
      %add3A_419 = vector.broadcast %add3A_418 : i32 to vector<16xi32>
      %add3A_420 = arith.addi %and3A_396, %add3A_419 : vector<16xi32>
      tpu.vector_store_idx %arg18[%and3A_402], %add3A_420 masked %ne3A_409 {add = true} : memref<256xi32, #tpu.memory_space<vmem>>[vector<16xi32>], vector<16xi32>, vector<16xi1>
      %scan3A_421 = arith.constant 0 : i32
      scf.yield %scan3A_421 : i32
    }
    %scan3A_82 = arith.constant 120 : i32
    "tpu.region"() ({
      %run_scoped3A = tpu.sem_alloc : memref<!tpu.dma_semaphore, #tpu.memory_space<semaphore_mem>>
      %dma_start3A = arith.constant 0 : i32
      %dma_start3A_345 = tpu.memref_slice %arg24[%dma_start3A] : memref<61440xi32, #tpu.memory_space<vmem_shared>> -> memref<61440xi32, #tpu.memory_space<vmem_shared>>
      tpu.enqueue_indirect_dma source(%arg13 : memref<3840xi32, #tpu.memory_space<vmem>>) target(%dma_start3A_345 : memref<61440xi32, #tpu.memory_space<vmem_shared>>) offsets(%arg16 : memref<3840xi32, #tpu.memory_space<vmem>>) semaphore(%run_scoped3A : memref<!tpu.dma_semaphore, #tpu.memory_space<semaphore_mem>>)
      %dma_wait3A = arith.constant 0 : i32
      %dma_wait3A_346 = tpu.memref_slice %arg24[%dma_wait3A] : memref<61440xi32, #tpu.memory_space<vmem_shared>> -> memref<61440xi32, #tpu.memory_space<vmem_shared>>
      tpu.wait_indirect_dma semaphore(%run_scoped3A : memref<!tpu.dma_semaphore, #tpu.memory_space<semaphore_mem>>) src(%arg13 : memref<3840xi32, #tpu.memory_space<vmem>>) dst(%dma_wait3A_346 : memref<61440xi32, #tpu.memory_space<vmem_shared>>)
      tpu.yield
    }) : () -> ()
    "tpu.region"() ({
      %run_scoped3A = tpu.sem_alloc : memref<!tpu.dma_semaphore, #tpu.memory_space<semaphore_mem>>
      %dma_start3A = arith.constant 0 : i32
      %dma_start3A_345 = tpu.memref_slice %arg25[%dma_start3A] : memref<61440xi32, #tpu.memory_space<vmem_shared>> -> memref<61440xi32, #tpu.memory_space<vmem_shared>>
      tpu.enqueue_indirect_dma source(%arg14 : memref<3840xi32, #tpu.memory_space<vmem>>) target(%dma_start3A_345 : memref<61440xi32, #tpu.memory_space<vmem_shared>>) offsets(%arg16 : memref<3840xi32, #tpu.memory_space<vmem>>) semaphore(%run_scoped3A : memref<!tpu.dma_semaphore, #tpu.memory_space<semaphore_mem>>)
      %dma_wait3A = arith.constant 0 : i32
      %dma_wait3A_346 = tpu.memref_slice %arg25[%dma_wait3A] : memref<61440xi32, #tpu.memory_space<vmem_shared>> -> memref<61440xi32, #tpu.memory_space<vmem_shared>>
      tpu.wait_indirect_dma semaphore(%run_scoped3A : memref<!tpu.dma_semaphore, #tpu.memory_space<semaphore_mem>>) src(%arg14 : memref<3840xi32, #tpu.memory_space<vmem>>) dst(%dma_wait3A_346 : memref<61440xi32, #tpu.memory_space<vmem_shared>>)
      tpu.yield
    }) : () -> ()
    %barrier3A_83 = arith.constant 0 : index
    tpu.barrier barrier_id(%barrier3A_83)
    "tpu.region"() ({
      %run_scoped3A = tpu.sem_alloc : memref<!tpu.dma_semaphore, #tpu.memory_space<semaphore_mem>>
      %dma_start3A = tpu.memref_slice %arg24[%mul3A_0] : memref<61440xi32, #tpu.memory_space<vmem_shared>> -> memref<3840xi32, #tpu.memory_space<vmem_shared>>
      %dma_start3A_345 = tpu.memref_slice %arg24[%mul3A_0] : memref<61440xi32, #tpu.memory_space<vmem_shared>> -> memref<3840xi32, #tpu.memory_space<vmem_shared>>
      tpu.enqueue_dma source(%dma_start3A_345 : memref<3840xi32, #tpu.memory_space<vmem_shared>>) target(%arg13 : memref<3840xi32, #tpu.memory_space<vmem>>) target_semaphore(%run_scoped3A : memref<!tpu.dma_semaphore, #tpu.memory_space<semaphore_mem>>)
      %dma_wait3A = tpu.memref_slice %arg24[%mul3A_0] : memref<61440xi32, #tpu.memory_space<vmem_shared>> -> memref<3840xi32, #tpu.memory_space<vmem_shared>>
      %dma_wait3A_346 = tpu.memref_slice %arg24[%mul3A_0] : memref<61440xi32, #tpu.memory_space<vmem_shared>> -> memref<3840xi32, #tpu.memory_space<vmem_shared>>
      tpu.wait_dma2 semaphore(%run_scoped3A : memref<!tpu.dma_semaphore, #tpu.memory_space<semaphore_mem>>) src(%dma_wait3A_346 : memref<3840xi32, #tpu.memory_space<vmem_shared>>) dst(%arg13 : memref<3840xi32, #tpu.memory_space<vmem>>)
      tpu.yield
    }) : () -> ()
    "tpu.region"() ({
      %run_scoped3A = tpu.sem_alloc : memref<!tpu.dma_semaphore, #tpu.memory_space<semaphore_mem>>
      %dma_start3A = tpu.memref_slice %arg25[%mul3A_0] : memref<61440xi32, #tpu.memory_space<vmem_shared>> -> memref<3840xi32, #tpu.memory_space<vmem_shared>>
      %dma_start3A_345 = tpu.memref_slice %arg25[%mul3A_0] : memref<61440xi32, #tpu.memory_space<vmem_shared>> -> memref<3840xi32, #tpu.memory_space<vmem_shared>>
      tpu.enqueue_dma source(%dma_start3A_345 : memref<3840xi32, #tpu.memory_space<vmem_shared>>) target(%arg14 : memref<3840xi32, #tpu.memory_space<vmem>>) target_semaphore(%run_scoped3A : memref<!tpu.dma_semaphore, #tpu.memory_space<semaphore_mem>>)
      %dma_wait3A = tpu.memref_slice %arg25[%mul3A_0] : memref<61440xi32, #tpu.memory_space<vmem_shared>> -> memref<3840xi32, #tpu.memory_space<vmem_shared>>
      %dma_wait3A_346 = tpu.memref_slice %arg25[%mul3A_0] : memref<61440xi32, #tpu.memory_space<vmem_shared>> -> memref<3840xi32, #tpu.memory_space<vmem_shared>>
      tpu.wait_dma2 semaphore(%run_scoped3A : memref<!tpu.dma_semaphore, #tpu.memory_space<semaphore_mem>>) src(%dma_wait3A_346 : memref<3840xi32, #tpu.memory_space<vmem_shared>>) dst(%arg14 : memref<3840xi32, #tpu.memory_space<vmem>>)
      tpu.yield
    }) : () -> ()
    %broadcast_in_dim3A_84 = arith.constant 0 : i32
    %broadcast_in_dim3A_85 = vector.broadcast %broadcast_in_dim3A_84 : i32 to vector<16xi32>
    %swap3A_86 = arith.constant 0 : index
    %swap3A_87 = tpu.vector_load %arg17[%swap3A_86] {strides = array<i32>} : memref<256xi32, #tpu.memory_space<vmem>>, vector<16xi32>,
    tpu.vector_store %arg17[%swap3A_86], %broadcast_in_dim3A_85 {strides = array<i32>} : memref<256xi32, #tpu.memory_space<vmem>>, vector<16xi32>,
    %broadcast_in_dim3A_88 = arith.constant 0 : i32
    %broadcast_in_dim3A_89 = vector.broadcast %broadcast_in_dim3A_88 : i32 to vector<16xi32>
    %swap3A_90 = arith.constant 16 : index
    %swap3A_91 = tpu.vector_load %arg17[%swap3A_90] {strides = array<i32>} : memref<256xi32, #tpu.memory_space<vmem>>, vector<16xi32>,
    tpu.vector_store %arg17[%swap3A_90], %broadcast_in_dim3A_89 {strides = array<i32>} : memref<256xi32, #tpu.memory_space<vmem>>, vector<16xi32>,
    %broadcast_in_dim3A_92 = arith.constant 0 : i32
    %broadcast_in_dim3A_93 = vector.broadcast %broadcast_in_dim3A_92 : i32 to vector<16xi32>
    %swap3A_94 = arith.constant 32 : index
    %swap3A_95 = tpu.vector_load %arg17[%swap3A_94] {strides = array<i32>} : memref<256xi32, #tpu.memory_space<vmem>>, vector<16xi32>,
    tpu.vector_store %arg17[%swap3A_94], %broadcast_in_dim3A_93 {strides = array<i32>} : memref<256xi32, #tpu.memory_space<vmem>>, vector<16xi32>,
    %broadcast_in_dim3A_96 = arith.constant 0 : i32
    %broadcast_in_dim3A_97 = vector.broadcast %broadcast_in_dim3A_96 : i32 to vector<16xi32>
    %swap3A_98 = arith.constant 48 : index
    %swap3A_99 = tpu.vector_load %arg17[%swap3A_98] {strides = array<i32>} : memref<256xi32, #tpu.memory_space<vmem>>, vector<16xi32>,
    tpu.vector_store %arg17[%swap3A_98], %broadcast_in_dim3A_97 {strides = array<i32>} : memref<256xi32, #tpu.memory_space<vmem>>, vector<16xi32>,
    %broadcast_in_dim3A_100 = arith.constant 0 : i32
    %broadcast_in_dim3A_101 = vector.broadcast %broadcast_in_dim3A_100 : i32 to vector<16xi32>
    %swap3A_102 = arith.constant 64 : index
    %swap3A_103 = tpu.vector_load %arg17[%swap3A_102] {strides = array<i32>} : memref<256xi32, #tpu.memory_space<vmem>>, vector<16xi32>,
    tpu.vector_store %arg17[%swap3A_102], %broadcast_in_dim3A_101 {strides = array<i32>} : memref<256xi32, #tpu.memory_space<vmem>>, vector<16xi32>,
    %broadcast_in_dim3A_104 = arith.constant 0 : i32
    %broadcast_in_dim3A_105 = vector.broadcast %broadcast_in_dim3A_104 : i32 to vector<16xi32>
    %swap3A_106 = arith.constant 80 : index
    %swap3A_107 = tpu.vector_load %arg17[%swap3A_106] {strides = array<i32>} : memref<256xi32, #tpu.memory_space<vmem>>, vector<16xi32>,
    tpu.vector_store %arg17[%swap3A_106], %broadcast_in_dim3A_105 {strides = array<i32>} : memref<256xi32, #tpu.memory_space<vmem>>, vector<16xi32>,
    %broadcast_in_dim3A_108 = arith.constant 0 : i32
    %broadcast_in_dim3A_109 = vector.broadcast %broadcast_in_dim3A_108 : i32 to vector<16xi32>
    %swap3A_110 = arith.constant 96 : index
    %swap3A_111 = tpu.vector_load %arg17[%swap3A_110] {strides = array<i32>} : memref<256xi32, #tpu.memory_space<vmem>>, vector<16xi32>,
    tpu.vector_store %arg17[%swap3A_110], %broadcast_in_dim3A_109 {strides = array<i32>} : memref<256xi32, #tpu.memory_space<vmem>>, vector<16xi32>,
    %broadcast_in_dim3A_112 = arith.constant 0 : i32
    %broadcast_in_dim3A_113 = vector.broadcast %broadcast_in_dim3A_112 : i32 to vector<16xi32>
    %swap3A_114 = arith.constant 112 : index
    %swap3A_115 = tpu.vector_load %arg17[%swap3A_114] {strides = array<i32>} : memref<256xi32, #tpu.memory_space<vmem>>, vector<16xi32>,
    tpu.vector_store %arg17[%swap3A_114], %broadcast_in_dim3A_113 {strides = array<i32>} : memref<256xi32, #tpu.memory_space<vmem>>, vector<16xi32>,
    %broadcast_in_dim3A_116 = arith.constant 0 : i32
    %broadcast_in_dim3A_117 = vector.broadcast %broadcast_in_dim3A_116 : i32 to vector<16xi32>
    %swap3A_118 = arith.constant 128 : index
    %swap3A_119 = tpu.vector_load %arg17[%swap3A_118] {strides = array<i32>} : memref<256xi32, #tpu.memory_space<vmem>>, vector<16xi32>,
    tpu.vector_store %arg17[%swap3A_118], %broadcast_in_dim3A_117 {strides = array<i32>} : memref<256xi32, #tpu.memory_space<vmem>>, vector<16xi32>,
    %broadcast_in_dim3A_120 = arith.constant 0 : i32
    %broadcast_in_dim3A_121 = vector.broadcast %broadcast_in_dim3A_120 : i32 to vector<16xi32>
    %swap3A_122 = arith.constant 144 : index
    %swap3A_123 = tpu.vector_load %arg17[%swap3A_122] {strides = array<i32>} : memref<256xi32, #tpu.memory_space<vmem>>, vector<16xi32>,
    tpu.vector_store %arg17[%swap3A_122], %broadcast_in_dim3A_121 {strides = array<i32>} : memref<256xi32, #tpu.memory_space<vmem>>, vector<16xi32>,
    %broadcast_in_dim3A_124 = arith.constant 0 : i32
    %broadcast_in_dim3A_125 = vector.broadcast %broadcast_in_dim3A_124 : i32 to vector<16xi32>
    %swap3A_126 = arith.constant 160 : index
    %swap3A_127 = tpu.vector_load %arg17[%swap3A_126] {strides = array<i32>} : memref<256xi32, #tpu.memory_space<vmem>>, vector<16xi32>,
    tpu.vector_store %arg17[%swap3A_126], %broadcast_in_dim3A_125 {strides = array<i32>} : memref<256xi32, #tpu.memory_space<vmem>>, vector<16xi32>,
    %broadcast_in_dim3A_128 = arith.constant 0 : i32
    %broadcast_in_dim3A_129 = vector.broadcast %broadcast_in_dim3A_128 : i32 to vector<16xi32>
    %swap3A_130 = arith.constant 176 : index
    %swap3A_131 = tpu.vector_load %arg17[%swap3A_130] {strides = array<i32>} : memref<256xi32, #tpu.memory_space<vmem>>, vector<16xi32>,
    tpu.vector_store %arg17[%swap3A_130], %broadcast_in_dim3A_129 {strides = array<i32>} : memref<256xi32, #tpu.memory_space<vmem>>, vector<16xi32>,
    %broadcast_in_dim3A_132 = arith.constant 0 : i32
    %broadcast_in_dim3A_133 = vector.broadcast %broadcast_in_dim3A_132 : i32 to vector<16xi32>
    %swap3A_134 = arith.constant 192 : index
    %swap3A_135 = tpu.vector_load %arg17[%swap3A_134] {strides = array<i32>} : memref<256xi32, #tpu.memory_space<vmem>>, vector<16xi32>,
    tpu.vector_store %arg17[%swap3A_134], %broadcast_in_dim3A_133 {strides = array<i32>} : memref<256xi32, #tpu.memory_space<vmem>>, vector<16xi32>,
    %broadcast_in_dim3A_136 = arith.constant 0 : i32
    %broadcast_in_dim3A_137 = vector.broadcast %broadcast_in_dim3A_136 : i32 to vector<16xi32>
    %swap3A_138 = arith.constant 208 : index
    %swap3A_139 = tpu.vector_load %arg17[%swap3A_138] {strides = array<i32>} : memref<256xi32, #tpu.memory_space<vmem>>, vector<16xi32>,
    tpu.vector_store %arg17[%swap3A_138], %broadcast_in_dim3A_137 {strides = array<i32>} : memref<256xi32, #tpu.memory_space<vmem>>, vector<16xi32>,
    %broadcast_in_dim3A_140 = arith.constant 0 : i32
    %broadcast_in_dim3A_141 = vector.broadcast %broadcast_in_dim3A_140 : i32 to vector<16xi32>
    %swap3A_142 = arith.constant 224 : index
    %swap3A_143 = tpu.vector_load %arg17[%swap3A_142] {strides = array<i32>} : memref<256xi32, #tpu.memory_space<vmem>>, vector<16xi32>,
    tpu.vector_store %arg17[%swap3A_142], %broadcast_in_dim3A_141 {strides = array<i32>} : memref<256xi32, #tpu.memory_space<vmem>>, vector<16xi32>,
    %broadcast_in_dim3A_144 = arith.constant 0 : i32
    %broadcast_in_dim3A_145 = vector.broadcast %broadcast_in_dim3A_144 : i32 to vector<16xi32>
    %swap3A_146 = arith.constant 240 : index
    %swap3A_147 = tpu.vector_load %arg17[%swap3A_146] {strides = array<i32>} : memref<256xi32, #tpu.memory_space<vmem>>, vector<16xi32>,
    tpu.vector_store %arg17[%swap3A_146], %broadcast_in_dim3A_145 {strides = array<i32>} : memref<256xi32, #tpu.memory_space<vmem>>, vector<16xi32>,
    %scan3A_148 = arith.constant 0 : i32
    %scan3A_149 = arith.constant 0 : i32
    %scan3A_150 = arith.constant 120 : i32
    %scan3A_151 = arith.addi %scan3A_149, %scan3A_150 : i32
    %scan3A_152 = arith.constant 1 : i32
    %scan3A_153 = scf.for %scan3A_345 = %scan3A_149 to %scan3A_151 step %scan3A_152 iter_args(%scan3A_346 = %scan3A_148) -> (i32)  : i32 {
      %mul3A_347 = arith.constant 2 : i32
      %mul3A_348 = arith.muli %mul3A_347, %scan3A_345 : i32
      %iota3A_349 = tpu.iota {dimensions = array<i32: 0>} : vector<16xi32>
      %mul3A_350 = arith.constant 16 : i32
      %mul3A_351 = arith.muli %mul3A_348, %mul3A_350 : i32
      %get3A = arith.index_cast %mul3A_351 : i32 to index
      %get3A_352 = tpu.vector_load %arg13[%get3A] {strides = array<i32>} : memref<3840xi32, #tpu.memory_space<vmem>>, vector<16xi32>,
      %broadcast_in_dim3A_353 = arith.constant 8 : i32
      %broadcast_in_dim3A_354 = vector.broadcast %broadcast_in_dim3A_353 : i32 to vector<16xi32>
      %shift_right_logical3A = arith.shrui %get3A_352, %broadcast_in_dim3A_354 : vector<16xi32>
      %broadcast_in_dim3A_355 = arith.constant 255 : i32
      %broadcast_in_dim3A_356 = vector.broadcast %broadcast_in_dim3A_355 : i32 to vector<16xi32>
      %and3A = arith.andi %shift_right_logical3A, %broadcast_in_dim3A_356 : vector<16xi32>
      %broadcast_in_dim3A_357 = arith.constant 4 : i32
      %broadcast_in_dim3A_358 = vector.broadcast %broadcast_in_dim3A_357 : i32 to vector<16xi32>
      %shift_left3A = arith.shli %and3A, %broadcast_in_dim3A_358 : vector<16xi32>
      %or3A = arith.ori %shift_left3A, %iota3A_349 : vector<16xi32>
      %masked_sort3A = arith.constant dense<true> : vector<16xi1>
      %masked_sort3A_359 = arith.constant -2147483648 : i32
      %masked_sort3A_360 = vector.broadcast %masked_sort3A_359 : i32 to vector<16xi32>
      %masked_sort3A_361 = arith.xori %or3A, %masked_sort3A_360 : vector<16xi32>
      %masked_sort3A_362, %masked_sort3A_363, %masked_sort3A_364 = tpu.sort %masked_sort3A_361, %iota3A_349 masked %masked_sort3A : (vector<16xi32>, vector<16xi32>, vector<16xi1>) -> (vector<16xi1>, vector<16xi32>, vector<16xi32>)
      %masked_sort3A_365 = arith.xori %masked_sort3A_363, %masked_sort3A_360 : vector<16xi32>
      %broadcast_in_dim3A_366 = arith.constant 4 : i32
      %broadcast_in_dim3A_367 = vector.broadcast %broadcast_in_dim3A_366 : i32 to vector<16xi32>
      %shift_right_logical3A_368 = arith.shrui %masked_sort3A_365, %broadcast_in_dim3A_367 : vector<16xi32>
      %broadcast_in_dim3A_369 = arith.constant 15 : i32
      %broadcast_in_dim3A_370 = vector.broadcast %broadcast_in_dim3A_369 : i32 to vector<16xi32>
      %and3A_371 = arith.andi %masked_sort3A_365, %broadcast_in_dim3A_370 : vector<16xi32>
      %swap3A_372 = arith.constant 0 : index
      %swap3A_373 = tpu.vector_load %arg20[%swap3A_372] {strides = array<i32>} : memref<16xi32, #tpu.memory_space<vmem>>, vector<16xi32>,
      tpu.vector_store %arg20[%swap3A_372], %shift_right_logical3A_368 {strides = array<i32>} : memref<16xi32, #tpu.memory_space<vmem>>, vector<16xi32>,
      %sub3A = arith.constant 1 : i32
      %sub3A_374 = vector.broadcast %sub3A : i32 to vector<16xi32>
      %sub3A_375 = arith.subi %iota3A_349, %sub3A_374 : vector<16xi32>
      %max3A = arith.constant 0 : i32
      %max3A_376 = vector.broadcast %max3A : i32 to vector<16xi32>
      %max3A_377 = arith.maxsi %sub3A_375, %max3A_376 : vector<16xi32>
      %gather3A = tpu.vector_load_idx %arg20[%max3A_377] : memref<16xi32, #tpu.memory_space<vmem>>[vector<16xi32>], vector<16xi32>,
      %add3A = arith.constant 1 : i32
      %add3A_378 = vector.broadcast %add3A : i32 to vector<16xi32>
      %add3A_379 = arith.addi %iota3A_349, %add3A_378 : vector<16xi32>
      %min3A = arith.constant 15 : i32
      %min3A_380 = vector.broadcast %min3A : i32 to vector<16xi32>
      %min3A_381 = arith.minsi %add3A_379, %min3A_380 : vector<16xi32>
      %gather3A_382 = tpu.vector_load_idx %arg20[%min3A_381] : memref<16xi32, #tpu.memory_space<vmem>>[vector<16xi32>], vector<16xi32>,
      %ne3A = arith.cmpi ne, %shift_right_logical3A_368, %gather3A : vector<16xi32>
      %jit3A = arith.constant 0 : i32
      %broadcast_in_dim3A_383 = vector.broadcast %jit3A : i32 to vector<16xi32>
      %select_n3A = arith.select %ne3A, %iota3A_349, %broadcast_in_dim3A_383 : vector<16xi1>, vector<16xi32>
      %broadcast_in_dim3A_384 = arith.constant true
      %broadcast_in_dim3A_385 = vector.broadcast %broadcast_in_dim3A_384 : i1 to vector<16xi1>
      %masked_cummax3A = arith.constant -2147483648 : i32
      %masked_cummax3A_386 = vector.broadcast %masked_cummax3A : i32 to vector<16xi32>
      %masked_cummax3A_387 = arith.xori %select_n3A, %masked_cummax3A_386 : vector<16xi32>
      %masked_cummax3A_388 = tpu.scan <max>, %masked_cummax3A_387 masked %broadcast_in_dim3A_385 : vector<16xi32>, vector<16xi1> -> vector<16xi32>
      %masked_cummax3A_389 = arith.xori %masked_cummax3A_388, %masked_cummax3A_386 : vector<16xi32>
      %sub3A_390 = arith.subi %iota3A_349, %masked_cummax3A_389 : vector<16xi32>
      %ne3A_391 = arith.cmpi ne, %shift_right_logical3A_368, %gather3A_382 : vector<16xi32>
      %eq3A = arith.constant 15 : i32
      %eq3A_392 = vector.broadcast %eq3A : i32 to vector<16xi32>
      %eq3A_393 = arith.cmpi eq, %iota3A_349, %eq3A_392 : vector<16xi32>
      %or3A_394 = arith.ori %ne3A_391, %eq3A_393 : vector<16xi1>
      %broadcast_in_dim3A_395 = arith.constant 8 : i32
      %broadcast_in_dim3A_396 = vector.broadcast %broadcast_in_dim3A_395 : i32 to vector<16xi32>
      %broadcast_in_dim3A_397 = arith.constant 4 : i32
      %broadcast_in_dim3A_398 = vector.broadcast %broadcast_in_dim3A_397 : i32 to vector<16xi32>
      %broadcast_in_dim3A_399 = arith.constant 16 : i32
      %broadcast_in_dim3A_400 = vector.broadcast %broadcast_in_dim3A_399 : i32 to vector<16xi32>
      %shift_left3A_401 = arith.shli %shift_right_logical3A_368, %broadcast_in_dim3A_396 : vector<16xi32>
      %shift_left3A_402 = arith.shli %and3A_371, %broadcast_in_dim3A_398 : vector<16xi32>
      %or3A_403 = arith.ori %shift_left3A_401, %shift_left3A_402 : vector<16xi32>
      %or3A_404 = arith.ori %or3A_403, %sub3A_390 : vector<16xi32>
      %jit3A_405 = arith.constant 1 : i32
      %jit3A_406 = arith.constant 0 : i32
      %broadcast_in_dim3A_407 = vector.broadcast %jit3A_405 : i32 to vector<16xi32>
      %broadcast_in_dim3A_408 = vector.broadcast %jit3A_406 : i32 to vector<16xi32>
      %select_n3A_409 = arith.select %or3A_394, %broadcast_in_dim3A_407, %broadcast_in_dim3A_408 : vector<16xi1>, vector<16xi32>
      %shift_left3A_410 = arith.shli %select_n3A_409, %broadcast_in_dim3A_400 : vector<16xi32>
      %or3A_411 = arith.ori %or3A_404, %shift_left3A_410 : vector<16xi32>
      %mul3A_412 = arith.constant 16 : i32
      %mul3A_413 = arith.muli %mul3A_348, %mul3A_412 : i32
      %swap3A_414 = arith.index_cast %mul3A_413 : i32 to index
      %swap3A_415 = tpu.vector_load %arg15[%swap3A_414] {strides = array<i32>} : memref<3840xi32, #tpu.memory_space<vmem>>, vector<16xi32>,
      tpu.vector_store %arg15[%swap3A_414], %or3A_411 {strides = array<i32>} : memref<3840xi32, #tpu.memory_space<vmem>>, vector<16xi32>,
      %add3A_416 = arith.constant 1 : i32
      %add3A_417 = vector.broadcast %add3A_416 : i32 to vector<16xi32>
      %add3A_418 = arith.addi %sub3A_390, %add3A_417 : vector<16xi32>
      tpu.vector_store_idx %arg17[%shift_right_logical3A_368], %add3A_418 masked %or3A_394 {add = true} : memref<256xi32, #tpu.memory_space<vmem>>[vector<16xi32>], vector<16xi32>, vector<16xi1>
      %mul3A_419 = arith.constant 2 : i32
      %mul3A_420 = arith.muli %mul3A_419, %scan3A_345 : i32
      %add3A_421 = arith.constant 1 : i32
      %add3A_422 = arith.addi %mul3A_420, %add3A_421 : i32
      %iota3A_423 = tpu.iota {dimensions = array<i32: 0>} : vector<16xi32>
      %mul3A_424 = arith.constant 16 : i32
      %mul3A_425 = arith.muli %add3A_422, %mul3A_424 : i32
      %get3A_426 = arith.index_cast %mul3A_425 : i32 to index
      %get3A_427 = tpu.vector_load %arg13[%get3A_426] {strides = array<i32>} : memref<3840xi32, #tpu.memory_space<vmem>>, vector<16xi32>,
      %broadcast_in_dim3A_428 = arith.constant 8 : i32
      %broadcast_in_dim3A_429 = vector.broadcast %broadcast_in_dim3A_428 : i32 to vector<16xi32>
      %shift_right_logical3A_430 = arith.shrui %get3A_427, %broadcast_in_dim3A_429 : vector<16xi32>
      %broadcast_in_dim3A_431 = arith.constant 255 : i32
      %broadcast_in_dim3A_432 = vector.broadcast %broadcast_in_dim3A_431 : i32 to vector<16xi32>
      %and3A_433 = arith.andi %shift_right_logical3A_430, %broadcast_in_dim3A_432 : vector<16xi32>
      %broadcast_in_dim3A_434 = arith.constant 4 : i32
      %broadcast_in_dim3A_435 = vector.broadcast %broadcast_in_dim3A_434 : i32 to vector<16xi32>
      %shift_left3A_436 = arith.shli %and3A_433, %broadcast_in_dim3A_435 : vector<16xi32>
      %or3A_437 = arith.ori %shift_left3A_436, %iota3A_423 : vector<16xi32>
      %masked_sort3A_438 = arith.constant dense<true> : vector<16xi1>
      %masked_sort3A_439 = arith.constant -2147483648 : i32
      %masked_sort3A_440 = vector.broadcast %masked_sort3A_439 : i32 to vector<16xi32>
      %masked_sort3A_441 = arith.xori %or3A_437, %masked_sort3A_440 : vector<16xi32>
      %masked_sort3A_442, %masked_sort3A_443, %masked_sort3A_444 = tpu.sort %masked_sort3A_441, %iota3A_423 masked %masked_sort3A_438 : (vector<16xi32>, vector<16xi32>, vector<16xi1>) -> (vector<16xi1>, vector<16xi32>, vector<16xi32>)
      %masked_sort3A_445 = arith.xori %masked_sort3A_443, %masked_sort3A_440 : vector<16xi32>
      %broadcast_in_dim3A_446 = arith.constant 4 : i32
      %broadcast_in_dim3A_447 = vector.broadcast %broadcast_in_dim3A_446 : i32 to vector<16xi32>
      %shift_right_logical3A_448 = arith.shrui %masked_sort3A_445, %broadcast_in_dim3A_447 : vector<16xi32>
      %broadcast_in_dim3A_449 = arith.constant 15 : i32
      %broadcast_in_dim3A_450 = vector.broadcast %broadcast_in_dim3A_449 : i32 to vector<16xi32>
      %and3A_451 = arith.andi %masked_sort3A_445, %broadcast_in_dim3A_450 : vector<16xi32>
      %swap3A_452 = arith.constant 0 : index
      %swap3A_453 = tpu.vector_load %arg20[%swap3A_452] {strides = array<i32>} : memref<16xi32, #tpu.memory_space<vmem>>, vector<16xi32>,
      tpu.vector_store %arg20[%swap3A_452], %shift_right_logical3A_448 {strides = array<i32>} : memref<16xi32, #tpu.memory_space<vmem>>, vector<16xi32>,
      %sub3A_454 = arith.constant 1 : i32
      %sub3A_455 = vector.broadcast %sub3A_454 : i32 to vector<16xi32>
      %sub3A_456 = arith.subi %iota3A_423, %sub3A_455 : vector<16xi32>
      %max3A_457 = arith.constant 0 : i32
      %max3A_458 = vector.broadcast %max3A_457 : i32 to vector<16xi32>
      %max3A_459 = arith.maxsi %sub3A_456, %max3A_458 : vector<16xi32>
      %gather3A_460 = tpu.vector_load_idx %arg20[%max3A_459] : memref<16xi32, #tpu.memory_space<vmem>>[vector<16xi32>], vector<16xi32>,
      %add3A_461 = arith.constant 1 : i32
      %add3A_462 = vector.broadcast %add3A_461 : i32 to vector<16xi32>
      %add3A_463 = arith.addi %iota3A_423, %add3A_462 : vector<16xi32>
      %min3A_464 = arith.constant 15 : i32
      %min3A_465 = vector.broadcast %min3A_464 : i32 to vector<16xi32>
      %min3A_466 = arith.minsi %add3A_463, %min3A_465 : vector<16xi32>
      %gather3A_467 = tpu.vector_load_idx %arg20[%min3A_466] : memref<16xi32, #tpu.memory_space<vmem>>[vector<16xi32>], vector<16xi32>,
      %ne3A_468 = arith.cmpi ne, %shift_right_logical3A_448, %gather3A_460 : vector<16xi32>
      %jit3A_469 = arith.constant 0 : i32
      %broadcast_in_dim3A_470 = vector.broadcast %jit3A_469 : i32 to vector<16xi32>
      %select_n3A_471 = arith.select %ne3A_468, %iota3A_423, %broadcast_in_dim3A_470 : vector<16xi1>, vector<16xi32>
      %broadcast_in_dim3A_472 = arith.constant true
      %broadcast_in_dim3A_473 = vector.broadcast %broadcast_in_dim3A_472 : i1 to vector<16xi1>
      %masked_cummax3A_474 = arith.constant -2147483648 : i32
      %masked_cummax3A_475 = vector.broadcast %masked_cummax3A_474 : i32 to vector<16xi32>
      %masked_cummax3A_476 = arith.xori %select_n3A_471, %masked_cummax3A_475 : vector<16xi32>
      %masked_cummax3A_477 = tpu.scan <max>, %masked_cummax3A_476 masked %broadcast_in_dim3A_473 : vector<16xi32>, vector<16xi1> -> vector<16xi32>
      %masked_cummax3A_478 = arith.xori %masked_cummax3A_477, %masked_cummax3A_475 : vector<16xi32>
      %sub3A_479 = arith.subi %iota3A_423, %masked_cummax3A_478 : vector<16xi32>
      %ne3A_480 = arith.cmpi ne, %shift_right_logical3A_448, %gather3A_467 : vector<16xi32>
      %eq3A_481 = arith.constant 15 : i32
      %eq3A_482 = vector.broadcast %eq3A_481 : i32 to vector<16xi32>
      %eq3A_483 = arith.cmpi eq, %iota3A_423, %eq3A_482 : vector<16xi32>
      %or3A_484 = arith.ori %ne3A_480, %eq3A_483 : vector<16xi1>
      %broadcast_in_dim3A_485 = arith.constant 8 : i32
      %broadcast_in_dim3A_486 = vector.broadcast %broadcast_in_dim3A_485 : i32 to vector<16xi32>
      %broadcast_in_dim3A_487 = arith.constant 4 : i32
      %broadcast_in_dim3A_488 = vector.broadcast %broadcast_in_dim3A_487 : i32 to vector<16xi32>
      %broadcast_in_dim3A_489 = arith.constant 16 : i32
      %broadcast_in_dim3A_490 = vector.broadcast %broadcast_in_dim3A_489 : i32 to vector<16xi32>
      %shift_left3A_491 = arith.shli %shift_right_logical3A_448, %broadcast_in_dim3A_486 : vector<16xi32>
      %shift_left3A_492 = arith.shli %and3A_451, %broadcast_in_dim3A_488 : vector<16xi32>
      %or3A_493 = arith.ori %shift_left3A_491, %shift_left3A_492 : vector<16xi32>
      %or3A_494 = arith.ori %or3A_493, %sub3A_479 : vector<16xi32>
      %jit3A_495 = arith.constant 1 : i32
      %jit3A_496 = arith.constant 0 : i32
      %broadcast_in_dim3A_497 = vector.broadcast %jit3A_495 : i32 to vector<16xi32>
      %broadcast_in_dim3A_498 = vector.broadcast %jit3A_496 : i32 to vector<16xi32>
      %select_n3A_499 = arith.select %or3A_484, %broadcast_in_dim3A_497, %broadcast_in_dim3A_498 : vector<16xi1>, vector<16xi32>
      %shift_left3A_500 = arith.shli %select_n3A_499, %broadcast_in_dim3A_490 : vector<16xi32>
      %or3A_501 = arith.ori %or3A_494, %shift_left3A_500 : vector<16xi32>
      %mul3A_502 = arith.constant 16 : i32
      %mul3A_503 = arith.muli %add3A_422, %mul3A_502 : i32
      %swap3A_504 = arith.index_cast %mul3A_503 : i32 to index
      %swap3A_505 = tpu.vector_load %arg15[%swap3A_504] {strides = array<i32>} : memref<3840xi32, #tpu.memory_space<vmem>>, vector<16xi32>,
      tpu.vector_store %arg15[%swap3A_504], %or3A_501 {strides = array<i32>} : memref<3840xi32, #tpu.memory_space<vmem>>, vector<16xi32>,
      %add3A_506 = arith.constant 1 : i32
      %add3A_507 = vector.broadcast %add3A_506 : i32 to vector<16xi32>
      %add3A_508 = arith.addi %sub3A_479, %add3A_507 : vector<16xi32>
      tpu.vector_store_idx %arg17[%shift_right_logical3A_448], %add3A_508 masked %or3A_484 {add = true} : memref<256xi32, #tpu.memory_space<vmem>>[vector<16xi32>], vector<16xi32>, vector<16xi1>
      %scan3A_509 = arith.constant 0 : i32
      scf.yield %scan3A_509 : i32
    }
    %scan3A_154 = arith.constant 120 : i32
    "tpu.region"() ({
      %run_scoped3A = tpu.sem_alloc : memref<!tpu.dma_semaphore, #tpu.memory_space<semaphore_mem>>
      %dma_start3A = arith.constant 0 : i32
      %dma_start3A_345 = tpu.memref_slice %arg26[%arg1, %dma_start3A] : memref<16x256xi32, #tpu.memory_space<vmem_shared>> -> memref<1x256xi32, #tpu.memory_space<vmem_shared>>
      %dma_start3A_346 = tpu.memref_squeeze %dma_start3A_345 : memref<1x256xi32, #tpu.memory_space<vmem_shared>> -> memref<256xi32, #tpu.memory_space<vmem_shared>>
      %dma_start3A_347 = arith.constant 0 : i32
      %dma_start3A_348 = tpu.memref_slice %arg26[%arg1, %dma_start3A_347] : memref<16x256xi32, #tpu.memory_space<vmem_shared>> -> memref<1x256xi32, #tpu.memory_space<vmem_shared>>
      %dma_start3A_349 = tpu.memref_squeeze %dma_start3A_348 : memref<1x256xi32, #tpu.memory_space<vmem_shared>> -> memref<256xi32, #tpu.memory_space<vmem_shared>>
      tpu.enqueue_dma source(%arg17 : memref<256xi32, #tpu.memory_space<vmem>>) target(%dma_start3A_349 : memref<256xi32, #tpu.memory_space<vmem_shared>>) target_semaphore(%run_scoped3A : memref<!tpu.dma_semaphore, #tpu.memory_space<semaphore_mem>>)
      %dma_wait3A = arith.constant 0 : i32
      %dma_wait3A_350 = tpu.memref_slice %arg26[%arg1, %dma_wait3A] : memref<16x256xi32, #tpu.memory_space<vmem_shared>> -> memref<1x256xi32, #tpu.memory_space<vmem_shared>>
      %dma_wait3A_351 = tpu.memref_squeeze %dma_wait3A_350 : memref<1x256xi32, #tpu.memory_space<vmem_shared>> -> memref<256xi32, #tpu.memory_space<vmem_shared>>
      %dma_wait3A_352 = arith.constant 0 : i32
      %dma_wait3A_353 = tpu.memref_slice %arg26[%arg1, %dma_wait3A_352] : memref<16x256xi32, #tpu.memory_space<vmem_shared>> -> memref<1x256xi32, #tpu.memory_space<vmem_shared>>
      %dma_wait3A_354 = tpu.memref_squeeze %dma_wait3A_353 : memref<1x256xi32, #tpu.memory_space<vmem_shared>> -> memref<256xi32, #tpu.memory_space<vmem_shared>>
      tpu.wait_dma2 semaphore(%run_scoped3A : memref<!tpu.dma_semaphore, #tpu.memory_space<semaphore_mem>>) src(%arg17 : memref<256xi32, #tpu.memory_space<vmem>>) dst(%dma_wait3A_354 : memref<256xi32, #tpu.memory_space<vmem_shared>>)
      tpu.yield
    }) : () -> ()
    %barrier3A_155 = arith.constant 0 : index
    tpu.barrier barrier_id(%barrier3A_155)
    "tpu.region"() ({
      %run_scoped3A = tpu.sem_alloc : memref<!tpu.dma_semaphore, #tpu.memory_space<semaphore_mem>>
      tpu.enqueue_dma source(%arg26 : memref<16x256xi32, #tpu.memory_space<vmem_shared>>) target(%arg19 : memref<16x256xi32, #tpu.memory_space<vmem>>) target_semaphore(%run_scoped3A : memref<!tpu.dma_semaphore, #tpu.memory_space<semaphore_mem>>)
      tpu.wait_dma2 semaphore(%run_scoped3A : memref<!tpu.dma_semaphore, #tpu.memory_space<semaphore_mem>>) src(%arg26 : memref<16x256xi32, #tpu.memory_space<vmem_shared>>) dst(%arg19 : memref<16x256xi32, #tpu.memory_space<vmem>>)
      tpu.yield
    }) : () -> ()
    %scan3A_156 = arith.constant 0 : i32
    %scan3A_157 = arith.constant 0 : i32
    %scan3A_158 = arith.constant 16 : i32
    %scan3A_159 = arith.addi %scan3A_157, %scan3A_158 : i32
    %scan3A_160 = arith.constant 1 : i32
    %scan3A_161 = scf.for %scan3A_345 = %scan3A_157 to %scan3A_159 step %scan3A_160 iter_args(%scan3A_346 = %scan3A_156) -> (i32)  : i32 {
      %broadcast_in_dim3A_347 = arith.constant 0 : i32
      %broadcast_in_dim3A_348 = vector.broadcast %broadcast_in_dim3A_347 : i32 to vector<16xi32>
      %broadcast_in_dim3A_349 = arith.constant 0 : i32
      %broadcast_in_dim3A_350 = vector.broadcast %broadcast_in_dim3A_349 : i32 to vector<16xi32>
      %scan3A_351 = arith.constant 0 : i32
      %scan3A_352 = arith.constant 16 : i32
      %scan3A_353 = arith.addi %scan3A_351, %scan3A_352 : i32
      %scan3A_354 = arith.constant 1 : i32
      %scan3A_355:2 = scf.for %scan3A_369 = %scan3A_351 to %scan3A_353 step %scan3A_354 iter_args(%scan3A_370 = %broadcast_in_dim3A_348, %scan3A_371 = %broadcast_in_dim3A_350) -> (vector<16xi32>, vector<16xi32>)  : i32 {
        %mul3A_372 = arith.constant 16 : i32
        %mul3A_373 = arith.muli %scan3A_345, %mul3A_372 : i32
        %get3A = arith.index_cast %scan3A_369 : i32 to index
        %get3A_374 = arith.index_cast %mul3A_373 : i32 to index
        %get3A_375 = tpu.vector_load %arg19[%get3A, %get3A_374] {strides = array<i32>} : memref<16x256xi32, #tpu.memory_space<vmem>>, vector<16xi32>,
        %lt3A = arith.cmpi slt, %scan3A_369, %arg1 : i32
        %jit3A = arith.constant 1 : i32
        %jit3A_376 = arith.constant 0 : i32
        %select_n3A = arith.select %lt3A, %jit3A, %jit3A_376 : i32
        %add3A_377 = arith.addi %scan3A_370, %get3A_375 : vector<16xi32>
        %mul3A_378 = vector.broadcast %select_n3A : i32 to vector<16xi32>
        %mul3A_379 = arith.muli %get3A_375, %mul3A_378 : vector<16xi32>
        %add3A_380 = arith.addi %scan3A_371, %mul3A_379 : vector<16xi32>
        scf.yield %add3A_377, %add3A_380 : vector<16xi32>, vector<16xi32>
      }
      %scan3A_356 = arith.constant 16 : i32
      %broadcast_in_dim3A_357 = arith.constant true
      %broadcast_in_dim3A_358 = vector.broadcast %broadcast_in_dim3A_357 : i1 to vector<16xi1>
      %masked_cumsum3A = tpu.scan <sum>, %scan3A_355#0 masked %broadcast_in_dim3A_358 : vector<16xi32>, vector<16xi1> -> vector<16xi32>
      %sub3A = arith.subi %masked_cumsum3A, %scan3A_355#0 : vector<16xi32>
      %add3A = arith.addi %sub3A, %scan3A_355#1 : vector<16xi32>
      %add3A_359 = vector.broadcast %scan3A_346 : i32 to vector<16xi32>
      %add3A_360 = arith.addi %add3A, %add3A_359 : vector<16xi32>
      %mul3A_361 = arith.constant 16 : i32
      %mul3A_362 = arith.muli %scan3A_345, %mul3A_361 : i32
      %swap3A_363 = arith.index_cast %mul3A_362 : i32 to index
      %swap3A_364 = tpu.vector_load %arg18[%swap3A_363] {strides = array<i32>} : memref<256xi32, #tpu.memory_space<vmem>>, vector<16xi32>,
      tpu.vector_store %arg18[%swap3A_363], %add3A_360 {strides = array<i32>} : memref<256xi32, #tpu.memory_space<vmem>>, vector<16xi32>,
      %reduce_sum3A = arith.constant true
      %reduce_sum3A_365 = vector.broadcast %reduce_sum3A : i1 to vector<16xi1>
      %reduce_sum3A_366 = tpu.scan <sum>, %scan3A_355#0 masked %reduce_sum3A_365 : vector<16xi32>, vector<16xi1> -> vector<16xi32>
      %reduce_sum3A_367 = vector.extract %reduce_sum3A_366[15] : i32 from vector<16xi32>
      %add3A_368 = arith.addi %scan3A_346, %reduce_sum3A_367 : i32
      scf.yield %add3A_368 : i32
    }
    %scan3A_162 = arith.constant 16 : i32
    %scan3A_163 = arith.constant 0 : i32
    %scan3A_164 = arith.constant 0 : i32
    %scan3A_165 = arith.constant 120 : i32
    %scan3A_166 = arith.addi %scan3A_164, %scan3A_165 : i32
    %scan3A_167 = arith.constant 1 : i32
    %scan3A_168 = scf.for %scan3A_345 = %scan3A_164 to %scan3A_166 step %scan3A_167 iter_args(%scan3A_346 = %scan3A_163) -> (i32)  : i32 {
      %mul3A_347 = arith.constant 2 : i32
      %mul3A_348 = arith.muli %mul3A_347, %scan3A_345 : i32
      %broadcast_in_dim3A_349 = arith.constant 4 : i32
      %broadcast_in_dim3A_350 = vector.broadcast %broadcast_in_dim3A_349 : i32 to vector<16xi32>
      %broadcast_in_dim3A_351 = arith.constant 8 : i32
      %broadcast_in_dim3A_352 = vector.broadcast %broadcast_in_dim3A_351 : i32 to vector<16xi32>
      %broadcast_in_dim3A_353 = arith.constant 16 : i32
      %broadcast_in_dim3A_354 = vector.broadcast %broadcast_in_dim3A_353 : i32 to vector<16xi32>
      %broadcast_in_dim3A_355 = arith.constant 15 : i32
      %broadcast_in_dim3A_356 = vector.broadcast %broadcast_in_dim3A_355 : i32 to vector<16xi32>
      %mul3A_357 = arith.constant 16 : i32
      %mul3A_358 = arith.muli %mul3A_348, %mul3A_357 : i32
      %get3A = arith.index_cast %mul3A_358 : i32 to index
      %get3A_359 = tpu.vector_load %arg15[%get3A] {strides = array<i32>} : memref<3840xi32, #tpu.memory_space<vmem>>, vector<16xi32>,
      %and3A = arith.andi %get3A_359, %broadcast_in_dim3A_356 : vector<16xi32>
      %shift_right_logical3A = arith.shrui %get3A_359, %broadcast_in_dim3A_350 : vector<16xi32>
      %and3A_360 = arith.andi %shift_right_logical3A, %broadcast_in_dim3A_356 : vector<16xi32>
      %shift_right_logical3A_361 = arith.shrui %get3A_359, %broadcast_in_dim3A_352 : vector<16xi32>
      %broadcast_in_dim3A_362 = arith.constant 255 : i32
      %broadcast_in_dim3A_363 = vector.broadcast %broadcast_in_dim3A_362 : i32 to vector<16xi32>
      %and3A_364 = arith.andi %shift_right_logical3A_361, %broadcast_in_dim3A_363 : vector<16xi32>
      %shift_right_logical3A_365 = arith.shrui %get3A_359, %broadcast_in_dim3A_354 : vector<16xi32>
      %broadcast_in_dim3A_366 = arith.constant 1 : i32
      %broadcast_in_dim3A_367 = vector.broadcast %broadcast_in_dim3A_366 : i32 to vector<16xi32>
      %and3A_368 = arith.andi %shift_right_logical3A_365, %broadcast_in_dim3A_367 : vector<16xi32>
      %ne3A = arith.constant 0 : i32
      %ne3A_369 = vector.broadcast %ne3A : i32 to vector<16xi32>
      %ne3A_370 = arith.cmpi ne, %and3A_368, %ne3A_369 : vector<16xi32>
      %gather3A = tpu.vector_load_idx %arg18[%and3A_364] : memref<256xi32, #tpu.memory_space<vmem>>[vector<16xi32>], vector<16xi32>,
      %add3A = arith.addi %gather3A, %and3A : vector<16xi32>
      tpu.vector_store_idx %arg21[%and3A_360], %add3A : memref<16xi32, #tpu.memory_space<vmem>>[vector<16xi32>], vector<16xi32>,
      %get3A_371 = arith.constant 0 : index
      %get3A_372 = tpu.vector_load %arg21[%get3A_371] {strides = array<i32>} : memref<16xi32, #tpu.memory_space<vmem>>, vector<16xi32>,
      %mul3A_373 = arith.constant 16 : i32
      %mul3A_374 = arith.muli %mul3A_348, %mul3A_373 : i32
      %swap3A_375 = arith.index_cast %mul3A_374 : i32 to index
      %swap3A_376 = tpu.vector_load %arg16[%swap3A_375] {strides = array<i32>} : memref<3840xi32, #tpu.memory_space<vmem>>, vector<16xi32>,
      tpu.vector_store %arg16[%swap3A_375], %get3A_372 {strides = array<i32>} : memref<3840xi32, #tpu.memory_space<vmem>>, vector<16xi32>,
      %add3A_377 = arith.constant 1 : i32
      %add3A_378 = vector.broadcast %add3A_377 : i32 to vector<16xi32>
      %add3A_379 = arith.addi %and3A, %add3A_378 : vector<16xi32>
      tpu.vector_store_idx %arg18[%and3A_364], %add3A_379 masked %ne3A_370 {add = true} : memref<256xi32, #tpu.memory_space<vmem>>[vector<16xi32>], vector<16xi32>, vector<16xi1>
      %mul3A_380 = arith.constant 2 : i32
      %mul3A_381 = arith.muli %mul3A_380, %scan3A_345 : i32
      %add3A_382 = arith.constant 1 : i32
      %add3A_383 = arith.addi %mul3A_381, %add3A_382 : i32
      %broadcast_in_dim3A_384 = arith.constant 4 : i32
      %broadcast_in_dim3A_385 = vector.broadcast %broadcast_in_dim3A_384 : i32 to vector<16xi32>
      %broadcast_in_dim3A_386 = arith.constant 8 : i32
      %broadcast_in_dim3A_387 = vector.broadcast %broadcast_in_dim3A_386 : i32 to vector<16xi32>
      %broadcast_in_dim3A_388 = arith.constant 16 : i32
      %broadcast_in_dim3A_389 = vector.broadcast %broadcast_in_dim3A_388 : i32 to vector<16xi32>
      %broadcast_in_dim3A_390 = arith.constant 15 : i32
      %broadcast_in_dim3A_391 = vector.broadcast %broadcast_in_dim3A_390 : i32 to vector<16xi32>
      %mul3A_392 = arith.constant 16 : i32
      %mul3A_393 = arith.muli %add3A_383, %mul3A_392 : i32
      %get3A_394 = arith.index_cast %mul3A_393 : i32 to index
      %get3A_395 = tpu.vector_load %arg15[%get3A_394] {strides = array<i32>} : memref<3840xi32, #tpu.memory_space<vmem>>, vector<16xi32>,
      %and3A_396 = arith.andi %get3A_395, %broadcast_in_dim3A_391 : vector<16xi32>
      %shift_right_logical3A_397 = arith.shrui %get3A_395, %broadcast_in_dim3A_385 : vector<16xi32>
      %and3A_398 = arith.andi %shift_right_logical3A_397, %broadcast_in_dim3A_391 : vector<16xi32>
      %shift_right_logical3A_399 = arith.shrui %get3A_395, %broadcast_in_dim3A_387 : vector<16xi32>
      %broadcast_in_dim3A_400 = arith.constant 255 : i32
      %broadcast_in_dim3A_401 = vector.broadcast %broadcast_in_dim3A_400 : i32 to vector<16xi32>
      %and3A_402 = arith.andi %shift_right_logical3A_399, %broadcast_in_dim3A_401 : vector<16xi32>
      %shift_right_logical3A_403 = arith.shrui %get3A_395, %broadcast_in_dim3A_389 : vector<16xi32>
      %broadcast_in_dim3A_404 = arith.constant 1 : i32
      %broadcast_in_dim3A_405 = vector.broadcast %broadcast_in_dim3A_404 : i32 to vector<16xi32>
      %and3A_406 = arith.andi %shift_right_logical3A_403, %broadcast_in_dim3A_405 : vector<16xi32>
      %ne3A_407 = arith.constant 0 : i32
      %ne3A_408 = vector.broadcast %ne3A_407 : i32 to vector<16xi32>
      %ne3A_409 = arith.cmpi ne, %and3A_406, %ne3A_408 : vector<16xi32>
      %gather3A_410 = tpu.vector_load_idx %arg18[%and3A_402] : memref<256xi32, #tpu.memory_space<vmem>>[vector<16xi32>], vector<16xi32>,
      %add3A_411 = arith.addi %gather3A_410, %and3A_396 : vector<16xi32>
      tpu.vector_store_idx %arg21[%and3A_398], %add3A_411 : memref<16xi32, #tpu.memory_space<vmem>>[vector<16xi32>], vector<16xi32>,
      %get3A_412 = arith.constant 0 : index
      %get3A_413 = tpu.vector_load %arg21[%get3A_412] {strides = array<i32>} : memref<16xi32, #tpu.memory_space<vmem>>, vector<16xi32>,
      %mul3A_414 = arith.constant 16 : i32
      %mul3A_415 = arith.muli %add3A_383, %mul3A_414 : i32
      %swap3A_416 = arith.index_cast %mul3A_415 : i32 to index
      %swap3A_417 = tpu.vector_load %arg16[%swap3A_416] {strides = array<i32>} : memref<3840xi32, #tpu.memory_space<vmem>>, vector<16xi32>,
      tpu.vector_store %arg16[%swap3A_416], %get3A_413 {strides = array<i32>} : memref<3840xi32, #tpu.memory_space<vmem>>, vector<16xi32>,
      %add3A_418 = arith.constant 1 : i32
      %add3A_419 = vector.broadcast %add3A_418 : i32 to vector<16xi32>
      %add3A_420 = arith.addi %and3A_396, %add3A_419 : vector<16xi32>
      tpu.vector_store_idx %arg18[%and3A_402], %add3A_420 masked %ne3A_409 {add = true} : memref<256xi32, #tpu.memory_space<vmem>>[vector<16xi32>], vector<16xi32>, vector<16xi1>
      %scan3A_421 = arith.constant 0 : i32
      scf.yield %scan3A_421 : i32
    }
    %scan3A_169 = arith.constant 120 : i32
    "tpu.region"() ({
      %run_scoped3A = tpu.sem_alloc : memref<!tpu.dma_semaphore, #tpu.memory_space<semaphore_mem>>
      %dma_start3A = arith.constant 0 : i32
      %dma_start3A_345 = tpu.memref_slice %arg22[%dma_start3A] : memref<61440xi32, #tpu.memory_space<vmem_shared>> -> memref<61440xi32, #tpu.memory_space<vmem_shared>>
      tpu.enqueue_indirect_dma source(%arg13 : memref<3840xi32, #tpu.memory_space<vmem>>) target(%dma_start3A_345 : memref<61440xi32, #tpu.memory_space<vmem_shared>>) offsets(%arg16 : memref<3840xi32, #tpu.memory_space<vmem>>) semaphore(%run_scoped3A : memref<!tpu.dma_semaphore, #tpu.memory_space<semaphore_mem>>)
      %dma_wait3A = arith.constant 0 : i32
      %dma_wait3A_346 = tpu.memref_slice %arg22[%dma_wait3A] : memref<61440xi32, #tpu.memory_space<vmem_shared>> -> memref<61440xi32, #tpu.memory_space<vmem_shared>>
      tpu.wait_indirect_dma semaphore(%run_scoped3A : memref<!tpu.dma_semaphore, #tpu.memory_space<semaphore_mem>>) src(%arg13 : memref<3840xi32, #tpu.memory_space<vmem>>) dst(%dma_wait3A_346 : memref<61440xi32, #tpu.memory_space<vmem_shared>>)
      tpu.yield
    }) : () -> ()
    "tpu.region"() ({
      %run_scoped3A = tpu.sem_alloc : memref<!tpu.dma_semaphore, #tpu.memory_space<semaphore_mem>>
      %dma_start3A = arith.constant 0 : i32
      %dma_start3A_345 = tpu.memref_slice %arg23[%dma_start3A] : memref<61440xi32, #tpu.memory_space<vmem_shared>> -> memref<61440xi32, #tpu.memory_space<vmem_shared>>
      tpu.enqueue_indirect_dma source(%arg14 : memref<3840xi32, #tpu.memory_space<vmem>>) target(%dma_start3A_345 : memref<61440xi32, #tpu.memory_space<vmem_shared>>) offsets(%arg16 : memref<3840xi32, #tpu.memory_space<vmem>>) semaphore(%run_scoped3A : memref<!tpu.dma_semaphore, #tpu.memory_space<semaphore_mem>>)
      %dma_wait3A = arith.constant 0 : i32
      %dma_wait3A_346 = tpu.memref_slice %arg23[%dma_wait3A] : memref<61440xi32, #tpu.memory_space<vmem_shared>> -> memref<61440xi32, #tpu.memory_space<vmem_shared>>
      tpu.wait_indirect_dma semaphore(%run_scoped3A : memref<!tpu.dma_semaphore, #tpu.memory_space<semaphore_mem>>) src(%arg14 : memref<3840xi32, #tpu.memory_space<vmem>>) dst(%dma_wait3A_346 : memref<61440xi32, #tpu.memory_space<vmem_shared>>)
      tpu.yield
    }) : () -> ()
    %barrier3A_170 = arith.constant 0 : index
    tpu.barrier barrier_id(%barrier3A_170)
    "tpu.region"() ({
      %run_scoped3A = tpu.sem_alloc : memref<!tpu.dma_semaphore, #tpu.memory_space<semaphore_mem>>
      %dma_start3A = tpu.memref_slice %arg22[%mul3A_0] : memref<61440xi32, #tpu.memory_space<vmem_shared>> -> memref<3840xi32, #tpu.memory_space<vmem_shared>>
      %dma_start3A_345 = tpu.memref_slice %arg22[%mul3A_0] : memref<61440xi32, #tpu.memory_space<vmem_shared>> -> memref<3840xi32, #tpu.memory_space<vmem_shared>>
      tpu.enqueue_dma source(%dma_start3A_345 : memref<3840xi32, #tpu.memory_space<vmem_shared>>) target(%arg13 : memref<3840xi32, #tpu.memory_space<vmem>>) target_semaphore(%run_scoped3A : memref<!tpu.dma_semaphore, #tpu.memory_space<semaphore_mem>>)
      %dma_wait3A = tpu.memref_slice %arg22[%mul3A_0] : memref<61440xi32, #tpu.memory_space<vmem_shared>> -> memref<3840xi32, #tpu.memory_space<vmem_shared>>
      %dma_wait3A_346 = tpu.memref_slice %arg22[%mul3A_0] : memref<61440xi32, #tpu.memory_space<vmem_shared>> -> memref<3840xi32, #tpu.memory_space<vmem_shared>>
      tpu.wait_dma2 semaphore(%run_scoped3A : memref<!tpu.dma_semaphore, #tpu.memory_space<semaphore_mem>>) src(%dma_wait3A_346 : memref<3840xi32, #tpu.memory_space<vmem_shared>>) dst(%arg13 : memref<3840xi32, #tpu.memory_space<vmem>>)
      tpu.yield
    }) : () -> ()
    "tpu.region"() ({
      %run_scoped3A = tpu.sem_alloc : memref<!tpu.dma_semaphore, #tpu.memory_space<semaphore_mem>>
      %dma_start3A = tpu.memref_slice %arg23[%mul3A_0] : memref<61440xi32, #tpu.memory_space<vmem_shared>> -> memref<3840xi32, #tpu.memory_space<vmem_shared>>
      %dma_start3A_345 = tpu.memref_slice %arg23[%mul3A_0] : memref<61440xi32, #tpu.memory_space<vmem_shared>> -> memref<3840xi32, #tpu.memory_space<vmem_shared>>
      tpu.enqueue_dma source(%dma_start3A_345 : memref<3840xi32, #tpu.memory_space<vmem_shared>>) target(%arg14 : memref<3840xi32, #tpu.memory_space<vmem>>) target_semaphore(%run_scoped3A : memref<!tpu.dma_semaphore, #tpu.memory_space<semaphore_mem>>)
      %dma_wait3A = tpu.memref_slice %arg23[%mul3A_0] : memref<61440xi32, #tpu.memory_space<vmem_shared>> -> memref<3840xi32, #tpu.memory_space<vmem_shared>>
      %dma_wait3A_346 = tpu.memref_slice %arg23[%mul3A_0] : memref<61440xi32, #tpu.memory_space<vmem_shared>> -> memref<3840xi32, #tpu.memory_space<vmem_shared>>
      tpu.wait_dma2 semaphore(%run_scoped3A : memref<!tpu.dma_semaphore, #tpu.memory_space<semaphore_mem>>) src(%dma_wait3A_346 : memref<3840xi32, #tpu.memory_space<vmem_shared>>) dst(%arg14 : memref<3840xi32, #tpu.memory_space<vmem>>)
      tpu.yield
    }) : () -> ()
    %broadcast_in_dim3A_171 = arith.constant 0 : i32
    %broadcast_in_dim3A_172 = vector.broadcast %broadcast_in_dim3A_171 : i32 to vector<16xi32>
    %swap3A_173 = arith.constant 0 : index
    %swap3A_174 = tpu.vector_load %arg17[%swap3A_173] {strides = array<i32>} : memref<256xi32, #tpu.memory_space<vmem>>, vector<16xi32>,
    tpu.vector_store %arg17[%swap3A_173], %broadcast_in_dim3A_172 {strides = array<i32>} : memref<256xi32, #tpu.memory_space<vmem>>, vector<16xi32>,
    %broadcast_in_dim3A_175 = arith.constant 0 : i32
    %broadcast_in_dim3A_176 = vector.broadcast %broadcast_in_dim3A_175 : i32 to vector<16xi32>
    %swap3A_177 = arith.constant 16 : index
    %swap3A_178 = tpu.vector_load %arg17[%swap3A_177] {strides = array<i32>} : memref<256xi32, #tpu.memory_space<vmem>>, vector<16xi32>,
    tpu.vector_store %arg17[%swap3A_177], %broadcast_in_dim3A_176 {strides = array<i32>} : memref<256xi32, #tpu.memory_space<vmem>>, vector<16xi32>,
    %broadcast_in_dim3A_179 = arith.constant 0 : i32
    %broadcast_in_dim3A_180 = vector.broadcast %broadcast_in_dim3A_179 : i32 to vector<16xi32>
    %swap3A_181 = arith.constant 32 : index
    %swap3A_182 = tpu.vector_load %arg17[%swap3A_181] {strides = array<i32>} : memref<256xi32, #tpu.memory_space<vmem>>, vector<16xi32>,
    tpu.vector_store %arg17[%swap3A_181], %broadcast_in_dim3A_180 {strides = array<i32>} : memref<256xi32, #tpu.memory_space<vmem>>, vector<16xi32>,
    %broadcast_in_dim3A_183 = arith.constant 0 : i32
    %broadcast_in_dim3A_184 = vector.broadcast %broadcast_in_dim3A_183 : i32 to vector<16xi32>
    %swap3A_185 = arith.constant 48 : index
    %swap3A_186 = tpu.vector_load %arg17[%swap3A_185] {strides = array<i32>} : memref<256xi32, #tpu.memory_space<vmem>>, vector<16xi32>,
    tpu.vector_store %arg17[%swap3A_185], %broadcast_in_dim3A_184 {strides = array<i32>} : memref<256xi32, #tpu.memory_space<vmem>>, vector<16xi32>,
    %broadcast_in_dim3A_187 = arith.constant 0 : i32
    %broadcast_in_dim3A_188 = vector.broadcast %broadcast_in_dim3A_187 : i32 to vector<16xi32>
    %swap3A_189 = arith.constant 64 : index
    %swap3A_190 = tpu.vector_load %arg17[%swap3A_189] {strides = array<i32>} : memref<256xi32, #tpu.memory_space<vmem>>, vector<16xi32>,
    tpu.vector_store %arg17[%swap3A_189], %broadcast_in_dim3A_188 {strides = array<i32>} : memref<256xi32, #tpu.memory_space<vmem>>, vector<16xi32>,
    %broadcast_in_dim3A_191 = arith.constant 0 : i32
    %broadcast_in_dim3A_192 = vector.broadcast %broadcast_in_dim3A_191 : i32 to vector<16xi32>
    %swap3A_193 = arith.constant 80 : index
    %swap3A_194 = tpu.vector_load %arg17[%swap3A_193] {strides = array<i32>} : memref<256xi32, #tpu.memory_space<vmem>>, vector<16xi32>,
    tpu.vector_store %arg17[%swap3A_193], %broadcast_in_dim3A_192 {strides = array<i32>} : memref<256xi32, #tpu.memory_space<vmem>>, vector<16xi32>,
    %broadcast_in_dim3A_195 = arith.constant 0 : i32
    %broadcast_in_dim3A_196 = vector.broadcast %broadcast_in_dim3A_195 : i32 to vector<16xi32>
    %swap3A_197 = arith.constant 96 : index
    %swap3A_198 = tpu.vector_load %arg17[%swap3A_197] {strides = array<i32>} : memref<256xi32, #tpu.memory_space<vmem>>, vector<16xi32>,
    tpu.vector_store %arg17[%swap3A_197], %broadcast_in_dim3A_196 {strides = array<i32>} : memref<256xi32, #tpu.memory_space<vmem>>, vector<16xi32>,
    %broadcast_in_dim3A_199 = arith.constant 0 : i32
    %broadcast_in_dim3A_200 = vector.broadcast %broadcast_in_dim3A_199 : i32 to vector<16xi32>
    %swap3A_201 = arith.constant 112 : index
    %swap3A_202 = tpu.vector_load %arg17[%swap3A_201] {strides = array<i32>} : memref<256xi32, #tpu.memory_space<vmem>>, vector<16xi32>,
    tpu.vector_store %arg17[%swap3A_201], %broadcast_in_dim3A_200 {strides = array<i32>} : memref<256xi32, #tpu.memory_space<vmem>>, vector<16xi32>,
    %broadcast_in_dim3A_203 = arith.constant 0 : i32
    %broadcast_in_dim3A_204 = vector.broadcast %broadcast_in_dim3A_203 : i32 to vector<16xi32>
    %swap3A_205 = arith.constant 128 : index
    %swap3A_206 = tpu.vector_load %arg17[%swap3A_205] {strides = array<i32>} : memref<256xi32, #tpu.memory_space<vmem>>, vector<16xi32>,
    tpu.vector_store %arg17[%swap3A_205], %broadcast_in_dim3A_204 {strides = array<i32>} : memref<256xi32, #tpu.memory_space<vmem>>, vector<16xi32>,
    %broadcast_in_dim3A_207 = arith.constant 0 : i32
    %broadcast_in_dim3A_208 = vector.broadcast %broadcast_in_dim3A_207 : i32 to vector<16xi32>
    %swap3A_209 = arith.constant 144 : index
    %swap3A_210 = tpu.vector_load %arg17[%swap3A_209] {strides = array<i32>} : memref<256xi32, #tpu.memory_space<vmem>>, vector<16xi32>,
    tpu.vector_store %arg17[%swap3A_209], %broadcast_in_dim3A_208 {strides = array<i32>} : memref<256xi32, #tpu.memory_space<vmem>>, vector<16xi32>,
    %broadcast_in_dim3A_211 = arith.constant 0 : i32
    %broadcast_in_dim3A_212 = vector.broadcast %broadcast_in_dim3A_211 : i32 to vector<16xi32>
    %swap3A_213 = arith.constant 160 : index
    %swap3A_214 = tpu.vector_load %arg17[%swap3A_213] {strides = array<i32>} : memref<256xi32, #tpu.memory_space<vmem>>, vector<16xi32>,
    tpu.vector_store %arg17[%swap3A_213], %broadcast_in_dim3A_212 {strides = array<i32>} : memref<256xi32, #tpu.memory_space<vmem>>, vector<16xi32>,
    %broadcast_in_dim3A_215 = arith.constant 0 : i32
    %broadcast_in_dim3A_216 = vector.broadcast %broadcast_in_dim3A_215 : i32 to vector<16xi32>
    %swap3A_217 = arith.constant 176 : index
    %swap3A_218 = tpu.vector_load %arg17[%swap3A_217] {strides = array<i32>} : memref<256xi32, #tpu.memory_space<vmem>>, vector<16xi32>,
    tpu.vector_store %arg17[%swap3A_217], %broadcast_in_dim3A_216 {strides = array<i32>} : memref<256xi32, #tpu.memory_space<vmem>>, vector<16xi32>,
    %broadcast_in_dim3A_219 = arith.constant 0 : i32
    %broadcast_in_dim3A_220 = vector.broadcast %broadcast_in_dim3A_219 : i32 to vector<16xi32>
    %swap3A_221 = arith.constant 192 : index
    %swap3A_222 = tpu.vector_load %arg17[%swap3A_221] {strides = array<i32>} : memref<256xi32, #tpu.memory_space<vmem>>, vector<16xi32>,
    tpu.vector_store %arg17[%swap3A_221], %broadcast_in_dim3A_220 {strides = array<i32>} : memref<256xi32, #tpu.memory_space<vmem>>, vector<16xi32>,
    %broadcast_in_dim3A_223 = arith.constant 0 : i32
    %broadcast_in_dim3A_224 = vector.broadcast %broadcast_in_dim3A_223 : i32 to vector<16xi32>
    %swap3A_225 = arith.constant 208 : index
    %swap3A_226 = tpu.vector_load %arg17[%swap3A_225] {strides = array<i32>} : memref<256xi32, #tpu.memory_space<vmem>>, vector<16xi32>,
    tpu.vector_store %arg17[%swap3A_225], %broadcast_in_dim3A_224 {strides = array<i32>} : memref<256xi32, #tpu.memory_space<vmem>>, vector<16xi32>,
    %broadcast_in_dim3A_227 = arith.constant 0 : i32
    %broadcast_in_dim3A_228 = vector.broadcast %broadcast_in_dim3A_227 : i32 to vector<16xi32>
    %swap3A_229 = arith.constant 224 : index
    %swap3A_230 = tpu.vector_load %arg17[%swap3A_229] {strides = array<i32>} : memref<256xi32, #tpu.memory_space<vmem>>, vector<16xi32>,
    tpu.vector_store %arg17[%swap3A_229], %broadcast_in_dim3A_228 {strides = array<i32>} : memref<256xi32, #tpu.memory_space<vmem>>, vector<16xi32>,
    %broadcast_in_dim3A_231 = arith.constant 0 : i32
    %broadcast_in_dim3A_232 = vector.broadcast %broadcast_in_dim3A_231 : i32 to vector<16xi32>
    %swap3A_233 = arith.constant 240 : index
    %swap3A_234 = tpu.vector_load %arg17[%swap3A_233] {strides = array<i32>} : memref<256xi32, #tpu.memory_space<vmem>>, vector<16xi32>,
    tpu.vector_store %arg17[%swap3A_233], %broadcast_in_dim3A_232 {strides = array<i32>} : memref<256xi32, #tpu.memory_space<vmem>>, vector<16xi32>,
    %scan3A_235 = arith.constant 0 : i32
    %scan3A_236 = arith.constant 0 : i32
    %scan3A_237 = arith.constant 120 : i32
    %scan3A_238 = arith.addi %scan3A_236, %scan3A_237 : i32
    %scan3A_239 = arith.constant 1 : i32
    %scan3A_240 = scf.for %scan3A_345 = %scan3A_236 to %scan3A_238 step %scan3A_239 iter_args(%scan3A_346 = %scan3A_235) -> (i32)  : i32 {
      %mul3A_347 = arith.constant 2 : i32
      %mul3A_348 = arith.muli %mul3A_347, %scan3A_345 : i32
      %iota3A_349 = tpu.iota {dimensions = array<i32: 0>} : vector<16xi32>
      %mul3A_350 = arith.constant 16 : i32
      %mul3A_351 = arith.muli %mul3A_348, %mul3A_350 : i32
      %get3A = arith.index_cast %mul3A_351 : i32 to index
      %get3A_352 = tpu.vector_load %arg13[%get3A] {strides = array<i32>} : memref<3840xi32, #tpu.memory_space<vmem>>, vector<16xi32>,
      %broadcast_in_dim3A_353 = arith.constant 16 : i32
      %broadcast_in_dim3A_354 = vector.broadcast %broadcast_in_dim3A_353 : i32 to vector<16xi32>
      %shift_right_logical3A = arith.shrui %get3A_352, %broadcast_in_dim3A_354 : vector<16xi32>
      %broadcast_in_dim3A_355 = arith.constant 255 : i32
      %broadcast_in_dim3A_356 = vector.broadcast %broadcast_in_dim3A_355 : i32 to vector<16xi32>
      %and3A = arith.andi %shift_right_logical3A, %broadcast_in_dim3A_356 : vector<16xi32>
      %broadcast_in_dim3A_357 = arith.constant 4 : i32
      %broadcast_in_dim3A_358 = vector.broadcast %broadcast_in_dim3A_357 : i32 to vector<16xi32>
      %shift_left3A = arith.shli %and3A, %broadcast_in_dim3A_358 : vector<16xi32>
      %or3A = arith.ori %shift_left3A, %iota3A_349 : vector<16xi32>
      %masked_sort3A = arith.constant dense<true> : vector<16xi1>
      %masked_sort3A_359 = arith.constant -2147483648 : i32
      %masked_sort3A_360 = vector.broadcast %masked_sort3A_359 : i32 to vector<16xi32>
      %masked_sort3A_361 = arith.xori %or3A, %masked_sort3A_360 : vector<16xi32>
      %masked_sort3A_362, %masked_sort3A_363, %masked_sort3A_364 = tpu.sort %masked_sort3A_361, %iota3A_349 masked %masked_sort3A : (vector<16xi32>, vector<16xi32>, vector<16xi1>) -> (vector<16xi1>, vector<16xi32>, vector<16xi32>)
      %masked_sort3A_365 = arith.xori %masked_sort3A_363, %masked_sort3A_360 : vector<16xi32>
      %broadcast_in_dim3A_366 = arith.constant 4 : i32
      %broadcast_in_dim3A_367 = vector.broadcast %broadcast_in_dim3A_366 : i32 to vector<16xi32>
      %shift_right_logical3A_368 = arith.shrui %masked_sort3A_365, %broadcast_in_dim3A_367 : vector<16xi32>
      %broadcast_in_dim3A_369 = arith.constant 15 : i32
      %broadcast_in_dim3A_370 = vector.broadcast %broadcast_in_dim3A_369 : i32 to vector<16xi32>
      %and3A_371 = arith.andi %masked_sort3A_365, %broadcast_in_dim3A_370 : vector<16xi32>
      %swap3A_372 = arith.constant 0 : index
      %swap3A_373 = tpu.vector_load %arg20[%swap3A_372] {strides = array<i32>} : memref<16xi32, #tpu.memory_space<vmem>>, vector<16xi32>,
      tpu.vector_store %arg20[%swap3A_372], %shift_right_logical3A_368 {strides = array<i32>} : memref<16xi32, #tpu.memory_space<vmem>>, vector<16xi32>,
      %sub3A = arith.constant 1 : i32
      %sub3A_374 = vector.broadcast %sub3A : i32 to vector<16xi32>
      %sub3A_375 = arith.subi %iota3A_349, %sub3A_374 : vector<16xi32>
      %max3A = arith.constant 0 : i32
      %max3A_376 = vector.broadcast %max3A : i32 to vector<16xi32>
      %max3A_377 = arith.maxsi %sub3A_375, %max3A_376 : vector<16xi32>
      %gather3A = tpu.vector_load_idx %arg20[%max3A_377] : memref<16xi32, #tpu.memory_space<vmem>>[vector<16xi32>], vector<16xi32>,
      %add3A = arith.constant 1 : i32
      %add3A_378 = vector.broadcast %add3A : i32 to vector<16xi32>
      %add3A_379 = arith.addi %iota3A_349, %add3A_378 : vector<16xi32>
      %min3A = arith.constant 15 : i32
      %min3A_380 = vector.broadcast %min3A : i32 to vector<16xi32>
      %min3A_381 = arith.minsi %add3A_379, %min3A_380 : vector<16xi32>
      %gather3A_382 = tpu.vector_load_idx %arg20[%min3A_381] : memref<16xi32, #tpu.memory_space<vmem>>[vector<16xi32>], vector<16xi32>,
      %ne3A = arith.cmpi ne, %shift_right_logical3A_368, %gather3A : vector<16xi32>
      %jit3A = arith.constant 0 : i32
      %broadcast_in_dim3A_383 = vector.broadcast %jit3A : i32 to vector<16xi32>
      %select_n3A = arith.select %ne3A, %iota3A_349, %broadcast_in_dim3A_383 : vector<16xi1>, vector<16xi32>
      %broadcast_in_dim3A_384 = arith.constant true
      %broadcast_in_dim3A_385 = vector.broadcast %broadcast_in_dim3A_384 : i1 to vector<16xi1>
      %masked_cummax3A = arith.constant -2147483648 : i32
      %masked_cummax3A_386 = vector.broadcast %masked_cummax3A : i32 to vector<16xi32>
      %masked_cummax3A_387 = arith.xori %select_n3A, %masked_cummax3A_386 : vector<16xi32>
      %masked_cummax3A_388 = tpu.scan <max>, %masked_cummax3A_387 masked %broadcast_in_dim3A_385 : vector<16xi32>, vector<16xi1> -> vector<16xi32>
      %masked_cummax3A_389 = arith.xori %masked_cummax3A_388, %masked_cummax3A_386 : vector<16xi32>
      %sub3A_390 = arith.subi %iota3A_349, %masked_cummax3A_389 : vector<16xi32>
      %ne3A_391 = arith.cmpi ne, %shift_right_logical3A_368, %gather3A_382 : vector<16xi32>
      %eq3A = arith.constant 15 : i32
      %eq3A_392 = vector.broadcast %eq3A : i32 to vector<16xi32>
      %eq3A_393 = arith.cmpi eq, %iota3A_349, %eq3A_392 : vector<16xi32>
      %or3A_394 = arith.ori %ne3A_391, %eq3A_393 : vector<16xi1>
      %broadcast_in_dim3A_395 = arith.constant 8 : i32
      %broadcast_in_dim3A_396 = vector.broadcast %broadcast_in_dim3A_395 : i32 to vector<16xi32>
      %broadcast_in_dim3A_397 = arith.constant 4 : i32
      %broadcast_in_dim3A_398 = vector.broadcast %broadcast_in_dim3A_397 : i32 to vector<16xi32>
      %broadcast_in_dim3A_399 = arith.constant 16 : i32
      %broadcast_in_dim3A_400 = vector.broadcast %broadcast_in_dim3A_399 : i32 to vector<16xi32>
      %shift_left3A_401 = arith.shli %shift_right_logical3A_368, %broadcast_in_dim3A_396 : vector<16xi32>
      %shift_left3A_402 = arith.shli %and3A_371, %broadcast_in_dim3A_398 : vector<16xi32>
      %or3A_403 = arith.ori %shift_left3A_401, %shift_left3A_402 : vector<16xi32>
      %or3A_404 = arith.ori %or3A_403, %sub3A_390 : vector<16xi32>
      %jit3A_405 = arith.constant 1 : i32
      %jit3A_406 = arith.constant 0 : i32
      %broadcast_in_dim3A_407 = vector.broadcast %jit3A_405 : i32 to vector<16xi32>
      %broadcast_in_dim3A_408 = vector.broadcast %jit3A_406 : i32 to vector<16xi32>
      %select_n3A_409 = arith.select %or3A_394, %broadcast_in_dim3A_407, %broadcast_in_dim3A_408 : vector<16xi1>, vector<16xi32>
      %shift_left3A_410 = arith.shli %select_n3A_409, %broadcast_in_dim3A_400 : vector<16xi32>
      %or3A_411 = arith.ori %or3A_404, %shift_left3A_410 : vector<16xi32>
      %mul3A_412 = arith.constant 16 : i32
      %mul3A_413 = arith.muli %mul3A_348, %mul3A_412 : i32
      %swap3A_414 = arith.index_cast %mul3A_413 : i32 to index
      %swap3A_415 = tpu.vector_load %arg15[%swap3A_414] {strides = array<i32>} : memref<3840xi32, #tpu.memory_space<vmem>>, vector<16xi32>,
      tpu.vector_store %arg15[%swap3A_414], %or3A_411 {strides = array<i32>} : memref<3840xi32, #tpu.memory_space<vmem>>, vector<16xi32>,
      %add3A_416 = arith.constant 1 : i32
      %add3A_417 = vector.broadcast %add3A_416 : i32 to vector<16xi32>
      %add3A_418 = arith.addi %sub3A_390, %add3A_417 : vector<16xi32>
      tpu.vector_store_idx %arg17[%shift_right_logical3A_368], %add3A_418 masked %or3A_394 {add = true} : memref<256xi32, #tpu.memory_space<vmem>>[vector<16xi32>], vector<16xi32>, vector<16xi1>
      %mul3A_419 = arith.constant 2 : i32
      %mul3A_420 = arith.muli %mul3A_419, %scan3A_345 : i32
      %add3A_421 = arith.constant 1 : i32
      %add3A_422 = arith.addi %mul3A_420, %add3A_421 : i32
      %iota3A_423 = tpu.iota {dimensions = array<i32: 0>} : vector<16xi32>
      %mul3A_424 = arith.constant 16 : i32
      %mul3A_425 = arith.muli %add3A_422, %mul3A_424 : i32
      %get3A_426 = arith.index_cast %mul3A_425 : i32 to index
      %get3A_427 = tpu.vector_load %arg13[%get3A_426] {strides = array<i32>} : memref<3840xi32, #tpu.memory_space<vmem>>, vector<16xi32>,
      %broadcast_in_dim3A_428 = arith.constant 16 : i32
      %broadcast_in_dim3A_429 = vector.broadcast %broadcast_in_dim3A_428 : i32 to vector<16xi32>
      %shift_right_logical3A_430 = arith.shrui %get3A_427, %broadcast_in_dim3A_429 : vector<16xi32>
      %broadcast_in_dim3A_431 = arith.constant 255 : i32
      %broadcast_in_dim3A_432 = vector.broadcast %broadcast_in_dim3A_431 : i32 to vector<16xi32>
      %and3A_433 = arith.andi %shift_right_logical3A_430, %broadcast_in_dim3A_432 : vector<16xi32>
      %broadcast_in_dim3A_434 = arith.constant 4 : i32
      %broadcast_in_dim3A_435 = vector.broadcast %broadcast_in_dim3A_434 : i32 to vector<16xi32>
      %shift_left3A_436 = arith.shli %and3A_433, %broadcast_in_dim3A_435 : vector<16xi32>
      %or3A_437 = arith.ori %shift_left3A_436, %iota3A_423 : vector<16xi32>
      %masked_sort3A_438 = arith.constant dense<true> : vector<16xi1>
      %masked_sort3A_439 = arith.constant -2147483648 : i32
      %masked_sort3A_440 = vector.broadcast %masked_sort3A_439 : i32 to vector<16xi32>
      %masked_sort3A_441 = arith.xori %or3A_437, %masked_sort3A_440 : vector<16xi32>
      %masked_sort3A_442, %masked_sort3A_443, %masked_sort3A_444 = tpu.sort %masked_sort3A_441, %iota3A_423 masked %masked_sort3A_438 : (vector<16xi32>, vector<16xi32>, vector<16xi1>) -> (vector<16xi1>, vector<16xi32>, vector<16xi32>)
      %masked_sort3A_445 = arith.xori %masked_sort3A_443, %masked_sort3A_440 : vector<16xi32>
      %broadcast_in_dim3A_446 = arith.constant 4 : i32
      %broadcast_in_dim3A_447 = vector.broadcast %broadcast_in_dim3A_446 : i32 to vector<16xi32>
      %shift_right_logical3A_448 = arith.shrui %masked_sort3A_445, %broadcast_in_dim3A_447 : vector<16xi32>
      %broadcast_in_dim3A_449 = arith.constant 15 : i32
      %broadcast_in_dim3A_450 = vector.broadcast %broadcast_in_dim3A_449 : i32 to vector<16xi32>
      %and3A_451 = arith.andi %masked_sort3A_445, %broadcast_in_dim3A_450 : vector<16xi32>
      %swap3A_452 = arith.constant 0 : index
      %swap3A_453 = tpu.vector_load %arg20[%swap3A_452] {strides = array<i32>} : memref<16xi32, #tpu.memory_space<vmem>>, vector<16xi32>,
      tpu.vector_store %arg20[%swap3A_452], %shift_right_logical3A_448 {strides = array<i32>} : memref<16xi32, #tpu.memory_space<vmem>>, vector<16xi32>,
      %sub3A_454 = arith.constant 1 : i32
      %sub3A_455 = vector.broadcast %sub3A_454 : i32 to vector<16xi32>
      %sub3A_456 = arith.subi %iota3A_423, %sub3A_455 : vector<16xi32>
      %max3A_457 = arith.constant 0 : i32
      %max3A_458 = vector.broadcast %max3A_457 : i32 to vector<16xi32>
      %max3A_459 = arith.maxsi %sub3A_456, %max3A_458 : vector<16xi32>
      %gather3A_460 = tpu.vector_load_idx %arg20[%max3A_459] : memref<16xi32, #tpu.memory_space<vmem>>[vector<16xi32>], vector<16xi32>,
      %add3A_461 = arith.constant 1 : i32
      %add3A_462 = vector.broadcast %add3A_461 : i32 to vector<16xi32>
      %add3A_463 = arith.addi %iota3A_423, %add3A_462 : vector<16xi32>
      %min3A_464 = arith.constant 15 : i32
      %min3A_465 = vector.broadcast %min3A_464 : i32 to vector<16xi32>
      %min3A_466 = arith.minsi %add3A_463, %min3A_465 : vector<16xi32>
      %gather3A_467 = tpu.vector_load_idx %arg20[%min3A_466] : memref<16xi32, #tpu.memory_space<vmem>>[vector<16xi32>], vector<16xi32>,
      %ne3A_468 = arith.cmpi ne, %shift_right_logical3A_448, %gather3A_460 : vector<16xi32>
      %jit3A_469 = arith.constant 0 : i32
      %broadcast_in_dim3A_470 = vector.broadcast %jit3A_469 : i32 to vector<16xi32>
      %select_n3A_471 = arith.select %ne3A_468, %iota3A_423, %broadcast_in_dim3A_470 : vector<16xi1>, vector<16xi32>
      %broadcast_in_dim3A_472 = arith.constant true
      %broadcast_in_dim3A_473 = vector.broadcast %broadcast_in_dim3A_472 : i1 to vector<16xi1>
      %masked_cummax3A_474 = arith.constant -2147483648 : i32
      %masked_cummax3A_475 = vector.broadcast %masked_cummax3A_474 : i32 to vector<16xi32>
      %masked_cummax3A_476 = arith.xori %select_n3A_471, %masked_cummax3A_475 : vector<16xi32>
      %masked_cummax3A_477 = tpu.scan <max>, %masked_cummax3A_476 masked %broadcast_in_dim3A_473 : vector<16xi32>, vector<16xi1> -> vector<16xi32>
      %masked_cummax3A_478 = arith.xori %masked_cummax3A_477, %masked_cummax3A_475 : vector<16xi32>
      %sub3A_479 = arith.subi %iota3A_423, %masked_cummax3A_478 : vector<16xi32>
      %ne3A_480 = arith.cmpi ne, %shift_right_logical3A_448, %gather3A_467 : vector<16xi32>
      %eq3A_481 = arith.constant 15 : i32
      %eq3A_482 = vector.broadcast %eq3A_481 : i32 to vector<16xi32>
      %eq3A_483 = arith.cmpi eq, %iota3A_423, %eq3A_482 : vector<16xi32>
      %or3A_484 = arith.ori %ne3A_480, %eq3A_483 : vector<16xi1>
      %broadcast_in_dim3A_485 = arith.constant 8 : i32
      %broadcast_in_dim3A_486 = vector.broadcast %broadcast_in_dim3A_485 : i32 to vector<16xi32>
      %broadcast_in_dim3A_487 = arith.constant 4 : i32
      %broadcast_in_dim3A_488 = vector.broadcast %broadcast_in_dim3A_487 : i32 to vector<16xi32>
      %broadcast_in_dim3A_489 = arith.constant 16 : i32
      %broadcast_in_dim3A_490 = vector.broadcast %broadcast_in_dim3A_489 : i32 to vector<16xi32>
      %shift_left3A_491 = arith.shli %shift_right_logical3A_448, %broadcast_in_dim3A_486 : vector<16xi32>
      %shift_left3A_492 = arith.shli %and3A_451, %broadcast_in_dim3A_488 : vector<16xi32>
      %or3A_493 = arith.ori %shift_left3A_491, %shift_left3A_492 : vector<16xi32>
      %or3A_494 = arith.ori %or3A_493, %sub3A_479 : vector<16xi32>
      %jit3A_495 = arith.constant 1 : i32
      %jit3A_496 = arith.constant 0 : i32
      %broadcast_in_dim3A_497 = vector.broadcast %jit3A_495 : i32 to vector<16xi32>
      %broadcast_in_dim3A_498 = vector.broadcast %jit3A_496 : i32 to vector<16xi32>
      %select_n3A_499 = arith.select %or3A_484, %broadcast_in_dim3A_497, %broadcast_in_dim3A_498 : vector<16xi1>, vector<16xi32>
      %shift_left3A_500 = arith.shli %select_n3A_499, %broadcast_in_dim3A_490 : vector<16xi32>
      %or3A_501 = arith.ori %or3A_494, %shift_left3A_500 : vector<16xi32>
      %mul3A_502 = arith.constant 16 : i32
      %mul3A_503 = arith.muli %add3A_422, %mul3A_502 : i32
      %swap3A_504 = arith.index_cast %mul3A_503 : i32 to index
      %swap3A_505 = tpu.vector_load %arg15[%swap3A_504] {strides = array<i32>} : memref<3840xi32, #tpu.memory_space<vmem>>, vector<16xi32>,
      tpu.vector_store %arg15[%swap3A_504], %or3A_501 {strides = array<i32>} : memref<3840xi32, #tpu.memory_space<vmem>>, vector<16xi32>,
      %add3A_506 = arith.constant 1 : i32
      %add3A_507 = vector.broadcast %add3A_506 : i32 to vector<16xi32>
      %add3A_508 = arith.addi %sub3A_479, %add3A_507 : vector<16xi32>
      tpu.vector_store_idx %arg17[%shift_right_logical3A_448], %add3A_508 masked %or3A_484 {add = true} : memref<256xi32, #tpu.memory_space<vmem>>[vector<16xi32>], vector<16xi32>, vector<16xi1>
      %scan3A_509 = arith.constant 0 : i32
      scf.yield %scan3A_509 : i32
    }
    %scan3A_241 = arith.constant 120 : i32
    "tpu.region"() ({
      %run_scoped3A = tpu.sem_alloc : memref<!tpu.dma_semaphore, #tpu.memory_space<semaphore_mem>>
      %dma_start3A = arith.constant 0 : i32
      %dma_start3A_345 = tpu.memref_slice %arg26[%arg1, %dma_start3A] : memref<16x256xi32, #tpu.memory_space<vmem_shared>> -> memref<1x256xi32, #tpu.memory_space<vmem_shared>>
      %dma_start3A_346 = tpu.memref_squeeze %dma_start3A_345 : memref<1x256xi32, #tpu.memory_space<vmem_shared>> -> memref<256xi32, #tpu.memory_space<vmem_shared>>
      %dma_start3A_347 = arith.constant 0 : i32
      %dma_start3A_348 = tpu.memref_slice %arg26[%arg1, %dma_start3A_347] : memref<16x256xi32, #tpu.memory_space<vmem_shared>> -> memref<1x256xi32, #tpu.memory_space<vmem_shared>>
      %dma_start3A_349 = tpu.memref_squeeze %dma_start3A_348 : memref<1x256xi32, #tpu.memory_space<vmem_shared>> -> memref<256xi32, #tpu.memory_space<vmem_shared>>
      tpu.enqueue_dma source(%arg17 : memref<256xi32, #tpu.memory_space<vmem>>) target(%dma_start3A_349 : memref<256xi32, #tpu.memory_space<vmem_shared>>) target_semaphore(%run_scoped3A : memref<!tpu.dma_semaphore, #tpu.memory_space<semaphore_mem>>)
      %dma_wait3A = arith.constant 0 : i32
      %dma_wait3A_350 = tpu.memref_slice %arg26[%arg1, %dma_wait3A] : memref<16x256xi32, #tpu.memory_space<vmem_shared>> -> memref<1x256xi32, #tpu.memory_space<vmem_shared>>
      %dma_wait3A_351 = tpu.memref_squeeze %dma_wait3A_350 : memref<1x256xi32, #tpu.memory_space<vmem_shared>> -> memref<256xi32, #tpu.memory_space<vmem_shared>>
      %dma_wait3A_352 = arith.constant 0 : i32
      %dma_wait3A_353 = tpu.memref_slice %arg26[%arg1, %dma_wait3A_352] : memref<16x256xi32, #tpu.memory_space<vmem_shared>> -> memref<1x256xi32, #tpu.memory_space<vmem_shared>>
      %dma_wait3A_354 = tpu.memref_squeeze %dma_wait3A_353 : memref<1x256xi32, #tpu.memory_space<vmem_shared>> -> memref<256xi32, #tpu.memory_space<vmem_shared>>
      tpu.wait_dma2 semaphore(%run_scoped3A : memref<!tpu.dma_semaphore, #tpu.memory_space<semaphore_mem>>) src(%arg17 : memref<256xi32, #tpu.memory_space<vmem>>) dst(%dma_wait3A_354 : memref<256xi32, #tpu.memory_space<vmem_shared>>)
      tpu.yield
    }) : () -> ()
    %barrier3A_242 = arith.constant 0 : index
    tpu.barrier barrier_id(%barrier3A_242)
    "tpu.region"() ({
      %run_scoped3A = tpu.sem_alloc : memref<!tpu.dma_semaphore, #tpu.memory_space<semaphore_mem>>
      tpu.enqueue_dma source(%arg26 : memref<16x256xi32, #tpu.memory_space<vmem_shared>>) target(%arg19 : memref<16x256xi32, #tpu.memory_space<vmem>>) target_semaphore(%run_scoped3A : memref<!tpu.dma_semaphore, #tpu.memory_space<semaphore_mem>>)
      tpu.wait_dma2 semaphore(%run_scoped3A : memref<!tpu.dma_semaphore, #tpu.memory_space<semaphore_mem>>) src(%arg26 : memref<16x256xi32, #tpu.memory_space<vmem_shared>>) dst(%arg19 : memref<16x256xi32, #tpu.memory_space<vmem>>)
      tpu.yield
    }) : () -> ()
    %scan3A_243 = arith.constant 0 : i32
    %scan3A_244 = arith.constant 0 : i32
    %scan3A_245 = arith.constant 16 : i32
    %scan3A_246 = arith.addi %scan3A_244, %scan3A_245 : i32
    %scan3A_247 = arith.constant 1 : i32
    %scan3A_248 = scf.for %scan3A_345 = %scan3A_244 to %scan3A_246 step %scan3A_247 iter_args(%scan3A_346 = %scan3A_243) -> (i32)  : i32 {
      %broadcast_in_dim3A_347 = arith.constant 0 : i32
      %broadcast_in_dim3A_348 = vector.broadcast %broadcast_in_dim3A_347 : i32 to vector<16xi32>
      %broadcast_in_dim3A_349 = arith.constant 0 : i32
      %broadcast_in_dim3A_350 = vector.broadcast %broadcast_in_dim3A_349 : i32 to vector<16xi32>
      %scan3A_351 = arith.constant 0 : i32
      %scan3A_352 = arith.constant 16 : i32
      %scan3A_353 = arith.addi %scan3A_351, %scan3A_352 : i32
      %scan3A_354 = arith.constant 1 : i32
      %scan3A_355:2 = scf.for %scan3A_369 = %scan3A_351 to %scan3A_353 step %scan3A_354 iter_args(%scan3A_370 = %broadcast_in_dim3A_348, %scan3A_371 = %broadcast_in_dim3A_350) -> (vector<16xi32>, vector<16xi32>)  : i32 {
        %mul3A_372 = arith.constant 16 : i32
        %mul3A_373 = arith.muli %scan3A_345, %mul3A_372 : i32
        %get3A = arith.index_cast %scan3A_369 : i32 to index
        %get3A_374 = arith.index_cast %mul3A_373 : i32 to index
        %get3A_375 = tpu.vector_load %arg19[%get3A, %get3A_374] {strides = array<i32>} : memref<16x256xi32, #tpu.memory_space<vmem>>, vector<16xi32>,
        %lt3A = arith.cmpi slt, %scan3A_369, %arg1 : i32
        %jit3A = arith.constant 1 : i32
        %jit3A_376 = arith.constant 0 : i32
        %select_n3A = arith.select %lt3A, %jit3A, %jit3A_376 : i32
        %add3A_377 = arith.addi %scan3A_370, %get3A_375 : vector<16xi32>
        %mul3A_378 = vector.broadcast %select_n3A : i32 to vector<16xi32>
        %mul3A_379 = arith.muli %get3A_375, %mul3A_378 : vector<16xi32>
        %add3A_380 = arith.addi %scan3A_371, %mul3A_379 : vector<16xi32>
        scf.yield %add3A_377, %add3A_380 : vector<16xi32>, vector<16xi32>
      }
      %scan3A_356 = arith.constant 16 : i32
      %broadcast_in_dim3A_357 = arith.constant true
      %broadcast_in_dim3A_358 = vector.broadcast %broadcast_in_dim3A_357 : i1 to vector<16xi1>
      %masked_cumsum3A = tpu.scan <sum>, %scan3A_355#0 masked %broadcast_in_dim3A_358 : vector<16xi32>, vector<16xi1> -> vector<16xi32>
      %sub3A = arith.subi %masked_cumsum3A, %scan3A_355#0 : vector<16xi32>
      %add3A = arith.addi %sub3A, %scan3A_355#1 : vector<16xi32>
      %add3A_359 = vector.broadcast %scan3A_346 : i32 to vector<16xi32>
      %add3A_360 = arith.addi %add3A, %add3A_359 : vector<16xi32>
      %mul3A_361 = arith.constant 16 : i32
      %mul3A_362 = arith.muli %scan3A_345, %mul3A_361 : i32
      %swap3A_363 = arith.index_cast %mul3A_362 : i32 to index
      %swap3A_364 = tpu.vector_load %arg18[%swap3A_363] {strides = array<i32>} : memref<256xi32, #tpu.memory_space<vmem>>, vector<16xi32>,
      tpu.vector_store %arg18[%swap3A_363], %add3A_360 {strides = array<i32>} : memref<256xi32, #tpu.memory_space<vmem>>, vector<16xi32>,
      %reduce_sum3A = arith.constant true
      %reduce_sum3A_365 = vector.broadcast %reduce_sum3A : i1 to vector<16xi1>
      %reduce_sum3A_366 = tpu.scan <sum>, %scan3A_355#0 masked %reduce_sum3A_365 : vector<16xi32>, vector<16xi1> -> vector<16xi32>
      %reduce_sum3A_367 = vector.extract %reduce_sum3A_366[15] : i32 from vector<16xi32>
      %add3A_368 = arith.addi %scan3A_346, %reduce_sum3A_367 : i32
      scf.yield %add3A_368 : i32
    }
    %scan3A_249 = arith.constant 16 : i32
    %scan3A_250 = arith.constant 0 : i32
    %scan3A_251 = arith.constant 0 : i32
    %scan3A_252 = arith.constant 120 : i32
    %scan3A_253 = arith.addi %scan3A_251, %scan3A_252 : i32
    %scan3A_254 = arith.constant 1 : i32
    %scan3A_255 = scf.for %scan3A_345 = %scan3A_251 to %scan3A_253 step %scan3A_254 iter_args(%scan3A_346 = %scan3A_250) -> (i32)  : i32 {
      %mul3A_347 = arith.constant 2 : i32
      %mul3A_348 = arith.muli %mul3A_347, %scan3A_345 : i32
      %broadcast_in_dim3A_349 = arith.constant 4 : i32
      %broadcast_in_dim3A_350 = vector.broadcast %broadcast_in_dim3A_349 : i32 to vector<16xi32>
      %broadcast_in_dim3A_351 = arith.constant 8 : i32
      %broadcast_in_dim3A_352 = vector.broadcast %broadcast_in_dim3A_351 : i32 to vector<16xi32>
      %broadcast_in_dim3A_353 = arith.constant 16 : i32
      %broadcast_in_dim3A_354 = vector.broadcast %broadcast_in_dim3A_353 : i32 to vector<16xi32>
      %broadcast_in_dim3A_355 = arith.constant 15 : i32
      %broadcast_in_dim3A_356 = vector.broadcast %broadcast_in_dim3A_355 : i32 to vector<16xi32>
      %mul3A_357 = arith.constant 16 : i32
      %mul3A_358 = arith.muli %mul3A_348, %mul3A_357 : i32
      %get3A = arith.index_cast %mul3A_358 : i32 to index
      %get3A_359 = tpu.vector_load %arg15[%get3A] {strides = array<i32>} : memref<3840xi32, #tpu.memory_space<vmem>>, vector<16xi32>,
      %and3A = arith.andi %get3A_359, %broadcast_in_dim3A_356 : vector<16xi32>
      %shift_right_logical3A = arith.shrui %get3A_359, %broadcast_in_dim3A_350 : vector<16xi32>
      %and3A_360 = arith.andi %shift_right_logical3A, %broadcast_in_dim3A_356 : vector<16xi32>
      %shift_right_logical3A_361 = arith.shrui %get3A_359, %broadcast_in_dim3A_352 : vector<16xi32>
      %broadcast_in_dim3A_362 = arith.constant 255 : i32
      %broadcast_in_dim3A_363 = vector.broadcast %broadcast_in_dim3A_362 : i32 to vector<16xi32>
      %and3A_364 = arith.andi %shift_right_logical3A_361, %broadcast_in_dim3A_363 : vector<16xi32>
      %shift_right_logical3A_365 = arith.shrui %get3A_359, %broadcast_in_dim3A_354 : vector<16xi32>
      %broadcast_in_dim3A_366 = arith.constant 1 : i32
      %broadcast_in_dim3A_367 = vector.broadcast %broadcast_in_dim3A_366 : i32 to vector<16xi32>
      %and3A_368 = arith.andi %shift_right_logical3A_365, %broadcast_in_dim3A_367 : vector<16xi32>
      %ne3A = arith.constant 0 : i32
      %ne3A_369 = vector.broadcast %ne3A : i32 to vector<16xi32>
      %ne3A_370 = arith.cmpi ne, %and3A_368, %ne3A_369 : vector<16xi32>
      %gather3A = tpu.vector_load_idx %arg18[%and3A_364] : memref<256xi32, #tpu.memory_space<vmem>>[vector<16xi32>], vector<16xi32>,
      %add3A = arith.addi %gather3A, %and3A : vector<16xi32>
      tpu.vector_store_idx %arg21[%and3A_360], %add3A : memref<16xi32, #tpu.memory_space<vmem>>[vector<16xi32>], vector<16xi32>,
      %get3A_371 = arith.constant 0 : index
      %get3A_372 = tpu.vector_load %arg21[%get3A_371] {strides = array<i32>} : memref<16xi32, #tpu.memory_space<vmem>>, vector<16xi32>,
      %mul3A_373 = arith.constant 16 : i32
      %mul3A_374 = arith.muli %mul3A_348, %mul3A_373 : i32
      %swap3A_375 = arith.index_cast %mul3A_374 : i32 to index
      %swap3A_376 = tpu.vector_load %arg16[%swap3A_375] {strides = array<i32>} : memref<3840xi32, #tpu.memory_space<vmem>>, vector<16xi32>,
      tpu.vector_store %arg16[%swap3A_375], %get3A_372 {strides = array<i32>} : memref<3840xi32, #tpu.memory_space<vmem>>, vector<16xi32>,
      %add3A_377 = arith.constant 1 : i32
      %add3A_378 = vector.broadcast %add3A_377 : i32 to vector<16xi32>
      %add3A_379 = arith.addi %and3A, %add3A_378 : vector<16xi32>
      tpu.vector_store_idx %arg18[%and3A_364], %add3A_379 masked %ne3A_370 {add = true} : memref<256xi32, #tpu.memory_space<vmem>>[vector<16xi32>], vector<16xi32>, vector<16xi1>
      %mul3A_380 = arith.constant 2 : i32
      %mul3A_381 = arith.muli %mul3A_380, %scan3A_345 : i32
      %add3A_382 = arith.constant 1 : i32
      %add3A_383 = arith.addi %mul3A_381, %add3A_382 : i32
      %broadcast_in_dim3A_384 = arith.constant 4 : i32
      %broadcast_in_dim3A_385 = vector.broadcast %broadcast_in_dim3A_384 : i32 to vector<16xi32>
      %broadcast_in_dim3A_386 = arith.constant 8 : i32
      %broadcast_in_dim3A_387 = vector.broadcast %broadcast_in_dim3A_386 : i32 to vector<16xi32>
      %broadcast_in_dim3A_388 = arith.constant 16 : i32
      %broadcast_in_dim3A_389 = vector.broadcast %broadcast_in_dim3A_388 : i32 to vector<16xi32>
      %broadcast_in_dim3A_390 = arith.constant 15 : i32
      %broadcast_in_dim3A_391 = vector.broadcast %broadcast_in_dim3A_390 : i32 to vector<16xi32>
      %mul3A_392 = arith.constant 16 : i32
      %mul3A_393 = arith.muli %add3A_383, %mul3A_392 : i32
      %get3A_394 = arith.index_cast %mul3A_393 : i32 to index
      %get3A_395 = tpu.vector_load %arg15[%get3A_394] {strides = array<i32>} : memref<3840xi32, #tpu.memory_space<vmem>>, vector<16xi32>,
      %and3A_396 = arith.andi %get3A_395, %broadcast_in_dim3A_391 : vector<16xi32>
      %shift_right_logical3A_397 = arith.shrui %get3A_395, %broadcast_in_dim3A_385 : vector<16xi32>
      %and3A_398 = arith.andi %shift_right_logical3A_397, %broadcast_in_dim3A_391 : vector<16xi32>
      %shift_right_logical3A_399 = arith.shrui %get3A_395, %broadcast_in_dim3A_387 : vector<16xi32>
      %broadcast_in_dim3A_400 = arith.constant 255 : i32
      %broadcast_in_dim3A_401 = vector.broadcast %broadcast_in_dim3A_400 : i32 to vector<16xi32>
      %and3A_402 = arith.andi %shift_right_logical3A_399, %broadcast_in_dim3A_401 : vector<16xi32>
      %shift_right_logical3A_403 = arith.shrui %get3A_395, %broadcast_in_dim3A_389 : vector<16xi32>
      %broadcast_in_dim3A_404 = arith.constant 1 : i32
      %broadcast_in_dim3A_405 = vector.broadcast %broadcast_in_dim3A_404 : i32 to vector<16xi32>
      %and3A_406 = arith.andi %shift_right_logical3A_403, %broadcast_in_dim3A_405 : vector<16xi32>
      %ne3A_407 = arith.constant 0 : i32
      %ne3A_408 = vector.broadcast %ne3A_407 : i32 to vector<16xi32>
      %ne3A_409 = arith.cmpi ne, %and3A_406, %ne3A_408 : vector<16xi32>
      %gather3A_410 = tpu.vector_load_idx %arg18[%and3A_402] : memref<256xi32, #tpu.memory_space<vmem>>[vector<16xi32>], vector<16xi32>,
      %add3A_411 = arith.addi %gather3A_410, %and3A_396 : vector<16xi32>
      tpu.vector_store_idx %arg21[%and3A_398], %add3A_411 : memref<16xi32, #tpu.memory_space<vmem>>[vector<16xi32>], vector<16xi32>,
      %get3A_412 = arith.constant 0 : index
      %get3A_413 = tpu.vector_load %arg21[%get3A_412] {strides = array<i32>} : memref<16xi32, #tpu.memory_space<vmem>>, vector<16xi32>,
      %mul3A_414 = arith.constant 16 : i32
      %mul3A_415 = arith.muli %add3A_383, %mul3A_414 : i32
      %swap3A_416 = arith.index_cast %mul3A_415 : i32 to index
      %swap3A_417 = tpu.vector_load %arg16[%swap3A_416] {strides = array<i32>} : memref<3840xi32, #tpu.memory_space<vmem>>, vector<16xi32>,
      tpu.vector_store %arg16[%swap3A_416], %get3A_413 {strides = array<i32>} : memref<3840xi32, #tpu.memory_space<vmem>>, vector<16xi32>,
      %add3A_418 = arith.constant 1 : i32
      %add3A_419 = vector.broadcast %add3A_418 : i32 to vector<16xi32>
      %add3A_420 = arith.addi %and3A_396, %add3A_419 : vector<16xi32>
      tpu.vector_store_idx %arg18[%and3A_402], %add3A_420 masked %ne3A_409 {add = true} : memref<256xi32, #tpu.memory_space<vmem>>[vector<16xi32>], vector<16xi32>, vector<16xi1>
      %scan3A_421 = arith.constant 0 : i32
      scf.yield %scan3A_421 : i32
    }
    %scan3A_256 = arith.constant 120 : i32
    "tpu.region"() ({
      %run_scoped3A = tpu.sem_alloc : memref<!tpu.dma_semaphore, #tpu.memory_space<semaphore_mem>>
      %dma_start3A = arith.constant 0 : i32
      %dma_start3A_345 = tpu.memref_slice %arg24[%dma_start3A] : memref<61440xi32, #tpu.memory_space<vmem_shared>> -> memref<61440xi32, #tpu.memory_space<vmem_shared>>
      tpu.enqueue_indirect_dma source(%arg13 : memref<3840xi32, #tpu.memory_space<vmem>>) target(%dma_start3A_345 : memref<61440xi32, #tpu.memory_space<vmem_shared>>) offsets(%arg16 : memref<3840xi32, #tpu.memory_space<vmem>>) semaphore(%run_scoped3A : memref<!tpu.dma_semaphore, #tpu.memory_space<semaphore_mem>>)
      %dma_wait3A = arith.constant 0 : i32
      %dma_wait3A_346 = tpu.memref_slice %arg24[%dma_wait3A] : memref<61440xi32, #tpu.memory_space<vmem_shared>> -> memref<61440xi32, #tpu.memory_space<vmem_shared>>
      tpu.wait_indirect_dma semaphore(%run_scoped3A : memref<!tpu.dma_semaphore, #tpu.memory_space<semaphore_mem>>) src(%arg13 : memref<3840xi32, #tpu.memory_space<vmem>>) dst(%dma_wait3A_346 : memref<61440xi32, #tpu.memory_space<vmem_shared>>)
      tpu.yield
    }) : () -> ()
    "tpu.region"() ({
      %run_scoped3A = tpu.sem_alloc : memref<!tpu.dma_semaphore, #tpu.memory_space<semaphore_mem>>
      %dma_start3A = arith.constant 0 : i32
      %dma_start3A_345 = tpu.memref_slice %arg25[%dma_start3A] : memref<61440xi32, #tpu.memory_space<vmem_shared>> -> memref<61440xi32, #tpu.memory_space<vmem_shared>>
      tpu.enqueue_indirect_dma source(%arg14 : memref<3840xi32, #tpu.memory_space<vmem>>) target(%dma_start3A_345 : memref<61440xi32, #tpu.memory_space<vmem_shared>>) offsets(%arg16 : memref<3840xi32, #tpu.memory_space<vmem>>) semaphore(%run_scoped3A : memref<!tpu.dma_semaphore, #tpu.memory_space<semaphore_mem>>)
      %dma_wait3A = arith.constant 0 : i32
      %dma_wait3A_346 = tpu.memref_slice %arg25[%dma_wait3A] : memref<61440xi32, #tpu.memory_space<vmem_shared>> -> memref<61440xi32, #tpu.memory_space<vmem_shared>>
      tpu.wait_indirect_dma semaphore(%run_scoped3A : memref<!tpu.dma_semaphore, #tpu.memory_space<semaphore_mem>>) src(%arg14 : memref<3840xi32, #tpu.memory_space<vmem>>) dst(%dma_wait3A_346 : memref<61440xi32, #tpu.memory_space<vmem_shared>>)
      tpu.yield
    }) : () -> ()
    %barrier3A_257 = arith.constant 0 : index
    tpu.barrier barrier_id(%barrier3A_257)
    "tpu.region"() ({
      %run_scoped3A = tpu.sem_alloc : memref<!tpu.dma_semaphore, #tpu.memory_space<semaphore_mem>>
      %dma_start3A = tpu.memref_slice %arg24[%mul3A_0] : memref<61440xi32, #tpu.memory_space<vmem_shared>> -> memref<3840xi32, #tpu.memory_space<vmem_shared>>
      %dma_start3A_345 = tpu.memref_slice %arg24[%mul3A_0] : memref<61440xi32, #tpu.memory_space<vmem_shared>> -> memref<3840xi32, #tpu.memory_space<vmem_shared>>
      tpu.enqueue_dma source(%dma_start3A_345 : memref<3840xi32, #tpu.memory_space<vmem_shared>>) target(%arg13 : memref<3840xi32, #tpu.memory_space<vmem>>) target_semaphore(%run_scoped3A : memref<!tpu.dma_semaphore, #tpu.memory_space<semaphore_mem>>)
      %dma_wait3A = tpu.memref_slice %arg24[%mul3A_0] : memref<61440xi32, #tpu.memory_space<vmem_shared>> -> memref<3840xi32, #tpu.memory_space<vmem_shared>>
      %dma_wait3A_346 = tpu.memref_slice %arg24[%mul3A_0] : memref<61440xi32, #tpu.memory_space<vmem_shared>> -> memref<3840xi32, #tpu.memory_space<vmem_shared>>
      tpu.wait_dma2 semaphore(%run_scoped3A : memref<!tpu.dma_semaphore, #tpu.memory_space<semaphore_mem>>) src(%dma_wait3A_346 : memref<3840xi32, #tpu.memory_space<vmem_shared>>) dst(%arg13 : memref<3840xi32, #tpu.memory_space<vmem>>)
      tpu.yield
    }) : () -> ()
    "tpu.region"() ({
      %run_scoped3A = tpu.sem_alloc : memref<!tpu.dma_semaphore, #tpu.memory_space<semaphore_mem>>
      %dma_start3A = tpu.memref_slice %arg25[%mul3A_0] : memref<61440xi32, #tpu.memory_space<vmem_shared>> -> memref<3840xi32, #tpu.memory_space<vmem_shared>>
      %dma_start3A_345 = tpu.memref_slice %arg25[%mul3A_0] : memref<61440xi32, #tpu.memory_space<vmem_shared>> -> memref<3840xi32, #tpu.memory_space<vmem_shared>>
      tpu.enqueue_dma source(%dma_start3A_345 : memref<3840xi32, #tpu.memory_space<vmem_shared>>) target(%arg14 : memref<3840xi32, #tpu.memory_space<vmem>>) target_semaphore(%run_scoped3A : memref<!tpu.dma_semaphore, #tpu.memory_space<semaphore_mem>>)
      %dma_wait3A = tpu.memref_slice %arg25[%mul3A_0] : memref<61440xi32, #tpu.memory_space<vmem_shared>> -> memref<3840xi32, #tpu.memory_space<vmem_shared>>
      %dma_wait3A_346 = tpu.memref_slice %arg25[%mul3A_0] : memref<61440xi32, #tpu.memory_space<vmem_shared>> -> memref<3840xi32, #tpu.memory_space<vmem_shared>>
      tpu.wait_dma2 semaphore(%run_scoped3A : memref<!tpu.dma_semaphore, #tpu.memory_space<semaphore_mem>>) src(%dma_wait3A_346 : memref<3840xi32, #tpu.memory_space<vmem_shared>>) dst(%arg14 : memref<3840xi32, #tpu.memory_space<vmem>>)
      tpu.yield
    }) : () -> ()
    %broadcast_in_dim3A_258 = arith.constant 0 : i32
    %broadcast_in_dim3A_259 = vector.broadcast %broadcast_in_dim3A_258 : i32 to vector<16xi32>
    %swap3A_260 = arith.constant 0 : index
    %swap3A_261 = tpu.vector_load %arg17[%swap3A_260] {strides = array<i32>} : memref<256xi32, #tpu.memory_space<vmem>>, vector<16xi32>,
    tpu.vector_store %arg17[%swap3A_260], %broadcast_in_dim3A_259 {strides = array<i32>} : memref<256xi32, #tpu.memory_space<vmem>>, vector<16xi32>,
    %broadcast_in_dim3A_262 = arith.constant 0 : i32
    %broadcast_in_dim3A_263 = vector.broadcast %broadcast_in_dim3A_262 : i32 to vector<16xi32>
    %swap3A_264 = arith.constant 16 : index
    %swap3A_265 = tpu.vector_load %arg17[%swap3A_264] {strides = array<i32>} : memref<256xi32, #tpu.memory_space<vmem>>, vector<16xi32>,
    tpu.vector_store %arg17[%swap3A_264], %broadcast_in_dim3A_263 {strides = array<i32>} : memref<256xi32, #tpu.memory_space<vmem>>, vector<16xi32>,
    %broadcast_in_dim3A_266 = arith.constant 0 : i32
    %broadcast_in_dim3A_267 = vector.broadcast %broadcast_in_dim3A_266 : i32 to vector<16xi32>
    %swap3A_268 = arith.constant 32 : index
    %swap3A_269 = tpu.vector_load %arg17[%swap3A_268] {strides = array<i32>} : memref<256xi32, #tpu.memory_space<vmem>>, vector<16xi32>,
    tpu.vector_store %arg17[%swap3A_268], %broadcast_in_dim3A_267 {strides = array<i32>} : memref<256xi32, #tpu.memory_space<vmem>>, vector<16xi32>,
    %broadcast_in_dim3A_270 = arith.constant 0 : i32
    %broadcast_in_dim3A_271 = vector.broadcast %broadcast_in_dim3A_270 : i32 to vector<16xi32>
    %swap3A_272 = arith.constant 48 : index
    %swap3A_273 = tpu.vector_load %arg17[%swap3A_272] {strides = array<i32>} : memref<256xi32, #tpu.memory_space<vmem>>, vector<16xi32>,
    tpu.vector_store %arg17[%swap3A_272], %broadcast_in_dim3A_271 {strides = array<i32>} : memref<256xi32, #tpu.memory_space<vmem>>, vector<16xi32>,
    %broadcast_in_dim3A_274 = arith.constant 0 : i32
    %broadcast_in_dim3A_275 = vector.broadcast %broadcast_in_dim3A_274 : i32 to vector<16xi32>
    %swap3A_276 = arith.constant 64 : index
    %swap3A_277 = tpu.vector_load %arg17[%swap3A_276] {strides = array<i32>} : memref<256xi32, #tpu.memory_space<vmem>>, vector<16xi32>,
    tpu.vector_store %arg17[%swap3A_276], %broadcast_in_dim3A_275 {strides = array<i32>} : memref<256xi32, #tpu.memory_space<vmem>>, vector<16xi32>,
    %broadcast_in_dim3A_278 = arith.constant 0 : i32
    %broadcast_in_dim3A_279 = vector.broadcast %broadcast_in_dim3A_278 : i32 to vector<16xi32>
    %swap3A_280 = arith.constant 80 : index
    %swap3A_281 = tpu.vector_load %arg17[%swap3A_280] {strides = array<i32>} : memref<256xi32, #tpu.memory_space<vmem>>, vector<16xi32>,
    tpu.vector_store %arg17[%swap3A_280], %broadcast_in_dim3A_279 {strides = array<i32>} : memref<256xi32, #tpu.memory_space<vmem>>, vector<16xi32>,
    %broadcast_in_dim3A_282 = arith.constant 0 : i32
    %broadcast_in_dim3A_283 = vector.broadcast %broadcast_in_dim3A_282 : i32 to vector<16xi32>
    %swap3A_284 = arith.constant 96 : index
    %swap3A_285 = tpu.vector_load %arg17[%swap3A_284] {strides = array<i32>} : memref<256xi32, #tpu.memory_space<vmem>>, vector<16xi32>,
    tpu.vector_store %arg17[%swap3A_284], %broadcast_in_dim3A_283 {strides = array<i32>} : memref<256xi32, #tpu.memory_space<vmem>>, vector<16xi32>,
    %broadcast_in_dim3A_286 = arith.constant 0 : i32
    %broadcast_in_dim3A_287 = vector.broadcast %broadcast_in_dim3A_286 : i32 to vector<16xi32>
    %swap3A_288 = arith.constant 112 : index
    %swap3A_289 = tpu.vector_load %arg17[%swap3A_288] {strides = array<i32>} : memref<256xi32, #tpu.memory_space<vmem>>, vector<16xi32>,
    tpu.vector_store %arg17[%swap3A_288], %broadcast_in_dim3A_287 {strides = array<i32>} : memref<256xi32, #tpu.memory_space<vmem>>, vector<16xi32>,
    %broadcast_in_dim3A_290 = arith.constant 0 : i32
    %broadcast_in_dim3A_291 = vector.broadcast %broadcast_in_dim3A_290 : i32 to vector<16xi32>
    %swap3A_292 = arith.constant 128 : index
    %swap3A_293 = tpu.vector_load %arg17[%swap3A_292] {strides = array<i32>} : memref<256xi32, #tpu.memory_space<vmem>>, vector<16xi32>,
    tpu.vector_store %arg17[%swap3A_292], %broadcast_in_dim3A_291 {strides = array<i32>} : memref<256xi32, #tpu.memory_space<vmem>>, vector<16xi32>,
    %broadcast_in_dim3A_294 = arith.constant 0 : i32
    %broadcast_in_dim3A_295 = vector.broadcast %broadcast_in_dim3A_294 : i32 to vector<16xi32>
    %swap3A_296 = arith.constant 144 : index
    %swap3A_297 = tpu.vector_load %arg17[%swap3A_296] {strides = array<i32>} : memref<256xi32, #tpu.memory_space<vmem>>, vector<16xi32>,
    tpu.vector_store %arg17[%swap3A_296], %broadcast_in_dim3A_295 {strides = array<i32>} : memref<256xi32, #tpu.memory_space<vmem>>, vector<16xi32>,
    %broadcast_in_dim3A_298 = arith.constant 0 : i32
    %broadcast_in_dim3A_299 = vector.broadcast %broadcast_in_dim3A_298 : i32 to vector<16xi32>
    %swap3A_300 = arith.constant 160 : index
    %swap3A_301 = tpu.vector_load %arg17[%swap3A_300] {strides = array<i32>} : memref<256xi32, #tpu.memory_space<vmem>>, vector<16xi32>,
    tpu.vector_store %arg17[%swap3A_300], %broadcast_in_dim3A_299 {strides = array<i32>} : memref<256xi32, #tpu.memory_space<vmem>>, vector<16xi32>,
    %broadcast_in_dim3A_302 = arith.constant 0 : i32
    %broadcast_in_dim3A_303 = vector.broadcast %broadcast_in_dim3A_302 : i32 to vector<16xi32>
    %swap3A_304 = arith.constant 176 : index
    %swap3A_305 = tpu.vector_load %arg17[%swap3A_304] {strides = array<i32>} : memref<256xi32, #tpu.memory_space<vmem>>, vector<16xi32>,
    tpu.vector_store %arg17[%swap3A_304], %broadcast_in_dim3A_303 {strides = array<i32>} : memref<256xi32, #tpu.memory_space<vmem>>, vector<16xi32>,
    %broadcast_in_dim3A_306 = arith.constant 0 : i32
    %broadcast_in_dim3A_307 = vector.broadcast %broadcast_in_dim3A_306 : i32 to vector<16xi32>
    %swap3A_308 = arith.constant 192 : index
    %swap3A_309 = tpu.vector_load %arg17[%swap3A_308] {strides = array<i32>} : memref<256xi32, #tpu.memory_space<vmem>>, vector<16xi32>,
    tpu.vector_store %arg17[%swap3A_308], %broadcast_in_dim3A_307 {strides = array<i32>} : memref<256xi32, #tpu.memory_space<vmem>>, vector<16xi32>,
    %broadcast_in_dim3A_310 = arith.constant 0 : i32
    %broadcast_in_dim3A_311 = vector.broadcast %broadcast_in_dim3A_310 : i32 to vector<16xi32>
    %swap3A_312 = arith.constant 208 : index
    %swap3A_313 = tpu.vector_load %arg17[%swap3A_312] {strides = array<i32>} : memref<256xi32, #tpu.memory_space<vmem>>, vector<16xi32>,
    tpu.vector_store %arg17[%swap3A_312], %broadcast_in_dim3A_311 {strides = array<i32>} : memref<256xi32, #tpu.memory_space<vmem>>, vector<16xi32>,
    %broadcast_in_dim3A_314 = arith.constant 0 : i32
    %broadcast_in_dim3A_315 = vector.broadcast %broadcast_in_dim3A_314 : i32 to vector<16xi32>
    %swap3A_316 = arith.constant 224 : index
    %swap3A_317 = tpu.vector_load %arg17[%swap3A_316] {strides = array<i32>} : memref<256xi32, #tpu.memory_space<vmem>>, vector<16xi32>,
    tpu.vector_store %arg17[%swap3A_316], %broadcast_in_dim3A_315 {strides = array<i32>} : memref<256xi32, #tpu.memory_space<vmem>>, vector<16xi32>,
    %broadcast_in_dim3A_318 = arith.constant 0 : i32
    %broadcast_in_dim3A_319 = vector.broadcast %broadcast_in_dim3A_318 : i32 to vector<16xi32>
    %swap3A_320 = arith.constant 240 : index
    %swap3A_321 = tpu.vector_load %arg17[%swap3A_320] {strides = array<i32>} : memref<256xi32, #tpu.memory_space<vmem>>, vector<16xi32>,
    tpu.vector_store %arg17[%swap3A_320], %broadcast_in_dim3A_319 {strides = array<i32>} : memref<256xi32, #tpu.memory_space<vmem>>, vector<16xi32>,
    %scan3A_322 = arith.constant 0 : i32
    %scan3A_323 = arith.constant 0 : i32
    %scan3A_324 = arith.constant 120 : i32
    %scan3A_325 = arith.addi %scan3A_323, %scan3A_324 : i32
    %scan3A_326 = arith.constant 1 : i32
    %scan3A_327 = scf.for %scan3A_345 = %scan3A_323 to %scan3A_325 step %scan3A_326 iter_args(%scan3A_346 = %scan3A_322) -> (i32)  : i32 {
      %mul3A_347 = arith.constant 2 : i32
      %mul3A_348 = arith.muli %mul3A_347, %scan3A_345 : i32
      %iota3A_349 = tpu.iota {dimensions = array<i32: 0>} : vector<16xi32>
      %mul3A_350 = arith.constant 16 : i32
      %mul3A_351 = arith.muli %mul3A_348, %mul3A_350 : i32
      %get3A = arith.index_cast %mul3A_351 : i32 to index
      %get3A_352 = tpu.vector_load %arg13[%get3A] {strides = array<i32>} : memref<3840xi32, #tpu.memory_space<vmem>>, vector<16xi32>,
      %broadcast_in_dim3A_353 = arith.constant 24 : i32
      %broadcast_in_dim3A_354 = vector.broadcast %broadcast_in_dim3A_353 : i32 to vector<16xi32>
      %shift_right_logical3A = arith.shrui %get3A_352, %broadcast_in_dim3A_354 : vector<16xi32>
      %broadcast_in_dim3A_355 = arith.constant 255 : i32
      %broadcast_in_dim3A_356 = vector.broadcast %broadcast_in_dim3A_355 : i32 to vector<16xi32>
      %and3A = arith.andi %shift_right_logical3A, %broadcast_in_dim3A_356 : vector<16xi32>
      %broadcast_in_dim3A_357 = arith.constant 4 : i32
      %broadcast_in_dim3A_358 = vector.broadcast %broadcast_in_dim3A_357 : i32 to vector<16xi32>
      %shift_left3A = arith.shli %and3A, %broadcast_in_dim3A_358 : vector<16xi32>
      %or3A = arith.ori %shift_left3A, %iota3A_349 : vector<16xi32>
      %masked_sort3A = arith.constant dense<true> : vector<16xi1>
      %masked_sort3A_359 = arith.constant -2147483648 : i32
      %masked_sort3A_360 = vector.broadcast %masked_sort3A_359 : i32 to vector<16xi32>
      %masked_sort3A_361 = arith.xori %or3A, %masked_sort3A_360 : vector<16xi32>
      %masked_sort3A_362, %masked_sort3A_363, %masked_sort3A_364 = tpu.sort %masked_sort3A_361, %iota3A_349 masked %masked_sort3A : (vector<16xi32>, vector<16xi32>, vector<16xi1>) -> (vector<16xi1>, vector<16xi32>, vector<16xi32>)
      %masked_sort3A_365 = arith.xori %masked_sort3A_363, %masked_sort3A_360 : vector<16xi32>
      %broadcast_in_dim3A_366 = arith.constant 4 : i32
      %broadcast_in_dim3A_367 = vector.broadcast %broadcast_in_dim3A_366 : i32 to vector<16xi32>
      %shift_right_logical3A_368 = arith.shrui %masked_sort3A_365, %broadcast_in_dim3A_367 : vector<16xi32>
      %broadcast_in_dim3A_369 = arith.constant 15 : i32
      %broadcast_in_dim3A_370 = vector.broadcast %broadcast_in_dim3A_369 : i32 to vector<16xi32>
      %and3A_371 = arith.andi %masked_sort3A_365, %broadcast_in_dim3A_370 : vector<16xi32>
      %swap3A_372 = arith.constant 0 : index
      %swap3A_373 = tpu.vector_load %arg20[%swap3A_372] {strides = array<i32>} : memref<16xi32, #tpu.memory_space<vmem>>, vector<16xi32>,
      tpu.vector_store %arg20[%swap3A_372], %shift_right_logical3A_368 {strides = array<i32>} : memref<16xi32, #tpu.memory_space<vmem>>, vector<16xi32>,
      %sub3A = arith.constant 1 : i32
      %sub3A_374 = vector.broadcast %sub3A : i32 to vector<16xi32>
      %sub3A_375 = arith.subi %iota3A_349, %sub3A_374 : vector<16xi32>
      %max3A = arith.constant 0 : i32
      %max3A_376 = vector.broadcast %max3A : i32 to vector<16xi32>
      %max3A_377 = arith.maxsi %sub3A_375, %max3A_376 : vector<16xi32>
      %gather3A = tpu.vector_load_idx %arg20[%max3A_377] : memref<16xi32, #tpu.memory_space<vmem>>[vector<16xi32>], vector<16xi32>,
      %add3A = arith.constant 1 : i32
      %add3A_378 = vector.broadcast %add3A : i32 to vector<16xi32>
      %add3A_379 = arith.addi %iota3A_349, %add3A_378 : vector<16xi32>
      %min3A = arith.constant 15 : i32
      %min3A_380 = vector.broadcast %min3A : i32 to vector<16xi32>
      %min3A_381 = arith.minsi %add3A_379, %min3A_380 : vector<16xi32>
      %gather3A_382 = tpu.vector_load_idx %arg20[%min3A_381] : memref<16xi32, #tpu.memory_space<vmem>>[vector<16xi32>], vector<16xi32>,
      %ne3A = arith.cmpi ne, %shift_right_logical3A_368, %gather3A : vector<16xi32>
      %jit3A = arith.constant 0 : i32
      %broadcast_in_dim3A_383 = vector.broadcast %jit3A : i32 to vector<16xi32>
      %select_n3A = arith.select %ne3A, %iota3A_349, %broadcast_in_dim3A_383 : vector<16xi1>, vector<16xi32>
      %broadcast_in_dim3A_384 = arith.constant true
      %broadcast_in_dim3A_385 = vector.broadcast %broadcast_in_dim3A_384 : i1 to vector<16xi1>
      %masked_cummax3A = arith.constant -2147483648 : i32
      %masked_cummax3A_386 = vector.broadcast %masked_cummax3A : i32 to vector<16xi32>
      %masked_cummax3A_387 = arith.xori %select_n3A, %masked_cummax3A_386 : vector<16xi32>
      %masked_cummax3A_388 = tpu.scan <max>, %masked_cummax3A_387 masked %broadcast_in_dim3A_385 : vector<16xi32>, vector<16xi1> -> vector<16xi32>
      %masked_cummax3A_389 = arith.xori %masked_cummax3A_388, %masked_cummax3A_386 : vector<16xi32>
      %sub3A_390 = arith.subi %iota3A_349, %masked_cummax3A_389 : vector<16xi32>
      %ne3A_391 = arith.cmpi ne, %shift_right_logical3A_368, %gather3A_382 : vector<16xi32>
      %eq3A = arith.constant 15 : i32
      %eq3A_392 = vector.broadcast %eq3A : i32 to vector<16xi32>
      %eq3A_393 = arith.cmpi eq, %iota3A_349, %eq3A_392 : vector<16xi32>
      %or3A_394 = arith.ori %ne3A_391, %eq3A_393 : vector<16xi1>
      %broadcast_in_dim3A_395 = arith.constant 8 : i32
      %broadcast_in_dim3A_396 = vector.broadcast %broadcast_in_dim3A_395 : i32 to vector<16xi32>
      %broadcast_in_dim3A_397 = arith.constant 4 : i32
      %broadcast_in_dim3A_398 = vector.broadcast %broadcast_in_dim3A_397 : i32 to vector<16xi32>
      %broadcast_in_dim3A_399 = arith.constant 16 : i32
      %broadcast_in_dim3A_400 = vector.broadcast %broadcast_in_dim3A_399 : i32 to vector<16xi32>
      %shift_left3A_401 = arith.shli %shift_right_logical3A_368, %broadcast_in_dim3A_396 : vector<16xi32>
      %shift_left3A_402 = arith.shli %and3A_371, %broadcast_in_dim3A_398 : vector<16xi32>
      %or3A_403 = arith.ori %shift_left3A_401, %shift_left3A_402 : vector<16xi32>
      %or3A_404 = arith.ori %or3A_403, %sub3A_390 : vector<16xi32>
      %jit3A_405 = arith.constant 1 : i32
      %jit3A_406 = arith.constant 0 : i32
      %broadcast_in_dim3A_407 = vector.broadcast %jit3A_405 : i32 to vector<16xi32>
      %broadcast_in_dim3A_408 = vector.broadcast %jit3A_406 : i32 to vector<16xi32>
      %select_n3A_409 = arith.select %or3A_394, %broadcast_in_dim3A_407, %broadcast_in_dim3A_408 : vector<16xi1>, vector<16xi32>
      %shift_left3A_410 = arith.shli %select_n3A_409, %broadcast_in_dim3A_400 : vector<16xi32>
      %or3A_411 = arith.ori %or3A_404, %shift_left3A_410 : vector<16xi32>
      %mul3A_412 = arith.constant 16 : i32
      %mul3A_413 = arith.muli %mul3A_348, %mul3A_412 : i32
      %swap3A_414 = arith.index_cast %mul3A_413 : i32 to index
      %swap3A_415 = tpu.vector_load %arg15[%swap3A_414] {strides = array<i32>} : memref<3840xi32, #tpu.memory_space<vmem>>, vector<16xi32>,
      tpu.vector_store %arg15[%swap3A_414], %or3A_411 {strides = array<i32>} : memref<3840xi32, #tpu.memory_space<vmem>>, vector<16xi32>,
      %add3A_416 = arith.constant 1 : i32
      %add3A_417 = vector.broadcast %add3A_416 : i32 to vector<16xi32>
      %add3A_418 = arith.addi %sub3A_390, %add3A_417 : vector<16xi32>
      tpu.vector_store_idx %arg17[%shift_right_logical3A_368], %add3A_418 masked %or3A_394 {add = true} : memref<256xi32, #tpu.memory_space<vmem>>[vector<16xi32>], vector<16xi32>, vector<16xi1>
      %mul3A_419 = arith.constant 2 : i32
      %mul3A_420 = arith.muli %mul3A_419, %scan3A_345 : i32
      %add3A_421 = arith.constant 1 : i32
      %add3A_422 = arith.addi %mul3A_420, %add3A_421 : i32
      %iota3A_423 = tpu.iota {dimensions = array<i32: 0>} : vector<16xi32>
      %mul3A_424 = arith.constant 16 : i32
      %mul3A_425 = arith.muli %add3A_422, %mul3A_424 : i32
      %get3A_426 = arith.index_cast %mul3A_425 : i32 to index
      %get3A_427 = tpu.vector_load %arg13[%get3A_426] {strides = array<i32>} : memref<3840xi32, #tpu.memory_space<vmem>>, vector<16xi32>,
      %broadcast_in_dim3A_428 = arith.constant 24 : i32
      %broadcast_in_dim3A_429 = vector.broadcast %broadcast_in_dim3A_428 : i32 to vector<16xi32>
      %shift_right_logical3A_430 = arith.shrui %get3A_427, %broadcast_in_dim3A_429 : vector<16xi32>
      %broadcast_in_dim3A_431 = arith.constant 255 : i32
      %broadcast_in_dim3A_432 = vector.broadcast %broadcast_in_dim3A_431 : i32 to vector<16xi32>
      %and3A_433 = arith.andi %shift_right_logical3A_430, %broadcast_in_dim3A_432 : vector<16xi32>
      %broadcast_in_dim3A_434 = arith.constant 4 : i32
      %broadcast_in_dim3A_435 = vector.broadcast %broadcast_in_dim3A_434 : i32 to vector<16xi32>
      %shift_left3A_436 = arith.shli %and3A_433, %broadcast_in_dim3A_435 : vector<16xi32>
      %or3A_437 = arith.ori %shift_left3A_436, %iota3A_423 : vector<16xi32>
      %masked_sort3A_438 = arith.constant dense<true> : vector<16xi1>
      %masked_sort3A_439 = arith.constant -2147483648 : i32
      %masked_sort3A_440 = vector.broadcast %masked_sort3A_439 : i32 to vector<16xi32>
      %masked_sort3A_441 = arith.xori %or3A_437, %masked_sort3A_440 : vector<16xi32>
      %masked_sort3A_442, %masked_sort3A_443, %masked_sort3A_444 = tpu.sort %masked_sort3A_441, %iota3A_423 masked %masked_sort3A_438 : (vector<16xi32>, vector<16xi32>, vector<16xi1>) -> (vector<16xi1>, vector<16xi32>, vector<16xi32>)
      %masked_sort3A_445 = arith.xori %masked_sort3A_443, %masked_sort3A_440 : vector<16xi32>
      %broadcast_in_dim3A_446 = arith.constant 4 : i32
      %broadcast_in_dim3A_447 = vector.broadcast %broadcast_in_dim3A_446 : i32 to vector<16xi32>
      %shift_right_logical3A_448 = arith.shrui %masked_sort3A_445, %broadcast_in_dim3A_447 : vector<16xi32>
      %broadcast_in_dim3A_449 = arith.constant 15 : i32
      %broadcast_in_dim3A_450 = vector.broadcast %broadcast_in_dim3A_449 : i32 to vector<16xi32>
      %and3A_451 = arith.andi %masked_sort3A_445, %broadcast_in_dim3A_450 : vector<16xi32>
      %swap3A_452 = arith.constant 0 : index
      %swap3A_453 = tpu.vector_load %arg20[%swap3A_452] {strides = array<i32>} : memref<16xi32, #tpu.memory_space<vmem>>, vector<16xi32>,
      tpu.vector_store %arg20[%swap3A_452], %shift_right_logical3A_448 {strides = array<i32>} : memref<16xi32, #tpu.memory_space<vmem>>, vector<16xi32>,
      %sub3A_454 = arith.constant 1 : i32
      %sub3A_455 = vector.broadcast %sub3A_454 : i32 to vector<16xi32>
      %sub3A_456 = arith.subi %iota3A_423, %sub3A_455 : vector<16xi32>
      %max3A_457 = arith.constant 0 : i32
      %max3A_458 = vector.broadcast %max3A_457 : i32 to vector<16xi32>
      %max3A_459 = arith.maxsi %sub3A_456, %max3A_458 : vector<16xi32>
      %gather3A_460 = tpu.vector_load_idx %arg20[%max3A_459] : memref<16xi32, #tpu.memory_space<vmem>>[vector<16xi32>], vector<16xi32>,
      %add3A_461 = arith.constant 1 : i32
      %add3A_462 = vector.broadcast %add3A_461 : i32 to vector<16xi32>
      %add3A_463 = arith.addi %iota3A_423, %add3A_462 : vector<16xi32>
      %min3A_464 = arith.constant 15 : i32
      %min3A_465 = vector.broadcast %min3A_464 : i32 to vector<16xi32>
      %min3A_466 = arith.minsi %add3A_463, %min3A_465 : vector<16xi32>
      %gather3A_467 = tpu.vector_load_idx %arg20[%min3A_466] : memref<16xi32, #tpu.memory_space<vmem>>[vector<16xi32>], vector<16xi32>,
      %ne3A_468 = arith.cmpi ne, %shift_right_logical3A_448, %gather3A_460 : vector<16xi32>
      %jit3A_469 = arith.constant 0 : i32
      %broadcast_in_dim3A_470 = vector.broadcast %jit3A_469 : i32 to vector<16xi32>
      %select_n3A_471 = arith.select %ne3A_468, %iota3A_423, %broadcast_in_dim3A_470 : vector<16xi1>, vector<16xi32>
      %broadcast_in_dim3A_472 = arith.constant true
      %broadcast_in_dim3A_473 = vector.broadcast %broadcast_in_dim3A_472 : i1 to vector<16xi1>
      %masked_cummax3A_474 = arith.constant -2147483648 : i32
      %masked_cummax3A_475 = vector.broadcast %masked_cummax3A_474 : i32 to vector<16xi32>
      %masked_cummax3A_476 = arith.xori %select_n3A_471, %masked_cummax3A_475 : vector<16xi32>
      %masked_cummax3A_477 = tpu.scan <max>, %masked_cummax3A_476 masked %broadcast_in_dim3A_473 : vector<16xi32>, vector<16xi1> -> vector<16xi32>
      %masked_cummax3A_478 = arith.xori %masked_cummax3A_477, %masked_cummax3A_475 : vector<16xi32>
      %sub3A_479 = arith.subi %iota3A_423, %masked_cummax3A_478 : vector<16xi32>
      %ne3A_480 = arith.cmpi ne, %shift_right_logical3A_448, %gather3A_467 : vector<16xi32>
      %eq3A_481 = arith.constant 15 : i32
      %eq3A_482 = vector.broadcast %eq3A_481 : i32 to vector<16xi32>
      %eq3A_483 = arith.cmpi eq, %iota3A_423, %eq3A_482 : vector<16xi32>
      %or3A_484 = arith.ori %ne3A_480, %eq3A_483 : vector<16xi1>
      %broadcast_in_dim3A_485 = arith.constant 8 : i32
      %broadcast_in_dim3A_486 = vector.broadcast %broadcast_in_dim3A_485 : i32 to vector<16xi32>
      %broadcast_in_dim3A_487 = arith.constant 4 : i32
      %broadcast_in_dim3A_488 = vector.broadcast %broadcast_in_dim3A_487 : i32 to vector<16xi32>
      %broadcast_in_dim3A_489 = arith.constant 16 : i32
      %broadcast_in_dim3A_490 = vector.broadcast %broadcast_in_dim3A_489 : i32 to vector<16xi32>
      %shift_left3A_491 = arith.shli %shift_right_logical3A_448, %broadcast_in_dim3A_486 : vector<16xi32>
      %shift_left3A_492 = arith.shli %and3A_451, %broadcast_in_dim3A_488 : vector<16xi32>
      %or3A_493 = arith.ori %shift_left3A_491, %shift_left3A_492 : vector<16xi32>
      %or3A_494 = arith.ori %or3A_493, %sub3A_479 : vector<16xi32>
      %jit3A_495 = arith.constant 1 : i32
      %jit3A_496 = arith.constant 0 : i32
      %broadcast_in_dim3A_497 = vector.broadcast %jit3A_495 : i32 to vector<16xi32>
      %broadcast_in_dim3A_498 = vector.broadcast %jit3A_496 : i32 to vector<16xi32>
      %select_n3A_499 = arith.select %or3A_484, %broadcast_in_dim3A_497, %broadcast_in_dim3A_498 : vector<16xi1>, vector<16xi32>
      %shift_left3A_500 = arith.shli %select_n3A_499, %broadcast_in_dim3A_490 : vector<16xi32>
      %or3A_501 = arith.ori %or3A_494, %shift_left3A_500 : vector<16xi32>
      %mul3A_502 = arith.constant 16 : i32
      %mul3A_503 = arith.muli %add3A_422, %mul3A_502 : i32
      %swap3A_504 = arith.index_cast %mul3A_503 : i32 to index
      %swap3A_505 = tpu.vector_load %arg15[%swap3A_504] {strides = array<i32>} : memref<3840xi32, #tpu.memory_space<vmem>>, vector<16xi32>,
      tpu.vector_store %arg15[%swap3A_504], %or3A_501 {strides = array<i32>} : memref<3840xi32, #tpu.memory_space<vmem>>, vector<16xi32>,
      %add3A_506 = arith.constant 1 : i32
      %add3A_507 = vector.broadcast %add3A_506 : i32 to vector<16xi32>
      %add3A_508 = arith.addi %sub3A_479, %add3A_507 : vector<16xi32>
      tpu.vector_store_idx %arg17[%shift_right_logical3A_448], %add3A_508 masked %or3A_484 {add = true} : memref<256xi32, #tpu.memory_space<vmem>>[vector<16xi32>], vector<16xi32>, vector<16xi1>
      %scan3A_509 = arith.constant 0 : i32
      scf.yield %scan3A_509 : i32
    }
    %scan3A_328 = arith.constant 120 : i32
    "tpu.region"() ({
      %run_scoped3A = tpu.sem_alloc : memref<!tpu.dma_semaphore, #tpu.memory_space<semaphore_mem>>
      %dma_start3A = arith.constant 0 : i32
      %dma_start3A_345 = tpu.memref_slice %arg26[%arg1, %dma_start3A] : memref<16x256xi32, #tpu.memory_space<vmem_shared>> -> memref<1x256xi32, #tpu.memory_space<vmem_shared>>
      %dma_start3A_346 = tpu.memref_squeeze %dma_start3A_345 : memref<1x256xi32, #tpu.memory_space<vmem_shared>> -> memref<256xi32, #tpu.memory_space<vmem_shared>>
      %dma_start3A_347 = arith.constant 0 : i32
      %dma_start3A_348 = tpu.memref_slice %arg26[%arg1, %dma_start3A_347] : memref<16x256xi32, #tpu.memory_space<vmem_shared>> -> memref<1x256xi32, #tpu.memory_space<vmem_shared>>
      %dma_start3A_349 = tpu.memref_squeeze %dma_start3A_348 : memref<1x256xi32, #tpu.memory_space<vmem_shared>> -> memref<256xi32, #tpu.memory_space<vmem_shared>>
      tpu.enqueue_dma source(%arg17 : memref<256xi32, #tpu.memory_space<vmem>>) target(%dma_start3A_349 : memref<256xi32, #tpu.memory_space<vmem_shared>>) target_semaphore(%run_scoped3A : memref<!tpu.dma_semaphore, #tpu.memory_space<semaphore_mem>>)
      %dma_wait3A = arith.constant 0 : i32
      %dma_wait3A_350 = tpu.memref_slice %arg26[%arg1, %dma_wait3A] : memref<16x256xi32, #tpu.memory_space<vmem_shared>> -> memref<1x256xi32, #tpu.memory_space<vmem_shared>>
      %dma_wait3A_351 = tpu.memref_squeeze %dma_wait3A_350 : memref<1x256xi32, #tpu.memory_space<vmem_shared>> -> memref<256xi32, #tpu.memory_space<vmem_shared>>
      %dma_wait3A_352 = arith.constant 0 : i32
      %dma_wait3A_353 = tpu.memref_slice %arg26[%arg1, %dma_wait3A_352] : memref<16x256xi32, #tpu.memory_space<vmem_shared>> -> memref<1x256xi32, #tpu.memory_space<vmem_shared>>
      %dma_wait3A_354 = tpu.memref_squeeze %dma_wait3A_353 : memref<1x256xi32, #tpu.memory_space<vmem_shared>> -> memref<256xi32, #tpu.memory_space<vmem_shared>>
      tpu.wait_dma2 semaphore(%run_scoped3A : memref<!tpu.dma_semaphore, #tpu.memory_space<semaphore_mem>>) src(%arg17 : memref<256xi32, #tpu.memory_space<vmem>>) dst(%dma_wait3A_354 : memref<256xi32, #tpu.memory_space<vmem_shared>>)
      tpu.yield
    }) : () -> ()
    %barrier3A_329 = arith.constant 0 : index
    tpu.barrier barrier_id(%barrier3A_329)
    "tpu.region"() ({
      %run_scoped3A = tpu.sem_alloc : memref<!tpu.dma_semaphore, #tpu.memory_space<semaphore_mem>>
      tpu.enqueue_dma source(%arg26 : memref<16x256xi32, #tpu.memory_space<vmem_shared>>) target(%arg19 : memref<16x256xi32, #tpu.memory_space<vmem>>) target_semaphore(%run_scoped3A : memref<!tpu.dma_semaphore, #tpu.memory_space<semaphore_mem>>)
      tpu.wait_dma2 semaphore(%run_scoped3A : memref<!tpu.dma_semaphore, #tpu.memory_space<semaphore_mem>>) src(%arg26 : memref<16x256xi32, #tpu.memory_space<vmem_shared>>) dst(%arg19 : memref<16x256xi32, #tpu.memory_space<vmem>>)
      tpu.yield
    }) : () -> ()
    %scan3A_330 = arith.constant 0 : i32
    %scan3A_331 = arith.constant 0 : i32
    %scan3A_332 = arith.constant 16 : i32
    %scan3A_333 = arith.addi %scan3A_331, %scan3A_332 : i32
    %scan3A_334 = arith.constant 1 : i32
    %scan3A_335 = scf.for %scan3A_345 = %scan3A_331 to %scan3A_333 step %scan3A_334 iter_args(%scan3A_346 = %scan3A_330) -> (i32)  : i32 {
      %broadcast_in_dim3A_347 = arith.constant 0 : i32
      %broadcast_in_dim3A_348 = vector.broadcast %broadcast_in_dim3A_347 : i32 to vector<16xi32>
      %broadcast_in_dim3A_349 = arith.constant 0 : i32
      %broadcast_in_dim3A_350 = vector.broadcast %broadcast_in_dim3A_349 : i32 to vector<16xi32>
      %scan3A_351 = arith.constant 0 : i32
      %scan3A_352 = arith.constant 16 : i32
      %scan3A_353 = arith.addi %scan3A_351, %scan3A_352 : i32
      %scan3A_354 = arith.constant 1 : i32
      %scan3A_355:2 = scf.for %scan3A_369 = %scan3A_351 to %scan3A_353 step %scan3A_354 iter_args(%scan3A_370 = %broadcast_in_dim3A_348, %scan3A_371 = %broadcast_in_dim3A_350) -> (vector<16xi32>, vector<16xi32>)  : i32 {
        %mul3A_372 = arith.constant 16 : i32
        %mul3A_373 = arith.muli %scan3A_345, %mul3A_372 : i32
        %get3A = arith.index_cast %scan3A_369 : i32 to index
        %get3A_374 = arith.index_cast %mul3A_373 : i32 to index
        %get3A_375 = tpu.vector_load %arg19[%get3A, %get3A_374] {strides = array<i32>} : memref<16x256xi32, #tpu.memory_space<vmem>>, vector<16xi32>,
        %lt3A = arith.cmpi slt, %scan3A_369, %arg1 : i32
        %jit3A = arith.constant 1 : i32
        %jit3A_376 = arith.constant 0 : i32
        %select_n3A = arith.select %lt3A, %jit3A, %jit3A_376 : i32
        %add3A_377 = arith.addi %scan3A_370, %get3A_375 : vector<16xi32>
        %mul3A_378 = vector.broadcast %select_n3A : i32 to vector<16xi32>
        %mul3A_379 = arith.muli %get3A_375, %mul3A_378 : vector<16xi32>
        %add3A_380 = arith.addi %scan3A_371, %mul3A_379 : vector<16xi32>
        scf.yield %add3A_377, %add3A_380 : vector<16xi32>, vector<16xi32>
      }
      %scan3A_356 = arith.constant 16 : i32
      %broadcast_in_dim3A_357 = arith.constant true
      %broadcast_in_dim3A_358 = vector.broadcast %broadcast_in_dim3A_357 : i1 to vector<16xi1>
      %masked_cumsum3A = tpu.scan <sum>, %scan3A_355#0 masked %broadcast_in_dim3A_358 : vector<16xi32>, vector<16xi1> -> vector<16xi32>
      %sub3A = arith.subi %masked_cumsum3A, %scan3A_355#0 : vector<16xi32>
      %add3A = arith.addi %sub3A, %scan3A_355#1 : vector<16xi32>
      %add3A_359 = vector.broadcast %scan3A_346 : i32 to vector<16xi32>
      %add3A_360 = arith.addi %add3A, %add3A_359 : vector<16xi32>
      %mul3A_361 = arith.constant 16 : i32
      %mul3A_362 = arith.muli %scan3A_345, %mul3A_361 : i32
      %swap3A_363 = arith.index_cast %mul3A_362 : i32 to index
      %swap3A_364 = tpu.vector_load %arg18[%swap3A_363] {strides = array<i32>} : memref<256xi32, #tpu.memory_space<vmem>>, vector<16xi32>,
      tpu.vector_store %arg18[%swap3A_363], %add3A_360 {strides = array<i32>} : memref<256xi32, #tpu.memory_space<vmem>>, vector<16xi32>,
      %reduce_sum3A = arith.constant true
      %reduce_sum3A_365 = vector.broadcast %reduce_sum3A : i1 to vector<16xi1>
      %reduce_sum3A_366 = tpu.scan <sum>, %scan3A_355#0 masked %reduce_sum3A_365 : vector<16xi32>, vector<16xi1> -> vector<16xi32>
      %reduce_sum3A_367 = vector.extract %reduce_sum3A_366[15] : i32 from vector<16xi32>
      %add3A_368 = arith.addi %scan3A_346, %reduce_sum3A_367 : i32
      scf.yield %add3A_368 : i32
    }
    %scan3A_336 = arith.constant 16 : i32
    %scan3A_337 = arith.constant 0 : i32
    %scan3A_338 = arith.constant 0 : i32
    %scan3A_339 = arith.constant 120 : i32
    %scan3A_340 = arith.addi %scan3A_338, %scan3A_339 : i32
    %scan3A_341 = arith.constant 1 : i32
    %scan3A_342 = scf.for %scan3A_345 = %scan3A_338 to %scan3A_340 step %scan3A_341 iter_args(%scan3A_346 = %scan3A_337) -> (i32)  : i32 {
      %mul3A_347 = arith.constant 2 : i32
      %mul3A_348 = arith.muli %mul3A_347, %scan3A_345 : i32
      %broadcast_in_dim3A_349 = arith.constant 4 : i32
      %broadcast_in_dim3A_350 = vector.broadcast %broadcast_in_dim3A_349 : i32 to vector<16xi32>
      %broadcast_in_dim3A_351 = arith.constant 8 : i32
      %broadcast_in_dim3A_352 = vector.broadcast %broadcast_in_dim3A_351 : i32 to vector<16xi32>
      %broadcast_in_dim3A_353 = arith.constant 16 : i32
      %broadcast_in_dim3A_354 = vector.broadcast %broadcast_in_dim3A_353 : i32 to vector<16xi32>
      %broadcast_in_dim3A_355 = arith.constant 15 : i32
      %broadcast_in_dim3A_356 = vector.broadcast %broadcast_in_dim3A_355 : i32 to vector<16xi32>
      %mul3A_357 = arith.constant 16 : i32
      %mul3A_358 = arith.muli %mul3A_348, %mul3A_357 : i32
      %get3A = arith.index_cast %mul3A_358 : i32 to index
      %get3A_359 = tpu.vector_load %arg15[%get3A] {strides = array<i32>} : memref<3840xi32, #tpu.memory_space<vmem>>, vector<16xi32>,
      %and3A = arith.andi %get3A_359, %broadcast_in_dim3A_356 : vector<16xi32>
      %shift_right_logical3A = arith.shrui %get3A_359, %broadcast_in_dim3A_350 : vector<16xi32>
      %and3A_360 = arith.andi %shift_right_logical3A, %broadcast_in_dim3A_356 : vector<16xi32>
      %shift_right_logical3A_361 = arith.shrui %get3A_359, %broadcast_in_dim3A_352 : vector<16xi32>
      %broadcast_in_dim3A_362 = arith.constant 255 : i32
      %broadcast_in_dim3A_363 = vector.broadcast %broadcast_in_dim3A_362 : i32 to vector<16xi32>
      %and3A_364 = arith.andi %shift_right_logical3A_361, %broadcast_in_dim3A_363 : vector<16xi32>
      %shift_right_logical3A_365 = arith.shrui %get3A_359, %broadcast_in_dim3A_354 : vector<16xi32>
      %broadcast_in_dim3A_366 = arith.constant 1 : i32
      %broadcast_in_dim3A_367 = vector.broadcast %broadcast_in_dim3A_366 : i32 to vector<16xi32>
      %and3A_368 = arith.andi %shift_right_logical3A_365, %broadcast_in_dim3A_367 : vector<16xi32>
      %ne3A = arith.constant 0 : i32
      %ne3A_369 = vector.broadcast %ne3A : i32 to vector<16xi32>
      %ne3A_370 = arith.cmpi ne, %and3A_368, %ne3A_369 : vector<16xi32>
      %gather3A = tpu.vector_load_idx %arg18[%and3A_364] : memref<256xi32, #tpu.memory_space<vmem>>[vector<16xi32>], vector<16xi32>,
      %add3A = arith.addi %gather3A, %and3A : vector<16xi32>
      tpu.vector_store_idx %arg21[%and3A_360], %add3A : memref<16xi32, #tpu.memory_space<vmem>>[vector<16xi32>], vector<16xi32>,
      %get3A_371 = arith.constant 0 : index
      %get3A_372 = tpu.vector_load %arg21[%get3A_371] {strides = array<i32>} : memref<16xi32, #tpu.memory_space<vmem>>, vector<16xi32>,
      %mul3A_373 = arith.constant 16 : i32
      %mul3A_374 = arith.muli %mul3A_348, %mul3A_373 : i32
      %swap3A_375 = arith.index_cast %mul3A_374 : i32 to index
      %swap3A_376 = tpu.vector_load %arg16[%swap3A_375] {strides = array<i32>} : memref<3840xi32, #tpu.memory_space<vmem>>, vector<16xi32>,
      tpu.vector_store %arg16[%swap3A_375], %get3A_372 {strides = array<i32>} : memref<3840xi32, #tpu.memory_space<vmem>>, vector<16xi32>,
      %add3A_377 = arith.constant 1 : i32
      %add3A_378 = vector.broadcast %add3A_377 : i32 to vector<16xi32>
      %add3A_379 = arith.addi %and3A, %add3A_378 : vector<16xi32>
      tpu.vector_store_idx %arg18[%and3A_364], %add3A_379 masked %ne3A_370 {add = true} : memref<256xi32, #tpu.memory_space<vmem>>[vector<16xi32>], vector<16xi32>, vector<16xi1>
      %mul3A_380 = arith.constant 2 : i32
      %mul3A_381 = arith.muli %mul3A_380, %scan3A_345 : i32
      %add3A_382 = arith.constant 1 : i32
      %add3A_383 = arith.addi %mul3A_381, %add3A_382 : i32
      %broadcast_in_dim3A_384 = arith.constant 4 : i32
      %broadcast_in_dim3A_385 = vector.broadcast %broadcast_in_dim3A_384 : i32 to vector<16xi32>
      %broadcast_in_dim3A_386 = arith.constant 8 : i32
      %broadcast_in_dim3A_387 = vector.broadcast %broadcast_in_dim3A_386 : i32 to vector<16xi32>
      %broadcast_in_dim3A_388 = arith.constant 16 : i32
      %broadcast_in_dim3A_389 = vector.broadcast %broadcast_in_dim3A_388 : i32 to vector<16xi32>
      %broadcast_in_dim3A_390 = arith.constant 15 : i32
      %broadcast_in_dim3A_391 = vector.broadcast %broadcast_in_dim3A_390 : i32 to vector<16xi32>
      %mul3A_392 = arith.constant 16 : i32
      %mul3A_393 = arith.muli %add3A_383, %mul3A_392 : i32
      %get3A_394 = arith.index_cast %mul3A_393 : i32 to index
      %get3A_395 = tpu.vector_load %arg15[%get3A_394] {strides = array<i32>} : memref<3840xi32, #tpu.memory_space<vmem>>, vector<16xi32>,
      %and3A_396 = arith.andi %get3A_395, %broadcast_in_dim3A_391 : vector<16xi32>
      %shift_right_logical3A_397 = arith.shrui %get3A_395, %broadcast_in_dim3A_385 : vector<16xi32>
      %and3A_398 = arith.andi %shift_right_logical3A_397, %broadcast_in_dim3A_391 : vector<16xi32>
      %shift_right_logical3A_399 = arith.shrui %get3A_395, %broadcast_in_dim3A_387 : vector<16xi32>
      %broadcast_in_dim3A_400 = arith.constant 255 : i32
      %broadcast_in_dim3A_401 = vector.broadcast %broadcast_in_dim3A_400 : i32 to vector<16xi32>
      %and3A_402 = arith.andi %shift_right_logical3A_399, %broadcast_in_dim3A_401 : vector<16xi32>
      %shift_right_logical3A_403 = arith.shrui %get3A_395, %broadcast_in_dim3A_389 : vector<16xi32>
      %broadcast_in_dim3A_404 = arith.constant 1 : i32
      %broadcast_in_dim3A_405 = vector.broadcast %broadcast_in_dim3A_404 : i32 to vector<16xi32>
      %and3A_406 = arith.andi %shift_right_logical3A_403, %broadcast_in_dim3A_405 : vector<16xi32>
      %ne3A_407 = arith.constant 0 : i32
      %ne3A_408 = vector.broadcast %ne3A_407 : i32 to vector<16xi32>
      %ne3A_409 = arith.cmpi ne, %and3A_406, %ne3A_408 : vector<16xi32>
      %gather3A_410 = tpu.vector_load_idx %arg18[%and3A_402] : memref<256xi32, #tpu.memory_space<vmem>>[vector<16xi32>], vector<16xi32>,
      %add3A_411 = arith.addi %gather3A_410, %and3A_396 : vector<16xi32>
      tpu.vector_store_idx %arg21[%and3A_398], %add3A_411 : memref<16xi32, #tpu.memory_space<vmem>>[vector<16xi32>], vector<16xi32>,
      %get3A_412 = arith.constant 0 : index
      %get3A_413 = tpu.vector_load %arg21[%get3A_412] {strides = array<i32>} : memref<16xi32, #tpu.memory_space<vmem>>, vector<16xi32>,
      %mul3A_414 = arith.constant 16 : i32
      %mul3A_415 = arith.muli %add3A_383, %mul3A_414 : i32
      %swap3A_416 = arith.index_cast %mul3A_415 : i32 to index
      %swap3A_417 = tpu.vector_load %arg16[%swap3A_416] {strides = array<i32>} : memref<3840xi32, #tpu.memory_space<vmem>>, vector<16xi32>,
      tpu.vector_store %arg16[%swap3A_416], %get3A_413 {strides = array<i32>} : memref<3840xi32, #tpu.memory_space<vmem>>, vector<16xi32>,
      %add3A_418 = arith.constant 1 : i32
      %add3A_419 = vector.broadcast %add3A_418 : i32 to vector<16xi32>
      %add3A_420 = arith.addi %and3A_396, %add3A_419 : vector<16xi32>
      tpu.vector_store_idx %arg18[%and3A_402], %add3A_420 masked %ne3A_409 {add = true} : memref<256xi32, #tpu.memory_space<vmem>>[vector<16xi32>], vector<16xi32>, vector<16xi1>
      %scan3A_421 = arith.constant 0 : i32
      scf.yield %scan3A_421 : i32
    }
    %scan3A_343 = arith.constant 120 : i32
    "tpu.region"() ({
      %run_scoped3A = tpu.sem_alloc : memref<!tpu.dma_semaphore, #tpu.memory_space<semaphore_mem>>
      %dma_start3A = arith.constant 0 : i32
      %dma_start3A_345 = tpu.memref_slice %arg22[%dma_start3A] : memref<61440xi32, #tpu.memory_space<vmem_shared>> -> memref<61440xi32, #tpu.memory_space<vmem_shared>>
      tpu.enqueue_indirect_dma source(%arg13 : memref<3840xi32, #tpu.memory_space<vmem>>) target(%dma_start3A_345 : memref<61440xi32, #tpu.memory_space<vmem_shared>>) offsets(%arg16 : memref<3840xi32, #tpu.memory_space<vmem>>) semaphore(%run_scoped3A : memref<!tpu.dma_semaphore, #tpu.memory_space<semaphore_mem>>)
      %dma_wait3A = arith.constant 0 : i32
      %dma_wait3A_346 = tpu.memref_slice %arg22[%dma_wait3A] : memref<61440xi32, #tpu.memory_space<vmem_shared>> -> memref<61440xi32, #tpu.memory_space<vmem_shared>>
      tpu.wait_indirect_dma semaphore(%run_scoped3A : memref<!tpu.dma_semaphore, #tpu.memory_space<semaphore_mem>>) src(%arg13 : memref<3840xi32, #tpu.memory_space<vmem>>) dst(%dma_wait3A_346 : memref<61440xi32, #tpu.memory_space<vmem_shared>>)
      tpu.yield
    }) : () -> ()
    "tpu.region"() ({
      %run_scoped3A = tpu.sem_alloc : memref<!tpu.dma_semaphore, #tpu.memory_space<semaphore_mem>>
      %dma_start3A = arith.constant 0 : i32
      %dma_start3A_345 = tpu.memref_slice %arg23[%dma_start3A] : memref<61440xi32, #tpu.memory_space<vmem_shared>> -> memref<61440xi32, #tpu.memory_space<vmem_shared>>
      tpu.enqueue_indirect_dma source(%arg14 : memref<3840xi32, #tpu.memory_space<vmem>>) target(%dma_start3A_345 : memref<61440xi32, #tpu.memory_space<vmem_shared>>) offsets(%arg16 : memref<3840xi32, #tpu.memory_space<vmem>>) semaphore(%run_scoped3A : memref<!tpu.dma_semaphore, #tpu.memory_space<semaphore_mem>>)
      %dma_wait3A = arith.constant 0 : i32
      %dma_wait3A_346 = tpu.memref_slice %arg23[%dma_wait3A] : memref<61440xi32, #tpu.memory_space<vmem_shared>> -> memref<61440xi32, #tpu.memory_space<vmem_shared>>
      tpu.wait_indirect_dma semaphore(%run_scoped3A : memref<!tpu.dma_semaphore, #tpu.memory_space<semaphore_mem>>) src(%arg14 : memref<3840xi32, #tpu.memory_space<vmem>>) dst(%dma_wait3A_346 : memref<61440xi32, #tpu.memory_space<vmem_shared>>)
      tpu.yield
    }) : () -> ()
    %barrier3A_344 = arith.constant 0 : index
    tpu.barrier barrier_id(%barrier3A_344)
    "tpu.region"() ({
      %run_scoped3A = tpu.sem_alloc : memref<!tpu.dma_semaphore, #tpu.memory_space<semaphore_mem>>
      %dma_start3A = tpu.memref_slice %arg23[%mul3A_0] : memref<61440xi32, #tpu.memory_space<vmem_shared>> -> memref<3840xi32, #tpu.memory_space<vmem_shared>>
      %dma_start3A_345 = tpu.memref_slice %arg23[%mul3A_0] : memref<61440xi32, #tpu.memory_space<vmem_shared>> -> memref<3840xi32, #tpu.memory_space<vmem_shared>>
      tpu.enqueue_dma source(%dma_start3A_345 : memref<3840xi32, #tpu.memory_space<vmem_shared>>) target(%arg14 : memref<3840xi32, #tpu.memory_space<vmem>>) target_semaphore(%run_scoped3A : memref<!tpu.dma_semaphore, #tpu.memory_space<semaphore_mem>>)
      %dma_wait3A = tpu.memref_slice %arg23[%mul3A_0] : memref<61440xi32, #tpu.memory_space<vmem_shared>> -> memref<3840xi32, #tpu.memory_space<vmem_shared>>
      %dma_wait3A_346 = tpu.memref_slice %arg23[%mul3A_0] : memref<61440xi32, #tpu.memory_space<vmem_shared>> -> memref<3840xi32, #tpu.memory_space<vmem_shared>>
      tpu.wait_dma2 semaphore(%run_scoped3A : memref<!tpu.dma_semaphore, #tpu.memory_space<semaphore_mem>>) src(%dma_wait3A_346 : memref<3840xi32, #tpu.memory_space<vmem_shared>>) dst(%arg14 : memref<3840xi32, #tpu.memory_space<vmem>>)
      tpu.yield
    }) : () -> ()
    "tpu.region"() ({
      %run_scoped3A = tpu.sem_alloc : memref<!tpu.dma_semaphore, #tpu.memory_space<semaphore_mem>>
      %dma_start3A = tpu.memref_slice %arg7[%mul3A_0] : memref<61440xi32, #tpu.memory_space<hbm>> -> memref<3840xi32, #tpu.memory_space<hbm>>
      %dma_start3A_345 = tpu.memref_slice %arg7[%mul3A_0] : memref<61440xi32, #tpu.memory_space<hbm>> -> memref<3840xi32, #tpu.memory_space<hbm>>
      tpu.enqueue_dma source(%arg14 : memref<3840xi32, #tpu.memory_space<vmem>>) target(%dma_start3A_345 : memref<3840xi32, #tpu.memory_space<hbm>>) target_semaphore(%run_scoped3A : memref<!tpu.dma_semaphore, #tpu.memory_space<semaphore_mem>>)
      %dma_wait3A = tpu.memref_slice %arg7[%mul3A_0] : memref<61440xi32, #tpu.memory_space<hbm>> -> memref<3840xi32, #tpu.memory_space<hbm>>
      %dma_wait3A_346 = tpu.memref_slice %arg7[%mul3A_0] : memref<61440xi32, #tpu.memory_space<hbm>> -> memref<3840xi32, #tpu.memory_space<hbm>>
      tpu.wait_dma2 semaphore(%run_scoped3A : memref<!tpu.dma_semaphore, #tpu.memory_space<semaphore_mem>>) src(%arg14 : memref<3840xi32, #tpu.memory_space<vmem>>) dst(%dma_wait3A_346 : memref<3840xi32, #tpu.memory_space<hbm>>)
      tpu.yield
    }) : () -> ()
    return
  }
}

module attributes {stable_mosaic.version = 14 : i64} {
  func.func @_reduce_body(%arg0: i32, %arg1: memref<4096x128xf32, #tpu.memory_space<vmem>>, %arg2: memref<4096x128xf32, #tpu.memory_space<vmem>>, %arg3: memref<4096xf32, #tpu.memory_space<vmem>>) attributes {dimension_semantics = [#tpu.dimension_semantics<arbitrary>], iteration_bounds = array<i64: 15>, scalar_prefetch = 0 : i64, scratch_operands = 0 : i64, tpu.core_type = #tpu.core_type<tc>, window_params = [{transform_indices = @transform_0, window_bounds = array<i64: 4096, 128>}, {transform_indices = @transform_1, window_bounds = array<i64: 4096, 128>}, {transform_indices = @transform_2, window_bounds = array<i64: 4096>}]} {
    %get3A = arith.constant 0 : index
    %get3A_0 = arith.constant 0 : index
    %get3A_1 = vector.load %arg1[%get3A, %get3A_0] : memref<4096x128xf32, #tpu.memory_space<vmem>>, vector<4096x128xf32>
    %get3A_2 = arith.constant 0 : index
    %get3A_3 = arith.constant 0 : index
    %get3A_4 = vector.load %arg2[%get3A_2, %get3A_3] : memref<4096x128xf32, #tpu.memory_space<vmem>>, vector<4096x128xf32>
    %mul3A = arith.mulf %get3A_1, %get3A_1 : vector<4096x128xf32>
    %mul3A_5 = arith.mulf %get3A_4, %get3A_4 : vector<4096x128xf32>
    %add3A = arith.addf %mul3A, %mul3A_5 : vector<4096x128xf32>
    %transpose3A = tpu.transpose %add3A, [1, 0] : vector<4096x128xf32> -> vector<128x4096xf32>
    %slice3A = vector.extract_strided_slice %transpose3A {offsets = [0, 0], sizes = [8, 4096], strides = [1, 1]} : vector<128x4096xf32> to vector<8x4096xf32>
    %slice3A_6 = vector.extract_strided_slice %transpose3A {offsets = [8, 0], sizes = [8, 4096], strides = [1, 1]} : vector<128x4096xf32> to vector<8x4096xf32>
    %add3A_7 = arith.addf %slice3A, %slice3A_6 : vector<8x4096xf32>
    %slice3A_8 = vector.extract_strided_slice %transpose3A {offsets = [16, 0], sizes = [8, 4096], strides = [1, 1]} : vector<128x4096xf32> to vector<8x4096xf32>
    %add3A_9 = arith.addf %add3A_7, %slice3A_8 : vector<8x4096xf32>
    %slice3A_10 = vector.extract_strided_slice %transpose3A {offsets = [24, 0], sizes = [8, 4096], strides = [1, 1]} : vector<128x4096xf32> to vector<8x4096xf32>
    %add3A_11 = arith.addf %add3A_9, %slice3A_10 : vector<8x4096xf32>
    %slice3A_12 = vector.extract_strided_slice %transpose3A {offsets = [32, 0], sizes = [8, 4096], strides = [1, 1]} : vector<128x4096xf32> to vector<8x4096xf32>
    %add3A_13 = arith.addf %add3A_11, %slice3A_12 : vector<8x4096xf32>
    %slice3A_14 = vector.extract_strided_slice %transpose3A {offsets = [40, 0], sizes = [8, 4096], strides = [1, 1]} : vector<128x4096xf32> to vector<8x4096xf32>
    %add3A_15 = arith.addf %add3A_13, %slice3A_14 : vector<8x4096xf32>
    %slice3A_16 = vector.extract_strided_slice %transpose3A {offsets = [48, 0], sizes = [8, 4096], strides = [1, 1]} : vector<128x4096xf32> to vector<8x4096xf32>
    %add3A_17 = arith.addf %add3A_15, %slice3A_16 : vector<8x4096xf32>
    %slice3A_18 = vector.extract_strided_slice %transpose3A {offsets = [56, 0], sizes = [8, 4096], strides = [1, 1]} : vector<128x4096xf32> to vector<8x4096xf32>
    %add3A_19 = arith.addf %add3A_17, %slice3A_18 : vector<8x4096xf32>
    %slice3A_20 = vector.extract_strided_slice %transpose3A {offsets = [64, 0], sizes = [8, 4096], strides = [1, 1]} : vector<128x4096xf32> to vector<8x4096xf32>
    %add3A_21 = arith.addf %add3A_19, %slice3A_20 : vector<8x4096xf32>
    %slice3A_22 = vector.extract_strided_slice %transpose3A {offsets = [72, 0], sizes = [8, 4096], strides = [1, 1]} : vector<128x4096xf32> to vector<8x4096xf32>
    %add3A_23 = arith.addf %add3A_21, %slice3A_22 : vector<8x4096xf32>
    %slice3A_24 = vector.extract_strided_slice %transpose3A {offsets = [80, 0], sizes = [8, 4096], strides = [1, 1]} : vector<128x4096xf32> to vector<8x4096xf32>
    %add3A_25 = arith.addf %add3A_23, %slice3A_24 : vector<8x4096xf32>
    %slice3A_26 = vector.extract_strided_slice %transpose3A {offsets = [88, 0], sizes = [8, 4096], strides = [1, 1]} : vector<128x4096xf32> to vector<8x4096xf32>
    %add3A_27 = arith.addf %add3A_25, %slice3A_26 : vector<8x4096xf32>
    %slice3A_28 = vector.extract_strided_slice %transpose3A {offsets = [96, 0], sizes = [8, 4096], strides = [1, 1]} : vector<128x4096xf32> to vector<8x4096xf32>
    %add3A_29 = arith.addf %add3A_27, %slice3A_28 : vector<8x4096xf32>
    %slice3A_30 = vector.extract_strided_slice %transpose3A {offsets = [104, 0], sizes = [8, 4096], strides = [1, 1]} : vector<128x4096xf32> to vector<8x4096xf32>
    %add3A_31 = arith.addf %add3A_29, %slice3A_30 : vector<8x4096xf32>
    %slice3A_32 = vector.extract_strided_slice %transpose3A {offsets = [112, 0], sizes = [8, 4096], strides = [1, 1]} : vector<128x4096xf32> to vector<8x4096xf32>
    %add3A_33 = arith.addf %add3A_31, %slice3A_32 : vector<8x4096xf32>
    %slice3A_34 = vector.extract_strided_slice %transpose3A {offsets = [120, 0], sizes = [8, 4096], strides = [1, 1]} : vector<128x4096xf32> to vector<8x4096xf32>
    %add3A_35 = arith.addf %add3A_33, %slice3A_34 : vector<8x4096xf32>
    %slice3A_36 = vector.extract_strided_slice %add3A_35 {offsets = [0, 0], sizes = [4, 4096], strides = [1, 1]} : vector<8x4096xf32> to vector<4x4096xf32>
    %slice3A_37 = vector.extract_strided_slice %add3A_35 {offsets = [4, 0], sizes = [4, 4096], strides = [1, 1]} : vector<8x4096xf32> to vector<4x4096xf32>
    %add3A_38 = arith.addf %slice3A_36, %slice3A_37 : vector<4x4096xf32>
    %slice3A_39 = vector.extract_strided_slice %add3A_38 {offsets = [0, 0], sizes = [2, 4096], strides = [1, 1]} : vector<4x4096xf32> to vector<2x4096xf32>
    %slice3A_40 = vector.extract_strided_slice %add3A_38 {offsets = [2, 0], sizes = [2, 4096], strides = [1, 1]} : vector<4x4096xf32> to vector<2x4096xf32>
    %add3A_41 = arith.addf %slice3A_39, %slice3A_40 : vector<2x4096xf32>
    %slice3A_42 = vector.extract_strided_slice %add3A_41 {offsets = [0, 0], sizes = [1, 4096], strides = [1, 1]} : vector<2x4096xf32> to vector<1x4096xf32>
    %slice3A_43 = vector.extract_strided_slice %add3A_41 {offsets = [1, 0], sizes = [1, 4096], strides = [1, 1]} : vector<2x4096xf32> to vector<1x4096xf32>
    %add3A_44 = arith.addf %slice3A_42, %slice3A_43 : vector<1x4096xf32>
    %reshape3A = vector.shape_cast %add3A_44 : vector<1x4096xf32> to vector<4096xf32>
    %swap3A = arith.constant 0 : index
    %swap3A_45 = vector.load %arg3[%swap3A] : memref<4096xf32, #tpu.memory_space<vmem>>, vector<4096xf32>
    tpu.vector_store %arg3[%swap3A], %reshape3A {strides = array<i32>} : memref<4096xf32, #tpu.memory_space<vmem>>, vector<4096xf32>,
    return
  }
  func.func @transform_0(%arg0: i32) -> (i32, i32) {
    %c0_i32 = arith.constant 0 : i32
    %c0_i32_0 = arith.constant 0 : i32
    return %arg0, %c0_i32 : i32, i32
  }
  func.func @transform_1(%arg0: i32) -> (i32, i32) {
    %c0_i32 = arith.constant 0 : i32
    %c0_i32_0 = arith.constant 0 : i32
    return %arg0, %c0_i32 : i32, i32
  }
  func.func @transform_2(%arg0: i32) -> i32 {
    %c0_i32 = arith.constant 0 : i32
    return %arg0 : i32
  }
}

module attributes {stable_mosaic.version = 14 : i64} {
  func.func @_table_body(%arg0: memref<20000xf32, #tpu.memory_space<vmem>>, %arg1: memref<20000xf32, #tpu.memory_space<vmem>>, %arg2: memref<20000xf32, #tpu.memory_space<vmem>>) attributes {dimension_semantics = [], scalar_prefetch = 0 : i64, scratch_operands = 0 : i64, tpu.core_type = #tpu.core_type<tc>} {
    %get3A = arith.constant 0 : index
    %get3A_0 = vector.load %arg0[%get3A] : memref<20000xf32, #tpu.memory_space<vmem>>, vector<20000xf32>
    %get3A_1 = arith.constant 0 : index
    %get3A_2 = vector.load %arg1[%get3A_1] : memref<20000xf32, #tpu.memory_space<vmem>>, vector<20000xf32>
    %lt3A = arith.constant 0.00999999977 : f32
    %lt3A_3 = vector.broadcast %lt3A : f32 to vector<20000xf32>
    %lt3A_4 = arith.cmpf olt, %get3A_0, %lt3A_3 : vector<20000xf32>
    %gt3A = arith.constant 9.900000e-01 : f32
    %gt3A_5 = vector.broadcast %gt3A : f32 to vector<20000xf32>
    %gt3A_6 = arith.cmpf ogt, %get3A_0, %gt3A_5 : vector<20000xf32>
    %or3A = arith.ori %lt3A_4, %gt3A_6 : vector<20000xi1>
    %lt3A_7 = arith.constant 0.00999999977 : f32
    %lt3A_8 = vector.broadcast %lt3A_7 : f32 to vector<20000xf32>
    %lt3A_9 = arith.cmpf olt, %get3A_2, %lt3A_8 : vector<20000xf32>
    %or3A_10 = arith.ori %or3A, %lt3A_9 : vector<20000xi1>
    %gt3A_11 = arith.constant 9.900000e-01 : f32
    %gt3A_12 = vector.broadcast %gt3A_11 : f32 to vector<20000xf32>
    %gt3A_13 = arith.cmpf ogt, %get3A_2, %gt3A_12 : vector<20000xf32>
    %or3A_14 = arith.ori %or3A_10, %gt3A_13 : vector<20000xi1>
    %jit3A = arith.constant 0x7F800000 : f32
    %jit3A_15 = arith.constant 0.000000e+00 : f32
    %broadcast_in_dim3A = vector.broadcast %jit3A : f32 to vector<20000xf32>
    %broadcast_in_dim3A_16 = vector.broadcast %jit3A_15 : f32 to vector<20000xf32>
    %select_n3A = arith.select %or3A_14, %broadcast_in_dim3A, %broadcast_in_dim3A_16 : vector<20000xi1>, vector<20000xf32>
    %swap3A = arith.constant 0 : index
    %swap3A_17 = vector.load %arg2[%swap3A] : memref<20000xf32, #tpu.memory_space<vmem>>, vector<20000xf32>
    tpu.vector_store %arg2[%swap3A], %select_n3A {strides = array<i32>} : memref<20000xf32, #tpu.memory_space<vmem>>, vector<20000xf32>,
    return
  }
}

</mosaic_0001>

<sc_bundles>
// kernel: kernel.6.cloned.1.call-start
scs
__scs_entry_jumppad:
0x0: {  	(pc) =	sbr.rel $0x88, $3  }
0x1: {  	(tag) =	ssettag $0x0;
	lr =	simm.s32 $0x1  }
0x2: {  	[smem:$0x3F9E] =	sst lr;
	_ =	strace $0xD0000000  }
0x3: {  	_ = 	snop  }
0x4: {  	_ = 	snop  }
0x5: {  	_ = 	snop  }
0x6: {  	_ = 	snop  }
0x7: {  	_ = 	snop  }
__scs_overlays_trampoline_lowered:
0x8: {  	[smem:$0x3FAD] =	sst s0  }
0x9: {  	[smem:$0x3FAE] =	sst s1  }
0xa: {  	[smem:$0x3FAF] =	sst s2  }
0xb: {  	[smem:$0x3FB0] =	sst s3  }
0xc: {  	[smem:$0x3FB1] =	sst s4  }
0xd: {  	[smem:$0x3FB2] =	sst s5  }
0xe: {  	[smem:$0x3FB3] =	sst s6  }
0xf: {  	[smem:$0x3FB4] =	sst s7  }
0x10: {  	[smem:$0x3FB5] =	sst s8  }
0x11: {  	[smem:$0x3FB6] =	sst s9;
	s0 =	simm.s32 @!p0 $0x0  }
0x12: {  	s1 =	sld [smem:$0x3F9C];
	s0 =	simm.s32 @p0 $0x1  }
0x13: {  	[smem:$0x3FB7] =	sst s0;
	s0 =	simm.s32 @!p1 $0x0  }
0x14: {  	s2 =	sld [smem:$0x3F9B];
	s0 =	simm.s32 @p1 $0x1  }
0x15: {  	[smem:$0x3FB8] =	sst s0;
	s0 =	simm.s32 @!p2 $0x0  }
0x16: {  	s3 =	sld [smem:$0x3FDB];
	s0 =	simm.s32 @p2 $0x1  }
0x17: {  	s4 =	simm.s32 $0x1BF5;
	[smem:$0x3FBA] =	sst s0  }
0x18: {  	s0 =	sld [smem:$0x3F9D];
	_ =	swait.ge [sflag:s4], $0x0  }
0x19: {  	s7 =	sld [smem:$0x3F9E]  }
0x1a: {  	s8 =	sadd.s32 $0xFFFFE003, lr  }
0x1b: {  	s9 =	sadd.s32 $0xFFFFFEF7, lr;
	s5 =	simm.s32 $0xFFFFFFFF;
	p2 =	slt.u32 s8, $0xFFFFF086  }
0x1c: {  	p1 =	slt.u32 s9, $0xF7A;
	s5 =	simm.s32 @!p2 $0x0  }
0x1d: {  	s5 =	simm.s32 @p1 $0x1;
	p0 =	seq.s32 s7, s2  }
0x1e: {  	s7 =	smul.u32 @!p0 $0xF7A, s2;
	p2 =	seq.s32 @!p0 s5, $0x0  }
0x1f: {  	s9 =	smul.u32 $0xF7A, s1;
	s8 =	simm.s32 @!p0 $0x1BF5;
	p2 =	por !p2, p0  }
0x20: {  	[sflag:s8] =	ssyncset.s32 @!p0 $0xFFFFF086;
	s6 =	sadd.s32 @!p0 s3, s7;
	s7 =	simm.s32 @!p0 $0x108  }
0x21: {  	s3 =	sadd.s32 s3, s9;
	s6 =	sadd.s32 @!p0 $0x88, s6;
	s7 =	simm.s32 @p2 $0x1082  }
0x22: {  	[simem:s7], [sflag:s8] =	dma.local @!p0 [hbm:s6], $0xF7A  }
0x23: {  	s9 =	sor.u32 $0xD0000000, s2;
	s6 =	simm.s32 $0x108;
	_ =	swait.ge @!p0 [sflag:s8], $0x0  }
0x24: {  	s3 =	sadd.s32 $0x88, s3;
	s6 =	simm.s32 @!p1 $0x1082;
	[sflag:s4] =	ssyncset.s32 $0xFFFFF086  }
0x25: {  	[simem:s6], [sflag:s4] =	dma.local [hbm:s3], $0xF7A  }
0x26: {  	[smem:$0x3F9E] =	sst s1;
	(tag) =	ssettag s2;
	_ =	strace s9  }
0x27: {  	s1 =	sld [smem:$0x3FAE]  }
0x28: {  	s2 =	sld [smem:$0x3FAF]  }
0x29: {  	s4 =	sld [smem:$0x3FB1]  }
0x2a: {  	p0 =	seq.s32 s5, $0x0;
	s5 =	sld [smem:$0x3FB2]  }
0x2b: {  	s6 =	sld [smem:$0x3FB3]  }
0x2c: {  	s7 =	sld [smem:$0x3FB4]  }
0x2d: {  	s3 =	simm.s32 $0x108;
	s8 =	sld [smem:$0x3FB5]  }
0x2e: {  	s3 =	simm.s32 @!p0 $0x1082;
	s9 =	sld [smem:$0x3FB6]  }
0x2f: {  	lr =	sadd.s32 s0, s3;
	s0 =	sld [smem:$0x3FAD]  }
0x30: {  	s3 =	sld [smem:$0x3FB0]  }
0x31: {  	[smem:$0x3FB9] =	sst s10  }
0x32: {  	s10 =	sld [smem:$0x3FB7];
	_ =	sdelay $0x3  }
0x33: {  	p0 =	seq.s32 s10, $0x1;
	s10 =	sld [smem:$0x3FB9];
	_ =	sdelay $0x3  }
0x34: {  	[smem:$0x3FB9] =	sst s10  }
0x35: {  	s10 =	sld [smem:$0x3FB8];
	_ =	sdelay $0x3  }
0x36: {  	p1 =	seq.s32 s10, $0x1;
	s10 =	sld [smem:$0x3FB9];
	_ =	sdelay $0x3  }
0x37: {  	[smem:$0x3FB9] =	sst s10  }
0x38: {  	s10 =	sld [smem:$0x3FBA]  }
0x39: {  	_ = 	snop;
	(pc) =	sbr.ind lr, $3  }
0x3a: {  	_ = 	snop  }
0x3b: {  	_ = 	snop  }
0x3c: {  	p2 =	seq.s32 s10, $0x1;
	s10 =	sld [smem:$0x3FB9]  }
0x3d: {  	_ =	shalt  }
0x3e: {  	_ =	shalt  }
0x3f: {  	_ =	shalt  }
0x40: {  	_ =	shalt  }
0x41: {  	_ =	shalt  }
0x42: {  	_ =	shalt  }
0x43: {  	_ =	shalt  }
0x44: {  	_ =	shalt  }
0x45: {  	_ =	shalt  }
0x46: {  	_ =	shalt  }
0x47: {  	_ =	shalt  }
0x48: {  	_ =	shalt  }
0x49: {  	_ =	shalt  }
0x4a: {  	_ =	shalt  }
0x4b: {  	_ =	shalt  }
0x4c: {  	_ =	shalt  }
0x4d: {  	_ =	shalt  }
0x4e: {  	_ =	shalt  }
0x4f: {  	_ =	shalt  }
0x50: {  	_ =	shalt  }
0x51: {  	_ =	shalt  }
0x52: {  	_ =	shalt  }
0x53: {  	_ =	shalt  }
0x54: {  	_ =	shalt  }
0x55: {  	_ =	shalt  }
0x56: {  	_ =	shalt  }
0x57: {  	_ =	shalt  }
0x58: {  	_ =	shalt  }
0x59: {  	_ =	shalt  }
0x5a: {  	_ =	shalt  }
0x5b: {  	_ =	shalt  }
0x5c: {  	_ =	shalt  }
0x5d: {  	_ =	shalt  }
0x5e: {  	_ =	shalt  }
0x5f: {  	_ =	shalt  }
0x60: {  	_ =	shalt  }
0x61: {  	_ =	shalt  }
0x62: {  	_ =	shalt  }
0x63: {  	_ =	shalt  }
0x64: {  	_ =	shalt  }
0x65: {  	_ =	shalt  }
0x66: {  	_ =	shalt  }
0x67: {  	_ =	shalt  }
0x68: {  	_ =	shalt  }
0x69: {  	_ =	shalt  }
0x6a: {  	_ =	shalt  }
0x6b: {  	_ =	shalt  }
0x6c: {  	_ =	shalt  }
0x6d: {  	_ =	shalt  }
0x6e: {  	_ =	shalt  }
0x6f: {  	_ =	shalt  }
0x70: {  	_ =	shalt  }
0x71: {  	_ =	shalt  }
0x72: {  	_ =	shalt  }
0x73: {  	_ =	shalt  }
0x74: {  	_ =	shalt  }
0x75: {  	_ =	shalt  }
0x76: {  	_ =	shalt  }
0x77: {  	_ =	shalt  }
0x78: {  	_ =	shalt  }
0x79: {  	_ =	shalt  }
0x7a: {  	_ =	shalt  }
0x7b: {  	_ =	shalt  }
0x7c: {  	_ =	shalt  }
0x7d: {  	_ =	shalt  }
0x7e: {  	_ =	shalt  }
0x7f: {  	_ =	shalt  }
0x80: {  	_ =	shalt  }
0x81: {  	_ =	shalt  }
0x82: {  	_ =	shalt  }
0x83: {  	_ =	shalt  }
0x84: {  	_ =	shalt  }
0x85: {  	_ =	shalt  }
0x86: {  	_ =	shalt  }
0x87: {  	_ =	shalt  }
.Lfunc_end0:
.L_simem_size_0:
called_computation_lowered:
.L_overlay_start_0:
0x88: {  	s2 =	sld [smem:$0x3FD9]  }
0x89: {  	s3 =	sld [smem:$0x3FFE];
	_ =	sdelay $0x1  }
0x8a: {  	s1 =	srdreg.scid  }
0x8b: {  	s0 =	sand.u32 $0x1, s1  }
0x8c: {  	s17 =	sshll.u32 s0, $0xA;
	s2 =	sadd.s32 s3, s2  }
0x8d: {  	s2 =	sadd.s32 s2, s17  }
0x8e: {  	[smem:$0x3FC5] =	sst s2  }
0x8f: {  	_ = 	snop  }
0x90: {  	s2 =	sld [smem:$0x3FC9];
	(tm) =	ssettm $0x1  }
0x91: {  	s18 =	sld [smem:$0x3FFB];
	_ =	sdelay $0x3  }
0x92: {  	_ =	strace s18  }
0x93: {  	s3 =	sld [smem:$0x3FFC];
	_ =	sdelay $0x3  }
0x94: {  	_ =	strace s3  }
0x95: {  	s3 =	sld [smem:$0x3FFD];
	_ =	sdelay $0x3  }
0x96: {  	_ =	strace s3  }
0x97: {  	_ =	strace $0x8FFFFFFF  }
0x98: {  	s19 =	sld [smem:$0x3FDB];
	_ =	sdelay $0x1  }
0x99: {  	s4 =	simm.s32 $_scs_section_size  }
0x9a: {  	s5 =	simm.s32 $_size__tile_overlayer_lowered;
	s6 =	simm.s32 $_tile_overlayer_lowered  }
0x9b: {  	s22 =	simm.s32 $0x1BFF;
	s21 =	sshll.u32 s6, $0x1;
	s3 =	sadd.s32 s4, s19  }
0x9c: {  	s7 =	simm.s32 $0x0;
	s20 =	sshll.u32 s5, $0x1;
	s5 =	sadd.s32 s21, s3  }
0x9d: {  	[timem:s7], [sflag:s22] =	dma.local [hbm:s5], s20  }
0x9e: {  	_ =	swait.ge [sflag:s22], s20  }
0x9f: {  	s4 =	ssub.s32 $0x0, s20;
	[sflag:s22] =	ssyncset.done $0x0  }
0xa0: {  	[sflag:s22] =	ssyncadd.s32 s4;
	_ =	sdelay $0x1  }
0xa1: {  	s23 =	simm.s32 $0x1B8B  }
0xa2: {  	_ =	swait.ge [sflag:s23], $0x1  }
0xa3: {  	[sflag:s23] =	ssyncset.done $0x0  }
0xa4: {  	s25 =	simm.s32 $0x1B8E;
	s24 =	sld [smem:$0x3FFE];
	[sflag:s23] =	ssyncadd.s32 $0xFFFFFFFF  }
0xa5: {  	s26 =	simm.s32 $execute0_lowered;
	[smem:$0x3FD2] =	sst s25  }
0xa6: {  	s5 =	sshll.u32 s26, $0x1;
	_ =	strace $0x80000046;
	[dreg:$0x1] =	wrdreg $0xFFFFFFFF  }
0xa7: {  	s28 =	simm.s32 $_size_execute0_lowered;
	s3 =	sadd.s32 s3, s5;
	[dreg:$0x0] =	wrdreg $0x0  }
0xa8: {  	s5 =	sshll.u32 s28, $0x1;
	[dreg:$0x2] =	wrdreg s3  }
0xa9: {  	[dreg:$0x3] =	wrdreg s5  }
0xaa: {  	[dreg:$0x4] =	wrdreg $0xC0  }
0xab: {  	_ =	task [dreg:s7], $0x5FFFF  }
0xac: {  	[dreg:$0x1] =	wrdreg $0xFFFFFFFF  }
0xad: {  	[dreg:$0x0] =	wrdreg $0x60  }
0xae: {  	[dreg:$0x2] =	wrdreg s2  }
0xaf: {  	[dreg:$0x3] =	wrdreg s24  }
0xb0: {  	[dreg:$0x4] =	wrdreg $0x9  }
0xb1: {  	_ =	task.clear_ibuf [dreg:s7], $0x5FFFF;
	_ =	strace $0x90000046  }
0xb2: {  	s29 =	simm.s32 $0x9;
	_ =	strace $0x80000048  }
0xb3: {  	_ =	swait.ge [sflag:s29], $0x1  }
0xb4: {  	[sflag:s29] =	ssyncadd.s32 $0xFFFFFFFF  }
0xb5: {  	_ =	strace $0x90000048  }
0xb6: {  	_ =	sfence  }
0xb7: {  	s30 =	sld [smem:$0x0];
	_ =	sdelay $0x2  }
0xb8: {  	s31 =	sshll.u32 s1, $0xD;
	s1 =	sshrl.u32 s1, $0x2  }
0xb9: {  	s3 =	sand.u32 $0x4000, s31;
	s1 =	sadd.s32 s1, s30  }
0xba: {  	s0 =	sor.u32 s3, s0;
	s1 =	sshll.u32 s1, $0x11  }
0xbb: {  	s0 =	sor.u32 s1, s0  }
0xbc: {  	s0 =	sadd.s32 $0x8F2B, s0  }
0xbd: {  	[sflag:s0] =	ssyncadd.remote.s32 $0x1  }
0xbe: {  	_ =	sfence.sel $0xFFFF  }
0xbf: {  	[dreg:$0x0] =	wrdreg $0xFFFFFFFF;
	(pc) =	sbr.abs _section_cstart, $3  }
0xc0: {  	[dreg:$0x1] =	wrdreg $0xFFFFFFFF  }
0xc1: {  	_ =	task.clear_ibuf [dreg:s7], $0x2FFFF;
	_ =	strace $0x9FFFFFFF  }
0xc2: {  	(tm) =	ssettm $0x7FFFFFFF  }
0xc3: {  	_ =	shalt  }
tec
execute0_lowered:
.L_overlay_start_1:
0x0: {  	(tag) =	ssettag $0x1  }
0x1: {  	s0 =	srdreg.scid;
	s3 =	rddreg [dreg:$0x0]  }
0x2: {  	s17 =	stileid.u32;
	s4 =	rddreg [dreg:$0x1]  }
0x3: {  	s2 =	simm.s32 $0x0;
	s31 =	simm.s32 $0x9;
	s30 =	simm.s32 $0x3C0  }
0x4: {  	s29 =	simm.s32 $0x4B0;
	s0 =	sand.u32 $0x1, s0;
	s1 =	sshll.u32 s17, $0x1  }
0x5: {  	s28 =	simm.s32 $0x5A0;
	p0 =	por $0x0, $0x0;
	s1 =	sor.u32 s0, s1  }
0x6: {  	[smem:$0x7FF] =	sst s2;
	s0 =	ssub.s32 $0x2, s0;
	s5 =	smul.u32 $0xF0, s1  }
0x7: {  	s7 =	sadd.s32 $0x4200, s4;
	s6 =	smul.u32 $0x3C000, s1;
	s23 =	sshrl.u32 s0, $0x1  }
0x8: {  	_ =	strace $0x80000047;
	s1 =	smul.u32 $0x7800, s1;
	s0 =	ssub.s32 s0, s23  }
0x9: {  	s23 =	simm.s32 $0xA50;
	s5 =	sadd.s32 s5, s4;
	s6 =	sshrl.u32 s6, $0x3  }
0xa: {  	s25 =	sadd.s32 s7, s1;
	s4 =	sadd.s32 $0xF4200, s4;
	s0 =	smax.u32 s0, $0x1  }
0xb: {  	s8 =	sadd.s32 $0x2400, s5;
	s5 =	sadd.s32 $0x600, s5;
	[dreg:$0x5] =	wrdreg s25  }
0xc: {  	s26 =	sadd.s32 $0xF00, s6;
	s9 =	sadd.s32 $0x1E00, s6;
	[dreg:$0x3] =	wrdreg s8  }
0xd: {  	s1 =	sadd.s32 s4, s1;
	p1 =	sne.s32 s0, $0x1;
	[dreg:$0x4] =	wrdreg s5  }
0xe: {  	s10 =	sadd.s32 s7, s26;
	s11 =	sadd.s32 s7, s9;
	[dreg:$0xd] =	wrdreg s1  }
0xf: {  	s18 =	sadd.s32 s4, s26;
	s19 =	sadd.s32 s4, s9;
	[dreg:$0x6] =	wrdreg s10  }
0x10: {  	s9 =	simm.s32 $0xF0;
	s26 =	simm.s32 $0x1E0;
	[dreg:$0x7] =	wrdreg s11  }
0x11: {  	s8 =	simm.s32 $0x17700;
	s5 =	simm.s32 $0x7;
	[dreg:$0xe] =	wrdreg s18  }
0x12: {  	s1 =	sadd.s32 $0xFFFFFFFF, s0;
	s10 =	sadd.s32 $0x2D00, s6;
	[dreg:$0xf] =	wrdreg s19  }
0x13: {  	s11 =	sadd.s32 $0x3C00, s6;
	[dreg:$0x15] =	wrdreg s26;
	s26 =	simm.s32 $0x690  }
0x14: {  	s19 =	simm.s32 $0xD20;
	s18 =	simm.s32 $0xE10;
	s0 =	rddreg [dreg:$0x3]  }
0x15: {  	s12 =	sadd.s32 s7, s10;
	s13 =	sadd.s32 s7, s11;
	s20 =	sadd.s32 s4, s10  }
0x16: {  	s21 =	sadd.s32 s4, s11;
	s10 =	simm.s32 $0xFF00;
	[dreg:$0x8] =	wrdreg s12  }
0x17: {  	s11 =	simm.s32 $0x4;
	s12 =	sadd.s32 $0x4B00, s6;
	[dreg:$0x9] =	wrdreg s13  }
0x18: {  	s13 =	sadd.s32 $0x5A00, s6;
	s6 =	sadd.s32 $0x6900, s6;
	[dreg:$0x10] =	wrdreg s20  }
0x19: {  	[dreg:$0x11] =	wrdreg s21;
	s21 =	simm.s32 $0xB40;
	s14 =	sadd.s32 s7, s12  }
0x1a: {  	s20 =	simm.s32 $0xC30;
	s15 =	sadd.s32 s7, s13;
	[dreg:$0xa] =	wrdreg s14  }
0x1b: {  	s16 =	sadd.s32 s7, s6;
	s22 =	sadd.s32 s4, s12;
	[dreg:$0xb] =	wrdreg s15  }
0x1c: {  	s24 =	sadd.s32 s4, s13;
	s25 =	sadd.s32 s4, s6;
	[dreg:$0xc] =	wrdreg s16  }
.Ltmp0:
0x1d: {  	s12 =	simm.s32 $0x8700;
	[dreg:$0x12] =	wrdreg s22;
	(pc) =	sbr.rel @!p1 .LBB2_1-.Ltmp0, $4  }
0x1e: {  	s13 =	simm.s32 $0x3;
	s6 =	simm.s32 $0x5;
	[dreg:$0x13] =	wrdreg s24  }
0x1f: {  	s7 =	simm.s32 $0x6;
	s4 =	simm.s32 $0x8;
	[dreg:$0x14] =	wrdreg s25  }
0x20: {  	s22 =	simm.s32 $0x780;
	s15 =	simm.s32 $0xF00;
	s16 =	simm.s32 $0x1  }
0x21: {  	s14 =	simm.s32 $0x2;
	s25 =	simm.s32 $0x870;
	s24 =	simm.s32 $0x960  }
0x22: {  	[tilespmem:s2], [sflag:$0x9] =	stream.linear.gather [hbm4b:s0+s2], $0x780, $0x38;
	[tilespmem:$0x1EF00] =	vst v63  }
0x23: {  	_ =	swait.ge [sflag:s31], $0x780  }
0x24: {  	[sflag:s31] =	ssyncset.done $0x0  }
0x25: {  	s17 =	rddreg [dreg:$0x4];
	[sflag:s31] =	ssyncadd.s32 $0xFFFFF880  }
0x26: {  	[tilespmem:s22], [sflag:$0x9] =	stream.linear.gather [hbm4b:s17+s2], $0x780, $0x38;
	[tilespmem:$0x1EF00] =	vst v63  }
0x27: {  	_ =	swait.ge [sflag:s31], $0x780  }
0x28: {  	[sflag:s31] =	ssyncset.done $0x0  }
0x29: {  	[sflag:s31] =	ssyncadd.s32 $0xFFFFF880  }
0x2a: {  	[tilespmem:s15], [sflag:$0x1] =	stream.indirect.gather [hbm4b:s3+s9], $0x80, s2, s9, $0xb8;
	[tilespmem:$0x1EF00] =	vst v63  }
0x2b: {  	_ = 	snop  }
0x2c: {  	[tilespmem:s12], [sflag:$0x2] =	stream.indirect.gather [hbm4b:s3+s9], $0x80, s9, s9, $0xb8;
	[tilespmem:$0x1EF00] =	vst v63  }
0x2d: {  	_ =	swait.ge [sflag:s16], $0x7800  }
0x2e: {  	[sflag:s16] =	ssyncset.done $0x0  }
0x2f: {  	s0 =	rddreg [dreg:$0x5];
	[sflag:s16] =	ssyncadd.s32 $0xFFFF8800  }
0x30: {  	[hbm4b:s0+s2] =	stream.linear.scatter [tilespmem:s15], [sflag:$0x5], $0x7800, $0x38;
	[tilespmem:$0x1EF00] =	vst v63  }
0x31: {  	s17 =	smov.u32 s1;
	s1 =	rddreg [dreg:$0x15]  }
0x32: {  	[tilespmem:s10], [sflag:$0x3] =	stream.indirect.gather [hbm4b:s3+s9], $0x80, s1, s9, $0xb8;
	[tilespmem:$0x1EF00] =	vst v63  }
0x33: {  	_ =	swait.ge [sflag:s14], $0x7800  }
0x34: {  	[sflag:s14] =	ssyncset.done $0x0  }
0x35: {  	s1 =	rddreg [dreg:$0x6];
	[sflag:s14] =	ssyncadd.s32 $0xFFFF8800  }
0x36: {  	[hbm4b:s1+s2] =	stream.linear.scatter [tilespmem:s12], [sflag:$0x6], $0x7800, $0x38;
	[tilespmem:$0x1EF00] =	vst v63  }
0x37: {  	s1 =	simm.s32 $0x2D0  }
0x38: {  	[tilespmem:s8], [sflag:$0x4] =	stream.indirect.gather [hbm4b:s3+s9], $0x80, s1, s9, $0xb8;
	[tilespmem:$0x1EF00] =	vst v63  }
0x39: {  	_ =	swait.ge [sflag:s13], $0x7800  }
0x3a: {  	[sflag:s13] =	ssyncset.done $0x0  }
0x3b: {  	s1 =	rddreg [dreg:$0x7];
	[sflag:s13] =	ssyncadd.s32 $0xFFFF8800  }
0x3c: {  	[hbm4b:s1+s2] =	stream.linear.scatter [tilespmem:s10], [sflag:$0x7], $0x7800, $0x38;
	[tilespmem:$0x1EF00] =	vst v63  }
0x3d: {  	_ =	swait.ge [sflag:s6], $0x7800  }
0x3e: {  	[sflag:s6] =	ssyncset.done $0x0  }
0x3f: {  	[sflag:s6] =	ssyncadd.s32 $0xFFFF8800  }
0x40: {  	[tilespmem:s15], [sflag:$0x1] =	stream.indirect.gather [hbm4b:s3+s9], $0x80, s30, s9, $0xb8;
	[tilespmem:$0x1EF00] =	vst v63  }
0x41: {  	_ =	swait.ge [sflag:s11], $0x7800  }
0x42: {  	[sflag:s11] =	ssyncset.done $0x0  }
0x43: {  	s1 =	rddreg [dreg:$0x8];
	[sflag:s11] =	ssyncadd.s32 $0xFFFF8800  }
0x44: {  	[hbm4b:s1+s2] =	stream.linear.scatter [tilespmem:s8], [sflag:$0x8], $0x7800, $0x38;
	[tilespmem:$0x1EF00] =	vst v63  }
0x45: {  	_ =	swait.ge [sflag:s7], $0x7800  }
0x46: {  	[sflag:s7] =	ssyncset.done $0x0  }
0x47: {  	[sflag:s7] =	ssyncadd.s32 $0xFFFF8800  }
0x48: {  	[tilespmem:s12], [sflag:$0x2] =	stream.indirect.gather [hbm4b:s3+s9], $0x80, s29, s9, $0xb8;
	[tilespmem:$0x1EF00] =	vst v63  }
0x49: {  	_ =	swait.ge [sflag:s16], $0x7800  }
0x4a: {  	[sflag:s16] =	ssyncset.done $0x0  }
0x4b: {  	s1 =	rddreg [dreg:$0x9];
	[sflag:s16] =	ssyncadd.s32 $0xFFFF8800  }
0x4c: {  	[hbm4b:s1+s2] =	stream.linear.scatter [tilespmem:s15], [sflag:$0x5], $0x7800, $0x38;
	[tilespmem:$0x1EF00] =	vst v63  }
0x4d: {  	_ =	swait.ge [sflag:s5], $0x7800  }
0x4e: {  	[sflag:s5] =	ssyncset.done $0x0  }
0x4f: {  	[sflag:s5] =	ssyncadd.s32 $0xFFFF8800  }
0x50: {  	[tilespmem:s10], [sflag:$0x3] =	stream.indirect.gather [hbm4b:s3+s9], $0x80, s28, s9, $0xb8;
	[tilespmem:$0x1EF00] =	vst v63  }
0x51: {  	_ =	swait.ge [sflag:s14], $0x7800  }
0x52: {  	[sflag:s14] =	ssyncset.done $0x0  }
0x53: {  	s1 =	rddreg [dreg:$0xa];
	[sflag:s14] =	ssyncadd.s32 $0xFFFF8800  }
0x54: {  	[hbm4b:s1+s2] =	stream.linear.scatter [tilespmem:s12], [sflag:$0x6], $0x7800, $0x38;
	[tilespmem:$0x1EF00] =	vst v63  }
0x55: {  	_ =	swait.ge [sflag:s4], $0x7800  }
0x56: {  	[sflag:s4] =	ssyncset.done $0x0  }
0x57: {  	[sflag:s4] =	ssyncadd.s32 $0xFFFF8800  }
0x58: {  	[tilespmem:s8], [sflag:$0x4] =	stream.indirect.gather [hbm4b:s3+s9], $0x80, s26, s9, $0xb8;
	[tilespmem:$0x1EF00] =	vst v63  }
0x59: {  	_ =	swait.ge [sflag:s13], $0x7800  }
0x5a: {  	[sflag:s13] =	ssyncset.done $0x0  }
0x5b: {  	s1 =	rddreg [dreg:$0xb];
	[sflag:s13] =	ssyncadd.s32 $0xFFFF8800  }
0x5c: {  	[hbm4b:s1+s2] =	stream.linear.scatter [tilespmem:s10], [sflag:$0x7], $0x7800, $0x38;
	[tilespmem:$0x1EF00] =	vst v63  }
0x5d: {  	_ =	swait.ge [sflag:s6], $0x7800  }
0x5e: {  	[sflag:s6] =	ssyncset.done $0x0  }
0x5f: {  	[sflag:s6] =	ssyncadd.s32 $0xFFFF8800  }
0x60: {  	[tilespmem:s15], [sflag:$0x1] =	stream.indirect.gather [hbm4b:s3+s9], $0x80, s22, s9, $0xb8;
	[tilespmem:$0x1EF00] =	vst v63  }
0x61: {  	_ =	swait.ge [sflag:s11], $0x7800  }
0x62: {  	[sflag:s11] =	ssyncset.done $0x0  }
0x63: {  	s1 =	rddreg [dreg:$0xc];
	[sflag:s11] =	ssyncadd.s32 $0xFFFF8800  }
0x64: {  	[hbm4b:s1+s2] =	stream.linear.scatter [tilespmem:s8], [sflag:$0x8], $0x7800, $0x38;
	[tilespmem:$0x1EF00] =	vst v63  }
0x65: {  	_ =	swait.ge [sflag:s7], $0x7800  }
0x66: {  	[sflag:s7] =	ssyncset.done $0x0  }
0x67: {  	[sflag:s7] =	ssyncadd.s32 $0xFFFF8800  }
0x68: {  	[tilespmem:s12], [sflag:$0x2] =	stream.indirect.gather [hbm4b:s3+s9], $0x80, s25, s9, $0xb8;
	[tilespmem:$0x1EF00] =	vst v63  }
0x69: {  	_ =	swait.ge [sflag:s16], $0x7800  }
0x6a: {  	[sflag:s16] =	ssyncset.done $0x0  }
0x6b: {  	s1 =	rddreg [dreg:$0xd];
	[sflag:s16] =	ssyncadd.s32 $0xFFFF8800  }
0x6c: {  	[hbm4b:s1+s2] =	stream.linear.scatter [tilespmem:s15], [sflag:$0x5], $0x7800, $0x38;
	[tilespmem:$0x1EF00] =	vst v63  }
0x6d: {  	_ =	swait.ge [sflag:s5], $0x7800  }
0x6e: {  	[sflag:s5] =	ssyncset.done $0x0  }
0x6f: {  	[sflag:s5] =	ssyncadd.s32 $0xFFFF8800  }
0x70: {  	[tilespmem:s10], [sflag:$0x3] =	stream.indirect.gather [hbm4b:s3+s9], $0x80, s24, s9, $0xb8;
	[tilespmem:$0x1EF00] =	vst v63  }
0x71: {  	_ =	swait.ge [sflag:s14], $0x7800  }
0x72: {  	[sflag:s14] =	ssyncset.done $0x0  }
0x73: {  	s1 =	rddreg [dreg:$0xe];
	[sflag:s14] =	ssyncadd.s32 $0xFFFF8800  }
0x74: {  	[hbm4b:s1+s2] =	stream.linear.scatter [tilespmem:s12], [sflag:$0x6], $0x7800, $0x38;
	[tilespmem:$0x1EF00] =	vst v63  }
0x75: {  	_ =	swait.ge [sflag:s4], $0x7800  }
0x76: {  	[sflag:s4] =	ssyncset.done $0x0  }
0x77: {  	[sflag:s4] =	ssyncadd.s32 $0xFFFF8800  }
0x78: {  	[tilespmem:s8], [sflag:$0x4] =	stream.indirect.gather [hbm4b:s3+s9], $0x80, s23, s9, $0xb8;
	[tilespmem:$0x1EF00] =	vst v63  }
0x79: {  	_ =	swait.ge [sflag:s13], $0x7800  }
0x7a: {  	[sflag:s13] =	ssyncset.done $0x0  }
0x7b: {  	s1 =	rddreg [dreg:$0xf];
	[sflag:s13] =	ssyncadd.s32 $0xFFFF8800  }
0x7c: {  	[hbm4b:s1+s2] =	stream.linear.scatter [tilespmem:s10], [sflag:$0x7], $0x7800, $0x38;
	[tilespmem:$0x1EF00] =	vst v63  }
0x7d: {  	_ =	swait.ge [sflag:s6], $0x7800  }
0x7e: {  	[sflag:s6] =	ssyncset.done $0x0  }
0x7f: {  	[sflag:s6] =	ssyncadd.s32 $0xFFFF8800  }
0x80: {  	[tilespmem:s15], [sflag:$0x1] =	stream.indirect.gather [hbm4b:s3+s9], $0x80, s21, s9, $0xb8;
	[tilespmem:$0x1EF00] =	vst v63  }
0x81: {  	_ =	swait.ge [sflag:s11], $0x7800  }
0x82: {  	[sflag:s11] =	ssyncset.done $0x0  }
0x83: {  	s1 =	rddreg [dreg:$0x10];
	[sflag:s11] =	ssyncadd.s32 $0xFFFF8800  }
0x84: {  	[hbm4b:s1+s2] =	stream.linear.scatter [tilespmem:s8], [sflag:$0x8], $0x7800, $0x38;
	[tilespmem:$0x1EF00] =	vst v63  }
0x85: {  	_ =	swait.ge [sflag:s7], $0x7800  }
0x86: {  	[sflag:s7] =	ssyncset.done $0x0  }
0x87: {  	[sflag:s7] =	ssyncadd.s32 $0xFFFF8800  }
0x88: {  	[tilespmem:s12], [sflag:$0x2] =	stream.indirect.gather [hbm4b:s3+s9], $0x80, s20, s9, $0xb8;
	[tilespmem:$0x1EF00] =	vst v63  }
0x89: {  	_ =	swait.ge [sflag:s16], $0x7800  }
0x8a: {  	[sflag:s16] =	ssyncset.done $0x0  }
0x8b: {  	s1 =	rddreg [dreg:$0x11];
	[sflag:s16] =	ssyncadd.s32 $0xFFFF8800  }
0x8c: {  	[hbm4b:s1+s2] =	stream.linear.scatter [tilespmem:s15], [sflag:$0x5], $0x7800, $0x38;
	[tilespmem:$0x1EF00] =	vst v63  }
0x8d: {  	_ =	swait.ge [sflag:s5], $0x7800  }
0x8e: {  	[sflag:s5] =	ssyncset.done $0x0  }
0x8f: {  	[sflag:s5] =	ssyncadd.s32 $0xFFFF8800  }
0x90: {  	[tilespmem:s10], [sflag:$0x3] =	stream.indirect.gather [hbm4b:s3+s9], $0x80, s19, s9, $0xb8;
	[tilespmem:$0x1EF00] =	vst v63  }
0x91: {  	_ =	swait.ge [sflag:s14], $0x7800  }
0x92: {  	[sflag:s14] =	ssyncset.done $0x0  }
0x93: {  	s1 =	rddreg [dreg:$0x12];
	[sflag:s14] =	ssyncadd.s32 $0xFFFF8800  }
0x94: {  	[hbm4b:s1+s2] =	stream.linear.scatter [tilespmem:s12], [sflag:$0x6], $0x7800, $0x38;
	[tilespmem:$0x1EF00] =	vst v63  }
0x95: {  	_ =	swait.ge [sflag:s4], $0x7800  }
0x96: {  	[sflag:s4] =	ssyncset.done $0x0  }
0x97: {  	[sflag:s4] =	ssyncadd.s32 $0xFFFF8800  }
0x98: {  	[tilespmem:s8], [sflag:$0x4] =	stream.indirect.gather [hbm4b:s3+s9], $0x80, s18, s9, $0xb8;
	[tilespmem:$0x1EF00] =	vst v63  }
0x99: {  	_ =	swait.ge [sflag:s13], $0x7800  }
0x9a: {  	[sflag:s13] =	ssyncset.done $0x0  }
0x9b: {  	s1 =	rddreg [dreg:$0x13];
	[sflag:s13] =	ssyncadd.s32 $0xFFFF8800  }
0x9c: {  	[hbm4b:s1+s2] =	stream.linear.scatter [tilespmem:s10], [sflag:$0x7], $0x7800, $0x38;
	[tilespmem:$0x1EF00] =	vst v63  }
0x9d: {  	_ =	swait.ge [sflag:s11], $0x7800  }
0x9e: {  	[sflag:s11] =	ssyncset.done $0x0  }
0x9f: {  	s1 =	rddreg [dreg:$0x14];
	[sflag:s11] =	ssyncadd.s32 $0xFFFF8800  }
0xa0: {  	[hbm4b:s1+s2] =	stream.linear.scatter [tilespmem:s8], [sflag:$0x8], $0x7800, $0x38;
	[tilespmem:$0x1EF00] =	vst v63  }
0xa1: {  	_ =	swait.ge [sflag:s6], $0x7800  }
0xa2: {  	[sflag:s6] =	ssyncset.done $0x0  }
0xa3: {  	[sflag:s6] =	ssyncadd.s32 $0xFFFF8800  }
0xa4: {  	_ =	swait.ge [sflag:s7], $0x7800  }
0xa5: {  	[sflag:s7] =	ssyncset.done $0x0  }
0xa6: {  	p1 =	sne.s32 s17, $0x1;
	[sflag:s7] =	ssyncadd.s32 $0xFFFF8800  }
.Ltmp1:
0xa7: {  	_ =	swait.ge [sflag:s5], $0x7800;
	(pc) =	sbr.rel @!p1 .LBB2_3-.Ltmp1, $4  }
0xa8: {  	[sflag:s5] =	ssyncset.done $0x0  }
0xa9: {  	[sflag:s5] =	ssyncadd.s32 $0xFFFF8800  }
0xaa: {  	p0 =	por $0x1, $0x1;
	_ =	swait.ge [sflag:s4], $0x7800  }
0xab: {  	s1 =	sadd.s32 $0xFFFFFFFF, s17;
	s0 =	rddreg [dreg:$0x3];
	[sflag:s4] =	ssyncset.done $0x0  }
.LBB2_4:
0xac: {  	[sflag:s4] =	ssyncadd.s32 $0xFFFF8800  }
0xad: {  	[tilespmem:s2], [sflag:$0x9] =	stream.linear.gather [hbm4b:s0+s2], $0x780, $0x38;
	[tilespmem:$0x1EF00] =	vst v63  }
0xae: {  	_ =	swait.ge [sflag:s31], $0x780  }
0xaf: {  	[sflag:s31] =	ssyncset.done $0x0  }
0xb0: {  	s17 =	rddreg [dreg:$0x4];
	[sflag:s31] =	ssyncadd.s32 $0xFFFFF880  }
0xb1: {  	[tilespmem:s22], [sflag:$0x9] =	stream.linear.gather [hbm4b:s17+s2], $0x780, $0x38;
	[tilespmem:$0x1EF00] =	vst v63  }
0xb2: {  	_ =	swait.ge [sflag:s31], $0x780  }
0xb3: {  	[sflag:s31] =	ssyncset.done $0x0  }
0xb4: {  	[sflag:s31] =	ssyncadd.s32 $0xFFFFF880  }
0xb5: {  	[tilespmem:s15], [sflag:$0x1] =	stream.indirect.gather [hbm4b:s3+s9], $0x80, s2, s9, $0xb8;
	[tilespmem:$0x1EF00] =	vst v63  }
0xb6: {  	_ = 	snop  }
0xb7: {  	[tilespmem:s12], [sflag:$0x2] =	stream.indirect.gather [hbm4b:s3+s9], $0x80, s9, s9, $0xb8;
	[tilespmem:$0x1EF00] =	vst v63  }
0xb8: {  	_ =	swait.ge [sflag:s16], $0x7800  }
0xb9: {  	[sflag:s16] =	ssyncset.done $0x0  }
0xba: {  	s0 =	rddreg [dreg:$0x5];
	[sflag:s16] =	ssyncadd.s32 $0xFFFF8800  }
0xbb: {  	[hbm4b:s0+s2] =	stream.linear.scatter [tilespmem:s15], [sflag:$0x5], $0x7800, $0x38;
	[tilespmem:$0x1EF00] =	vst v63  }
0xbc: {  	s17 =	rddreg [dreg:$0x15]  }
0xbd: {  	[tilespmem:s10], [sflag:$0x3] =	stream.indirect.gather [hbm4b:s3+s9], $0x80, s17, s9, $0xb8;
	[tilespmem:$0x1EF00] =	vst v63  }
0xbe: {  	_ =	swait.ge [sflag:s14], $0x7800  }
0xbf: {  	[sflag:s14] =	ssyncset.done $0x0  }
0xc0: {  	s17 =	rddreg [dreg:$0x6];
	[sflag:s14] =	ssyncadd.s32 $0xFFFF8800  }
0xc1: {  	[hbm4b:s17+s2] =	stream.linear.scatter [tilespmem:s12], [sflag:$0x6], $0x7800, $0x38;
	[tilespmem:$0x1EF00] =	vst v63  }
0xc2: {  	s17 =	simm.s32 $0x2D0  }
0xc3: {  	[tilespmem:s8], [sflag:$0x4] =	stream.indirect.gather [hbm4b:s3+s9], $0x80, s17, s9, $0xb8;
	[tilespmem:$0x1EF00] =	vst v63  }
0xc4: {  	_ =	swait.ge [sflag:s13], $0x7800  }
0xc5: {  	[sflag:s13] =	ssyncset.done $0x0  }
0xc6: {  	s17 =	rddreg [dreg:$0x7];
	[sflag:s13] =	ssyncadd.s32 $0xFFFF8800  }
0xc7: {  	[hbm4b:s17+s2] =	stream.linear.scatter [tilespmem:s10], [sflag:$0x7], $0x7800, $0x38;
	[tilespmem:$0x1EF00] =	vst v63  }
0xc8: {  	_ =	swait.ge [sflag:s6], $0x7800  }
0xc9: {  	[sflag:s6] =	ssyncset.done $0x0  }
0xca: {  	[sflag:s6] =	ssyncadd.s32 $0xFFFF8800  }
0xcb: {  	[tilespmem:s15], [sflag:$0x1] =	stream.indirect.gather [hbm4b:s3+s9], $0x80, s30, s9, $0xb8;
	[tilespmem:$0x1EF00] =	vst v63  }
0xcc: {  	_ =	swait.ge [sflag:s11], $0x7800  }
0xcd: {  	[sflag:s11] =	ssyncset.done $0x0  }
0xce: {  	s17 =	rddreg [dreg:$0x8];
	[sflag:s11] =	ssyncadd.s32 $0xFFFF8800  }
0xcf: {  	[hbm4b:s17+s2] =	stream.linear.scatter [tilespmem:s8], [sflag:$0x8], $0x7800, $0x38;
	[tilespmem:$0x1EF00] =	vst v63  }
0xd0: {  	_ =	swait.ge [sflag:s7], $0x7800  }
0xd1: {  	[sflag:s7] =	ssyncset.done $0x0  }
0xd2: {  	[sflag:s7] =	ssyncadd.s32 $0xFFFF8800  }
0xd3: {  	[tilespmem:s12], [sflag:$0x2] =	stream.indirect.gather [hbm4b:s3+s9], $0x80, s29, s9, $0xb8;
	[tilespmem:$0x1EF00] =	vst v63  }
0xd4: {  	_ =	swait.ge [sflag:s16], $0x7800  }
0xd5: {  	[sflag:s16] =	ssyncset.done $0x0  }
0xd6: {  	s17 =	rddreg [dreg:$0x9];
	[sflag:s16] =	ssyncadd.s32 $0xFFFF8800  }
0xd7: {  	[hbm4b:s17+s2] =	stream.linear.scatter [tilespmem:s15], [sflag:$0x5], $0x7800, $0x38;
	[tilespmem:$0x1EF00] =	vst v63  }
0xd8: {  	_ =	swait.ge [sflag:s5], $0x7800  }
0xd9: {  	[sflag:s5] =	ssyncset.done $0x0  }
0xda: {  	[sflag:s5] =	ssyncadd.s32 $0xFFFF8800  }
0xdb: {  	[tilespmem:s10], [sflag:$0x3] =	stream.indirect.gather [hbm4b:s3+s9], $0x80, s28, s9, $0xb8;
	[tilespmem:$0x1EF00] =	vst v63  }
0xdc: {  	_ =	swait.ge [sflag:s14], $0x7800  }
0xdd: {  	[sflag:s14] =	ssyncset.done $0x0  }
0xde: {  	s17 =	rddreg [dreg:$0xa];
	[sflag:s14] =	ssyncadd.s32 $0xFFFF8800  }
0xdf: {  	[hbm4b:s17+s2] =	stream.linear.scatter [tilespmem:s12], [sflag:$0x6], $0x7800, $0x38;
	[tilespmem:$0x1EF00] =	vst v63  }
0xe0: {  	_ =	swait.ge [sflag:s4], $0x7800  }
0xe1: {  	[sflag:s4] =	ssyncset.done $0x0  }
0xe2: {  	[sflag:s4] =	ssyncadd.s32 $0xFFFF8800  }
0xe3: {  	[tilespmem:s8], [sflag:$0x4] =	stream.indirect.gather [hbm4b:s3+s9], $0x80, s26, s9, $0xb8;
	[tilespmem:$0x1EF00] =	vst v63  }
0xe4: {  	_ =	swait.ge [sflag:s13], $0x7800  }
0xe5: {  	[sflag:s13] =	ssyncset.done $0x0  }
0xe6: {  	s17 =	rddreg [dreg:$0xb];
	[sflag:s13] =	ssyncadd.s32 $0xFFFF8800  }
0xe7: {  	[hbm4b:s17+s2] =	stream.linear.scatter [tilespmem:s10], [sflag:$0x7], $0x7800, $0x38;
	[tilespmem:$0x1EF00] =	vst v63  }
0xe8: {  	_ =	swait.ge [sflag:s6], $0x7800  }
0xe9: {  	[sflag:s6] =	ssyncset.done $0x0  }
0xea: {  	[sflag:s6] =	ssyncadd.s32 $0xFFFF8800  }
0xeb: {  	[tilespmem:s15], [sflag:$0x1] =	stream.indirect.gather [hbm4b:s3+s9], $0x80, s22, s9, $0xb8;
	[tilespmem:$0x1EF00] =	vst v63  }
0xec: {  	_ =	swait.ge [sflag:s11], $0x7800  }
0xed: {  	[sflag:s11] =	ssyncset.done $0x0  }
0xee: {  	s17 =	rddreg [dreg:$0xc];
	[sflag:s11] =	ssyncadd.s32 $0xFFFF8800  }
0xef: {  	[hbm4b:s17+s2] =	stream.linear.scatter [tilespmem:s8], [sflag:$0x8], $0x7800, $0x38;
	[tilespmem:$0x1EF00] =	vst v63  }
0xf0: {  	_ =	swait.ge [sflag:s7], $0x7800  }
0xf1: {  	[sflag:s7] =	ssyncset.done $0x0  }
0xf2: {  	[sflag:s7] =	ssyncadd.s32 $0xFFFF8800  }
0xf3: {  	[tilespmem:s12], [sflag:$0x2] =	stream.indirect.gather [hbm4b:s3+s9], $0x80, s25, s9, $0xb8;
	[tilespmem:$0x1EF00] =	vst v63  }
0xf4: {  	_ =	swait.ge [sflag:s16], $0x7800  }
0xf5: {  	[sflag:s16] =	ssyncset.done $0x0  }
0xf6: {  	s17 =	rddreg [dreg:$0xd];
	[sflag:s16] =	ssyncadd.s32 $0xFFFF8800  }
0xf7: {  	[hbm4b:s17+s2] =	stream.linear.scatter [tilespmem:s15], [sflag:$0x5], $0x7800, $0x38;
	[tilespmem:$0x1EF00] =	vst v63  }
0xf8: {  	_ =	swait.ge [sflag:s5], $0x7800  }
0xf9: {  	[sflag:s5] =	ssyncset.done $0x0  }
0xfa: {  	[sflag:s5] =	ssyncadd.s32 $0xFFFF8800  }
0xfb: {  	[tilespmem:s10], [sflag:$0x3] =	stream.indirect.gather [hbm4b:s3+s9], $0x80, s24, s9, $0xb8;
	[tilespmem:$0x1EF00] =	vst v63  }
0xfc: {  	_ =	swait.ge [sflag:s14], $0x7800  }
0xfd: {  	[sflag:s14] =	ssyncset.done $0x0  }
0xfe: {  	s17 =	rddreg [dreg:$0xe];
	[sflag:s14] =	ssyncadd.s32 $0xFFFF8800  }
0xff: {  	[hbm4b:s17+s2] =	stream.linear.scatter [tilespmem:s12], [sflag:$0x6], $0x7800, $0x38;
	[tilespmem:$0x1EF00] =	vst v63  }
0x100: {  	_ =	swait.ge [sflag:s4], $0x7800  }
0x101: {  	[sflag:s4] =	ssyncset.done $0x0  }
0x102: {  	[sflag:s4] =	ssyncadd.s32 $0xFFFF8800  }
0x103: {  	[tilespmem:s8], [sflag:$0x4] =	stream.indirect.gather [hbm4b:s3+s9], $0x80, s23, s9, $0xb8;
	[tilespmem:$0x1EF00] =	vst v63  }
0x104: {  	_ =	swait.ge [sflag:s13], $0x7800  }
0x105: {  	[sflag:s13] =	ssyncset.done $0x0  }
0x106: {  	s17 =	rddreg [dreg:$0xf];
	[sflag:s13] =	ssyncadd.s32 $0xFFFF8800  }
0x107: {  	[hbm4b:s17+s2] =	stream.linear.scatter [tilespmem:s10], [sflag:$0x7], $0x7800, $0x38;
	[tilespmem:$0x1EF00] =	vst v63  }
0x108: {  	_ =	swait.ge [sflag:s6], $0x7800  }
0x109: {  	[sflag:s6] =	ssyncset.done $0x0  }
0x10a: {  	[sflag:s6] =	ssyncadd.s32 $0xFFFF8800  }
0x10b: {  	[tilespmem:s15], [sflag:$0x1] =	stream.indirect.gather [hbm4b:s3+s9], $0x80, s21, s9, $0xb8;
	[tilespmem:$0x1EF00] =	vst v63  }
0x10c: {  	_ =	swait.ge [sflag:s11], $0x7800  }
0x10d: {  	[sflag:s11] =	ssyncset.done $0x0  }
0x10e: {  	s17 =	rddreg [dreg:$0x10];
	[sflag:s11] =	ssyncadd.s32 $0xFFFF8800  }
0x10f: {  	[hbm4b:s17+s2] =	stream.linear.scatter [tilespmem:s8], [sflag:$0x8], $0x7800, $0x38;
	[tilespmem:$0x1EF00] =	vst v63  }
0x110: {  	_ =	swait.ge [sflag:s7], $0x7800  }
0x111: {  	[sflag:s7] =	ssyncset.done $0x0  }
0x112: {  	[sflag:s7] =	ssyncadd.s32 $0xFFFF8800  }
0x113: {  	[tilespmem:s12], [sflag:$0x2] =	stream.indirect.gather [hbm4b:s3+s9], $0x80, s20, s9, $0xb8;
	[tilespmem:$0x1EF00] =	vst v63  }
0x114: {  	_ =	swait.ge [sflag:s16], $0x7800  }
0x115: {  	[sflag:s16] =	ssyncset.done $0x0  }
0x116: {  	s17 =	rddreg [dreg:$0x11];
	[sflag:s16] =	ssyncadd.s32 $0xFFFF8800  }
0x117: {  	[hbm4b:s17+s2] =	stream.linear.scatter [tilespmem:s15], [sflag:$0x5], $0x7800, $0x38;
	[tilespmem:$0x1EF00] =	vst v63  }
0x118: {  	_ =	swait.ge [sflag:s5], $0x7800  }
0x119: {  	[sflag:s5] =	ssyncset.done $0x0  }
0x11a: {  	[sflag:s5] =	ssyncadd.s32 $0xFFFF8800  }
0x11b: {  	[tilespmem:s10], [sflag:$0x3] =	stream.indirect.gather [hbm4b:s3+s9], $0x80, s19, s9, $0xb8;
	[tilespmem:$0x1EF00] =	vst v63  }
0x11c: {  	_ =	swait.ge [sflag:s14], $0x7800  }
0x11d: {  	[sflag:s14] =	ssyncset.done $0x0  }
0x11e: {  	s17 =	rddreg [dreg:$0x12];
	[sflag:s14] =	ssyncadd.s32 $0xFFFF8800  }
0x11f: {  	[hbm4b:s17+s2] =	stream.linear.scatter [tilespmem:s12], [sflag:$0x6], $0x7800, $0x38;
	[tilespmem:$0x1EF00] =	vst v63  }
0x120: {  	_ =	swait.ge [sflag:s4], $0x7800  }
0x121: {  	[sflag:s4] =	ssyncset.done $0x0  }
0x122: {  	[sflag:s4] =	ssyncadd.s32 $0xFFFF8800  }
0x123: {  	[tilespmem:s8], [sflag:$0x4] =	stream.indirect.gather [hbm4b:s3+s9], $0x80, s18, s9, $0xb8;
	[tilespmem:$0x1EF00] =	vst v63  }
0x124: {  	_ =	swait.ge [sflag:s13], $0x7800  }
0x125: {  	[sflag:s13] =	ssyncset.done $0x0  }
0x126: {  	s17 =	rddreg [dreg:$0x13];
	[sflag:s13] =	ssyncadd.s32 $0xFFFF8800  }
0x127: {  	[hbm4b:s17+s2] =	stream.linear.scatter [tilespmem:s10], [sflag:$0x7], $0x7800, $0x38;
	[tilespmem:$0x1EF00] =	vst v63  }
0x128: {  	_ =	swait.ge [sflag:s11], $0x7800  }
0x129: {  	[sflag:s11] =	ssyncset.done $0x0  }
0x12a: {  	s17 =	rddreg [dreg:$0x14];
	[sflag:s11] =	ssyncadd.s32 $0xFFFF8800  }
0x12b: {  	[hbm4b:s17+s2] =	stream.linear.scatter [tilespmem:s8], [sflag:$0x8], $0x7800, $0x38;
	[tilespmem:$0x1EF00] =	vst v63  }
0x12c: {  	_ =	swait.ge [sflag:s6], $0x7800  }
0x12d: {  	[sflag:s6] =	ssyncset.done $0x0  }
0x12e: {  	[sflag:s6] =	ssyncadd.s32 $0xFFFF8800  }
0x12f: {  	_ =	swait.ge [sflag:s7], $0x7800  }
0x130: {  	[sflag:s7] =	ssyncset.done $0x0  }
0x131: {  	p1 =	sne.s32 s1, $0x1;
	[sflag:s7] =	ssyncadd.s32 $0xFFFF8800  }
.Ltmp2:
0x132: {  	_ =	swait.ge [sflag:s5], $0x7800;
	(pc) =	sbr.rel @p1 .LBB2_4-.Ltmp2, $4  }
0x133: {  	[sflag:s5] =	ssyncset.done $0x0  }
0x134: {  	[sflag:s5] =	ssyncadd.s32 $0xFFFF8800  }
0x135: {  	_ =	swait.ge [sflag:s4], $0x7800  }
0x136: {  	s1 =	sadd.s32 $0xFFFFFFFF, s1;
	s0 =	rddreg [dreg:$0x3];
	[sflag:s4] =	ssyncset.done $0x0  }
0x137: {  	s18 =	simm.s32 $0x2D0;
	s30 =	simm.s32 $0x3C0;
	s29 =	simm.s32 $0x4B0  }
0x138: {  	s28 =	simm.s32 $0x5A0;
	s26 =	simm.s32 $0x690;
	s25 =	simm.s32 $0x870  }
0x139: {  	s24 =	simm.s32 $0x960;
	s23 =	simm.s32 $0xA50;
	s21 =	simm.s32 $0xB40  }
0x13a: {  	s20 =	simm.s32 $0xC30;
	s19 =	simm.s32 $0xD20;
	s17 =	stileid.u32  }
.LBB2_6:
0x13b: {  	[sflag:s4] =	ssyncadd.s32 @p0 $0xFFFF8800  }
0x13c: {  	[tilespmem:s2], [sflag:$0x9] =	stream.linear.gather [hbm4b:s0+s2], $0x780, $0x38;
	[tilespmem:$0x1EF00] =	vst v63  }
0x13d: {  	_ =	swait.ge [sflag:s31], $0x780  }
0x13e: {  	[sflag:s31] =	ssyncset.done $0x0  }
0x13f: {  	s1 =	rddreg [dreg:$0x4];
	[sflag:s31] =	ssyncadd.s32 $0xFFFFF880  }
0x140: {  	[tilespmem:s22], [sflag:$0x9] =	stream.linear.gather [hbm4b:s1+s2], $0x780, $0x38;
	[tilespmem:$0x1EF00] =	vst v63  }
0x141: {  	_ =	swait.ge [sflag:s31], $0x780  }
0x142: {  	[sflag:s31] =	ssyncset.done $0x0  }
0x143: {  	[sflag:s31] =	ssyncadd.s32 $0xFFFFF880  }
0x144: {  	[tilespmem:s15], [sflag:$0x1] =	stream.indirect.gather [hbm4b:s3+s9], $0x80, s2, s9, $0xb8;
	[tilespmem:$0x1EF00] =	vst v63  }
0x145: {  	_ = 	snop  }
0x146: {  	[tilespmem:s12], [sflag:$0x2] =	stream.indirect.gather [hbm4b:s3+s9], $0x80, s9, s9, $0xb8;
	[tilespmem:$0x1EF00] =	vst v63  }
0x147: {  	_ =	swait.ge [sflag:s16], $0x7800  }
0x148: {  	[sflag:s16] =	ssyncset.done $0x0  }
0x149: {  	s31 =	rddreg [dreg:$0x5];
	[sflag:s16] =	ssyncadd.s32 $0xFFFF8800  }
0x14a: {  	[hbm4b:s31+s2] =	stream.linear.scatter [tilespmem:s15], [sflag:$0x5], $0x7800, $0x38;
	[tilespmem:$0x1EF00] =	vst v63  }
0x14b: {  	s1 =	rddreg [dreg:$0x15]  }
0x14c: {  	[tilespmem:s10], [sflag:$0x3] =	stream.indirect.gather [hbm4b:s3+s9], $0x80, s1, s9, $0xb8;
	[tilespmem:$0x1EF00] =	vst v63  }
0x14d: {  	_ =	swait.ge [sflag:s14], $0x7800  }
0x14e: {  	[sflag:s14] =	ssyncset.done $0x0  }
0x14f: {  	s31 =	rddreg [dreg:$0x6];
	[sflag:s14] =	ssyncadd.s32 $0xFFFF8800  }
0x150: {  	[hbm4b:s31+s2] =	stream.linear.scatter [tilespmem:s12], [sflag:$0x6], $0x7800, $0x38;
	[tilespmem:$0x1EF00] =	vst v63  }
0x151: {  	_ = 	snop  }
0x152: {  	[tilespmem:s8], [sflag:$0x4] =	stream.indirect.gather [hbm4b:s3+s9], $0x80, s18, s9, $0xb8;
	[tilespmem:$0x1EF00] =	vst v63  }
0x153: {  	_ =	swait.ge [sflag:s13], $0x7800  }
0x154: {  	[sflag:s13] =	ssyncset.done $0x0  }
0x155: {  	s1 =	rddreg [dreg:$0x7];
	[sflag:s13] =	ssyncadd.s32 $0xFFFF8800  }
0x156: {  	[hbm4b:s1+s2] =	stream.linear.scatter [tilespmem:s10], [sflag:$0x7], $0x7800, $0x38;
	[tilespmem:$0x1EF00] =	vst v63  }
0x157: {  	_ =	swait.ge [sflag:s6], $0x7800  }
0x158: {  	[sflag:s6] =	ssyncset.done $0x0  }
0x159: {  	[sflag:s6] =	ssyncadd.s32 $0xFFFF8800  }
0x15a: {  	[tilespmem:s15], [sflag:$0x1] =	stream.indirect.gather [hbm4b:s3+s9], $0x80, s30, s9, $0xb8;
	[tilespmem:$0x1EF00] =	vst v63  }
0x15b: {  	_ =	swait.ge [sflag:s11], $0x7800  }
0x15c: {  	[sflag:s11] =	ssyncset.done $0x0  }
0x15d: {  	s18 =	rddreg [dreg:$0x8];
	[sflag:s11] =	ssyncadd.s32 $0xFFFF8800  }
0x15e: {  	[hbm4b:s18+s2] =	stream.linear.scatter [tilespmem:s8], [sflag:$0x8], $0x7800, $0x38;
	[tilespmem:$0x1EF00] =	vst v63  }
0x15f: {  	_ =	swait.ge [sflag:s7], $0x7800  }
0x160: {  	[sflag:s7] =	ssyncset.done $0x0  }
0x161: {  	[sflag:s7] =	ssyncadd.s32 $0xFFFF8800  }
0x162: {  	[tilespmem:s12], [sflag:$0x2] =	stream.indirect.gather [hbm4b:s3+s9], $0x80, s29, s9, $0xb8;
	[tilespmem:$0x1EF00] =	vst v63  }
0x163: {  	_ =	swait.ge [sflag:s16], $0x7800  }
0x164: {  	[sflag:s16] =	ssyncset.done $0x0  }
0x165: {  	s29 =	rddreg [dreg:$0x9];
	[sflag:s16] =	ssyncadd.s32 $0xFFFF8800  }
0x166: {  	[hbm4b:s29+s2] =	stream.linear.scatter [tilespmem:s15], [sflag:$0x5], $0x7800, $0x38;
	[tilespmem:$0x1EF00] =	vst v63  }
0x167: {  	_ =	swait.ge [sflag:s5], $0x7800  }
0x168: {  	[sflag:s5] =	ssyncset.done $0x0  }
0x169: {  	[sflag:s5] =	ssyncadd.s32 $0xFFFF8800  }
0x16a: {  	[tilespmem:s10], [sflag:$0x3] =	stream.indirect.gather [hbm4b:s3+s9], $0x80, s28, s9, $0xb8;
	[tilespmem:$0x1EF00] =	vst v63  }
0x16b: {  	_ =	swait.ge [sflag:s14], $0x7800  }
0x16c: {  	[sflag:s14] =	ssyncset.done $0x0  }
0x16d: {  	s30 =	rddreg [dreg:$0xa];
	[sflag:s14] =	ssyncadd.s32 $0xFFFF8800  }
0x16e: {  	[hbm4b:s30+s2] =	stream.linear.scatter [tilespmem:s12], [sflag:$0x6], $0x7800, $0x38;
	[tilespmem:$0x1EF00] =	vst v63  }
0x16f: {  	_ =	swait.ge [sflag:s4], $0x7800  }
0x170: {  	[sflag:s4] =	ssyncset.done $0x0  }
0x171: {  	[sflag:s4] =	ssyncadd.s32 $0xFFFF8800  }
0x172: {  	[tilespmem:s8], [sflag:$0x4] =	stream.indirect.gather [hbm4b:s3+s9], $0x80, s26, s9, $0xb8;
	[tilespmem:$0x1EF00] =	vst v63  }
0x173: {  	_ =	swait.ge [sflag:s13], $0x7800  }
0x174: {  	[sflag:s13] =	ssyncset.done $0x0  }
0x175: {  	s31 =	rddreg [dreg:$0xb];
	[sflag:s13] =	ssyncadd.s32 $0xFFFF8800  }
0x176: {  	[hbm4b:s31+s2] =	stream.linear.scatter [tilespmem:s10], [sflag:$0x7], $0x7800, $0x38;
	[tilespmem:$0x1EF00] =	vst v63  }
0x177: {  	_ =	swait.ge [sflag:s6], $0x7800  }
0x178: {  	[sflag:s6] =	ssyncset.done $0x0  }
0x179: {  	[sflag:s6] =	ssyncadd.s32 $0xFFFF8800  }
0x17a: {  	[tilespmem:s15], [sflag:$0x1] =	stream.indirect.gather [hbm4b:s3+s9], $0x80, s22, s9, $0xb8;
	[tilespmem:$0x1EF00] =	vst v63  }
0x17b: {  	_ =	swait.ge [sflag:s11], $0x7800  }
0x17c: {  	[sflag:s11] =	ssyncset.done $0x0  }
0x17d: {  	s1 =	rddreg [dreg:$0xc];
	[sflag:s11] =	ssyncadd.s32 $0xFFFF8800  }
0x17e: {  	[hbm4b:s1+s2] =	stream.linear.scatter [tilespmem:s8], [sflag:$0x8], $0x7800, $0x38;
	[tilespmem:$0x1EF00] =	vst v63  }
0x17f: {  	_ =	swait.ge [sflag:s7], $0x7800  }
0x180: {  	[sflag:s7] =	ssyncset.done $0x0  }
0x181: {  	[sflag:s7] =	ssyncadd.s32 $0xFFFF8800  }
0x182: {  	[tilespmem:s12], [sflag:$0x2] =	stream.indirect.gather [hbm4b:s3+s9], $0x80, s25, s9, $0xb8;
	[tilespmem:$0x1EF00] =	vst v63  }
0x183: {  	_ =	swait.ge [sflag:s16], $0x7800  }
0x184: {  	[sflag:s16] =	ssyncset.done $0x0  }
0x185: {  	s18 =	rddreg [dreg:$0xd];
	[sflag:s16] =	ssyncadd.s32 $0xFFFF8800  }
0x186: {  	[hbm4b:s18+s2] =	stream.linear.scatter [tilespmem:s15], [sflag:$0x5], $0x7800, $0x38;
	[tilespmem:$0x1EF00] =	vst v63  }
0x187: {  	_ =	swait.ge [sflag:s5], $0x7800  }
0x188: {  	[sflag:s5] =	ssyncset.done $0x0  }
0x189: {  	[sflag:s5] =	ssyncadd.s32 $0xFFFF8800  }
0x18a: {  	[tilespmem:s10], [sflag:$0x3] =	stream.indirect.gather [hbm4b:s3+s9], $0x80, s24, s9, $0xb8;
	[tilespmem:$0x1EF00] =	vst v63  }
0x18b: {  	_ =	swait.ge [sflag:s14], $0x7800  }
0x18c: {  	[sflag:s14] =	ssyncset.done $0x0  }
0x18d: {  	s22 =	rddreg [dreg:$0xe];
	[sflag:s14] =	ssyncadd.s32 $0xFFFF8800  }
0x18e: {  	[hbm4b:s22+s2] =	stream.linear.scatter [tilespmem:s12], [sflag:$0x6], $0x7800, $0x38;
	[tilespmem:$0x1EF00] =	vst v63  }
0x18f: {  	_ =	swait.ge [sflag:s4], $0x7800  }
0x190: {  	[sflag:s4] =	ssyncset.done $0x0  }
0x191: {  	[sflag:s4] =	ssyncadd.s32 $0xFFFF8800  }
0x192: {  	[tilespmem:s8], [sflag:$0x4] =	stream.indirect.gather [hbm4b:s3+s9], $0x80, s23, s9, $0xb8;
	[tilespmem:$0x1EF00] =	vst v63  }
0x193: {  	_ =	swait.ge [sflag:s13], $0x7800  }
0x194: {  	[sflag:s13] =	ssyncset.done $0x0  }
0x195: {  	s24 =	rddreg [dreg:$0xf];
	[sflag:s13] =	ssyncadd.s32 $0xFFFF8800  }
0x196: {  	[hbm4b:s24+s2] =	stream.linear.scatter [tilespmem:s10], [sflag:$0x7], $0x7800, $0x38;
	[tilespmem:$0x1EF00] =	vst v63  }
0x197: {  	_ =	swait.ge [sflag:s6], $0x7800  }
0x198: {  	[sflag:s6] =	ssyncset.done $0x0  }
0x199: {  	[sflag:s6] =	ssyncadd.s32 $0xFFFF8800  }
0x19a: {  	[tilespmem:s15], [sflag:$0x1] =	stream.indirect.gather [hbm4b:s3+s9], $0x80, s21, s9, $0xb8;
	[tilespmem:$0x1EF00] =	vst v63  }
0x19b: {  	_ =	swait.ge [sflag:s11], $0x7800  }
0x19c: {  	[sflag:s11] =	ssyncset.done $0x0  }
0x19d: {  	s25 =	rddreg [dreg:$0x10];
	[sflag:s11] =	ssyncadd.s32 $0xFFFF8800  }
0x19e: {  	[hbm4b:s25+s2] =	stream.linear.scatter [tilespmem:s8], [sflag:$0x8], $0x7800, $0x38;
	[tilespmem:$0x1EF00] =	vst v63  }
0x19f: {  	_ =	swait.ge [sflag:s7], $0x7800  }
0x1a0: {  	[sflag:s7] =	ssyncset.done $0x0  }
0x1a1: {  	[sflag:s7] =	ssyncadd.s32 $0xFFFF8800  }
0x1a2: {  	[tilespmem:s12], [sflag:$0x2] =	stream.indirect.gather [hbm4b:s3+s9], $0x80, s20, s9, $0xb8;
	[tilespmem:$0x1EF00] =	vst v63  }
0x1a3: {  	_ =	swait.ge [sflag:s16], $0x7800  }
0x1a4: {  	[sflag:s16] =	ssyncset.done $0x0  }
0x1a5: {  	s26 =	rddreg [dreg:$0x11];
	[sflag:s16] =	ssyncadd.s32 $0xFFFF8800  }
0x1a6: {  	[hbm4b:s26+s2] =	stream.linear.scatter [tilespmem:s15], [sflag:$0x5], $0x7800, $0x38;
	[tilespmem:$0x1EF00] =	vst v63  }
0x1a7: {  	_ =	swait.ge [sflag:s5], $0x7800  }
0x1a8: {  	[sflag:s5] =	ssyncset.done $0x0  }
0x1a9: {  	[sflag:s5] =	ssyncadd.s32 $0xFFFF8800  }
0x1aa: {  	[tilespmem:s10], [sflag:$0x3] =	stream.indirect.gather [hbm4b:s3+s9], $0x80, s19, s9, $0xb8;
	[tilespmem:$0x1EF00] =	vst v63  }
0x1ab: {  	_ =	swait.ge [sflag:s14], $0x7800  }
0x1ac: {  	[sflag:s14] =	ssyncset.done $0x0  }
0x1ad: {  	s28 =	rddreg [dreg:$0x12];
	[sflag:s14] =	ssyncadd.s32 $0xFFFF8800  }
0x1ae: {  	[hbm4b:s28+s2] =	stream.linear.scatter [tilespmem:s12], [sflag:$0x6], $0x7800, $0x38;
	[tilespmem:$0x1EF00] =	vst v63  }
0x1af: {  	_ =	swait.ge [sflag:s4], $0x7800  }
0x1b0: {  	[sflag:s4] =	ssyncset.done $0x0  }
0x1b1: {  	s29 =	simm.s32 $0xE10;
	[sflag:s4] =	ssyncadd.s32 $0xFFFF8800  }
0x1b2: {  	[tilespmem:s8], [sflag:$0x4] =	stream.indirect.gather [hbm4b:s3+s9], $0x80, s29, s9, $0xb8;
	[tilespmem:$0x1EF00] =	vst v63  }
0x1b3: {  	_ =	swait.ge [sflag:s13], $0x7800  }
0x1b4: {  	[sflag:s13] =	ssyncset.done $0x0  }
0x1b5: {  	s30 =	rddreg [dreg:$0x13];
	[sflag:s13] =	ssyncadd.s32 $0xFFFF8800  }
0x1b6: {  	[hbm4b:s30+s2] =	stream.linear.scatter [tilespmem:s10], [sflag:$0x7], $0x7800, $0x38;
	[tilespmem:$0x1EF00] =	vst v63  }
0x1b7: {  	_ =	swait.ge [sflag:s11], $0x7800  }
0x1b8: {  	[sflag:s11] =	ssyncset.done $0x0  }
0x1b9: {  	s31 =	rddreg [dreg:$0x14];
	[sflag:s11] =	ssyncadd.s32 $0xFFFF8800  }
0x1ba: {  	[hbm4b:s31+s2] =	stream.linear.scatter [tilespmem:s8], [sflag:$0x8], $0x7800, $0x38;
	[tilespmem:$0x1EF00] =	vst v63  }
0x1bb: {  	_ =	swait.ge [sflag:s6], $0x7800  }
0x1bc: {  	[sflag:s6] =	ssyncset.done $0x0  }
0x1bd: {  	[sflag:s6] =	ssyncadd.s32 $0xFFFF8800  }
0x1be: {  	_ =	swait.ge [sflag:s7], $0x7800  }
0x1bf: {  	[sflag:s7] =	ssyncset.done $0x0  }
0x1c0: {  	[sflag:s7] =	ssyncadd.s32 $0xFFFF8800  }
0x1c1: {  	_ =	swait.ge [sflag:s5], $0x7800  }
0x1c2: {  	[sflag:s5] =	ssyncset.done $0x0  }
0x1c3: {  	[sflag:s5] =	ssyncadd.s32 $0xFFFF8800  }
0x1c4: {  	_ =	swait.ge [sflag:s4], $0x7800  }
0x1c5: {  	[sflag:s4] =	ssyncset.done $0x0  }
0x1c6: {  	[sflag:s4] =	ssyncadd.s32 $0xFFFF8800  }
0x1c7: {  	_ =	sfence.sel $0x180000  }
0x1c8: {  	[bflag:$0x0] =	sbarrier.arrive $0xFFFF  }
0x1c9: {  	_ =	strace $0x90000047  }
0x1ca: {  	[bflag:$0x2] =	sbarrier.arrive $0xFFFF  }
0x1cb: {  	p0 =	sne.s32 s17, $0x0;
	s0 =	rddreg [dreg:$0x2]  }
0x1cc: {  	s0 =	sadd.s32 @!p0 $0x100000, s0  }
0x1cd: {  	[sflag:s0] =	ssyncadd.tile.s32 @!p0 $0x1;
	_ =	shalt  }
.LBB2_1:
.Ltmp3:
0x1ce: {  	(pc) =	sbr.rel .LBB2_6-.Ltmp3, $4  }
0x1cf: {  	s18 =	simm.s32 $0x2D0;
	s30 =	simm.s32 $0x3C0  }
0x1d0: {  	s29 =	simm.s32 $0x4B0;
	s28 =	simm.s32 $0x5A0;
	s26 =	simm.s32 $0x690  }
0x1d1: {  	s25 =	simm.s32 $0x870;
	s24 =	simm.s32 $0x960;
	s23 =	simm.s32 $0xA50  }
0x1d2: {  	s21 =	simm.s32 $0xB40;
	s20 =	simm.s32 $0xC30;
	s19 =	simm.s32 $0xD20  }
.LBB2_3:
.Ltmp4:
0x1d3: {  	(pc) =	sbr.rel .LBB2_6-.Ltmp4, $4  }
0x1d4: {  	s18 =	simm.s32 $0x2D0;
	s30 =	simm.s32 $0x3C0;
	s29 =	simm.s32 $0x4B0  }
0x1d5: {  	s28 =	simm.s32 $0x5A0;
	s26 =	simm.s32 $0x690;
	s25 =	simm.s32 $0x870  }
0x1d6: {  	s24 =	simm.s32 $0x960;
	s23 =	simm.s32 $0xA50;
	s21 =	simm.s32 $0xB40  }
0x1d7: {  	s20 =	simm.s32 $0xC30;
	s19 =	simm.s32 $0xD20;
	s17 =	stileid.u32  }
.Lfunc_end2:
_tile_overlayer_lowered:
.L_overlay_start_2:
0x1d8: {  	(tag) =	ssettag $0x2  }
0x1d9: {  	s0 =	rddreg [dreg:$0x0];
	s2 =	stileid.u32  }
0x1da: {  	s1 =	rddreg [dreg:$0x1];
	p0 =	sne.s32 s2, $0x0  }
0x1db: {  	s3 =	rddreg [dreg:$0x2];
	[bflag:$0x3] =	sbarrier.arrive $0xFFFF;
	s2 =	simm.s32 @!p0 $0x1C09  }
0x1dc: {  	[timem:s3], [sflag:s2] =	dma.local @!p0 [hbm:s0], s1  }
0x1dd: {  	s0 =	simm.s32 @!p0 $0x9  }
0x1de: {  	_ =	swait.ge @!p0 [sflag:s0], s1  }
0x1df: {  	s1 =	ssub.s32 @!p0 $0x0, s1;
	[sflag:s0] =	ssyncset.done @!p0 $0x0  }
0x1e0: {  	[sflag:s0] =	ssyncadd.s32 @!p0 s1  }
0x1e1: {  	[bflag:$0x3] =	sbarrier.arrive $0xFFFF  }
0x1e2: {  	_ =	shalt  }

// kernel: kernel.9.cloned.1.call-start
scs
__scs_entry_jumppad:
0x0: {  	(pc) =	sbr.rel $0x88, $3  }
0x1: {  	(tag) =	ssettag $0x0;
	lr =	simm.s32 $0x1  }
0x2: {  	[smem:$0x3F9E] =	sst lr;
	_ =	strace $0xD0000000  }
0x3: {  	_ = 	snop  }
0x4: {  	_ = 	snop  }
0x5: {  	_ = 	snop  }
0x6: {  	_ = 	snop  }
0x7: {  	_ = 	snop  }
__scs_overlays_trampoline_lowered:
0x8: {  	[smem:$0x3FAD] =	sst s0  }
0x9: {  	[smem:$0x3FAE] =	sst s1  }
0xa: {  	[smem:$0x3FAF] =	sst s2  }
0xb: {  	[smem:$0x3FB0] =	sst s3  }
0xc: {  	[smem:$0x3FB1] =	sst s4  }
0xd: {  	[smem:$0x3FB2] =	sst s5  }
0xe: {  	[smem:$0x3FB3] =	sst s6  }
0xf: {  	[smem:$0x3FB4] =	sst s7  }
0x10: {  	[smem:$0x3FB5] =	sst s8  }
0x11: {  	[smem:$0x3FB6] =	sst s9;
	s0 =	simm.s32 @!p0 $0x0  }
0x12: {  	s1 =	sld [smem:$0x3F9C];
	s0 =	simm.s32 @p0 $0x1  }
0x13: {  	[smem:$0x3FB7] =	sst s0;
	s0 =	simm.s32 @!p1 $0x0  }
0x14: {  	s2 =	sld [smem:$0x3F9B];
	s0 =	simm.s32 @p1 $0x1  }
0x15: {  	[smem:$0x3FB8] =	sst s0;
	s0 =	simm.s32 @!p2 $0x0  }
0x16: {  	s3 =	sld [smem:$0x3FDB];
	s0 =	simm.s32 @p2 $0x1  }
0x17: {  	s4 =	simm.s32 $0x1BF5;
	[smem:$0x3FBA] =	sst s0  }
0x18: {  	s0 =	sld [smem:$0x3F9D];
	_ =	swait.ge [sflag:s4], $0x0  }
0x19: {  	s7 =	sld [smem:$0x3F9E]  }
0x1a: {  	s8 =	sadd.s32 $0xFFFFE003, lr  }
0x1b: {  	s9 =	sadd.s32 $0xFFFFFEF7, lr;
	s5 =	simm.s32 $0xFFFFFFFF;
	p2 =	slt.u32 s8, $0xFFFFF086  }
0x1c: {  	p1 =	slt.u32 s9, $0xF7A;
	s5 =	simm.s32 @!p2 $0x0  }
0x1d: {  	s5 =	simm.s32 @p1 $0x1;
	p0 =	seq.s32 s7, s2  }
0x1e: {  	s7 =	smul.u32 @!p0 $0xF7A, s2;
	p2 =	seq.s32 @!p0 s5, $0x0  }
0x1f: {  	s9 =	smul.u32 $0xF7A, s1;
	s8 =	simm.s32 @!p0 $0x1BF5;
	p2 =	por !p2, p0  }
0x20: {  	[sflag:s8] =	ssyncset.s32 @!p0 $0xFFFFF086;
	s6 =	sadd.s32 @!p0 s3, s7;
	s7 =	simm.s32 @!p0 $0x108  }
0x21: {  	s3 =	sadd.s32 s3, s9;
	s6 =	sadd.s32 @!p0 $0x88, s6;
	s7 =	simm.s32 @p2 $0x1082  }
0x22: {  	[simem:s7], [sflag:s8] =	dma.local @!p0 [hbm:s6], $0xF7A  }
0x23: {  	s9 =	sor.u32 $0xD0000000, s2;
	s6 =	simm.s32 $0x108;
	_ =	swait.ge @!p0 [sflag:s8], $0x0  }
0x24: {  	s3 =	sadd.s32 $0x88, s3;
	s6 =	simm.s32 @!p1 $0x1082;
	[sflag:s4] =	ssyncset.s32 $0xFFFFF086  }
0x25: {  	[simem:s6], [sflag:s4] =	dma.local [hbm:s3], $0xF7A  }
0x26: {  	[smem:$0x3F9E] =	sst s1;
	(tag) =	ssettag s2;
	_ =	strace s9  }
0x27: {  	s1 =	sld [smem:$0x3FAE]  }
0x28: {  	s2 =	sld [smem:$0x3FAF]  }
0x29: {  	s4 =	sld [smem:$0x3FB1]  }
0x2a: {  	p0 =	seq.s32 s5, $0x0;
	s5 =	sld [smem:$0x3FB2]  }
0x2b: {  	s6 =	sld [smem:$0x3FB3]  }
0x2c: {  	s7 =	sld [smem:$0x3FB4]  }
0x2d: {  	s3 =	simm.s32 $0x108;
	s8 =	sld [smem:$0x3FB5]  }
0x2e: {  	s3 =	simm.s32 @!p0 $0x1082;
	s9 =	sld [smem:$0x3FB6]  }
0x2f: {  	lr =	sadd.s32 s0, s3;
	s0 =	sld [smem:$0x3FAD]  }
0x30: {  	s3 =	sld [smem:$0x3FB0]  }
0x31: {  	[smem:$0x3FB9] =	sst s10  }
0x32: {  	s10 =	sld [smem:$0x3FB7];
	_ =	sdelay $0x3  }
0x33: {  	p0 =	seq.s32 s10, $0x1;
	s10 =	sld [smem:$0x3FB9];
	_ =	sdelay $0x3  }
0x34: {  	[smem:$0x3FB9] =	sst s10  }
0x35: {  	s10 =	sld [smem:$0x3FB8];
	_ =	sdelay $0x3  }
0x36: {  	p1 =	seq.s32 s10, $0x1;
	s10 =	sld [smem:$0x3FB9];
	_ =	sdelay $0x3  }
0x37: {  	[smem:$0x3FB9] =	sst s10  }
0x38: {  	s10 =	sld [smem:$0x3FBA]  }
0x39: {  	_ = 	snop;
	(pc) =	sbr.ind lr, $3  }
0x3a: {  	_ = 	snop  }
0x3b: {  	_ = 	snop  }
0x3c: {  	p2 =	seq.s32 s10, $0x1;
	s10 =	sld [smem:$0x3FB9]  }
0x3d: {  	_ =	shalt  }
0x3e: {  	_ =	shalt  }
0x3f: {  	_ =	shalt  }
0x40: {  	_ =	shalt  }
0x41: {  	_ =	shalt  }
0x42: {  	_ =	shalt  }
0x43: {  	_ =	shalt  }
0x44: {  	_ =	shalt  }
0x45: {  	_ =	shalt  }
0x46: {  	_ =	shalt  }
0x47: {  	_ =	shalt  }
0x48: {  	_ =	shalt  }
0x49: {  	_ =	shalt  }
0x4a: {  	_ =	shalt  }
0x4b: {  	_ =	shalt  }
0x4c: {  	_ =	shalt  }
0x4d: {  	_ =	shalt  }
0x4e: {  	_ =	shalt  }
0x4f: {  	_ =	shalt  }
0x50: {  	_ =	shalt  }
0x51: {  	_ =	shalt  }
0x52: {  	_ =	shalt  }
0x53: {  	_ =	shalt  }
0x54: {  	_ =	shalt  }
0x55: {  	_ =	shalt  }
0x56: {  	_ =	shalt  }
0x57: {  	_ =	shalt  }
0x58: {  	_ =	shalt  }
0x59: {  	_ =	shalt  }
0x5a: {  	_ =	shalt  }
0x5b: {  	_ =	shalt  }
0x5c: {  	_ =	shalt  }
0x5d: {  	_ =	shalt  }
0x5e: {  	_ =	shalt  }
0x5f: {  	_ =	shalt  }
0x60: {  	_ =	shalt  }
0x61: {  	_ =	shalt  }
0x62: {  	_ =	shalt  }
0x63: {  	_ =	shalt  }
0x64: {  	_ =	shalt  }
0x65: {  	_ =	shalt  }
0x66: {  	_ =	shalt  }
0x67: {  	_ =	shalt  }
0x68: {  	_ =	shalt  }
0x69: {  	_ =	shalt  }
0x6a: {  	_ =	shalt  }
0x6b: {  	_ =	shalt  }
0x6c: {  	_ =	shalt  }
0x6d: {  	_ =	shalt  }
0x6e: {  	_ =	shalt  }
0x6f: {  	_ =	shalt  }
0x70: {  	_ =	shalt  }
0x71: {  	_ =	shalt  }
0x72: {  	_ =	shalt  }
0x73: {  	_ =	shalt  }
0x74: {  	_ =	shalt  }
0x75: {  	_ =	shalt  }
0x76: {  	_ =	shalt  }
0x77: {  	_ =	shalt  }
0x78: {  	_ =	shalt  }
0x79: {  	_ =	shalt  }
0x7a: {  	_ =	shalt  }
0x7b: {  	_ =	shalt  }
0x7c: {  	_ =	shalt  }
0x7d: {  	_ =	shalt  }
0x7e: {  	_ =	shalt  }
0x7f: {  	_ =	shalt  }
0x80: {  	_ =	shalt  }
0x81: {  	_ =	shalt  }
0x82: {  	_ =	shalt  }
0x83: {  	_ =	shalt  }
0x84: {  	_ =	shalt  }
0x85: {  	_ =	shalt  }
0x86: {  	_ =	shalt  }
0x87: {  	_ =	shalt  }
.Lfunc_end0:
.L_simem_size_0:
called_computation.1_lowered:
.L_overlay_start_0:
0x88: {  	s0 =	sld [smem:$0x3FD9]  }
0x89: {  	s1 =	sld [smem:$0x3FFE];
	_ =	sdelay $0x3  }
0x8a: {  	s0 =	sadd.s32 s1, s0  }
0x8b: {  	[smem:$0x3FC5] =	sst s0  }
0x8c: {  	_ = 	snop  }
0x8d: {  	s0 =	sld [smem:$0x3FD0];
	_ =	sdelay $0x2  }
0x8e: {  	s13 =	simm.s32 $0xA;
	s2 =	simm.s32 $0x10  }
0x8f: {  	[smem:s2], [sflag:s13] =	dma.local [hbm:s0], $0x1  }
0x90: {  	_ =	swait.eq [sflag:s13], $0x1  }
0x91: {  	[sflag:s13] =	ssyncset.done $0x0  }
0x92: {  	[sflag:s13] =	ssyncadd.s32 $0xFFFFFFFF  }
0x93: {  	s14 =	sld [smem:$0x11];
	(tm) =	ssettm $0x1  }
0x94: {  	s15 =	sld [smem:$0x3FFB];
	_ =	sdelay $0x3  }
0x95: {  	_ =	strace s15  }
0x96: {  	s1 =	sld [smem:$0x3FFC];
	_ =	sdelay $0x3  }
0x97: {  	_ =	strace s1  }
0x98: {  	s1 =	sld [smem:$0x3FFD];
	_ =	sdelay $0x3  }
0x99: {  	_ =	strace s1  }
0x9a: {  	_ =	strace $0x8FFFFFFF  }
0x9b: {  	s16 =	sld [smem:$0x3FDB];
	_ =	sdelay $0x1  }
0x9c: {  	s17 =	simm.s32 $_scs_section_size  }
0x9d: {  	s3 =	simm.s32 $_size__tile_overlayer_lowered;
	s4 =	simm.s32 $_tile_overlayer_lowered  }
0x9e: {  	s20 =	simm.s32 $0x1BFF;
	s19 =	sshll.u32 s4, $0x1;
	s1 =	sadd.s32 s17, s16  }
0x9f: {  	s5 =	simm.s32 $0x0;
	s18 =	sshll.u32 s3, $0x1;
	s3 =	sadd.s32 s19, s1  }
0xa0: {  	[timem:s5], [sflag:s20] =	dma.local [hbm:s3], s18  }
0xa1: {  	_ =	swait.ge [sflag:s20], s18  }
0xa2: {  	s2 =	ssub.s32 $0x0, s18;
	[sflag:s20] =	ssyncset.done $0x0  }
0xa3: {  	[sflag:s20] =	ssyncadd.s32 s2;
	_ =	sdelay $0x1  }
0xa4: {  	s21 =	simm.s32 $0x1B8B  }
0xa5: {  	_ =	swait.ge [sflag:s21], $0x1  }
0xa6: {  	[sflag:s21] =	ssyncset.done $0x0  }
0xa7: {  	s23 =	simm.s32 $0x1B8E;
	s22 =	sld [smem:$0x3FFE];
	[sflag:s21] =	ssyncadd.s32 $0xFFFFFFFF  }
0xa8: {  	s24 =	simm.s32 $execute0_lowered;
	[smem:$0x3FD2] =	sst s23  }
0xa9: {  	s3 =	sshll.u32 s24, $0x1;
	_ =	strace $0x80000049;
	[dreg:$0x1] =	wrdreg $0xFFFFFFFF  }
0xaa: {  	s25 =	simm.s32 $_size_execute0_lowered;
	s1 =	sadd.s32 s1, s3;
	[dreg:$0x0] =	wrdreg $0x0  }
0xab: {  	s3 =	sshll.u32 s25, $0x1;
	[dreg:$0x2] =	wrdreg s1  }
0xac: {  	[dreg:$0x3] =	wrdreg s3  }
0xad: {  	[dreg:$0x4] =	wrdreg $0xC0  }
0xae: {  	_ =	task [dreg:s5], $0x5FFFF  }
0xaf: {  	[dreg:$0x1] =	wrdreg $0xFFFFFFFF  }
0xb0: {  	[dreg:$0x0] =	wrdreg $0x60  }
0xb1: {  	[dreg:$0x2] =	wrdreg s14  }
0xb2: {  	[dreg:$0x3] =	wrdreg s22  }
0xb3: {  	[dreg:$0x4] =	wrdreg $0x115800  }
0xb4: {  	[dreg:$0x5] =	wrdreg $0xF7800  }
0xb5: {  	[dreg:$0x6] =	wrdreg $0x106800  }
0xb6: {  	[dreg:$0x7] =	wrdreg $0xD9800  }
0xb7: {  	[dreg:$0x8] =	wrdreg $0xE8800  }
0xb8: {  	[dreg:$0x9] =	wrdreg $0x9  }
0xb9: {  	_ =	task.clear_ibuf [dreg:s5], $0xAFFFF;
	_ =	strace $0x90000049  }
0xba: {  	s26 =	simm.s32 $0x9;
	_ =	strace $0x8000004B  }
0xbb: {  	_ =	swait.ge [sflag:s26], $0x1  }
0xbc: {  	[sflag:s26] =	ssyncadd.s32 $0xFFFFFFFF  }
0xbd: {  	_ =	strace $0x9000004B  }
0xbe: {  	_ =	sfence  }
0xbf: {  	s28 =	sld [smem:$0x0];
	_ =	sdelay $0x1  }
0xc0: {  	s29 =	srdreg.scid  }
0xc1: {  	s30 =	sshll.u32 s29, $0xD;
	s31 =	sshrl.u32 s29, $0x2  }
0xc2: {  	s2 =	sand.u32 $0x4000, s30;
	s1 =	sand.u32 $0x1, s29;
	s0 =	sadd.s32 s31, s28  }
0xc3: {  	s1 =	sor.u32 s2, s1;
	s0 =	sshll.u32 s0, $0x11  }
0xc4: {  	s0 =	sor.u32 s0, s1  }
0xc5: {  	s0 =	sadd.s32 $0x8F2B, s0  }
0xc6: {  	[sflag:s0] =	ssyncadd.remote.s32 $0x1  }
0xc7: {  	_ =	sfence.sel $0xFFFF  }
0xc8: {  	[dreg:$0x0] =	wrdreg $0xFFFFFFFF;
	(pc) =	sbr.abs _section_cstart, $3  }
0xc9: {  	[dreg:$0x1] =	wrdreg $0xFFFFFFFF  }
0xca: {  	_ =	task.clear_ibuf [dreg:s5], $0x2FFFF;
	_ =	strace $0x9FFFFFFF  }
0xcb: {  	(tm) =	ssettm $0x7FFFFFFF  }
tec
execute0_lowered:
.L_overlay_start_1:
0x0: {  	(tag) =	ssettag $0x1  }
0x1: {  	s3 =	rddreg [dreg:$0x0]  }
0x2: {  	s6 =	rddreg [dreg:$0x1]  }
0x3: {  	s5 =	rddreg [dreg:$0x2]  }
0x4: {  	s8 =	rddreg [dreg:$0x3]  }
0x5: {  	s7 =	rddreg [dreg:$0x4]  }
0x6: {  	s4 =	rddreg [dreg:$0x5]  }
0x7: {  	s2 =	rddreg [dreg:$0x6]  }
0x8: {  	s0 =	rddreg [dreg:$0x7];
	s9 =	simm.s32 $0x0  }
0x9: {  	s1 =	stileid.u32;
	[smem:$0x7FF] =	sst s9  }
0xa: {  	s11 =	simm.s32 $0x1;
	s10 =	smul.u32 $0xF00, s1;
	_ =	strace $0x8000004A  }
0xb: {  	[tilespmem:s9], [sflag:$0x1] =	stream.linear.gather [hbm4b:s3+s9], $0x4E80, $0x38;
	[tilespmem:$0x11680] =	vst v63  }
0xc: {  	s3 =	sshrl.u32 s10, $0x3;
	_ =	swait.ge [sflag:s11], $0x4E80  }
0xd: {  	s12 =	sadd.s32 s3, s6;
	[sflag:s11] =	ssyncset.done $0x0  }
0xe: {  	s14 =	simm.s32 $0x6C80;
	s13 =	sadd.s32 $0x4200, s12;
	[sflag:s11] =	ssyncadd.s32 $0xFFFFB180  }
0xf: {  	[tilespmem:s14], [sflag:$0x1] =	stream.linear.gather [hbm4b:s13+s9], $0xF00, $0x38;
	[tilespmem:$0x11680] =	vst v63  }
0x10: {  	_ =	swait.ge [sflag:s11], $0xF00  }
0x11: {  	[sflag:s11] =	ssyncset.done $0x0  }
0x12: {  	s29 =	simm.s32 $0x4E80;
	s28 =	sadd.s32 $0x2400, s12;
	[sflag:s11] =	ssyncadd.s32 $0xFFFFF100  }
0x13: {  	[tilespmem:s29], [sflag:$0x1] =	stream.linear.gather [hbm4b:s28+s9], $0xF00, $0x38;
	[tilespmem:$0x11680] =	vst v63  }
0x14: {  	_ =	swait.ge [sflag:s11], $0xF00  }
0x15: {  	[sflag:s11] =	ssyncset.done $0x0  }
0x16: {  	s30 =	simm.s32 $0x5D80;
	s12 =	sadd.s32 $0x600, s12;
	[sflag:s11] =	ssyncadd.s32 $0xFFFFF100  }
0x17: {  	[tilespmem:s30], [sflag:$0x1] =	stream.linear.gather [hbm4b:s12+s9], $0xF00, $0x38;
	[tilespmem:$0x11680] =	vst v63  }
0x18: {  	_ =	swait.ge [sflag:s11], $0xF00  }
0x19: {  	[sflag:s11] =	ssyncset.done $0x0  }
0x1a: {  	v0 =	vimm.s32 $0x0;
	[sflag:s11] =	ssyncadd.s32 $0xFFFFF100  }
0x1b: {  	[tilespmem:$0xC680] =	vst v0  }
0x1c: {  	[tilespmem:$0xC690] =	vst v0  }
0x1d: {  	[tilespmem:$0xC6A0] =	vst v0  }
0x1e: {  	[tilespmem:$0xC6B0] =	vst v0  }
0x1f: {  	[tilespmem:$0xC6C0] =	vst v0  }
0x20: {  	[tilespmem:$0xC6D0] =	vst v0  }
0x21: {  	[tilespmem:$0xC6E0] =	vst v0  }
0x22: {  	[tilespmem:$0xC6F0] =	vst v0  }
0x23: {  	[tilespmem:$0xC700] =	vst v0  }
0x24: {  	[tilespmem:$0xC710] =	vst v0  }
0x25: {  	[tilespmem:$0xC720] =	vst v0  }
0x26: {  	[tilespmem:$0xC730] =	vst v0  }
0x27: {  	[tilespmem:$0xC740] =	vst v0  }
0x28: {  	[tilespmem:$0xC750] =	vst v0  }
0x29: {  	[tilespmem:$0xC760] =	vst v0  }
0x2a: {  	s11 =	simm.s32 $0x0;
	[tilespmem:$0xC770] =	vst v0  }
0x2b: {  	v0 =	vld [tilespmem:s11+$0x4E80]  }
0x2c: {  	v1 =	vld [tilespmem:s11+$0x5D80];
	_ =	sdelay $0x6  }
0x2d: {  	v0 =	vld.idx.msk [tilespmem:v0+s9+$0x0], $0xffff  }
0x2e: {  	v1 =	vld.idx.msk [tilespmem:v1+s9+$0x0], $0xffff;
	_ =	sdelay $0x1  }
0x2f: {  	v2 =	vld [tilespmem:s11+$0x6C80];
	_ =	sdelay $0x2  }
0x30: {  	v0 =	vadd.f32 v1, v0;
	_ =	sdelay $0x1  }
0x31: {  	v1 =	vmov s10;
	v3 =	vadd.f32 v2, v0  }
0x32: {  	vm0 =	vlt.u32 v1, $0xEA60  }
0x33: {  	v4 =	vnsel vm0, $0xFFFFFFFF, v3  }
0x34: {  	v0 =	vlaneseq.u32;
	v2 =	vshll.u32 v4, $0x4  }
0x35: {  	v1 =	vor.u32 $0x80000000, v0;
	v2 =	vand.u32 $0xFF0, v2  }
0x36: {  	v2 =	vor.u32 v1, v2  }
0x37: {  	(xrf1) =	vsort.ascd.msk.u32 $0xffff, v2, v0;
	_ =	sdelay $0x4  }
0x38: {  	v2 =	vimm.s32 $0xEDCBA987  }
0x39: {  	v5 =	vimm.s32 $0x65432100;
	v2 =	vunpack.c.l.s4.s8 v2  }
0x3a: {  	v5 =	vunpack.c.l.s4.s8 v5  }
0x3b: {  	v2 =	vunpack.c.0.s8.s32 v2  }
0x3c: {  	v5 =	vunpack.c.0.s8.s32 v5  }
0x3d: {  	v6 =	vimm.s32 $0x87654321;
	v2 =	vand.u32 $0xF, v2  }
0x3e: {  	v7 =	vor.u32 s10, v0;
	v2 =	vcombine.low v5, v2;
	v5 =	vimm.s32 $0xFFEDCBA9  }
0x3f: {  	v6 =	vunpack.c.l.s4.s8 v6;
	v5 =	vunpack.c.l.s4.s8 v5;
	_ =	sdelay $0x1  }
0x40: {  	v6 =	vunpack.c.0.s8.s32 v6;
	[tilespmem:s11+$0x9980] =	vst v7;
	v5 =	vunpack.c.0.s8.s32 v5;
	v7, _, _ =	vpop (xrf1)  }
0x41: {  	[tilespmem:s11+$0x7B80] =	vst v3;
	v8 =	vshrl.u32 v7, $0x4  }
0x42: {  	[tilespmem:s11+$0x8A80] =	vst v4;
	v3 =	vcombine.low v6, v5;
	v9 =	vxor.u32 $0x8000000, v8  }
0x43: {  	s12 =	simm.s32 $0xD880;
	[tilespmem:$0xD880] =	vst v9  }
0x44: {  	v3 =	vand.u32 $0xF, v3;
	v4 =	vld.idx.msk [tilespmem:v2+s12+$0x0], $0xffff;
	_ =	sdelay $0x4  }
0x45: {  	v5 =	vld.idx.msk [tilespmem:v3+s12+$0x0], $0xffff;
	vm0 =	veq.s32 v9, v4  }
0x46: {  	v4 =	vsel vm0, $0x80000000, v1  }
0x47: {  	(xrf0) =	vmax.scan.msk.u32 $0xffff, v4;
	_ =	sdelay $0x2  }
0x48: {  	vm1 =	vcmask $0x3B00;
	vm2 =	vne.s32 v9, v5;
	v5 =	vand.u32 $0xFFFFF80, v9  }
0x49: {  	v6 =	vshll.u32 v7, $0x4;
	v7 =	vand.u32 $0x7F, v8;
	vm0 =	vcmask $0x3F3C  }
0x4a: {  	v8 =	vshll.u32 v8, $0x8;
	v4 =	vimm.s32 $0x10000;
	vm3 =	vmor vm2, vm0  }
0x4b: {  	v6 =	vand.u32 $0xF0, v6;
	v7 =	vor.u32 v7, v5;
	v4 =	vsel vm1, $0x0, v4;
	v5, _, _ =	vpop (xrf0)  }
0x4c: {  	v6 =	vor.u32 v6, v8;
	v8 =	vsel vm2, $0x10000, v4;
	v9 =	vxor.u32 $0x80000000, v5  }
0x4d: {  	v6 =	vor.u32 v6, v8;
	v8 =	vsub.s32 v0, v9  }
0x4e: {  	v5 =	vadd.s32 $0x1, v0;
	v6 =	vor.u32 v8, v6  }
0x4f: {  	s13 =	simm.s32 $0xC680;
	v8 =	vsub.s32 v5, v9;
	[tilespmem:s11+$0xA880] =	vst v6  }
0x50: {  	[tilespmem:v7+s13+$0x0] =	vst.idx.add.s32.msk vm3, v8  }
0x51: {  	v6 =	vld [tilespmem:s11+$0x4E90]  }
0x52: {  	v7 =	vld [tilespmem:s11+$0x5D90];
	_ =	sdelay $0x6  }
0x53: {  	v6 =	vld.idx.msk [tilespmem:v6+s9+$0x0], $0xffff  }
0x54: {  	v7 =	vld.idx.msk [tilespmem:v7+s9+$0x0], $0xffff;
	_ =	sdelay $0x1  }
0x55: {  	v8 =	vld [tilespmem:s11+$0x6C90];
	_ =	sdelay $0x2  }
0x56: {  	v6 =	vadd.f32 v7, v6  }
0x57: {  	s31 =	sadd.s32 $0x10, s10  }
0x58: {  	v7 =	vmov s31;
	v6 =	vadd.f32 v8, v6  }
0x59: {  	vm2 =	vlt.u32 v7, $0xEA60  }
0x5a: {  	v7 =	vnsel vm2, $0xFFFFFFFF, v6  }
0x5b: {  	v8 =	vshll.u32 v7, $0x4  }
0x5c: {  	v8 =	vand.u32 $0xFF0, v8  }
0x5d: {  	v8 =	vor.u32 v1, v8  }
0x5e: {  	(xrf1) =	vsort.ascd.msk.u32 $0xffff, v8, v0;
	_ =	sdelay $0xa  }
0x5f: {  	v8 =	vor.u32 s31, v0;
	_ =	sdelay $0x2  }
0x60: {  	[tilespmem:s11+$0x9990] =	vst v8;
	v8, _, _ =	vpop (xrf1)  }
0x61: {  	[tilespmem:s11+$0x7B90] =	vst v6;
	v6 =	vshrl.u32 v8, $0x4  }
0x62: {  	[tilespmem:s11+$0x8A90] =	vst v7;
	v7 =	vxor.u32 $0x8000000, v6  }
0x63: {  	[tilespmem:$0xD880] =	vst v7  }
0x64: {  	v9 =	vld.idx.msk [tilespmem:v2+s12+$0x0], $0xffff;
	_ =	sdelay $0x4  }
0x65: {  	vm2 =	veq.s32 v7, v9  }
0x66: {  	v10 =	vld.idx.msk [tilespmem:v3+s12+$0x0], $0xffff;
	v9 =	vsel vm2, $0x80000000, v1  }
0x67: {  	(xrf0) =	vmax.scan.msk.u32 $0xffff, v9;
	_ =	sdelay $0x2  }
0x68: {  	v8 =	vshll.u32 v8, $0x4  }
0x69: {  	v8 =	vand.u32 $0xF0, v8;
	vm2 =	vne.s32 v7, v10  }
0x6a: {  	v7 =	vand.u32 $0xFFFFF80, v7;
	v9 =	vshll.u32 v6, $0x8;
	v6 =	vand.u32 $0x7F, v6  }
0x6b: {  	v8 =	vor.u32 v8, v9;
	v9 =	vsel vm2, $0x10000, v4;
	vm2 =	vmor vm2, vm0;
	v10, _, _ =	vpop (xrf0)  }
0x6c: {  	s15 =	simm.s32 $0x80;
	v6 =	vor.u32 v6, v7;
	v7 =	vxor.u32 $0x80000000, v10  }
0x6d: {  	s16 =	smov.u32 s10;
	s14 =	sadd.s32 $0x6000, s6;
	s6 =	sadd.s32 $0x7E00, s6;
	v8 =	vor.u32 v8, v9;
	v9 =	vsub.s32 v0, v7;
	v7 =	vsub.s32 v5, v7  }
.LBB2_1:
0x6e: {  	p0 =	sne.s32 s15, $0x3B80  }
0x6f: {  	v8 =	vor.u32 v9, v8;
	s16 =	sadd.s32 $0x20, s16;
	s17 =	smov.u32 s15;
	s15 =	sadd.s32 $0x80, s15  }
0x70: {  	[tilespmem:s11+$0xA890] =	vst v8  }
0x71: {  	s11 =	sshra.s32 s17, $0x2;
	[tilespmem:v6+s13+$0x0] =	vst.idx.add.s32.msk vm2, v7  }
0x72: {  	v6 =	vld [tilespmem:s11+$0x4E80]  }
0x73: {  	v7 =	vld [tilespmem:s11+$0x5D80];
	_ =	sdelay $0x6  }
0x74: {  	v6 =	vld.idx.msk [tilespmem:v6+s9+$0x0], $0xffff  }
0x75: {  	v7 =	vld.idx.msk [tilespmem:v7+s9+$0x0], $0xffff;
	_ =	sdelay $0x1  }
0x76: {  	v8 =	vld [tilespmem:s11+$0x6C80];
	_ =	sdelay $0x3  }
0x77: {  	v6 =	vadd.f32 v7, v6  }
0x78: {  	v7 =	vmov s16  }
0x79: {  	vm2 =	vlt.u32 v7, $0xEA60;
	v6 =	vadd.f32 v8, v6;
	_ =	sdelay $0x1  }
0x7a: {  	v7 =	vnsel vm2, $0xFFFFFFFF, v6  }
0x7b: {  	v8 =	vshll.u32 v7, $0x4  }
0x7c: {  	v8 =	vand.u32 $0xFF0, v8  }
0x7d: {  	v8 =	vor.u32 v1, v8  }
0x7e: {  	(xrf1) =	vsort.ascd.msk.u32 $0xffff, v8, v0;
	_ =	sdelay $0xb  }
0x7f: {  	v8 =	vor.u32 s16, v0  }
0x80: {  	[tilespmem:s11+$0x9980] =	vst v8  }
0x81: {  	[tilespmem:s11+$0x7B80] =	vst v6;
	v6, _, _ =	vpop (xrf1)  }
0x82: {  	[tilespmem:s11+$0x8A80] =	vst v7;
	v7 =	vshrl.u32 v6, $0x4;
	v6 =	vshll.u32 v6, $0x4  }
0x83: {  	v8 =	vxor.u32 $0x8000000, v7;
	v9 =	vshll.u32 v7, $0x8;
	v6 =	vand.u32 $0xF0, v6  }
0x84: {  	[tilespmem:$0xD880] =	vst v8;
	v6 =	vor.u32 v6, v9;
	v9 =	vand.u32 $0xFFFFF80, v8  }
0x85: {  	v10 =	vld.idx.msk [tilespmem:v2+s12+$0x0], $0xffff;
	_ =	sdelay $0x4  }
0x86: {  	v11 =	vld.idx.msk [tilespmem:v3+s12+$0x0], $0xffff  }
0x87: {  	vm2 =	veq.s32 v8, v10  }
0x88: {  	v10 =	vsel vm2, $0x80000000, v1  }
0x89: {  	(xrf0) =	vmax.scan.msk.u32 $0xffff, v10;
	_ =	sdelay $0x2  }
0x8a: {  	vm2 =	vne.s32 v8, v11  }
0x8b: {  	v7 =	vand.u32 $0x7F, v7;
	vm3 =	vmor vm2, vm0  }
0x8c: {  	v7 =	vor.u32 v7, v9  }
0x8d: {  	v8 =	vsel vm2, $0x10000, v4;
	v9, _, _ =	vpop (xrf0)  }
0x8e: {  	v6 =	vor.u32 v6, v8;
	v9 =	vxor.u32 $0x80000000, v9  }
0x8f: {  	v8 =	vsub.s32 v0, v9  }
0x90: {  	v6 =	vor.u32 v8, v6;
	v8 =	vsub.s32 v5, v9  }
0x91: {  	[tilespmem:s11+$0xA880] =	vst v6  }
0x92: {  	[tilespmem:v7+s13+$0x0] =	vst.idx.add.s32.msk vm3, v8  }
0x93: {  	v6 =	vld [tilespmem:s11+$0x4E90]  }
0x94: {  	v7 =	vld [tilespmem:s11+$0x5D90];
	_ =	sdelay $0x6  }
0x95: {  	s17 =	sadd.s32 $0x10, s16;
	v6 =	vld.idx.msk [tilespmem:v6+s9+$0x0], $0xffff  }
0x96: {  	v9 =	vor.u32 s17, v0;
	v8 =	vmov s17;
	v7 =	vld.idx.msk [tilespmem:v7+s9+$0x0], $0xffff  }
0x97: {  	v10 =	vld [tilespmem:s11+$0x6C90];
	[tilespmem:s11+$0x9990] =	vst v9;
	_ =	sdelay $0x4  }
0x98: {  	v6 =	vadd.f32 v7, v6  }
0x99: {  	vm2 =	vlt.u32 v8, $0xEA60  }
0x9a: {  	v6 =	vadd.f32 v10, v6;
	_ =	sdelay $0x1  }
0x9b: {  	[tilespmem:s11+$0x7B90] =	vst v6;
	v6 =	vnsel vm2, $0xFFFFFFFF, v6  }
0x9c: {  	[tilespmem:s11+$0x8A90] =	vst v6;
	v6 =	vshll.u32 v6, $0x4  }
0x9d: {  	v6 =	vand.u32 $0xFF0, v6  }
0x9e: {  	v6 =	vor.u32 v1, v6  }
0x9f: {  	(xrf1) =	vsort.ascd.msk.u32 $0xffff, v6, v0;
	_ =	sdelay $0xd  }
0xa0: {  	v6, _, _ =	vpop (xrf1)  }
0xa1: {  	v7 =	vshrl.u32 v6, $0x4;
	v6 =	vshll.u32 v6, $0x4  }
0xa2: {  	v8 =	vxor.u32 $0x8000000, v7;
	v9 =	vshll.u32 v7, $0x8;
	v6 =	vand.u32 $0xF0, v6  }
0xa3: {  	[tilespmem:$0xD880] =	vst v8;
	v9 =	vor.u32 v6, v9;
	v6 =	vand.u32 $0xFFFFF80, v8  }
0xa4: {  	v10 =	vld.idx.msk [tilespmem:v2+s12+$0x0], $0xffff  }
0xa5: {  	v11 =	vld.idx.msk [tilespmem:v3+s12+$0x0], $0xffff;
	_ =	sdelay $0x4  }
0xa6: {  	vm2 =	veq.s32 v8, v10  }
0xa7: {  	v10 =	vsel vm2, $0x80000000, v1;
	vm2 =	vne.s32 v8, v11  }
0xa8: {  	v8 =	vsel vm2, $0x10000, v4;
	(xrf0) =	vmax.scan.msk.u32 $0xffff, v10;
	_ =	sdelay $0x2  }
0xa9: {  	v7 =	vand.u32 $0x7F, v7;
	vm2 =	vmor vm2, vm0  }
.Ltmp0:
0xaa: {  	v6 =	vor.u32 v7, v6;
	(pc) =	sbr.rel @p0 .LBB2_1-.Ltmp0, $4  }
0xab: {  	_ = 	snop  }
0xac: {  	v8 =	vor.u32 v9, v8;
	v7, _, _ =	vpop (xrf0)  }
0xad: {  	v7 =	vxor.u32 $0x80000000, v7  }
0xae: {  	v9 =	vsub.s32 v0, v7;
	v7 =	vsub.s32 v5, v7  }
0xaf: {  	_ =	sdelay $0x2  }
0xb0: {  	v0 =	vor.u32 v9, v8;
	s9 =	sadd.s32 s14, s3  }
0xb1: {  	s12 =	simm.s32 $0x7B80;
	s25 =	sshll.u32 s1, $0x8;
	s26 =	simm.s32 $0x1;
	[tilespmem:s11+$0xA890] =	vst v0  }
0xb2: {  	s28 =	sshll.u32 s1, $0x7;
	s29 =	simm.s32 $0x80;
	s11 =	simm.s32 $0x0;
	[tilespmem:v6+s13+$0x0] =	vst.idx.add.s32.msk vm2, v7  }
0xb3: {  	[hbm4b:s9+s11] =	stream.linear.scatter [tilespmem:s12], [sflag:$0x1], $0xF00, $0x38;
	[tilespmem:$0x11680] =	vst v63  }
0xb4: {  	s30 =	simm.s32 $0x400;
	s9 =	sand.u32 $0x800, s25;
	_ =	swait.ge [sflag:s26], $0xF00  }
0xb5: {  	s13 =	sand.u32 $0x380, s28;
	s9 =	sadd.s32 s9, s5;
	[sflag:s26] =	ssyncset.done $0x0  }
0xb6: {  	s15 =	simm.s32 $0xC680;
	s9 =	sadd.s32 s13, s9;
	[sflag:s26] =	ssyncadd.s32 $0xFFFFF100  }
0xb7: {  	[spmem:s9] =	stream.strided.scatter [tilespmem:s15], [sflag:$0x1], $0x100, s30, s29, $0x38;
	[tilespmem:$0x11680] =	vst v63  }
0xb8: {  	_ =	swait.ge [sflag:s26], $0x100  }
0xb9: {  	[sflag:s26] =	ssyncset.done $0x0  }
0xba: {  	[sflag:s26] =	ssyncadd.s32 $0xFFFFFF00  }
0xbb: {  	s31 =	simm.s32 $0xC880;
	[bflag:$0x0] =	sbarrier.arrive $0xFFFF  }
0xbc: {  	[tilespmem:s31], [sflag:$0x1] =	stream.linear.gather [spmem:s5], $0x1000, $0x38;
	[tilespmem:$0x11680] =	vst v63  }
0xbd: {  	_ =	swait.ge [sflag:s26], $0x1000  }
0xbe: {  	[sflag:s26] =	ssyncset.done $0x0  }
0xbf: {  	s12 =	simm.s32 $0x0;
	s13 =	simm.s32 $0x0;
	[sflag:s26] =	ssyncadd.s32 $0xFFFFF000  }
.LBB2_3:
0xc0: {  	s14 =	sshll.u32 s13, $0x4  }
0xc1: {  	s15 =	sand.u32 $0x70, s14  }
0xc2: {  	s16 =	sshll.u32 s13, $0x7;
	v0 =	vmov s15  }
0xc3: {  	s30 =	sand.u32 $0x400, s16  }
0xc4: {  	s31 =	sand.u32 $0x800, s11;
	s15 =	sor.u32 $0xC880, s30  }
0xc5: {  	s17 =	sand.u32 $0x380, s11;
	s18 =	sadd.s32 s31, s15  }
0xc6: {  	s19 =	simm.s32 $0x0;
	s17 =	sadd.s32 s17, s18  }
0xc7: {  	v3 =	vimm.s32 $0x0;
	v2 =	vimm.s32 $0x0;
	s16 =	simm.s32 $0x1;
	s18 =	simm.s32 $0x100;
	v1 =	vld.idx.msk [tilespmem:v0+s17+$0x0 ss:$0x1], $0xffff;
	s17 =	simm.s32 $0x80  }
.LBB2_4:
0xc8: {  	s20 =	sand.u32 $0x800, s18  }
0xc9: {  	p0 =	sne.s32 s16, $0xF;
	s21 =	smov.u32 s16;
	s16 =	sadd.s32 $0x1, s16  }
0xca: {  	s22 =	sand.u32 $0x380, s17;
	p1 =	slt.u32 s19, s1;
	s20 =	sadd.s32 s20, s15  }
.Ltmp1:
0xcb: {  	s20 =	sadd.s32 s22, s20;
	s22 =	simm.s32 $0x1;
	(pc) =	sbr.rel @p0 .LBB2_4-.Ltmp1, $3  }
0xcc: {  	s19 =	smov.u32 s21;
	s22 =	simm.s32 @!p1 $0x0  }
0xcd: {  	v3 =	vadd.s32 v3, v1;
	v4 =	vmul.u32 s22, v1;
	v1 =	vld.idx.msk [tilespmem:v0+s20+$0x0 ss:$0x1], $0xffff;
	_ =	sdelay $0x1  }
0xce: {  	s17 =	sadd.s32 $0x80, s17;
	s18 =	sadd.s32 $0x100, s18;
	v2 =	vadd.s32 v2, v4  }
0xcf: {  	_ =	sdelay $0x1  }
0xd0: {  	v0 =	vadd.s32 v3, v1  }
0xd1: {  	(xrf0) =	vadd.scan.msk.s32 $0xffff, v0;
	_ =	sdelay $0x5  }
0xd2: {  	v62, _, _ =	vpop (xrf0)  }
0xd3: {  	(v2sf) =	vpush v62, $0xF;
	_ =	sdelay $0x8  }
0xd4: {  	p0 =	slt.u32 s19, s1;
	s15 =	simm.s32 $0x1  }
0xd5: {  	s13 =	sadd.s32 $0x1, s13;
	s15 =	simm.s32 @!p0 $0x0  }
0xd6: {  	p0 =	sne.s32 s13, $0x10;
	v63 =	vmul.u32 s15, v1  }
.Ltmp2:
0xd7: {  	_ = 	snop;
	(pc) =	sbr.rel @p0 .LBB2_3-.Ltmp2, $4  }
0xd8: {  	v0 =	vsub.s32 s12, v0;
	v1 =	vadd.s32 v2, v63  }
0xd9: {  	v0 =	vadd.s32 v1, v0  }
0xda: {  	s14 =	sand.u32 $0x3FFFFFF0, s14;
	v0 =	vadd.s32 v62, v0;
	s31 =	spop (v2sf)  }
0xdb: {  	[tilespmem:s14+$0xC780] =	vst v0;
	s12 =	sadd.s32 s12, s31  }
0xdc: {  	s11 =	simm.s32 $0x0;
	s12 =	simm.s32 $0xC780;
	s13 =	simm.s32 $0xD900  }
.LBB2_7:
0xdd: {  	s14 =	sshra.s32 s11, $0x2  }
0xde: {  	v0 =	vld [tilespmem:s14+$0xA880];
	_ =	sdelay $0x4  }
0xdf: {  	v1 =	vshrl.u32 v0, $0x8  }
0xe0: {  	v1 =	vand.u32 $0xFF, v1;
	_ =	sdelay $0x4  }
0xe1: {  	v2 =	vshrl.u32 v0, $0x4;
	v3 =	vld.idx.msk [tilespmem:v1+s12+$0x0], $0xffff  }
0xe2: {  	v2 =	vand.u32 $0xF, v2;
	_ =	sdelay $0x2  }
0xe3: {  	v4 =	vand.u32 $0xF, v0  }
0xe4: {  	v3 =	vadd.s32 v4, v3  }
0xe5: {  	v0 =	vand.u32 $0x10000, v0;
	[tilespmem:v2+s13+$0x0] =	vst.idx.msk $0xffff, v3  }
0xe6: {  	vm2 =	vne.s32 v0, $0x0;
	v57 =	vld [tilespmem:$0xD900];
	_ =	sdelay $0x4  }
0xe7: {  	v58 =	vadd.s32 $0x1, v4;
	[tilespmem:s14+$0xB780] =	vst v57  }
0xe8: {  	[tilespmem:v1+s12+$0x0] =	vst.idx.add.s32.msk vm2, v58  }
0xe9: {  	v0 =	vld [tilespmem:s14+$0xA890];
	_ =	sdelay $0x4  }
0xea: {  	v59 =	vshrl.u32 v0, $0x8  }
0xeb: {  	v1 =	vand.u32 $0xFF, v59;
	_ =	sdelay $0x4  }
0xec: {  	v60 =	vshrl.u32 v0, $0x4;
	v3 =	vld.idx.msk [tilespmem:v1+s12+$0x0], $0xffff  }
0xed: {  	v2 =	vand.u32 $0xF, v60;
	_ =	sdelay $0x2  }
0xee: {  	v61 =	vand.u32 $0xF, v0  }
0xef: {  	v3 =	vadd.s32 v61, v3  }
0xf0: {  	v0 =	vand.u32 $0x10000, v0;
	[tilespmem:v2+s13+$0x0] =	vst.idx.msk $0xffff, v3  }
0xf1: {  	vm2 =	vne.s32 v0, $0x0;
	v62 =	vld [tilespmem:$0xD900]  }
0xf2: {  	p0 =	sne.s32 s11, $0x3B80  }
.Ltmp3:
0xf3: {  	_ = 	snop;
	(pc) =	sbr.rel @p0 .LBB2_7-.Ltmp3, $3  }
0xf4: {  	_ =	sdelay $0x1  }
0xf5: {  	v63 =	vadd.s32 $0x1, v61;
	[tilespmem:s14+$0xB790] =	vst v62  }
0xf6: {  	s11 =	sadd.s32 $0x80, s11;
	[tilespmem:v1+s12+$0x0] =	vst.idx.add.s32.msk vm2, v63  }
0xf7: {  	s11 =	simm.s32 $0xF00  }
0xf8: {  	s12 =	simm.s32 $0xB780;
	s13 =	simm.s32 $0x8A80;
	s14 =	simm.s32 $0x1  }
0xf9: {  	[spmem:s8] =	stream.indirect.scatter [tilespmem:s13], [sflag:$0x1], $0x1, s12, s11, $0xb8;
	[tilespmem:$0x11680] =	vst v63  }
0xfa: {  	_ =	swait.ge [sflag:s14], $0xF00  }
0xfb: {  	[sflag:s14] =	ssyncset.done $0x0  }
0xfc: {  	s15 =	simm.s32 $0x9980;
	[sflag:s14] =	ssyncadd.s32 $0xFFFFF100  }
0xfd: {  	[spmem:s7] =	stream.indirect.scatter [tilespmem:s15], [sflag:$0x1], $0x1, s12, s11, $0xb8;
	[tilespmem:$0x11680] =	vst v63  }
0xfe: {  	_ =	swait.ge [sflag:s14], $0xF00  }
0xff: {  	[sflag:s14] =	ssyncset.done $0x0  }
0x100: {  	[sflag:s14] =	ssyncadd.s32 $0xFFFFF100  }
0x101: {  	s11 =	sadd.s32 s10, s8;
	[bflag:$0x0] =	sbarrier.arrive $0xFFFF  }
0x102: {  	[tilespmem:s13], [sflag:$0x1] =	stream.linear.gather [spmem:s11], $0xF00, $0x38;
	[tilespmem:$0x11680] =	vst v63  }
0x103: {  	_ =	swait.ge [sflag:s14], $0xF00  }
0x104: {  	[sflag:s14] =	ssyncset.done $0x0  }
0x105: {  	s12 =	sadd.s32 s10, s7;
	[sflag:s14] =	ssyncadd.s32 $0xFFFFF100  }
0x106: {  	[tilespmem:s15], [sflag:$0x1] =	stream.linear.gather [spmem:s12], $0xF00, $0x38;
	[tilespmem:$0x11680] =	vst v63  }
0x107: {  	_ =	swait.ge [sflag:s14], $0xF00  }
0x108: {  	[sflag:s14] =	ssyncset.done $0x0  }
0x109: {  	v0 =	vimm.s32 $0x0;
	[sflag:s14] =	ssyncadd.s32 $0xFFFFF100  }
0x10a: {  	[tilespmem:$0xC680] =	vst v0  }
0x10b: {  	[tilespmem:$0xC690] =	vst v0  }
0x10c: {  	[tilespmem:$0xC6A0] =	vst v0  }
0x10d: {  	[tilespmem:$0xC6B0] =	vst v0  }
0x10e: {  	[tilespmem:$0xC6C0] =	vst v0  }
0x10f: {  	[tilespmem:$0xC6D0] =	vst v0  }
0x110: {  	[tilespmem:$0xC6E0] =	vst v0  }
0x111: {  	[tilespmem:$0xC6F0] =	vst v0  }
0x112: {  	[tilespmem:$0xC700] =	vst v0  }
0x113: {  	[tilespmem:$0xC710] =	vst v0  }
0x114: {  	[tilespmem:$0xC720] =	vst v0  }
0x115: {  	[tilespmem:$0xC730] =	vst v0  }
0x116: {  	[tilespmem:$0xC740] =	vst v0  }
0x117: {  	[tilespmem:$0xC750] =	vst v0  }
0x118: {  	[tilespmem:$0xC760] =	vst v0  }
0x119: {  	s17 =	simm.s32 $0x0;
	[tilespmem:$0xC770] =	vst v0  }
0x11a: {  	v1 =	vld [tilespmem:s17+$0x8A80];
	_ =	sdelay $0x4  }
0x11b: {  	v0 =	vlaneseq.u32;
	v2 =	vshrl.u32 v1, $0x4  }
0x11c: {  	v1 =	vor.u32 $0x80000000, v0;
	v2 =	vand.u32 $0xFF0, v2  }
0x11d: {  	v2 =	vor.u32 v1, v2  }
0x11e: {  	(xrf1) =	vsort.ascd.msk.u32 $0xffff, v2, v0;
	_ =	sdelay $0x4  }
0x11f: {  	v2 =	vimm.s32 $0xEDCBA987  }
0x120: {  	v3 =	vimm.s32 $0x65432100;
	v2 =	vunpack.c.l.s4.s8 v2  }
0x121: {  	v3 =	vunpack.c.l.s4.s8 v3  }
0x122: {  	v2 =	vunpack.c.0.s8.s32 v2  }
0x123: {  	v3 =	vunpack.c.0.s8.s32 v3  }
0x124: {  	v2 =	vand.u32 $0xF, v2  }
0x125: {  	v4 =	vimm.s32 $0x87654321;
	v2 =	vcombine.low v3, v2;
	v3 =	vimm.s32 $0xFFEDCBA9  }
0x126: {  	v4 =	vunpack.c.l.s4.s8 v4;
	v3 =	vunpack.c.l.s4.s8 v3;
	_ =	sdelay $0x1  }
0x127: {  	v4 =	vunpack.c.0.s8.s32 v4;
	v3 =	vunpack.c.0.s8.s32 v3;
	v5, _, _ =	vpop (xrf1)  }
0x128: {  	v6 =	vshrl.u32 v5, $0x4  }
0x129: {  	v3 =	vcombine.low v4, v3;
	v7 =	vxor.u32 $0x8000000, v6  }
0x12a: {  	s13 =	simm.s32 $0xD880;
	[tilespmem:$0xD880] =	vst v7  }
0x12b: {  	v4 =	vand.u32 $0xF, v3;
	v8 =	vld.idx.msk [tilespmem:v2+s13+$0x0], $0xffff;
	_ =	sdelay $0x4  }
0x12c: {  	vm2 =	veq.s32 v7, v8;
	v8 =	vld.idx.msk [tilespmem:v4+s13+$0x0], $0xffff  }
0x12d: {  	v3 =	vsel vm2, $0x80000000, v1  }
0x12e: {  	(xrf0) =	vmax.scan.msk.u32 $0xffff, v3;
	_ =	sdelay $0x2  }
0x12f: {  	v5 =	vshll.u32 v5, $0x4;
	vm2 =	vne.s32 v7, v8;
	v8 =	vand.u32 $0x7F, v6  }
0x130: {  	v5 =	vand.u32 $0xF0, v5  }
0x131: {  	v3 =	vimm.s32 $0x10000;
	v7 =	vand.u32 $0xFFFFF80, v7;
	vm3 =	vmor vm2, vm0  }
0x132: {  	v3 =	vsel vm1, $0x0, v3;
	v6 =	vshll.u32 v6, $0x8;
	v7 =	vor.u32 v8, v7;
	v8, _, _ =	vpop (xrf0)  }
0x133: {  	v5 =	vor.u32 v5, v6;
	v6 =	vsel vm2, $0x10000, v3;
	v8 =	vxor.u32 $0x80000000, v8  }
0x134: {  	v6 =	vor.u32 v5, v6;
	v9 =	vsub.s32 v0, v8  }
0x135: {  	v5 =	vadd.s32 $0x1, v0;
	v6 =	vor.u32 v9, v6  }
0x136: {  	s14 =	simm.s32 $0xC680;
	[tilespmem:s17+$0xA880] =	vst v6;
	v6 =	vsub.s32 v5, v8  }
0x137: {  	[tilespmem:v7+s14+$0x0] =	vst.idx.add.s32.msk vm3, v6  }
0x138: {  	v6 =	vld [tilespmem:s17+$0x8A90];
	_ =	sdelay $0x4  }
0x139: {  	v6 =	vshrl.u32 v6, $0x4  }
0x13a: {  	v6 =	vand.u32 $0xFF0, v6  }
0x13b: {  	v6 =	vor.u32 v1, v6  }
0x13c: {  	(xrf1) =	vsort.ascd.msk.u32 $0xffff, v6, v0;
	_ =	sdelay $0xd  }
0x13d: {  	v6, _, _ =	vpop (xrf1)  }
0x13e: {  	v7 =	vshrl.u32 v6, $0x4  }
0x13f: {  	v8 =	vxor.u32 $0x8000000, v7  }
0x140: {  	[tilespmem:$0xD880] =	vst v8  }
0x141: {  	v59 =	vld.idx.msk [tilespmem:v2+s13+$0x0], $0xffff;
	_ =	sdelay $0x4  }
0x142: {  	vm2 =	veq.s32 v8, v59  }
0x143: {  	v9 =	vsel vm2, $0x80000000, v1  }
0x144: {  	(xrf0) =	vmax.scan.msk.u32 $0xffff, v9  }
0x145: {  	v60 =	vld.idx.msk [tilespmem:v4+s13+$0x0], $0xffff;
	_ =	sdelay $0x2  }
0x146: {  	v6 =	vshll.u32 v6, $0x4  }
0x147: {  	v10 =	vshll.u32 v7, $0x8;
	v6 =	vand.u32 $0xF0, v6  }
0x148: {  	v7 =	vand.u32 $0x7F, v7;
	v6 =	vor.u32 v6, v10;
	vm2 =	vne.s32 v8, v60;
	v61, _, _ =	vpop (xrf0)  }
0x149: {  	v8 =	vand.u32 $0xFFFFF80, v8;
	v62 =	vsel vm2, $0x10000, v3;
	v9 =	vxor.u32 $0x80000000, v61  }
0x14a: {  	vm2 =	vmor vm2, vm0;
	v6 =	vor.u32 v6, v62;
	v63 =	vsub.s32 v0, v9  }
0x14b: {  	v10 =	vor.u32 v63, v6;
	v6 =	vor.u32 v7, v8;
	_ =	sdelay $0x2  }
0x14c: {  	s16 =	simm.s32 $0x100;
	s15 =	simm.s32 $0x80;
	v7 =	vsub.s32 v5, v9;
	[tilespmem:s17+$0xA890] =	vst v10  }
.LBB2_9:
0x14d: {  	p0 =	sne.s32 s16, $0x3B80  }
0x14e: {  	s17 =	sshra.s32 s15, $0x2;
	[tilespmem:v6+s14+$0x0] =	vst.idx.add.s32.msk vm2, v7;
	s15 =	smov.u32 s16;
	s16 =	sadd.s32 $0x80, s16  }
0x14f: {  	v6 =	vld [tilespmem:s17+$0x8A80];
	_ =	sdelay $0x4  }
0x150: {  	v6 =	vshrl.u32 v6, $0x4  }
0x151: {  	v6 =	vand.u32 $0xFF0, v6  }
0x152: {  	v6 =	vor.u32 v1, v6  }
0x153: {  	(xrf1) =	vsort.ascd.msk.u32 $0xffff, v6, v0;
	_ =	sdelay $0xd  }
0x154: {  	v6, _, _ =	vpop (xrf1)  }
0x155: {  	v7 =	vshrl.u32 v6, $0x4;
	v6 =	vshll.u32 v6, $0x4  }
0x156: {  	v8 =	vxor.u32 $0x8000000, v7;
	v9 =	vshll.u32 v7, $0x8;
	v6 =	vand.u32 $0xF0, v6  }
0x157: {  	[tilespmem:$0xD880] =	vst v8;
	v6 =	vor.u32 v6, v9;
	v9 =	vand.u32 $0xFFFFF80, v8  }
0x158: {  	v10 =	vld.idx.msk [tilespmem:v2+s13+$0x0], $0xffff;
	_ =	sdelay $0x5  }
0x159: {  	vm2 =	veq.s32 v8, v10;
	v11 =	vld.idx.msk [tilespmem:v4+s13+$0x0], $0xffff  }
0x15a: {  	v10 =	vsel vm2, $0x80000000, v1  }
0x15b: {  	(xrf0) =	vmax.scan.msk.u32 $0xffff, v10;
	_ =	sdelay $0x3  }
0x15c: {  	vm2 =	vne.s32 v8, v11  }
0x15d: {  	v7 =	vand.u32 $0x7F, v7;
	vm3 =	vmor vm2, vm0;
	v8 =	vsel vm2, $0x10000, v3  }
0x15e: {  	v7 =	vor.u32 v7, v9;
	v9, _, _ =	vpop (xrf0)  }
0x15f: {  	v9 =	vxor.u32 $0x80000000, v9  }
0x160: {  	v6 =	vor.u32 v6, v8;
	v10 =	vsub.s32 v0, v9  }
0x161: {  	v6 =	vor.u32 v10, v6  }
0x162: {  	[tilespmem:s17+$0xA880] =	vst v6;
	v6 =	vsub.s32 v5, v9  }
0x163: {  	[tilespmem:v7+s14+$0x0] =	vst.idx.add.s32.msk vm3, v6  }
0x164: {  	v6 =	vld [tilespmem:s17+$0x8A90];
	_ =	sdelay $0x4  }
0x165: {  	v6 =	vshrl.u32 v6, $0x4  }
0x166: {  	v6 =	vand.u32 $0xFF0, v6  }
0x167: {  	v6 =	vor.u32 v1, v6  }
0x168: {  	(xrf1) =	vsort.ascd.msk.u32 $0xffff, v6, v0;
	_ =	sdelay $0xd  }
0x169: {  	v6, _, _ =	vpop (xrf1)  }
0x16a: {  	v7 =	vshrl.u32 v6, $0x4;
	v6 =	vshll.u32 v6, $0x4  }
0x16b: {  	v8 =	vxor.u32 $0x8000000, v7;
	v9 =	vshll.u32 v7, $0x8;
	v6 =	vand.u32 $0xF0, v6  }
0x16c: {  	[tilespmem:$0xD880] =	vst v8;
	v9 =	vor.u32 v6, v9;
	v6 =	vand.u32 $0xFFFFF80, v8  }
0x16d: {  	v10 =	vld.idx.msk [tilespmem:v2+s13+$0x0], $0xffff  }
0x16e: {  	v11 =	vld.idx.msk [tilespmem:v4+s13+$0x0], $0xffff;
	_ =	sdelay $0x4  }
0x16f: {  	vm2 =	veq.s32 v8, v10  }
0x170: {  	v10 =	vsel vm2, $0x80000000, v1;
	vm2 =	vne.s32 v8, v11  }
0x171: {  	v8 =	vsel vm2, $0x10000, v3;
	(xrf0) =	vmax.scan.msk.u32 $0xffff, v10;
	_ =	sdelay $0x4  }
0x172: {  	vm2 =	vmor vm2, vm0;
	v10 =	vand.u32 $0x7F, v7  }
.Ltmp4:
0x173: {  	v6 =	vor.u32 v10, v6;
	v7, _, _ =	vpop (xrf0);
	(pc) =	sbr.rel @p0 .LBB2_9-.Ltmp4, $4  }
0x174: {  	v7 =	vxor.u32 $0x80000000, v7  }
0x175: {  	v8 =	vor.u32 v9, v8;
	v10 =	vsub.s32 v0, v7  }
0x176: {  	v8 =	vor.u32 v10, v8  }
0x177: {  	v7 =	vsub.s32 v5, v7;
	[tilespmem:s17+$0xA890] =	vst v8  }
0x178: {  	_ =	sdelay $0x4  }
0x179: {  	s15 =	sshra.s32 s15, $0x2;
	[tilespmem:v6+s14+$0x0] =	vst.idx.add.s32.msk vm2, v7  }
0x17a: {  	v6 =	vld [tilespmem:s15+$0x8A80];
	_ =	sdelay $0x4  }
0x17b: {  	v6 =	vshrl.u32 v6, $0x4  }
0x17c: {  	v6 =	vand.u32 $0xFF0, v6  }
0x17d: {  	v6 =	vor.u32 v1, v6  }
0x17e: {  	(xrf1) =	vsort.ascd.msk.u32 $0xffff, v6, v0;
	_ =	sdelay $0xd  }
0x17f: {  	v6, _, _ =	vpop (xrf1)  }
0x180: {  	v44 =	vshrl.u32 v6, $0x4  }
0x181: {  	v8 =	vxor.u32 $0x8000000, v44  }
0x182: {  	[tilespmem:$0xD880] =	vst v8  }
0x183: {  	v9 =	vld.idx.msk [tilespmem:v2+s13+$0x0], $0xffff;
	_ =	sdelay $0x4  }
0x184: {  	vm2 =	veq.s32 v8, v9  }
0x185: {  	v45 =	vld.idx.msk [tilespmem:v4+s13+$0x0], $0xffff;
	v10 =	vsel vm2, $0x80000000, v1  }
0x186: {  	(xrf0) =	vmax.scan.msk.u32 $0xffff, v10;
	_ =	sdelay $0x3  }
0x187: {  	v6 =	vshll.u32 v6, $0x4;
	vm2 =	vne.s32 v8, v45  }
0x188: {  	v46 =	vand.u32 $0x7F, v44;
	v8 =	vand.u32 $0xFFFFF80, v8;
	vm3 =	vmor vm2, vm0  }
0x189: {  	v7 =	vshll.u32 v44, $0x8;
	v6 =	vand.u32 $0xF0, v6;
	v8 =	vor.u32 v46, v8;
	v47, _, _ =	vpop (xrf0)  }
0x18a: {  	v6 =	vor.u32 v6, v7;
	v48 =	vsel vm2, $0x10000, v3;
	v9 =	vxor.u32 $0x80000000, v47  }
0x18b: {  	v6 =	vor.u32 v6, v48;
	v49 =	vsub.s32 v0, v9  }
0x18c: {  	v6 =	vor.u32 v49, v6  }
0x18d: {  	v50 =	vsub.s32 v5, v9;
	[tilespmem:s15+$0xA880] =	vst v6  }
0x18e: {  	[tilespmem:v8+s14+$0x0] =	vst.idx.add.s32.msk vm3, v50  }
0x18f: {  	v6 =	vld [tilespmem:s15+$0x8A90];
	_ =	sdelay $0x4  }
0x190: {  	v6 =	vshrl.u32 v6, $0x4  }
0x191: {  	v6 =	vand.u32 $0xFF0, v6  }
0x192: {  	v6 =	vor.u32 v1, v6  }
0x193: {  	(xrf1) =	vsort.ascd.msk.u32 $0xffff, v6, v0;
	_ =	sdelay $0xd  }
0x194: {  	v6, _, _ =	vpop (xrf1)  }
0x195: {  	v51 =	vshrl.u32 v6, $0x4  }
0x196: {  	v52 =	vxor.u32 $0x8000000, v51  }
0x197: {  	[tilespmem:$0xD880] =	vst v52  }
0x198: {  	v53 =	vld.idx.msk [tilespmem:v2+s13+$0x0], $0xffff;
	_ =	sdelay $0x4  }
0x199: {  	vm2 =	veq.s32 v52, v53  }
0x19a: {  	v54 =	vld.idx.msk [tilespmem:v4+s13+$0x0], $0xffff;
	v55 =	vsel vm2, $0x80000000, v1  }
0x19b: {  	(xrf0) =	vmax.scan.msk.u32 $0xffff, v55;
	_ =	sdelay $0x3  }
0x19c: {  	v56 =	vshll.u32 v6, $0x4;
	vm2 =	vne.s32 v52, v54  }
0x19d: {  	v58 =	vand.u32 $0x7F, v51;
	v57 =	vand.u32 $0xFFFFF80, v52;
	vm3 =	vmor vm2, vm0  }
0x19e: {  	v59 =	vshll.u32 v51, $0x8;
	v2 =	vor.u32 v58, v57;
	v1 =	vand.u32 $0xF0, v56;
	v60, _, _ =	vpop (xrf0)  }
0x19f: {  	v1 =	vor.u32 v1, v59;
	v61 =	vsel vm2, $0x10000, v3;
	v4 =	vxor.u32 $0x80000000, v60  }
0x1a0: {  	v1 =	vor.u32 v1, v61;
	v62 =	vsub.s32 v0, v4  }
0x1a1: {  	v0 =	vor.u32 v62, v1  }
0x1a2: {  	s26 =	simm.s32 $0x80;
	v63 =	vsub.s32 v5, v4;
	[tilespmem:s15+$0xA890] =	vst v0  }
0x1a3: {  	s28 =	simm.s32 $0x400;
	s29 =	simm.s32 $0xC680;
	s30 =	simm.s32 $0x1;
	[tilespmem:v2+s14+$0x0] =	vst.idx.add.s32.msk vm3, v63  }
0x1a4: {  	[spmem:s9] =	stream.strided.scatter [tilespmem:s29], [sflag:$0x1], $0x100, s28, s26, $0x38;
	[tilespmem:$0x11680] =	vst v63  }
0x1a5: {  	_ =	swait.ge [sflag:s30], $0x100  }
0x1a6: {  	[sflag:s30] =	ssyncset.done $0x0  }
0x1a7: {  	[sflag:s30] =	ssyncadd.s32 $0xFFFFFF00  }
0x1a8: {  	s31 =	simm.s32 $0xC880;
	[bflag:$0x0] =	sbarrier.arrive $0xFFFF  }
0x1a9: {  	[tilespmem:s31], [sflag:$0x1] =	stream.linear.gather [spmem:s5], $0x1000, $0x38;
	[tilespmem:$0x11680] =	vst v63  }
0x1aa: {  	_ =	swait.ge [sflag:s30], $0x1000  }
0x1ab: {  	s13 =	simm.s32 $0x0;
	[sflag:s30] =	ssyncset.done $0x0  }
0x1ac: {  	s15 =	simm.s32 $0x0;
	s14 =	simm.s32 $0x0;
	[sflag:s30] =	ssyncadd.s32 $0xFFFFF000  }
.LBB2_11:
0x1ad: {  	s16 =	sshll.u32 s15, $0x4  }
0x1ae: {  	s17 =	sand.u32 $0x70, s16  }
0x1af: {  	s18 =	sshll.u32 s15, $0x7;
	v0 =	vmov s17  }
0x1b0: {  	s30 =	sand.u32 $0x400, s18  }
0x1b1: {  	s31 =	sand.u32 $0x800, s13;
	s17 =	sor.u32 $0xC880, s30  }
0x1b2: {  	s19 =	sand.u32 $0x380, s13;
	s20 =	sadd.s32 s31, s17  }
0x1b3: {  	s21 =	simm.s32 $0x0;
	s19 =	sadd.s32 s19, s20  }
0x1b4: {  	v3 =	vimm.s32 $0x0;
	v2 =	vimm.s32 $0x0;
	s18 =	simm.s32 $0x1;
	s20 =	simm.s32 $0x100;
	v1 =	vld.idx.msk [tilespmem:v0+s19+$0x0 ss:$0x1], $0xffff;
	s19 =	simm.s32 $0x80  }
.LBB2_12:
0x1b5: {  	s22 =	sand.u32 $0x800, s20  }
0x1b6: {  	p0 =	sne.s32 s18, $0xF;
	s23 =	smov.u32 s18;
	s18 =	sadd.s32 $0x1, s18  }
0x1b7: {  	s24 =	sand.u32 $0x380, s19;
	p1 =	slt.u32 s21, s1;
	s22 =	sadd.s32 s22, s17  }
.Ltmp5:
0x1b8: {  	s22 =	sadd.s32 s24, s22;
	s24 =	simm.s32 $0x1;
	(pc) =	sbr.rel @p0 .LBB2_12-.Ltmp5, $3  }
0x1b9: {  	s21 =	smov.u32 s23;
	s24 =	simm.s32 @!p1 $0x0  }
0x1ba: {  	v3 =	vadd.s32 v3, v1;
	v4 =	vmul.u32 s24, v1;
	v1 =	vld.idx.msk [tilespmem:v0+s22+$0x0 ss:$0x1], $0xffff;
	_ =	sdelay $0x1  }
0x1bb: {  	s19 =	sadd.s32 $0x80, s19;
	s20 =	sadd.s32 $0x100, s20;
	v2 =	vadd.s32 v2, v4  }
0x1bc: {  	_ =	sdelay $0x1  }
0x1bd: {  	v0 =	vadd.s32 v3, v1  }
0x1be: {  	(xrf0) =	vadd.scan.msk.s32 $0xffff, v0;
	_ =	sdelay $0x5  }
0x1bf: {  	v62, _, _ =	vpop (xrf0)  }
0x1c0: {  	(v2sf) =	vpush v62, $0xF;
	_ =	sdelay $0x8  }
0x1c1: {  	p0 =	slt.u32 s21, s1;
	s17 =	simm.s32 $0x1  }
0x1c2: {  	s15 =	sadd.s32 $0x1, s15;
	s17 =	simm.s32 @!p0 $0x0  }
0x1c3: {  	p0 =	sne.s32 s15, $0x10;
	v63 =	vmul.u32 s17, v1  }
.Ltmp6:
0x1c4: {  	_ = 	snop;
	(pc) =	sbr.rel @p0 .LBB2_11-.Ltmp6, $4  }
0x1c5: {  	v0 =	vsub.s32 s14, v0;
	v1 =	vadd.s32 v2, v63  }
0x1c6: {  	v0 =	vadd.s32 v1, v0  }
0x1c7: {  	s16 =	sand.u32 $0x3FFFFFF0, s16;
	v0 =	vadd.s32 v62, v0;
	s31 =	spop (v2sf)  }
0x1c8: {  	[tilespmem:s16+$0xC780] =	vst v0;
	s14 =	sadd.s32 s14, s31  }
0x1c9: {  	s13 =	simm.s32 $0x0;
	s14 =	simm.s32 $0xC780;
	s15 =	simm.s32 $0xD900  }
.LBB2_15:
0x1ca: {  	s16 =	sshra.s32 s13, $0x2  }
0x1cb: {  	v0 =	vld [tilespmem:s16+$0xA880];
	_ =	sdelay $0x4  }
0x1cc: {  	v1 =	vshrl.u32 v0, $0x8  }
0x1cd: {  	v1 =	vand.u32 $0xFF, v1;
	_ =	sdelay $0x4  }
0x1ce: {  	v2 =	vshrl.u32 v0, $0x4;
	v3 =	vld.idx.msk [tilespmem:v1+s14+$0x0], $0xffff  }
0x1cf: {  	v2 =	vand.u32 $0xF, v2;
	_ =	sdelay $0x2  }
0x1d0: {  	v4 =	vand.u32 $0xF, v0  }
0x1d1: {  	v3 =	vadd.s32 v4, v3  }
0x1d2: {  	v0 =	vand.u32 $0x10000, v0;
	[tilespmem:v2+s15+$0x0] =	vst.idx.msk $0xffff, v3  }
0x1d3: {  	vm2 =	vne.s32 v0, $0x0;
	v57 =	vld [tilespmem:$0xD900];
	_ =	sdelay $0x4  }
0x1d4: {  	v58 =	vadd.s32 $0x1, v4;
	[tilespmem:s16+$0xB780] =	vst v57  }
0x1d5: {  	[tilespmem:v1+s14+$0x0] =	vst.idx.add.s32.msk vm2, v58  }
0x1d6: {  	v0 =	vld [tilespmem:s16+$0xA890];
	_ =	sdelay $0x4  }
0x1d7: {  	v59 =	vshrl.u32 v0, $0x8  }
0x1d8: {  	v1 =	vand.u32 $0xFF, v59;
	_ =	sdelay $0x4  }
0x1d9: {  	v60 =	vshrl.u32 v0, $0x4;
	v3 =	vld.idx.msk [tilespmem:v1+s14+$0x0], $0xffff  }
0x1da: {  	v2 =	vand.u32 $0xF, v60;
	_ =	sdelay $0x2  }
0x1db: {  	v61 =	vand.u32 $0xF, v0  }
0x1dc: {  	v3 =	vadd.s32 v61, v3  }
0x1dd: {  	v0 =	vand.u32 $0x10000, v0;
	[tilespmem:v2+s15+$0x0] =	vst.idx.msk $0xffff, v3  }
0x1de: {  	vm2 =	vne.s32 v0, $0x0;
	v62 =	vld [tilespmem:$0xD900]  }
0x1df: {  	p0 =	sne.s32 s13, $0x3B80  }
.Ltmp7:
0x1e0: {  	_ = 	snop;
	(pc) =	sbr.rel @p0 .LBB2_15-.Ltmp7, $3  }
0x1e1: {  	_ =	sdelay $0x1  }
0x1e2: {  	v63 =	vadd.s32 $0x1, v61;
	[tilespmem:s16+$0xB790] =	vst v62  }
0x1e3: {  	s13 =	sadd.s32 $0x80, s13;
	[tilespmem:v1+s14+$0x0] =	vst.idx.add.s32.msk vm2, v63  }
0x1e4: {  	s13 =	simm.s32 $0xF00  }
0x1e5: {  	s14 =	simm.s32 $0xB780;
	s15 =	simm.s32 $0x8A80;
	s16 =	simm.s32 $0x1  }
0x1e6: {  	[spmem:s4] =	stream.indirect.scatter [tilespmem:s15], [sflag:$0x1], $0x1, s14, s13, $0xb8;
	[tilespmem:$0x11680] =	vst v63  }
0x1e7: {  	_ =	swait.ge [sflag:s16], $0xF00  }
0x1e8: {  	[sflag:s16] =	ssyncset.done $0x0  }
0x1e9: {  	s17 =	simm.s32 $0x9980;
	[sflag:s16] =	ssyncadd.s32 $0xFFFFF100  }
0x1ea: {  	[spmem:s2] =	stream.indirect.scatter [tilespmem:s17], [sflag:$0x1], $0x1, s14, s13, $0xb8;
	[tilespmem:$0x11680] =	vst v63  }
0x1eb: {  	_ =	swait.ge [sflag:s16], $0xF00  }
0x1ec: {  	[sflag:s16] =	ssyncset.done $0x0  }
0x1ed: {  	[sflag:s16] =	ssyncadd.s32 $0xFFFFF100  }
0x1ee: {  	s30 =	sadd.s32 s10, s4;
	[bflag:$0x0] =	sbarrier.arrive $0xFFFF  }
0x1ef: {  	[tilespmem:s15], [sflag:$0x1] =	stream.linear.gather [spmem:s30], $0xF00, $0x38;
	[tilespmem:$0x11680] =	vst v63  }
0x1f0: {  	_ =	swait.ge [sflag:s16], $0xF00  }
0x1f1: {  	[sflag:s16] =	ssyncset.done $0x0  }
0x1f2: {  	s10 =	sadd.s32 s10, s2;
	[sflag:s16] =	ssyncadd.s32 $0xFFFFF100  }
0x1f3: {  	[tilespmem:s17], [sflag:$0x1] =	stream.linear.gather [spmem:s10], $0xF00, $0x38;
	[tilespmem:$0x11680] =	vst v63  }
0x1f4: {  	_ =	swait.ge [sflag:s16], $0xF00  }
0x1f5: {  	[sflag:s16] =	ssyncset.done $0x0  }
0x1f6: {  	v0 =	vimm.s32 $0x0;
	[sflag:s16] =	ssyncadd.s32 $0xFFFFF100  }
0x1f7: {  	[tilespmem:$0xC680] =	vst v0  }
0x1f8: {  	[tilespmem:$0xC690] =	vst v0  }
0x1f9: {  	[tilespmem:$0xC6A0] =	vst v0  }
0x1fa: {  	[tilespmem:$0xC6B0] =	vst v0  }
0x1fb: {  	[tilespmem:$0xC6C0] =	vst v0  }
0x1fc: {  	[tilespmem:$0xC6D0] =	vst v0  }
0x1fd: {  	[tilespmem:$0xC6E0] =	vst v0  }
0x1fe: {  	[tilespmem:$0xC6F0] =	vst v0  }
0x1ff: {  	[tilespmem:$0xC700] =	vst v0  }
0x200: {  	[tilespmem:$0xC710] =	vst v0  }
0x201: {  	[tilespmem:$0xC720] =	vst v0  }
0x202: {  	[tilespmem:$0xC730] =	vst v0  }
0x203: {  	[tilespmem:$0xC740] =	vst v0  }
0x204: {  	[tilespmem:$0xC750] =	vst v0  }
0x205: {  	[tilespmem:$0xC760] =	vst v0  }
0x206: {  	s31 =	simm.s32 $0x0;
	[tilespmem:$0xC770] =	vst v0  }
0x207: {  	v1 =	vld [tilespmem:s31+$0x8A80];
	_ =	sdelay $0x4  }
0x208: {  	v0 =	vlaneseq.u32;
	v2 =	vshrl.u32 v1, $0xC  }
0x209: {  	v1 =	vor.u32 $0x80000000, v0;
	v2 =	vand.u32 $0xFF0, v2  }
0x20a: {  	v2 =	vor.u32 v1, v2  }
0x20b: {  	(xrf1) =	vsort.ascd.msk.u32 $0xffff, v2, v0;
	_ =	sdelay $0x4  }
0x20c: {  	v2 =	vimm.s32 $0xEDCBA987  }
0x20d: {  	v3 =	vimm.s32 $0x65432100;
	v2 =	vunpack.c.l.s4.s8 v2  }
0x20e: {  	v3 =	vunpack.c.l.s4.s8 v3  }
0x20f: {  	v2 =	vunpack.c.0.s8.s32 v2  }
0x210: {  	v3 =	vunpack.c.0.s8.s32 v3  }
0x211: {  	v2 =	vand.u32 $0xF, v2  }
0x212: {  	v4 =	vimm.s32 $0x87654321;
	v2 =	vcombine.low v3, v2;
	v3 =	vimm.s32 $0xFFEDCBA9  }
0x213: {  	v4 =	vunpack.c.l.s4.s8 v4;
	v3 =	vunpack.c.l.s4.s8 v3;
	_ =	sdelay $0x1  }
0x214: {  	v4 =	vunpack.c.0.s8.s32 v4;
	v3 =	vunpack.c.0.s8.s32 v3;
	v5, _, _ =	vpop (xrf1)  }
0x215: {  	v6 =	vshrl.u32 v5, $0x4  }
0x216: {  	v3 =	vcombine.low v4, v3;
	v7 =	vxor.u32 $0x8000000, v6  }
0x217: {  	s13 =	simm.s32 $0xD880;
	[tilespmem:$0xD880] =	vst v7  }
0x218: {  	v4 =	vand.u32 $0xF, v3;
	v8 =	vld.idx.msk [tilespmem:v2+s13+$0x0], $0xffff;
	_ =	sdelay $0x4  }
0x219: {  	vm2 =	veq.s32 v7, v8;
	v8 =	vld.idx.msk [tilespmem:v4+s13+$0x0], $0xffff  }
0x21a: {  	v3 =	vsel vm2, $0x80000000, v1  }
0x21b: {  	(xrf0) =	vmax.scan.msk.u32 $0xffff, v3;
	_ =	sdelay $0x2  }
0x21c: {  	v5 =	vshll.u32 v5, $0x4;
	vm2 =	vne.s32 v7, v8;
	v8 =	vand.u32 $0x7F, v6  }
0x21d: {  	v5 =	vand.u32 $0xF0, v5  }
0x21e: {  	v3 =	vimm.s32 $0x10000;
	v7 =	vand.u32 $0xFFFFF80, v7;
	vm3 =	vmor vm2, vm0  }
0x21f: {  	v3 =	vsel vm1, $0x0, v3;
	v6 =	vshll.u32 v6, $0x8;
	v7 =	vor.u32 v8, v7;
	v8, _, _ =	vpop (xrf0)  }
0x220: {  	v5 =	vor.u32 v5, v6;
	v6 =	vsel vm2, $0x10000, v3;
	v8 =	vxor.u32 $0x80000000, v8  }
0x221: {  	v6 =	vor.u32 v5, v6;
	v9 =	vsub.s32 v0, v8  }
0x222: {  	v5 =	vadd.s32 $0x1, v0;
	v6 =	vor.u32 v9, v6  }
0x223: {  	s14 =	simm.s32 $0xC680;
	[tilespmem:s31+$0xA880] =	vst v6;
	v6 =	vsub.s32 v5, v8  }
0x224: {  	[tilespmem:v7+s14+$0x0] =	vst.idx.add.s32.msk vm3, v6  }
0x225: {  	v6 =	vld [tilespmem:s31+$0x8A90];
	_ =	sdelay $0x4  }
0x226: {  	v6 =	vshrl.u32 v6, $0xC  }
0x227: {  	v6 =	vand.u32 $0xFF0, v6  }
0x228: {  	v6 =	vor.u32 v1, v6  }
0x229: {  	(xrf1) =	vsort.ascd.msk.u32 $0xffff, v6, v0;
	_ =	sdelay $0xd  }
0x22a: {  	v6, _, _ =	vpop (xrf1)  }
0x22b: {  	v7 =	vshrl.u32 v6, $0x4  }
0x22c: {  	v8 =	vxor.u32 $0x8000000, v7  }
0x22d: {  	[tilespmem:$0xD880] =	vst v8  }
0x22e: {  	v59 =	vld.idx.msk [tilespmem:v2+s13+$0x0], $0xffff;
	_ =	sdelay $0x4  }
0x22f: {  	vm2 =	veq.s32 v8, v59  }
0x230: {  	v9 =	vsel vm2, $0x80000000, v1  }
0x231: {  	(xrf0) =	vmax.scan.msk.u32 $0xffff, v9  }
0x232: {  	v60 =	vld.idx.msk [tilespmem:v4+s13+$0x0], $0xffff;
	_ =	sdelay $0x2  }
0x233: {  	v6 =	vshll.u32 v6, $0x4  }
0x234: {  	v10 =	vshll.u32 v7, $0x8;
	v6 =	vand.u32 $0xF0, v6  }
0x235: {  	v7 =	vand.u32 $0x7F, v7;
	v6 =	vor.u32 v6, v10;
	vm2 =	vne.s32 v8, v60;
	v61, _, _ =	vpop (xrf0)  }
0x236: {  	v8 =	vand.u32 $0xFFFFF80, v8;
	v62 =	vsel vm2, $0x10000, v3;
	v9 =	vxor.u32 $0x80000000, v61  }
0x237: {  	vm2 =	vmor vm2, vm0;
	v6 =	vor.u32 v6, v62;
	v63 =	vsub.s32 v0, v9  }
0x238: {  	v10 =	vor.u32 v63, v6;
	v6 =	vor.u32 v7, v8;
	_ =	sdelay $0x2  }
0x239: {  	s15 =	simm.s32 $0x80;
	s16 =	simm.s32 $0x100;
	v7 =	vsub.s32 v5, v9;
	[tilespmem:s31+$0xA890] =	vst v10  }
.LBB2_17:
0x23a: {  	p0 =	sne.s32 s16, $0x3B80  }
0x23b: {  	s17 =	sshra.s32 s15, $0x2;
	[tilespmem:v6+s14+$0x0] =	vst.idx.add.s32.msk vm2, v7;
	s15 =	smov.u32 s16;
	s16 =	sadd.s32 $0x80, s16  }
0x23c: {  	v6 =	vld [tilespmem:s17+$0x8A80];
	_ =	sdelay $0x4  }
0x23d: {  	v6 =	vshrl.u32 v6, $0xC  }
0x23e: {  	v6 =	vand.u32 $0xFF0, v6  }
0x23f: {  	v6 =	vor.u32 v1, v6  }
0x240: {  	(xrf1) =	vsort.ascd.msk.u32 $0xffff, v6, v0;
	_ =	sdelay $0xd  }
0x241: {  	v6, _, _ =	vpop (xrf1)  }
0x242: {  	v7 =	vshrl.u32 v6, $0x4;
	v6 =	vshll.u32 v6, $0x4  }
0x243: {  	v8 =	vxor.u32 $0x8000000, v7;
	v9 =	vshll.u32 v7, $0x8;
	v6 =	vand.u32 $0xF0, v6  }
0x244: {  	[tilespmem:$0xD880] =	vst v8;
	v6 =	vor.u32 v6, v9;
	v9 =	vand.u32 $0xFFFFF80, v8  }
0x245: {  	v10 =	vld.idx.msk [tilespmem:v2+s13+$0x0], $0xffff;
	_ =	sdelay $0x5  }
0x246: {  	vm2 =	veq.s32 v8, v10;
	v11 =	vld.idx.msk [tilespmem:v4+s13+$0x0], $0xffff  }
0x247: {  	v10 =	vsel vm2, $0x80000000, v1  }
0x248: {  	(xrf0) =	vmax.scan.msk.u32 $0xffff, v10;
	_ =	sdelay $0x3  }
0x249: {  	vm2 =	vne.s32 v8, v11  }
0x24a: {  	v7 =	vand.u32 $0x7F, v7;
	vm3 =	vmor vm2, vm0;
	v8 =	vsel vm2, $0x10000, v3  }
0x24b: {  	v7 =	vor.u32 v7, v9;
	v9, _, _ =	vpop (xrf0)  }
0x24c: {  	v9 =	vxor.u32 $0x80000000, v9  }
0x24d: {  	v6 =	vor.u32 v6, v8;
	v10 =	vsub.s32 v0, v9  }
0x24e: {  	v6 =	vor.u32 v10, v6  }
0x24f: {  	[tilespmem:s17+$0xA880] =	vst v6;
	v6 =	vsub.s32 v5, v9  }
0x250: {  	[tilespmem:v7+s14+$0x0] =	vst.idx.add.s32.msk vm3, v6  }
0x251: {  	v6 =	vld [tilespmem:s17+$0x8A90];
	_ =	sdelay $0x4  }
0x252: {  	v6 =	vshrl.u32 v6, $0xC  }
0x253: {  	v6 =	vand.u32 $0xFF0, v6  }
0x254: {  	v6 =	vor.u32 v1, v6  }
0x255: {  	(xrf1) =	vsort.ascd.msk.u32 $0xffff, v6, v0;
	_ =	sdelay $0xd  }
0x256: {  	v6, _, _ =	vpop (xrf1)  }
0x257: {  	v7 =	vshrl.u32 v6, $0x4;
	v6 =	vshll.u32 v6, $0x4  }
0x258: {  	v8 =	vxor.u32 $0x8000000, v7;
	v9 =	vshll.u32 v7, $0x8;
	v6 =	vand.u32 $0xF0, v6  }
0x259: {  	[tilespmem:$0xD880] =	vst v8;
	v9 =	vor.u32 v6, v9;
	v6 =	vand.u32 $0xFFFFF80, v8  }
0x25a: {  	v10 =	vld.idx.msk [tilespmem:v2+s13+$0x0], $0xffff  }
0x25b: {  	v11 =	vld.idx.msk [tilespmem:v4+s13+$0x0], $0xffff;
	_ =	sdelay $0x4  }
0x25c: {  	vm2 =	veq.s32 v8, v10  }
0x25d: {  	v10 =	vsel vm2, $0x80000000, v1;
	vm2 =	vne.s32 v8, v11  }
0x25e: {  	v8 =	vsel vm2, $0x10000, v3;
	(xrf0) =	vmax.scan.msk.u32 $0xffff, v10;
	_ =	sdelay $0x4  }
0x25f: {  	vm2 =	vmor vm2, vm0;
	v10 =	vand.u32 $0x7F, v7  }
.Ltmp8:
0x260: {  	v6 =	vor.u32 v10, v6;
	v7, _, _ =	vpop (xrf0);
	(pc) =	sbr.rel @p0 .LBB2_17-.Ltmp8, $4  }
0x261: {  	v7 =	vxor.u32 $0x80000000, v7  }
0x262: {  	v8 =	vor.u32 v9, v8;
	v10 =	vsub.s32 v0, v7  }
0x263: {  	v8 =	vor.u32 v10, v8  }
0x264: {  	v7 =	vsub.s32 v5, v7;
	[tilespmem:s17+$0xA890] =	vst v8  }
0x265: {  	_ =	sdelay $0x4  }
0x266: {  	s15 =	sshra.s32 s15, $0x2;
	[tilespmem:v6+s14+$0x0] =	vst.idx.add.s32.msk vm2, v7  }
0x267: {  	v6 =	vld [tilespmem:s15+$0x8A80];
	_ =	sdelay $0x4  }
0x268: {  	v6 =	vshrl.u32 v6, $0xC  }
0x269: {  	v6 =	vand.u32 $0xFF0, v6  }
0x26a: {  	v6 =	vor.u32 v1, v6  }
0x26b: {  	(xrf1) =	vsort.ascd.msk.u32 $0xffff, v6, v0;
	_ =	sdelay $0xd  }
0x26c: {  	v6, _, _ =	vpop (xrf1)  }
0x26d: {  	v44 =	vshrl.u32 v6, $0x4  }
0x26e: {  	v8 =	vxor.u32 $0x8000000, v44  }
0x26f: {  	[tilespmem:$0xD880] =	vst v8  }
0x270: {  	v9 =	vld.idx.msk [tilespmem:v2+s13+$0x0], $0xffff;
	_ =	sdelay $0x4  }
0x271: {  	vm2 =	veq.s32 v8, v9  }
0x272: {  	v45 =	vld.idx.msk [tilespmem:v4+s13+$0x0], $0xffff;
	v10 =	vsel vm2, $0x80000000, v1  }
0x273: {  	(xrf0) =	vmax.scan.msk.u32 $0xffff, v10;
	_ =	sdelay $0x3  }
0x274: {  	v6 =	vshll.u32 v6, $0x4;
	vm2 =	vne.s32 v8, v45  }
0x275: {  	v46 =	vand.u32 $0x7F, v44;
	v8 =	vand.u32 $0xFFFFF80, v8;
	vm3 =	vmor vm2, vm0  }
0x276: {  	v7 =	vshll.u32 v44, $0x8;
	v6 =	vand.u32 $0xF0, v6;
	v8 =	vor.u32 v46, v8;
	v47, _, _ =	vpop (xrf0)  }
0x277: {  	v6 =	vor.u32 v6, v7;
	v48 =	vsel vm2, $0x10000, v3;
	v9 =	vxor.u32 $0x80000000, v47  }
0x278: {  	v6 =	vor.u32 v6, v48;
	v49 =	vsub.s32 v0, v9  }
0x279: {  	v6 =	vor.u32 v49, v6  }
0x27a: {  	v50 =	vsub.s32 v5, v9;
	[tilespmem:s15+$0xA880] =	vst v6  }
0x27b: {  	[tilespmem:v8+s14+$0x0] =	vst.idx.add.s32.msk vm3, v50  }
0x27c: {  	v6 =	vld [tilespmem:s15+$0x8A90];
	_ =	sdelay $0x4  }
0x27d: {  	v6 =	vshrl.u32 v6, $0xC  }
0x27e: {  	v6 =	vand.u32 $0xFF0, v6  }
0x27f: {  	v6 =	vor.u32 v1, v6  }
0x280: {  	(xrf1) =	vsort.ascd.msk.u32 $0xffff, v6, v0;
	_ =	sdelay $0xd  }
0x281: {  	v6, _, _ =	vpop (xrf1)  }
0x282: {  	v51 =	vshrl.u32 v6, $0x4  }
0x283: {  	v52 =	vxor.u32 $0x8000000, v51  }
0x284: {  	[tilespmem:$0xD880] =	vst v52  }
0x285: {  	v53 =	vld.idx.msk [tilespmem:v2+s13+$0x0], $0xffff;
	_ =	sdelay $0x4  }
0x286: {  	vm2 =	veq.s32 v52, v53  }
0x287: {  	v54 =	vld.idx.msk [tilespmem:v4+s13+$0x0], $0xffff;
	v55 =	vsel vm2, $0x80000000, v1  }
0x288: {  	(xrf0) =	vmax.scan.msk.u32 $0xffff, v55;
	_ =	sdelay $0x3  }
0x289: {  	v56 =	vshll.u32 v6, $0x4;
	vm2 =	vne.s32 v52, v54  }
0x28a: {  	v58 =	vand.u32 $0x7F, v51;
	v57 =	vand.u32 $0xFFFFF80, v52;
	vm3 =	vmor vm2, vm0  }
0x28b: {  	v59 =	vshll.u32 v51, $0x8;
	v2 =	vor.u32 v58, v57;
	v1 =	vand.u32 $0xF0, v56;
	v60, _, _ =	vpop (xrf0)  }
0x28c: {  	v1 =	vor.u32 v1, v59;
	v61 =	vsel vm2, $0x10000, v3;
	v4 =	vxor.u32 $0x80000000, v60  }
0x28d: {  	v1 =	vor.u32 v1, v61;
	v62 =	vsub.s32 v0, v4  }
0x28e: {  	v0 =	vor.u32 v62, v1  }
0x28f: {  	s26 =	simm.s32 $0x80;
	v63 =	vsub.s32 v5, v4;
	[tilespmem:s15+$0xA890] =	vst v0  }
0x290: {  	s28 =	simm.s32 $0x400;
	s29 =	simm.s32 $0xC680;
	s30 =	simm.s32 $0x1;
	[tilespmem:v2+s14+$0x0] =	vst.idx.add.s32.msk vm3, v63  }
0x291: {  	[spmem:s9] =	stream.strided.scatter [tilespmem:s29], [sflag:$0x1], $0x100, s28, s26, $0x38;
	[tilespmem:$0x11680] =	vst v63  }
0x292: {  	_ =	swait.ge [sflag:s30], $0x100  }
0x293: {  	[sflag:s30] =	ssyncset.done $0x0  }
0x294: {  	[sflag:s30] =	ssyncadd.s32 $0xFFFFFF00  }
0x295: {  	s31 =	simm.s32 $0xC880;
	[bflag:$0x0] =	sbarrier.arrive $0xFFFF  }
0x296: {  	[tilespmem:s31], [sflag:$0x1] =	stream.linear.gather [spmem:s5], $0x1000, $0x38;
	[tilespmem:$0x11680] =	vst v63  }
0x297: {  	_ =	swait.ge [sflag:s30], $0x1000  }
0x298: {  	s13 =	simm.s32 $0x0;
	[sflag:s30] =	ssyncset.done $0x0  }
0x299: {  	s15 =	simm.s32 $0x0;
	s14 =	simm.s32 $0x0;
	[sflag:s30] =	ssyncadd.s32 $0xFFFFF000  }
.LBB2_19:
0x29a: {  	s16 =	sshll.u32 s15, $0x4  }
0x29b: {  	s17 =	sand.u32 $0x70, s16  }
0x29c: {  	s18 =	sshll.u32 s15, $0x7;
	v0 =	vmov s17  }
0x29d: {  	s30 =	sand.u32 $0x400, s18  }
0x29e: {  	s31 =	sand.u32 $0x800, s13;
	s17 =	sor.u32 $0xC880, s30  }
0x29f: {  	s19 =	sand.u32 $0x380, s13;
	s20 =	sadd.s32 s31, s17  }
0x2a0: {  	s21 =	simm.s32 $0x0;
	s19 =	sadd.s32 s19, s20  }
0x2a1: {  	v3 =	vimm.s32 $0x0;
	v2 =	vimm.s32 $0x0;
	s18 =	simm.s32 $0x1;
	s20 =	simm.s32 $0x100;
	v1 =	vld.idx.msk [tilespmem:v0+s19+$0x0 ss:$0x1], $0xffff;
	s19 =	simm.s32 $0x80  }
.LBB2_20:
0x2a2: {  	s22 =	sand.u32 $0x800, s20  }
0x2a3: {  	p0 =	sne.s32 s18, $0xF;
	s23 =	smov.u32 s18;
	s18 =	sadd.s32 $0x1, s18  }
0x2a4: {  	s24 =	sand.u32 $0x380, s19;
	p1 =	slt.u32 s21, s1;
	s22 =	sadd.s32 s22, s17  }
.Ltmp9:
0x2a5: {  	s22 =	sadd.s32 s24, s22;
	s24 =	simm.s32 $0x1;
	(pc) =	sbr.rel @p0 .LBB2_20-.Ltmp9, $3  }
0x2a6: {  	s21 =	smov.u32 s23;
	s24 =	simm.s32 @!p1 $0x0  }
0x2a7: {  	v3 =	vadd.s32 v3, v1;
	v4 =	vmul.u32 s24, v1;
	v1 =	vld.idx.msk [tilespmem:v0+s22+$0x0 ss:$0x1], $0xffff;
	_ =	sdelay $0x1  }
0x2a8: {  	s19 =	sadd.s32 $0x80, s19;
	s20 =	sadd.s32 $0x100, s20;
	v2 =	vadd.s32 v2, v4  }
0x2a9: {  	_ =	sdelay $0x1  }
0x2aa: {  	v0 =	vadd.s32 v3, v1  }
0x2ab: {  	(xrf0) =	vadd.scan.msk.s32 $0xffff, v0;
	_ =	sdelay $0x5  }
0x2ac: {  	v62, _, _ =	vpop (xrf0)  }
0x2ad: {  	(v2sf) =	vpush v62, $0xF;
	_ =	sdelay $0x8  }
0x2ae: {  	p0 =	slt.u32 s21, s1;
	s17 =	simm.s32 $0x1  }
0x2af: {  	s15 =	sadd.s32 $0x1, s15;
	s17 =	simm.s32 @!p0 $0x0  }
0x2b0: {  	p0 =	sne.s32 s15, $0x10;
	v63 =	vmul.u32 s17, v1  }
.Ltmp10:
0x2b1: {  	_ = 	snop;
	(pc) =	sbr.rel @p0 .LBB2_19-.Ltmp10, $4  }
0x2b2: {  	v0 =	vsub.s32 s14, v0;
	v1 =	vadd.s32 v2, v63  }
0x2b3: {  	v0 =	vadd.s32 v1, v0  }
0x2b4: {  	s16 =	sand.u32 $0x3FFFFFF0, s16;
	v0 =	vadd.s32 v62, v0;
	s31 =	spop (v2sf)  }
0x2b5: {  	[tilespmem:s16+$0xC780] =	vst v0;
	s14 =	sadd.s32 s14, s31  }
0x2b6: {  	s13 =	simm.s32 $0x0;
	s14 =	simm.s32 $0xC780;
	s15 =	simm.s32 $0xD900  }
.LBB2_23:
0x2b7: {  	s16 =	sshra.s32 s13, $0x2  }
0x2b8: {  	v0 =	vld [tilespmem:s16+$0xA880];
	_ =	sdelay $0x4  }
0x2b9: {  	v1 =	vshrl.u32 v0, $0x8  }
0x2ba: {  	v1 =	vand.u32 $0xFF, v1;
	_ =	sdelay $0x4  }
0x2bb: {  	v2 =	vshrl.u32 v0, $0x4;
	v3 =	vld.idx.msk [tilespmem:v1+s14+$0x0], $0xffff  }
0x2bc: {  	v2 =	vand.u32 $0xF, v2;
	_ =	sdelay $0x2  }
0x2bd: {  	v4 =	vand.u32 $0xF, v0  }
0x2be: {  	v3 =	vadd.s32 v4, v3  }
0x2bf: {  	v0 =	vand.u32 $0x10000, v0;
	[tilespmem:v2+s15+$0x0] =	vst.idx.msk $0xffff, v3  }
0x2c0: {  	vm2 =	vne.s32 v0, $0x0;
	v57 =	vld [tilespmem:$0xD900];
	_ =	sdelay $0x4  }
0x2c1: {  	v58 =	vadd.s32 $0x1, v4;
	[tilespmem:s16+$0xB780] =	vst v57  }
0x2c2: {  	[tilespmem:v1+s14+$0x0] =	vst.idx.add.s32.msk vm2, v58  }
0x2c3: {  	v0 =	vld [tilespmem:s16+$0xA890];
	_ =	sdelay $0x4  }
0x2c4: {  	v59 =	vshrl.u32 v0, $0x8  }
0x2c5: {  	v1 =	vand.u32 $0xFF, v59;
	_ =	sdelay $0x4  }
0x2c6: {  	v60 =	vshrl.u32 v0, $0x4;
	v3 =	vld.idx.msk [tilespmem:v1+s14+$0x0], $0xffff  }
0x2c7: {  	v2 =	vand.u32 $0xF, v60;
	_ =	sdelay $0x2  }
0x2c8: {  	v61 =	vand.u32 $0xF, v0  }
0x2c9: {  	v3 =	vadd.s32 v61, v3  }
0x2ca: {  	v0 =	vand.u32 $0x10000, v0;
	[tilespmem:v2+s15+$0x0] =	vst.idx.msk $0xffff, v3  }
0x2cb: {  	vm2 =	vne.s32 v0, $0x0;
	v62 =	vld [tilespmem:$0xD900]  }
0x2cc: {  	p0 =	sne.s32 s13, $0x3B80  }
.Ltmp11:
0x2cd: {  	_ = 	snop;
	(pc) =	sbr.rel @p0 .LBB2_23-.Ltmp11, $3  }
0x2ce: {  	_ =	sdelay $0x1  }
0x2cf: {  	v63 =	vadd.s32 $0x1, v61;
	[tilespmem:s16+$0xB790] =	vst v62  }
0x2d0: {  	s13 =	sadd.s32 $0x80, s13;
	[tilespmem:v1+s14+$0x0] =	vst.idx.add.s32.msk vm2, v63  }
0x2d1: {  	s13 =	simm.s32 $0xF00  }
0x2d2: {  	s14 =	simm.s32 $0xB780;
	s15 =	simm.s32 $0x8A80;
	s30 =	simm.s32 $0x1  }
0x2d3: {  	[spmem:s8] =	stream.indirect.scatter [tilespmem:s15], [sflag:$0x1], $0x1, s14, s13, $0xb8;
	[tilespmem:$0x11680] =	vst v63  }
0x2d4: {  	_ =	swait.ge [sflag:s30], $0xF00  }
0x2d5: {  	[sflag:s30] =	ssyncset.done $0x0  }
0x2d6: {  	s16 =	simm.s32 $0x9980;
	[sflag:s30] =	ssyncadd.s32 $0xFFFFF100  }
0x2d7: {  	[spmem:s7] =	stream.indirect.scatter [tilespmem:s16], [sflag:$0x1], $0x1, s14, s13, $0xb8;
	[tilespmem:$0x11680] =	vst v63  }
0x2d8: {  	_ =	swait.ge [sflag:s30], $0xF00  }
0x2d9: {  	[sflag:s30] =	ssyncset.done $0x0  }
0x2da: {  	[sflag:s30] =	ssyncadd.s32 $0xFFFFF100  }
0x2db: {  	[bflag:$0x0] =	sbarrier.arrive $0xFFFF  }
0x2dc: {  	[tilespmem:s15], [sflag:$0x1] =	stream.linear.gather [spmem:s11], $0xF00, $0x38;
	[tilespmem:$0x11680] =	vst v63  }
0x2dd: {  	_ =	swait.ge [sflag:s30], $0xF00  }
0x2de: {  	[sflag:s30] =	ssyncset.done $0x0  }
0x2df: {  	[sflag:s30] =	ssyncadd.s32 $0xFFFFF100  }
0x2e0: {  	[tilespmem:s16], [sflag:$0x1] =	stream.linear.gather [spmem:s12], $0xF00, $0x38;
	[tilespmem:$0x11680] =	vst v63  }
0x2e1: {  	_ =	swait.ge [sflag:s30], $0xF00  }
0x2e2: {  	[sflag:s30] =	ssyncset.done $0x0  }
0x2e3: {  	v0 =	vimm.s32 $0x0;
	[sflag:s30] =	ssyncadd.s32 $0xFFFFF100  }
0x2e4: {  	[tilespmem:$0xC680] =	vst v0  }
0x2e5: {  	[tilespmem:$0xC690] =	vst v0  }
0x2e6: {  	[tilespmem:$0xC6A0] =	vst v0  }
0x2e7: {  	[tilespmem:$0xC6B0] =	vst v0  }
0x2e8: {  	[tilespmem:$0xC6C0] =	vst v0  }
0x2e9: {  	[tilespmem:$0xC6D0] =	vst v0  }
0x2ea: {  	[tilespmem:$0xC6E0] =	vst v0  }
0x2eb: {  	[tilespmem:$0xC6F0] =	vst v0  }
0x2ec: {  	[tilespmem:$0xC700] =	vst v0  }
0x2ed: {  	[tilespmem:$0xC710] =	vst v0  }
0x2ee: {  	[tilespmem:$0xC720] =	vst v0  }
0x2ef: {  	[tilespmem:$0xC730] =	vst v0  }
0x2f0: {  	[tilespmem:$0xC740] =	vst v0  }
0x2f1: {  	[tilespmem:$0xC750] =	vst v0  }
0x2f2: {  	[tilespmem:$0xC760] =	vst v0  }
0x2f3: {  	s31 =	simm.s32 $0x0;
	[tilespmem:$0xC770] =	vst v0  }
0x2f4: {  	v1 =	vld [tilespmem:s31+$0x8A80];
	_ =	sdelay $0x4  }
0x2f5: {  	v0 =	vlaneseq.u32;
	v2 =	vshrl.u32 v1, $0x14  }
0x2f6: {  	v1 =	vor.u32 $0x80000000, v0;
	v2 =	vand.u32 $0xFF0, v2  }
0x2f7: {  	v2 =	vor.u32 v1, v2  }
0x2f8: {  	(xrf1) =	vsort.ascd.msk.u32 $0xffff, v2, v0;
	_ =	sdelay $0x4  }
0x2f9: {  	v2 =	vimm.s32 $0xEDCBA987  }
0x2fa: {  	v3 =	vimm.s32 $0x65432100;
	v2 =	vunpack.c.l.s4.s8 v2  }
0x2fb: {  	v3 =	vunpack.c.l.s4.s8 v3  }
0x2fc: {  	v2 =	vunpack.c.0.s8.s32 v2  }
0x2fd: {  	v3 =	vunpack.c.0.s8.s32 v3  }
0x2fe: {  	v2 =	vand.u32 $0xF, v2  }
0x2ff: {  	v4 =	vimm.s32 $0x87654321;
	v2 =	vcombine.low v3, v2;
	v3 =	vimm.s32 $0xFFEDCBA9  }
0x300: {  	v4 =	vunpack.c.l.s4.s8 v4;
	v3 =	vunpack.c.l.s4.s8 v3;
	_ =	sdelay $0x1  }
0x301: {  	v4 =	vunpack.c.0.s8.s32 v4;
	v3 =	vunpack.c.0.s8.s32 v3;
	v5, _, _ =	vpop (xrf1)  }
0x302: {  	v6 =	vshrl.u32 v5, $0x4  }
0x303: {  	v3 =	vcombine.low v4, v3;
	v7 =	vxor.u32 $0x8000000, v6  }
0x304: {  	s7 =	simm.s32 $0xD880;
	[tilespmem:$0xD880] =	vst v7  }
0x305: {  	v4 =	vand.u32 $0xF, v3;
	v8 =	vld.idx.msk [tilespmem:v2+s7+$0x0], $0xffff;
	_ =	sdelay $0x4  }
0x306: {  	vm2 =	veq.s32 v7, v8;
	v8 =	vld.idx.msk [tilespmem:v4+s7+$0x0], $0xffff  }
0x307: {  	v3 =	vsel vm2, $0x80000000, v1  }
0x308: {  	(xrf0) =	vmax.scan.msk.u32 $0xffff, v3;
	_ =	sdelay $0x1  }
0x309: {  	v3 =	vimm.s32 $0x10000  }
0x30a: {  	v3 =	vsel vm1, $0x0, v3;
	vm1 =	vne.s32 v7, v8;
	v8 =	vand.u32 $0x7F, v6;
	_ =	sdelay $0x1  }
0x30b: {  	v5 =	vshll.u32 v5, $0x4;
	v7 =	vand.u32 $0xFFFFF80, v7;
	vm2 =	vmor vm1, vm0  }
0x30c: {  	v5 =	vand.u32 $0xF0, v5;
	v6 =	vshll.u32 v6, $0x8;
	v7 =	vor.u32 v8, v7;
	v8, _, _ =	vpop (xrf0)  }
0x30d: {  	v5 =	vor.u32 v5, v6;
	v6 =	vsel vm1, $0x10000, v3;
	v8 =	vxor.u32 $0x80000000, v8  }
0x30e: {  	v6 =	vor.u32 v5, v6;
	v9 =	vsub.s32 v0, v8  }
0x30f: {  	v5 =	vadd.s32 $0x1, v0;
	v6 =	vor.u32 v9, v6  }
0x310: {  	s8 =	simm.s32 $0xC680;
	[tilespmem:s31+$0xA880] =	vst v6;
	v6 =	vsub.s32 v5, v8  }
0x311: {  	[tilespmem:v7+s8+$0x0] =	vst.idx.add.s32.msk vm2, v6  }
0x312: {  	v6 =	vld [tilespmem:s31+$0x8A90];
	_ =	sdelay $0x4  }
0x313: {  	v6 =	vshrl.u32 v6, $0x14  }
0x314: {  	v6 =	vand.u32 $0xFF0, v6  }
0x315: {  	v6 =	vor.u32 v1, v6  }
0x316: {  	(xrf1) =	vsort.ascd.msk.u32 $0xffff, v6, v0;
	_ =	sdelay $0xd  }
0x317: {  	v6, _, _ =	vpop (xrf1)  }
0x318: {  	v7 =	vshrl.u32 v6, $0x4  }
0x319: {  	v8 =	vxor.u32 $0x8000000, v7  }
0x31a: {  	[tilespmem:$0xD880] =	vst v8  }
0x31b: {  	v59 =	vld.idx.msk [tilespmem:v2+s7+$0x0], $0xffff;
	_ =	sdelay $0x4  }
0x31c: {  	vm1 =	veq.s32 v8, v59  }
0x31d: {  	v9 =	vsel vm1, $0x80000000, v1  }
0x31e: {  	(xrf0) =	vmax.scan.msk.u32 $0xffff, v9  }
0x31f: {  	v60 =	vld.idx.msk [tilespmem:v4+s7+$0x0], $0xffff;
	_ =	sdelay $0x2  }
0x320: {  	v6 =	vshll.u32 v6, $0x4  }
0x321: {  	v10 =	vshll.u32 v7, $0x8;
	v6 =	vand.u32 $0xF0, v6  }
0x322: {  	v7 =	vand.u32 $0x7F, v7;
	v6 =	vor.u32 v6, v10;
	vm1 =	vne.s32 v8, v60;
	v61, _, _ =	vpop (xrf0)  }
0x323: {  	v8 =	vand.u32 $0xFFFFF80, v8;
	v62 =	vsel vm1, $0x10000, v3;
	v9 =	vxor.u32 $0x80000000, v61  }
0x324: {  	vm1 =	vmor vm1, vm0;
	v6 =	vor.u32 v6, v62;
	v63 =	vsub.s32 v0, v9  }
0x325: {  	v10 =	vor.u32 v63, v6;
	v6 =	vor.u32 v7, v8;
	_ =	sdelay $0x2  }
0x326: {  	s11 =	simm.s32 $0x80;
	s12 =	simm.s32 $0x100;
	v7 =	vsub.s32 v5, v9;
	[tilespmem:s31+$0xA890] =	vst v10  }
.LBB2_25:
0x327: {  	p0 =	sne.s32 s12, $0x3B80  }
0x328: {  	s13 =	sshra.s32 s11, $0x2;
	[tilespmem:v6+s8+$0x0] =	vst.idx.add.s32.msk vm1, v7;
	s11 =	smov.u32 s12;
	s12 =	sadd.s32 $0x80, s12  }
0x329: {  	v6 =	vld [tilespmem:s13+$0x8A80];
	_ =	sdelay $0x4  }
0x32a: {  	v6 =	vshrl.u32 v6, $0x14  }
0x32b: {  	v6 =	vand.u32 $0xFF0, v6  }
0x32c: {  	v6 =	vor.u32 v1, v6  }
0x32d: {  	(xrf1) =	vsort.ascd.msk.u32 $0xffff, v6, v0;
	_ =	sdelay $0xd  }
0x32e: {  	v6, _, _ =	vpop (xrf1)  }
0x32f: {  	v7 =	vshrl.u32 v6, $0x4;
	v6 =	vshll.u32 v6, $0x4  }
0x330: {  	v8 =	vxor.u32 $0x8000000, v7;
	v9 =	vshll.u32 v7, $0x8;
	v6 =	vand.u32 $0xF0, v6  }
0x331: {  	[tilespmem:$0xD880] =	vst v8;
	v6 =	vor.u32 v6, v9;
	v9 =	vand.u32 $0xFFFFF80, v8  }
0x332: {  	v10 =	vld.idx.msk [tilespmem:v2+s7+$0x0], $0xffff;
	_ =	sdelay $0x5  }
0x333: {  	vm1 =	veq.s32 v8, v10;
	v11 =	vld.idx.msk [tilespmem:v4+s7+$0x0], $0xffff  }
0x334: {  	v10 =	vsel vm1, $0x80000000, v1  }
0x335: {  	(xrf0) =	vmax.scan.msk.u32 $0xffff, v10;
	_ =	sdelay $0x3  }
0x336: {  	vm1 =	vne.s32 v8, v11  }
0x337: {  	v7 =	vand.u32 $0x7F, v7;
	vm2 =	vmor vm1, vm0;
	v8 =	vsel vm1, $0x10000, v3  }
0x338: {  	v7 =	vor.u32 v7, v9;
	v9, _, _ =	vpop (xrf0)  }
0x339: {  	v9 =	vxor.u32 $0x80000000, v9  }
0x33a: {  	v6 =	vor.u32 v6, v8;
	v10 =	vsub.s32 v0, v9  }
0x33b: {  	v6 =	vor.u32 v10, v6  }
0x33c: {  	[tilespmem:s13+$0xA880] =	vst v6;
	v6 =	vsub.s32 v5, v9  }
0x33d: {  	[tilespmem:v7+s8+$0x0] =	vst.idx.add.s32.msk vm2, v6  }
0x33e: {  	v6 =	vld [tilespmem:s13+$0x8A90];
	_ =	sdelay $0x4  }
0x33f: {  	v6 =	vshrl.u32 v6, $0x14  }
0x340: {  	v6 =	vand.u32 $0xFF0, v6  }
0x341: {  	v6 =	vor.u32 v1, v6  }
0x342: {  	(xrf1) =	vsort.ascd.msk.u32 $0xffff, v6, v0;
	_ =	sdelay $0xd  }
0x343: {  	v6, _, _ =	vpop (xrf1)  }
0x344: {  	v7 =	vshrl.u32 v6, $0x4;
	v6 =	vshll.u32 v6, $0x4  }
0x345: {  	v8 =	vxor.u32 $0x8000000, v7;
	v9 =	vshll.u32 v7, $0x8;
	v6 =	vand.u32 $0xF0, v6  }
0x346: {  	[tilespmem:$0xD880] =	vst v8;
	v9 =	vor.u32 v6, v9;
	v6 =	vand.u32 $0xFFFFF80, v8  }
0x347: {  	v10 =	vld.idx.msk [tilespmem:v2+s7+$0x0], $0xffff  }
0x348: {  	v11 =	vld.idx.msk [tilespmem:v4+s7+$0x0], $0xffff;
	_ =	sdelay $0x4  }
0x349: {  	vm1 =	veq.s32 v8, v10  }
0x34a: {  	v10 =	vsel vm1, $0x80000000, v1;
	vm1 =	vne.s32 v8, v11  }
0x34b: {  	v8 =	vsel vm1, $0x10000, v3;
	(xrf0) =	vmax.scan.msk.u32 $0xffff, v10;
	_ =	sdelay $0x4  }
0x34c: {  	vm1 =	vmor vm1, vm0;
	v10 =	vand.u32 $0x7F, v7  }
.Ltmp12:
0x34d: {  	v6 =	vor.u32 v10, v6;
	v7, _, _ =	vpop (xrf0);
	(pc) =	sbr.rel @p0 .LBB2_25-.Ltmp12, $4  }
0x34e: {  	v7 =	vxor.u32 $0x80000000, v7  }
0x34f: {  	v8 =	vor.u32 v9, v8;
	v10 =	vsub.s32 v0, v7  }
0x350: {  	v8 =	vor.u32 v10, v8  }
0x351: {  	v7 =	vsub.s32 v5, v7;
	[tilespmem:s13+$0xA890] =	vst v8  }
0x352: {  	_ =	sdelay $0x4  }
0x353: {  	s11 =	sshra.s32 s11, $0x2;
	[tilespmem:v6+s8+$0x0] =	vst.idx.add.s32.msk vm1, v7  }
0x354: {  	v6 =	vld [tilespmem:s11+$0x8A80];
	_ =	sdelay $0x4  }
0x355: {  	v6 =	vshrl.u32 v6, $0x14  }
0x356: {  	v6 =	vand.u32 $0xFF0, v6  }
0x357: {  	v6 =	vor.u32 v1, v6  }
0x358: {  	(xrf1) =	vsort.ascd.msk.u32 $0xffff, v6, v0;
	_ =	sdelay $0xd  }
0x359: {  	v6, _, _ =	vpop (xrf1)  }
0x35a: {  	v44 =	vshrl.u32 v6, $0x4  }
0x35b: {  	v8 =	vxor.u32 $0x8000000, v44  }
0x35c: {  	[tilespmem:$0xD880] =	vst v8  }
0x35d: {  	v9 =	vld.idx.msk [tilespmem:v2+s7+$0x0], $0xffff;
	_ =	sdelay $0x4  }
0x35e: {  	vm11 =	veq.s32 v8, v9  }
0x35f: {  	v45 =	vld.idx.msk [tilespmem:v4+s7+$0x0], $0xffff;
	v10 =	vsel vm11, $0x80000000, v1  }
0x360: {  	(xrf0) =	vmax.scan.msk.u32 $0xffff, v10;
	_ =	sdelay $0x3  }
0x361: {  	v6 =	vshll.u32 v6, $0x4;
	vm12 =	vne.s32 v8, v45  }
0x362: {  	v46 =	vand.u32 $0x7F, v44;
	v8 =	vand.u32 $0xFFFFF80, v8;
	vm2 =	vmor vm12, vm0  }
0x363: {  	v7 =	vshll.u32 v44, $0x8;
	v6 =	vand.u32 $0xF0, v6;
	v8 =	vor.u32 v46, v8;
	v47, _, _ =	vpop (xrf0)  }
0x364: {  	v6 =	vor.u32 v6, v7;
	v48 =	vsel vm12, $0x10000, v3;
	v9 =	vxor.u32 $0x80000000, v47  }
0x365: {  	v6 =	vor.u32 v6, v48;
	v49 =	vsub.s32 v0, v9  }
0x366: {  	v6 =	vor.u32 v49, v6  }
0x367: {  	v50 =	vsub.s32 v5, v9;
	[tilespmem:s11+$0xA880] =	vst v6  }
0x368: {  	[tilespmem:v8+s8+$0x0] =	vst.idx.add.s32.msk vm2, v50  }
0x369: {  	v6 =	vld [tilespmem:s11+$0x8A90];
	_ =	sdelay $0x4  }
0x36a: {  	v6 =	vshrl.u32 v6, $0x14  }
0x36b: {  	v6 =	vand.u32 $0xFF0, v6  }
0x36c: {  	v6 =	vor.u32 v1, v6  }
0x36d: {  	(xrf1) =	vsort.ascd.msk.u32 $0xffff, v6, v0;
	_ =	sdelay $0xd  }
0x36e: {  	v6, _, _ =	vpop (xrf1)  }
0x36f: {  	v51 =	vshrl.u32 v6, $0x4  }
0x370: {  	v52 =	vxor.u32 $0x8000000, v51  }
0x371: {  	[tilespmem:$0xD880] =	vst v52  }
0x372: {  	v53 =	vld.idx.msk [tilespmem:v2+s7+$0x0], $0xffff;
	_ =	sdelay $0x4  }
0x373: {  	vm13 =	veq.s32 v52, v53  }
0x374: {  	v54 =	vld.idx.msk [tilespmem:v4+s7+$0x0], $0xffff;
	v55 =	vsel vm13, $0x80000000, v1  }
0x375: {  	(xrf0) =	vmax.scan.msk.u32 $0xffff, v55;
	_ =	sdelay $0x3  }
0x376: {  	v56 =	vshll.u32 v6, $0x4;
	vm14 =	vne.s32 v52, v54  }
0x377: {  	v58 =	vand.u32 $0x7F, v51;
	v57 =	vand.u32 $0xFFFFF80, v52;
	vm15 =	vmor vm14, vm0  }
0x378: {  	v59 =	vshll.u32 v51, $0x8;
	v2 =	vor.u32 v58, v57;
	v1 =	vand.u32 $0xF0, v56;
	v60, _, _ =	vpop (xrf0)  }
0x379: {  	v61 =	vsel vm14, $0x10000, v3;
	v1 =	vor.u32 v1, v59;
	v4 =	vxor.u32 $0x80000000, v60  }
0x37a: {  	v1 =	vor.u32 v1, v61;
	v62 =	vsub.s32 v0, v4  }
0x37b: {  	v0 =	vor.u32 v62, v1  }
0x37c: {  	s26 =	simm.s32 $0x80;
	v63 =	vsub.s32 v5, v4;
	[tilespmem:s11+$0xA890] =	vst v0  }
0x37d: {  	s28 =	simm.s32 $0x400;
	s29 =	simm.s32 $0xC680;
	s30 =	simm.s32 $0x1;
	[tilespmem:v2+s8+$0x0] =	vst.idx.add.s32.msk vm15, v63  }
0x37e: {  	[spmem:s9] =	stream.strided.scatter [tilespmem:s29], [sflag:$0x1], $0x100, s28, s26, $0x38;
	[tilespmem:$0x11680] =	vst v63  }
0x37f: {  	_ =	swait.ge [sflag:s30], $0x100  }
0x380: {  	[sflag:s30] =	ssyncset.done $0x0  }
0x381: {  	[sflag:s30] =	ssyncadd.s32 $0xFFFFFF00  }
0x382: {  	s31 =	simm.s32 $0xC880;
	[bflag:$0x0] =	sbarrier.arrive $0xFFFF  }
0x383: {  	[tilespmem:s31], [sflag:$0x1] =	stream.linear.gather [spmem:s5], $0x1000, $0x38;
	[tilespmem:$0x11680] =	vst v63  }
0x384: {  	_ =	swait.ge [sflag:s30], $0x1000  }
0x385: {  	s7 =	simm.s32 $0x0;
	[sflag:s30] =	ssyncset.done $0x0  }
0x386: {  	s8 =	simm.s32 $0x0;
	s5 =	simm.s32 $0x0;
	[sflag:s30] =	ssyncadd.s32 $0xFFFFF000  }
.LBB2_27:
0x387: {  	s9 =	sshll.u32 s8, $0x4  }
0x388: {  	s11 =	sand.u32 $0x70, s9  }
0x389: {  	s12 =	sshll.u32 s8, $0x7;
	v0 =	vmov s11  }
0x38a: {  	s30 =	sand.u32 $0x400, s12  }
0x38b: {  	s31 =	sand.u32 $0x800, s5;
	s11 =	sor.u32 $0xC880, s30  }
0x38c: {  	s13 =	sand.u32 $0x380, s5;
	s14 =	sadd.s32 s31, s11  }
0x38d: {  	s15 =	simm.s32 $0x0;
	s13 =	sadd.s32 s13, s14  }
0x38e: {  	v3 =	vimm.s32 $0x0;
	v2 =	vimm.s32 $0x0;
	s12 =	simm.s32 $0x1;
	s14 =	simm.s32 $0x100;
	v1 =	vld.idx.msk [tilespmem:v0+s13+$0x0 ss:$0x1], $0xffff;
	s13 =	simm.s32 $0x80  }
.LBB2_28:
0x38f: {  	s16 =	sand.u32 $0x800, s14  }
0x390: {  	p0 =	sne.s32 s12, $0xF;
	s17 =	smov.u32 s12;
	s12 =	sadd.s32 $0x1, s12  }
0x391: {  	s18 =	sand.u32 $0x380, s13;
	p1 =	slt.u32 s15, s1;
	s16 =	sadd.s32 s16, s11  }
.Ltmp13:
0x392: {  	s16 =	sadd.s32 s18, s16;
	s18 =	simm.s32 $0x1;
	(pc) =	sbr.rel @p0 .LBB2_28-.Ltmp13, $3  }
0x393: {  	s15 =	smov.u32 s17;
	s18 =	simm.s32 @!p1 $0x0  }
0x394: {  	v3 =	vadd.s32 v3, v1;
	v4 =	vmul.u32 s18, v1;
	v1 =	vld.idx.msk [tilespmem:v0+s16+$0x0 ss:$0x1], $0xffff;
	_ =	sdelay $0x1  }
0x395: {  	s13 =	sadd.s32 $0x80, s13;
	s14 =	sadd.s32 $0x100, s14;
	v2 =	vadd.s32 v2, v4  }
0x396: {  	_ =	sdelay $0x1  }
0x397: {  	v0 =	vadd.s32 v3, v1  }
0x398: {  	(xrf0) =	vadd.scan.msk.s32 $0xffff, v0;
	_ =	sdelay $0x5  }
0x399: {  	v62, _, _ =	vpop (xrf0)  }
0x39a: {  	(v2sf) =	vpush v62, $0xF;
	_ =	sdelay $0x8  }
0x39b: {  	p0 =	slt.u32 s15, s1;
	s11 =	simm.s32 $0x1  }
0x39c: {  	s8 =	sadd.s32 $0x1, s8;
	s11 =	simm.s32 @!p0 $0x0  }
0x39d: {  	p0 =	sne.s32 s8, $0x10;
	v63 =	vmul.u32 s11, v1  }
.Ltmp14:
0x39e: {  	_ = 	snop;
	(pc) =	sbr.rel @p0 .LBB2_27-.Ltmp14, $4  }
0x39f: {  	v0 =	vsub.s32 s7, v0;
	v1 =	vadd.s32 v2, v63  }
0x3a0: {  	v0 =	vadd.s32 v1, v0  }
0x3a1: {  	s9 =	sand.u32 $0x3FFFFFF0, s9;
	v0 =	vadd.s32 v62, v0;
	s31 =	spop (v2sf)  }
0x3a2: {  	[tilespmem:s9+$0xC780] =	vst v0;
	s7 =	sadd.s32 s7, s31  }
0x3a3: {  	s5 =	simm.s32 $0x0;
	s7 =	simm.s32 $0xC780;
	s8 =	simm.s32 $0xD900  }
.LBB2_31:
0x3a4: {  	s9 =	sshra.s32 s5, $0x2  }
0x3a5: {  	v0 =	vld [tilespmem:s9+$0xA880];
	_ =	sdelay $0x4  }
0x3a6: {  	v1 =	vshrl.u32 v0, $0x8  }
0x3a7: {  	v1 =	vand.u32 $0xFF, v1;
	_ =	sdelay $0x4  }
0x3a8: {  	v2 =	vshrl.u32 v0, $0x4;
	v3 =	vld.idx.msk [tilespmem:v1+s7+$0x0], $0xffff  }
0x3a9: {  	v2 =	vand.u32 $0xF, v2;
	_ =	sdelay $0x2  }
0x3aa: {  	v4 =	vand.u32 $0xF, v0  }
0x3ab: {  	v3 =	vadd.s32 v4, v3  }
0x3ac: {  	v0 =	vand.u32 $0x10000, v0;
	[tilespmem:v2+s8+$0x0] =	vst.idx.msk $0xffff, v3  }
0x3ad: {  	vm0 =	vne.s32 v0, $0x0;
	v57 =	vld [tilespmem:$0xD900];
	_ =	sdelay $0x4  }
0x3ae: {  	v58 =	vadd.s32 $0x1, v4;
	[tilespmem:s9+$0xB780] =	vst v57  }
0x3af: {  	[tilespmem:v1+s7+$0x0] =	vst.idx.add.s32.msk vm0, v58  }
0x3b0: {  	v0 =	vld [tilespmem:s9+$0xA890];
	_ =	sdelay $0x4  }
0x3b1: {  	v59 =	vshrl.u32 v0, $0x8  }
0x3b2: {  	v1 =	vand.u32 $0xFF, v59;
	_ =	sdelay $0x4  }
0x3b3: {  	v60 =	vshrl.u32 v0, $0x4;
	v3 =	vld.idx.msk [tilespmem:v1+s7+$0x0], $0xffff  }
0x3b4: {  	v2 =	vand.u32 $0xF, v60;
	_ =	sdelay $0x2  }
0x3b5: {  	v61 =	vand.u32 $0xF, v0  }
0x3b6: {  	v3 =	vadd.s32 v61, v3  }
0x3b7: {  	v0 =	vand.u32 $0x10000, v0;
	[tilespmem:v2+s8+$0x0] =	vst.idx.msk $0xffff, v3  }
0x3b8: {  	vm15 =	vne.s32 v0, $0x0;
	v62 =	vld [tilespmem:$0xD900]  }
0x3b9: {  	p0 =	sne.s32 s5, $0x3B80  }
.Ltmp15:
0x3ba: {  	_ = 	snop;
	(pc) =	sbr.rel @p0 .LBB2_31-.Ltmp15, $3  }
0x3bb: {  	_ =	sdelay $0x1  }
0x3bc: {  	v63 =	vadd.s32 $0x1, v61;
	[tilespmem:s9+$0xB790] =	vst v62  }
0x3bd: {  	s5 =	sadd.s32 $0x80, s5;
	[tilespmem:v1+s7+$0x0] =	vst.idx.add.s32.msk vm15, v63  }
0x3be: {  	s5 =	simm.s32 $0xF00  }
0x3bf: {  	s7 =	simm.s32 $0xB780;
	s8 =	simm.s32 $0x8A80;
	s28 =	simm.s32 $0x1  }
0x3c0: {  	[spmem:s4] =	stream.indirect.scatter [tilespmem:s8], [sflag:$0x1], $0x1, s7, s5, $0xb8;
	[tilespmem:$0x11680] =	vst v63  }
0x3c1: {  	_ =	swait.ge [sflag:s28], $0xF00  }
0x3c2: {  	[sflag:s28] =	ssyncset.done $0x0  }
0x3c3: {  	s29 =	simm.s32 $0x9980;
	[sflag:s28] =	ssyncadd.s32 $0xFFFFF100  }
0x3c4: {  	[spmem:s2] =	stream.indirect.scatter [tilespmem:s29], [sflag:$0x1], $0x1, s7, s5, $0xb8;
	[tilespmem:$0x11680] =	vst v63  }
0x3c5: {  	_ =	swait.ge [sflag:s28], $0xF00  }
0x3c6: {  	[sflag:s28] =	ssyncset.done $0x0  }
0x3c7: {  	[sflag:s28] =	ssyncadd.s32 $0xFFFFF100  }
0x3c8: {  	[bflag:$0x0] =	sbarrier.arrive $0xFFFF  }
0x3c9: {  	[tilespmem:s29], [sflag:$0x1] =	stream.linear.gather [spmem:s10], $0xF00, $0x38;
	[tilespmem:$0x11680] =	vst v63  }
0x3ca: {  	_ =	swait.ge [sflag:s28], $0xF00  }
0x3cb: {  	[sflag:s28] =	ssyncset.done $0x0  }
0x3cc: {  	s30 =	sadd.s32 s6, s3;
	s31 =	simm.s32 $0x0;
	[sflag:s28] =	ssyncadd.s32 $0xFFFFF100  }
0x3cd: {  	[hbm4b:s30+s31] =	stream.linear.scatter [tilespmem:s29], [sflag:$0x1], $0xF00, $0x38;
	[tilespmem:$0x11680] =	vst v63  }
0x3ce: {  	_ =	swait.ge [sflag:s28], $0xF00  }
0x3cf: {  	[sflag:s28] =	ssyncset.done $0x0  }
0x3d0: {  	[sflag:s28] =	ssyncadd.s32 $0xFFFFF100  }
0x3d1: {  	_ =	sfence.sel $0x180000  }
0x3d2: {  	[bflag:$0x0] =	sbarrier.arrive $0xFFFF  }
0x3d3: {  	p0 =	sne.s32 s1, $0x0;
	_ =	strace $0x9000004A  }
0x3d4: {  	s0 =	sadd.s32 @!p0 $0x100000, s0;
	[bflag:$0x2] =	sbarrier.arrive $0xFFFF  }
0x3d5: {  	[sflag:s0] =	ssyncadd.tile.s32 @!p0 $0x1;
	_ =	shalt  }
.Lfunc_end2:
_tile_overlayer_lowered:
.L_overlay_start_2:
0x3d6: {  	(tag) =	ssettag $0x2  }
0x3d7: {  	s0 =	rddreg [dreg:$0x0];
	s2 =	stileid.u32  }
0x3d8: {  	s1 =	rddreg [dreg:$0x1];
	p0 =	sne.s32 s2, $0x0  }
0x3d9: {  	s3 =	rddreg [dreg:$0x2];
	[bflag:$0x3] =	sbarrier.arrive $0xFFFF;
	s2 =	simm.s32 @!p0 $0x1C01  }
0x3da: {  	[timem:s3], [sflag:s2] =	dma.local @!p0 [hbm:s0], s1  }
0x3db: {  	s0 =	simm.s32 @!p0 $0x1  }
0x3dc: {  	_ =	swait.ge @!p0 [sflag:s0], s1  }
0x3dd: {  	s1 =	ssub.s32 @!p0 $0x0, s1;
	[sflag:s0] =	ssyncset.done @!p0 $0x0  }
0x3de: {  	[sflag:s0] =	ssyncadd.s32 @!p0 s1  }
0x3df: {  	[bflag:$0x3] =	sbarrier.arrive $0xFFFF  }
0x3e0: {  	_ =	shalt  }

</sc_bundles>
